<compile_context>
chip_gen: v7x
topology: tpu7x:2x2x1
jax: 0.10.2.dev20260603
libtpu: 0.0.44.dev20260713+nightly
codegen_flags: <defaults>
</compile_context>

<pallas_src>
import functools

import jax
import jax.numpy as jnp
from jax import lax
from jax.experimental import pallas as pl
from jax.experimental.pallas import tpu as pltpu
from jax.experimental.pallas import tpu_sc as plsc

N = 10000
E = 160000
DIN = 128
DH = 128
H = 8
D = 16
HP = 16
DOUT = 8
WOUT = DH + HP

BLK = 2000
K = 112
EPW = 10080
EPAD = EPW * 16
NCH = EPW // K
RPT = N // 16
ZR = 5


def _tc1_body(xS, xE, WS, WE, bS, bE, A0, A1, A2, A3,
              xts_o, xte_o, t0_o, t2_o, mx_o):
    xs = jnp.dot(xS[...], WS[...], preferred_element_type=jnp.float32) + bS[...]
    xe = jnp.dot(xE[...], WE[...], preferred_element_type=jnp.float32) + bE[...]
    t0 = jnp.dot(xs, A0[...], preferred_element_type=jnp.float32)
    t1 = jnp.dot(xs, A1[...], preferred_element_type=jnp.float32)
    t2 = jnp.dot(xs, A2[...], preferred_element_type=jnp.float32)
    t3 = jnp.dot(xe, A3[...], preferred_element_type=jnp.float32)
    xts_o[...] = jnp.concatenate([xs, t1], axis=1)
    xte_o[...] = jnp.concatenate([xe, t3], axis=1)
    t0_o[...] = t0
    t2_o[...] = t2
    m = jnp.concatenate(
        [jnp.max(t0, axis=0, keepdims=True), jnp.max(t1, axis=0, keepdims=True),
         jnp.max(t2, axis=0, keepdims=True), jnp.max(t3, axis=0, keepdims=True)],
        axis=1)
    mb = jnp.broadcast_to(m, (8, 64))

    @pl.when(pl.program_id(0) == 0)
    def _():
        mx_o[...] = mb

    @pl.when(pl.program_id(0) != 0)
    def _():
        mx_o[...] = jnp.maximum(mx_o[...], mb)


_tbl = jax.ShapeDtypeStruct((N, HP), jnp.float32)
_tc1 = pl.pallas_call(
    _tc1_body,
    grid=(N // BLK,),
    in_specs=[
        pl.BlockSpec((BLK, DIN), lambda i: (i, 0)),
        pl.BlockSpec((BLK, DIN), lambda i: (i, 0)),
        pl.BlockSpec((DIN, DH), lambda i: (0, 0)),
        pl.BlockSpec((DIN, DH), lambda i: (0, 0)),
        pl.BlockSpec((1, DH), lambda i: (0, 0)),
        pl.BlockSpec((1, DH), lambda i: (0, 0)),
        pl.BlockSpec((DH, HP), lambda i: (0, 0)),
        pl.BlockSpec((DH, HP), lambda i: (0, 0)),
        pl.BlockSpec((DH, HP), lambda i: (0, 0)),
        pl.BlockSpec((DH, HP), lambda i: (0, 0)),
    ],
    out_specs=[
        pl.BlockSpec((BLK, WOUT), lambda i: (i, 0)),
        pl.BlockSpec((BLK, WOUT), lambda i: (i, 0)),
        pl.BlockSpec((BLK, HP), lambda i: (i, 0)),
        pl.BlockSpec((BLK, HP), lambda i: (i, 0)),
        pl.BlockSpec((8, 64), lambda i: (0, 0)),
    ],
    out_shape=[
        jax.ShapeDtypeStruct((N, WOUT), jnp.float32),
        jax.ShapeDtypeStruct((N, WOUT), jnp.float32),
        _tbl, _tbl,
        jax.ShapeDtypeStruct((8, 64), jnp.float32),
    ],
)


def _sc_body(src1_h, dst1_h, xt1_h, ad1_h, c1_h,
             src2_h, dst2_h, xt2_h, ad2_h, c2_h,
             out1_h, out2_h,
             sidx0, didx0, sidx1, didx1, dsc0, dsc1,
             adr0, xm0, adr1, xm1,
             zbuf, c_v, acc, semi0, semi1, semg0, semg1, sems):
    sidx = (sidx0, sidx1)
    didx = (didx0, didx1)
    dsc = (dsc0, dsc1)
    adr = (adr0, adr1)
    xm = (xm0, xm1)
    semi = (semi0, semi1)
    semg = (semg0, semg1)

    cid = lax.axis_index("c")
    sid = lax.axis_index("s")

    for i in range(ZR):
        for j in range(WOUT // 16):
            zbuf[i, pl.ds(j * 16, 16)] = jnp.zeros((16,), jnp.float32)

    ebase = sid * EPW

    def run_type(src_h, dst_h, xt_h, ad_h, c_h, out_h):
        def zloop(t, carry):
            pltpu.async_copy(zbuf, acc.at[pl.ds(sid * RPT + t * ZR, ZR)],
                             semg0)
            return carry

        lax.fori_loop(0, RPT // ZR, zloop, 0)

        def zdrain(t, carry):
            pltpu.make_async_copy(zbuf, acc.at[pl.ds(sid * RPT, ZR)],
                                  semg0).wait()
            return carry

        lax.fori_loop(0, RPT // ZR, zdrain, 0)
        pltpu.sync_copy(c_h, c_v)
        plsc.subcore_barrier()

        cv = c_v[...]

        def stage_gathers(eb1, q):
            pltpu.async_copy(ad_h.at[didx[q]], adr[q], semg[q])
            pltpu.async_copy(xt_h.at[sidx[q]], xm[q], semg[q])
            pltpu.async_copy(dst_h.at[pl.ds(eb1, K)], dsc[q], semg[q])

        def drain_gathers(b):
            pltpu.make_async_copy(ad_h.at[didx[b]], adr[b], semg[b]).wait()
            pltpu.make_async_copy(xt_h.at[sidx[b]], xm[b], semg[b]).wait()
            pltpu.make_async_copy(dst_h.at[pl.ds(ebase, K)], dsc[b],
                                  semg[b]).wait()

        def drain_scatter(b):
            pltpu.make_async_copy(xm[b], acc.at[dsc[b]], sems).wait()

        def drain_idx(q):
            pltpu.make_async_copy(src_h.at[pl.ds(ebase, K)], sidx[q],
                                  semi[q]).wait()
            pltpu.make_async_copy(dst_h.at[pl.ds(ebase, K)], didx[q],
                                  semi[q]).wait()

        for b in range(2):
            pltpu.sync_copy(src_h.at[pl.ds(ebase + b * K, K)], sidx[b])
            pltpu.sync_copy(dst_h.at[pl.ds(ebase + b * K, K)], didx[b])
            stage_gathers(ebase + b * K, b)

        def emit(ci, b):
            q = 1 - b
            drain_gathers(b)

            @pl.when(ci < NCH - 2)
            def _():
                eb2 = ebase + (ci + 2) * K
                pltpu.async_copy(src_h.at[pl.ds(eb2, K)], sidx[b], semi[b])
                pltpu.async_copy(dst_h.at[pl.ds(eb2, K)], didx[b], semi[b])

            @pl.when(ci >= 1)
            def _():
                drain_scatter(b)

            @pl.when((ci >= 1) & (ci < NCH - 1))
            def _():
                drain_idx(q)
                stage_gathers(ebase + (ci + 1) * K, q)

            eb = ebase + ci * K

            @plsc.parallel_loop(0, K, step=1, unroll=4)
            def _grp(k0):
                av = xm[b][k0, pl.ds(DH, 16)] + adr[b][k0]
                a = jnp.where(av >= 0.0, av, 0.2 * av)
                ev = jnp.exp(a - cv)
                ev = jnp.where(eb + k0 >= E, 0.0, ev)
                xm[b][k0, pl.ds(DH, 16)] = ev
                for h in range(H):
                    bc = ev.at[jnp.full((16,), h, jnp.int32)].get(
                        mode="promise_in_bounds")
                    xm[b][k0, pl.ds(h * 16, 16)] = (
                        xm[b][k0, pl.ds(h * 16, 16)] * bc)

            pltpu.async_copy(xm[b], acc.at[dsc[b]], sems, add=True)

        def pair(it, carry):
            emit(2 * it, 0)
            emit(2 * it + 1, 1)
            return carry

        lax.fori_loop(0, NCH // 2, pair, 0)
        drain_scatter(1)
        plsc.subcore_barrier()
        pltpu.sync_copy(acc.at[pl.ds(sid * RPT, RPT)],
                        out_h.at[pl.ds(sid * RPT, RPT)])

    @pl.when(cid == 0)
    def _():
        run_type(src1_h, dst1_h, xt1_h, ad1_h, c1_h, out1_h)

    @pl.when(cid == 1)
    def _():
        run_type(src2_h, dst2_h, xt2_h, ad2_h, c2_h, out2_h)


_scratch_f32 = lambda shape: pltpu.VMEM(shape, jnp.float32)
_out_p = jax.ShapeDtypeStruct((N, WOUT), jnp.float32)
_sc_edge = functools.partial(
    pl.kernel,
    mesh=plsc.VectorSubcoreMesh(core_axis_name="c", subcore_axis_name="s"),
    compiler_params=pltpu.CompilerParams(use_tc_tiling_on_sc=False),
    out_type=[_out_p, _out_p],
    scratch_types=[
        pltpu.VMEM((K,), jnp.int32),
        pltpu.VMEM((K,), jnp.int32),
        pltpu.VMEM((K,), jnp.int32),
        pltpu.VMEM((K,), jnp.int32),
        pltpu.VMEM((K,), jnp.int32),
        pltpu.VMEM((K,), jnp.int32),
        _scratch_f32((K, HP)),
        _scratch_f32((K, WOUT)),
        _scratch_f32((K, HP)),
        _scratch_f32((K, WOUT)),
        _scratch_f32((ZR, WOUT)),
        _scratch_f32((16,)),
        pltpu.VMEM_SHARED((N, WOUT), jnp.float32),
        pltpu.SemaphoreType.DMA,
        pltpu.SemaphoreType.DMA,
        pltpu.SemaphoreType.DMA,
        pltpu.SemaphoreType.DMA,
        pltpu.SemaphoreType.DMA,
    ],
)(_sc_body)


def _tc2_body(p1, p2, Wk, bk, q2, Bx, Wo, bo, y_o, o1s, o2s, sacc):
    ph = pl.program_id(0)
    j = pl.program_id(1)

    @pl.when(ph == 0)
    def _():
        def one(p):
            ps = p[...]
            denx = jnp.dot(ps[:, DH:WOUT], Bx[...],
                           preferred_element_type=jnp.float32)
            return jnp.maximum(ps[:, 0:DH] / (denx + 1e-16), 0.0)

        o1 = one(p1)
        o2 = one(p2)
        o1s[pl.ds(j * BLK, BLK), :] = o1
        o2s[pl.ds(j * BLK, BLK), :] = o2
        kp1 = jnp.tanh(jnp.dot(o1, Wk[...],
                               preferred_element_type=jnp.float32) + bk[...])
        kp2 = jnp.tanh(jnp.dot(o2, Wk[...],
                               preferred_element_type=jnp.float32) + bk[...])
        s1 = jnp.sum(kp1 * q2[...]) * (1.0 / N)
        s2 = jnp.sum(kp2 * q2[...]) * (1.0 / N)
        col = lax.broadcasted_iota(jnp.int32, (1, 8), 1)
        part = jnp.where(col == 0, s1, 0.0) + jnp.where(col == 1, s2, 0.0)

        @pl.when(j == 0)
        def _():
            sacc[...] = part

        @pl.when(j != 0)
        def _():
            sacc[...] = sacc[...] + part

    @pl.when(ph == 1)
    def _():
        sv = sacc[...]
        s1 = sv[0:1, 0:1]
        s2 = sv[0:1, 1:2]
        m = jnp.maximum(s1, s2)
        e1 = jnp.exp(s1 - m)
        e2 = jnp.exp(s2 - m)
        a1 = e1 / (e1 + e2)
        a2 = e2 / (e1 + e2)
        fused = (o1s[pl.ds(j * BLK, BLK), :] * a1 +
                 o2s[pl.ds(j * BLK, BLK), :] * a2)
        y_o[...] = jnp.dot(fused, Wo[...],
                           preferred_element_type=jnp.float32) + bo[...]


_tc2 = pl.pallas_call(
    _tc2_body,
    grid=(2, N // BLK),
    in_specs=[
        pl.BlockSpec((BLK, WOUT), lambda ph, j: (j * (1 - ph), 0)),
        pl.BlockSpec((BLK, WOUT), lambda ph, j: (j * (1 - ph), 0)),
        pl.BlockSpec((DH, DH), lambda ph, j: (0, 0)),
        pl.BlockSpec((1, DH), lambda ph, j: (0, 0)),
        pl.BlockSpec((1, DH), lambda ph, j: (0, 0)),
        pl.BlockSpec((HP, DH), lambda ph, j: (0, 0)),
        pl.BlockSpec((DH, DOUT), lambda ph, j: (0, 0)),
        pl.BlockSpec((1, DOUT), lambda ph, j: (0, 0)),
    ],
    out_specs=pl.BlockSpec((BLK, DOUT), lambda ph, j: (j, 0)),
    out_shape=jax.ShapeDtypeStruct((N, DOUT), jnp.float32),
    scratch_shapes=[
        pltpu.VMEM((N, DH), jnp.float32),
        pltpu.VMEM((N, DH), jnp.float32),
        pltpu.VMEM((1, 8), jnp.float32),
    ],
)


def _mkA(att):
    rows = jnp.arange(DH)[:, None]
    cols = jnp.arange(HP)[None, :]
    return jnp.where(cols == rows // D, att.reshape(-1)[:, None], 0.0)


def _leaky(v):
    return jnp.where(v >= 0.0, v, 0.2 * v)


def kernel(x_SUBJECT, x_ELECTRODE, edge_index_e2s, edge_index_s2s,
           W_proj_SUBJECT, b_proj_SUBJECT, W_proj_ELECTRODE, b_proj_ELECTRODE,
           att_src_e2s, att_dst_e2s, att_src_s2s, att_dst_s2s,
           W_k, b_k, q, W_out, b_out):
    A0 = _mkA(att_dst_e2s)
    A1 = _mkA(att_src_s2s)
    A2 = _mkA(att_dst_s2s)
    A3 = _mkA(att_src_e2s)

    xts, xte, t0, t2, mx = _tc1(
        x_SUBJECT, x_ELECTRODE, W_proj_SUBJECT, W_proj_ELECTRODE,
        b_proj_SUBJECT.reshape(1, DH), b_proj_ELECTRODE.reshape(1, DH),
        A0, A1, A2, A3)

    c_e2s = _leaky(mx[0, 48:64] + mx[0, 0:16])
    c_s2s = _leaky(mx[0, 16:32] + mx[0, 32:48])

    padv = jnp.broadcast_to((jnp.arange(EPAD - E, dtype=jnp.int32) % N)[None],
                            (2, EPAD - E))
    ei1 = jnp.concatenate([edge_index_e2s, padv], axis=1)
    ei2 = jnp.concatenate([edge_index_s2s, padv], axis=1)
    p1, p2 = _sc_edge(ei1[0], ei1[1], xte, t0, c_e2s,
                      ei2[0], ei2[1], xts, t2, c_s2s)

    rr = jnp.arange(HP)[:, None]
    cc = jnp.arange(DH)[None, :]
    Bx = jnp.where(rr == cc // D, 1.0, 0.0).astype(jnp.float32)

    return _tc2(p1, p2, W_k, b_k.reshape(1, DH), q.reshape(1, DH), Bx,
                W_out, b_out.reshape(1, DOUT))

# --- scband reference (transcript-rebuilt; emitter-appended) ---
"""Pipeline reference for scband-bnnhan-41841571397955 (READ-ONLY COPY).

The authoritative reference and input builder live on the scoring server;
editing this copy changes nothing except your own understanding.
"""

import jax, jax.numpy as jnp
import numpy as np

N_SUB = 10000
N_ELE = 10000
E = 160000
DIN = 128
DH = 128
H = 8
D = DH // H
DOUT = 8


def setup_inputs(seed: int = 0):
    key = jax.random.key(seed)
    ks = jax.random.split(key, 16)
    s = 0.05
    return {
        "x_SUBJECT": jax.random.normal(ks[0], (N_SUB, DIN), jnp.float32),
        "x_ELECTRODE": jax.random.normal(ks[1], (N_ELE, DIN), jnp.float32),
        "edge_index_e2s": jax.random.randint(ks[2], (2, E), 0, N_SUB).astype(jnp.int32),
        "edge_index_s2s": jax.random.randint(ks[3], (2, E), 0, N_SUB).astype(jnp.int32),
        "W_proj_SUBJECT": jax.random.normal(ks[4], (DIN, DH), jnp.float32) * s,
        "b_proj_SUBJECT": jnp.zeros((DH,), jnp.float32),
        "W_proj_ELECTRODE": jax.random.normal(ks[5], (DIN, DH), jnp.float32) * s,
        "b_proj_ELECTRODE": jnp.zeros((DH,), jnp.float32),
        "att_src_e2s": jax.random.normal(ks[6], (H, D), jnp.float32) * s,
        "att_dst_e2s": jax.random.normal(ks[7], (H, D), jnp.float32) * s,
        "att_src_s2s": jax.random.normal(ks[8], (H, D), jnp.float32) * s,
        "att_dst_s2s": jax.random.normal(ks[9], (H, D), jnp.float32) * s,
        "W_k": jax.random.normal(ks[10], (DH, DH), jnp.float32) * s,
        "b_k": jnp.zeros((DH,), jnp.float32),
        "q": jax.random.normal(ks[11], (DH,), jnp.float32) * s,
        "W_out": jax.random.normal(ks[12], (DH, DOUT), jnp.float32) * s,
        "b_out": jnp.zeros((DOUT,), jnp.float32),
    }


def _edge_attention(x_src, x_dst, edge_index, att_src, att_dst, n_dst):
    # x_src: [N_src, H, D], x_dst: [N_dst, H, D], edge_index: [2, E]
    src = edge_index[0]
    dst = edge_index[1]
    alpha_src = (x_src * att_src[None]).sum(-1)  # [N_src, H]
    alpha_dst = (x_dst * att_dst[None]).sum(-1)  # [N_dst, H]
    alpha = alpha_src[src] + alpha_dst[dst]      # gather -> [E, H]
    alpha = jax.nn.leaky_relu(alpha, 0.2)
    amax = jax.ops.segment_max(alpha, dst, num_segments=n_dst)
    amax = jnp.where(jnp.isfinite(amax), amax, 0.0)
    ex = jnp.exp(alpha - amax[dst])
    den = jax.ops.segment_sum(ex, dst, num_segments=n_dst)
    coef = ex / (den[dst] + 1e-16)               # softmax over incoming edges per dst
    msg = x_src[src] * coef[..., None]           # gather + weight -> [E, H, D]
    out = jax.ops.segment_sum(msg, dst, num_segments=n_dst)  # scatter-add
    return jax.nn.relu(out.reshape(n_dst, H * D))


def reference(x_SUBJECT, x_ELECTRODE, edge_index_e2s, edge_index_s2s,
              W_proj_SUBJECT, b_proj_SUBJECT, W_proj_ELECTRODE, b_proj_ELECTRODE,
              att_src_e2s, att_dst_e2s, att_src_s2s, att_dst_s2s,
              W_k, b_k, q, W_out, b_out):
    # node-type projections
    xs = (x_SUBJECT @ W_proj_SUBJECT + b_proj_SUBJECT).reshape(-1, H, D)
    xe = (x_ELECTRODE @ W_proj_ELECTRODE + b_proj_ELECTRODE).reshape(-1, H, D)
    # per-edge-type GAT-style attention (dropout omitted: eval mode)
    o1 = _edge_attention(xe, xs, edge_index_e2s, att_src_e2s, att_dst_e2s, N_SUB)
    o2 = _edge_attention(xs, xs, edge_index_s2s, att_src_s2s, att_dst_s2s, N_SUB)
    # semantic (metapath-level) attention for dst type SUBJECT
    outs = jnp.stack([o1, o2])                  # [2, N_SUB, DH]
    kproj = jnp.tanh(outs @ W_k + b_k)          # [2, N_SUB, DH]
    score = (q[None, :] * kproj.mean(axis=1)).sum(-1)  # [2]
    attn = jax.nn.softmax(score)
    fused = (attn[:, None, None] * outs).sum(axis=0)   # [N_SUB, DH]
    # final classifier head
    return fused @ W_out + b_out

if __name__ == "__main__":
    import jax
    _d = setup_inputs()
    print(jax.jit(kernel)(*tuple(_d.values())))

</pallas_src>

<mosaic_0001>
#map = affine_map<(d0, d1) -> (0)>
#map1 = affine_map<(d0, d1) -> (0, 0)>
module attributes {stable_mosaic.version = 14 : i64} {
  func.func @_sc_body(%arg0: i32, %arg1: i32, %arg2: memref<161280xi32, #tpu.memory_space<hbm>>, %arg3: memref<161280xi32, #tpu.memory_space<hbm>>, %arg4: memref<10000x144xf32, #tpu.memory_space<hbm>>, %arg5: memref<10000x16xf32, #tpu.memory_space<hbm>>, %arg6: memref<16xf32, #tpu.memory_space<hbm>>, %arg7: memref<161280xi32, #tpu.memory_space<hbm>>, %arg8: memref<161280xi32, #tpu.memory_space<hbm>>, %arg9: memref<10000x144xf32, #tpu.memory_space<hbm>>, %arg10: memref<10000x16xf32, #tpu.memory_space<hbm>>, %arg11: memref<16xf32, #tpu.memory_space<hbm>>, %arg12: memref<10000x144xf32, #tpu.memory_space<hbm>>, %arg13: memref<10000x144xf32, #tpu.memory_space<hbm>>, %arg14: memref<112xi32, #tpu.memory_space<vmem>>, %arg15: memref<112xi32, #tpu.memory_space<vmem>>, %arg16: memref<112xi32, #tpu.memory_space<vmem>>, %arg17: memref<112xi32, #tpu.memory_space<vmem>>, %arg18: memref<112xi32, #tpu.memory_space<vmem>>, %arg19: memref<112xi32, #tpu.memory_space<vmem>>, %arg20: memref<112x16xf32, #tpu.memory_space<vmem>>, %arg21: memref<112x144xf32, #tpu.memory_space<vmem>>, %arg22: memref<112x16xf32, #tpu.memory_space<vmem>>, %arg23: memref<112x144xf32, #tpu.memory_space<vmem>>, %arg24: memref<5x144xf32, #tpu.memory_space<vmem>>, %arg25: memref<16xf32, #tpu.memory_space<vmem>>, %arg26: memref<10000x144xf32, #tpu.memory_space<vmem_shared>>, %arg27: memref<!tpu.dma_semaphore, #tpu.memory_space<semaphore_mem>>, %arg28: memref<!tpu.dma_semaphore, #tpu.memory_space<semaphore_mem>>, %arg29: memref<!tpu.dma_semaphore, #tpu.memory_space<semaphore_mem>>, %arg30: memref<!tpu.dma_semaphore, #tpu.memory_space<semaphore_mem>>, %arg31: memref<!tpu.dma_semaphore, #tpu.memory_space<semaphore_mem>>) attributes {dimension_semantics = [#tpu.dimension_semantics<core_parallel>, #tpu.dimension_semantics<subcore_parallel>], iteration_bounds = array<i64: 2, 16>, scalar_prefetch = 0 : i64, scratch_operands = 18 : i64, tpu.core_type = #tpu.core_type<sc_vector_subcore>, window_params = [{transform_indices = #map}, {transform_indices = #map}, {transform_indices = #map1}, {transform_indices = #map1}, {transform_indices = #map}, {transform_indices = #map}, {transform_indices = #map}, {transform_indices = #map1}, {transform_indices = #map1}, {transform_indices = #map}, {transform_indices = #map1}, {transform_indices = #map1}]} {
    %broadcast_in_dim3A = arith.constant 0.000000e+00 : f32
    %broadcast_in_dim3A_0 = vector.broadcast %broadcast_in_dim3A : f32 to vector<16xf32>
    %swap3A = arith.constant 0 : i32
    %swap3A_1 = arith.index_cast %swap3A : i32 to index
    %swap3A_2 = arith.constant 0 : index
    %swap3A_3 = tpu.vector_load %arg24[%swap3A_1, %swap3A_2] {strides = array<i32>} : memref<5x144xf32, #tpu.memory_space<vmem>>, vector<1x16xf32>,
    %swap3A_4 = vector.shape_cast %swap3A_3 : vector<1x16xf32> to vector<16xf32>
    %swap3A_5 = vector.shape_cast %broadcast_in_dim3A_0 : vector<16xf32> to vector<1x16xf32>
    tpu.vector_store %arg24[%swap3A_1, %swap3A_2], %swap3A_5 {strides = array<i32>} : memref<5x144xf32, #tpu.memory_space<vmem>>, vector<1x16xf32>,
    %broadcast_in_dim3A_6 = arith.constant 0.000000e+00 : f32
    %broadcast_in_dim3A_7 = vector.broadcast %broadcast_in_dim3A_6 : f32 to vector<16xf32>
    %swap3A_8 = arith.constant 0 : i32
    %swap3A_9 = arith.index_cast %swap3A_8 : i32 to index
    %swap3A_10 = arith.constant 16 : index
    %swap3A_11 = tpu.vector_load %arg24[%swap3A_9, %swap3A_10] {strides = array<i32>} : memref<5x144xf32, #tpu.memory_space<vmem>>, vector<1x16xf32>,
    %swap3A_12 = vector.shape_cast %swap3A_11 : vector<1x16xf32> to vector<16xf32>
    %swap3A_13 = vector.shape_cast %broadcast_in_dim3A_7 : vector<16xf32> to vector<1x16xf32>
    tpu.vector_store %arg24[%swap3A_9, %swap3A_10], %swap3A_13 {strides = array<i32>} : memref<5x144xf32, #tpu.memory_space<vmem>>, vector<1x16xf32>,
    %broadcast_in_dim3A_14 = arith.constant 0.000000e+00 : f32
    %broadcast_in_dim3A_15 = vector.broadcast %broadcast_in_dim3A_14 : f32 to vector<16xf32>
    %swap3A_16 = arith.constant 0 : i32
    %swap3A_17 = arith.index_cast %swap3A_16 : i32 to index
    %swap3A_18 = arith.constant 32 : index
    %swap3A_19 = tpu.vector_load %arg24[%swap3A_17, %swap3A_18] {strides = array<i32>} : memref<5x144xf32, #tpu.memory_space<vmem>>, vector<1x16xf32>,
    %swap3A_20 = vector.shape_cast %swap3A_19 : vector<1x16xf32> to vector<16xf32>
    %swap3A_21 = vector.shape_cast %broadcast_in_dim3A_15 : vector<16xf32> to vector<1x16xf32>
    tpu.vector_store %arg24[%swap3A_17, %swap3A_18], %swap3A_21 {strides = array<i32>} : memref<5x144xf32, #tpu.memory_space<vmem>>, vector<1x16xf32>,
    %broadcast_in_dim3A_22 = arith.constant 0.000000e+00 : f32
    %broadcast_in_dim3A_23 = vector.broadcast %broadcast_in_dim3A_22 : f32 to vector<16xf32>
    %swap3A_24 = arith.constant 0 : i32
    %swap3A_25 = arith.index_cast %swap3A_24 : i32 to index
    %swap3A_26 = arith.constant 48 : index
    %swap3A_27 = tpu.vector_load %arg24[%swap3A_25, %swap3A_26] {strides = array<i32>} : memref<5x144xf32, #tpu.memory_space<vmem>>, vector<1x16xf32>,
    %swap3A_28 = vector.shape_cast %swap3A_27 : vector<1x16xf32> to vector<16xf32>
    %swap3A_29 = vector.shape_cast %broadcast_in_dim3A_23 : vector<16xf32> to vector<1x16xf32>
    tpu.vector_store %arg24[%swap3A_25, %swap3A_26], %swap3A_29 {strides = array<i32>} : memref<5x144xf32, #tpu.memory_space<vmem>>, vector<1x16xf32>,
    %broadcast_in_dim3A_30 = arith.constant 0.000000e+00 : f32
    %broadcast_in_dim3A_31 = vector.broadcast %broadcast_in_dim3A_30 : f32 to vector<16xf32>
    %swap3A_32 = arith.constant 0 : i32
    %swap3A_33 = arith.index_cast %swap3A_32 : i32 to index
    %swap3A_34 = arith.constant 64 : index
    %swap3A_35 = tpu.vector_load %arg24[%swap3A_33, %swap3A_34] {strides = array<i32>} : memref<5x144xf32, #tpu.memory_space<vmem>>, vector<1x16xf32>,
    %swap3A_36 = vector.shape_cast %swap3A_35 : vector<1x16xf32> to vector<16xf32>
    %swap3A_37 = vector.shape_cast %broadcast_in_dim3A_31 : vector<16xf32> to vector<1x16xf32>
    tpu.vector_store %arg24[%swap3A_33, %swap3A_34], %swap3A_37 {strides = array<i32>} : memref<5x144xf32, #tpu.memory_space<vmem>>, vector<1x16xf32>,
    %broadcast_in_dim3A_38 = arith.constant 0.000000e+00 : f32
    %broadcast_in_dim3A_39 = vector.broadcast %broadcast_in_dim3A_38 : f32 to vector<16xf32>
    %swap3A_40 = arith.constant 0 : i32
    %swap3A_41 = arith.index_cast %swap3A_40 : i32 to index
    %swap3A_42 = arith.constant 80 : index
    %swap3A_43 = tpu.vector_load %arg24[%swap3A_41, %swap3A_42] {strides = array<i32>} : memref<5x144xf32, #tpu.memory_space<vmem>>, vector<1x16xf32>,
    %swap3A_44 = vector.shape_cast %swap3A_43 : vector<1x16xf32> to vector<16xf32>
    %swap3A_45 = vector.shape_cast %broadcast_in_dim3A_39 : vector<16xf32> to vector<1x16xf32>
    tpu.vector_store %arg24[%swap3A_41, %swap3A_42], %swap3A_45 {strides = array<i32>} : memref<5x144xf32, #tpu.memory_space<vmem>>, vector<1x16xf32>,
    %broadcast_in_dim3A_46 = arith.constant 0.000000e+00 : f32
    %broadcast_in_dim3A_47 = vector.broadcast %broadcast_in_dim3A_46 : f32 to vector<16xf32>
    %swap3A_48 = arith.constant 0 : i32
    %swap3A_49 = arith.index_cast %swap3A_48 : i32 to index
    %swap3A_50 = arith.constant 96 : index
    %swap3A_51 = tpu.vector_load %arg24[%swap3A_49, %swap3A_50] {strides = array<i32>} : memref<5x144xf32, #tpu.memory_space<vmem>>, vector<1x16xf32>,
    %swap3A_52 = vector.shape_cast %swap3A_51 : vector<1x16xf32> to vector<16xf32>
    %swap3A_53 = vector.shape_cast %broadcast_in_dim3A_47 : vector<16xf32> to vector<1x16xf32>
    tpu.vector_store %arg24[%swap3A_49, %swap3A_50], %swap3A_53 {strides = array<i32>} : memref<5x144xf32, #tpu.memory_space<vmem>>, vector<1x16xf32>,
    %broadcast_in_dim3A_54 = arith.constant 0.000000e+00 : f32
    %broadcast_in_dim3A_55 = vector.broadcast %broadcast_in_dim3A_54 : f32 to vector<16xf32>
    %swap3A_56 = arith.constant 0 : i32
    %swap3A_57 = arith.index_cast %swap3A_56 : i32 to index
    %swap3A_58 = arith.constant 112 : index
    %swap3A_59 = tpu.vector_load %arg24[%swap3A_57, %swap3A_58] {strides = array<i32>} : memref<5x144xf32, #tpu.memory_space<vmem>>, vector<1x16xf32>,
    %swap3A_60 = vector.shape_cast %swap3A_59 : vector<1x16xf32> to vector<16xf32>
    %swap3A_61 = vector.shape_cast %broadcast_in_dim3A_55 : vector<16xf32> to vector<1x16xf32>
    tpu.vector_store %arg24[%swap3A_57, %swap3A_58], %swap3A_61 {strides = array<i32>} : memref<5x144xf32, #tpu.memory_space<vmem>>, vector<1x16xf32>,
    %broadcast_in_dim3A_62 = arith.constant 0.000000e+00 : f32
    %broadcast_in_dim3A_63 = vector.broadcast %broadcast_in_dim3A_62 : f32 to vector<16xf32>
    %swap3A_64 = arith.constant 0 : i32
    %swap3A_65 = arith.index_cast %swap3A_64 : i32 to index
    %swap3A_66 = arith.constant 128 : index
    %swap3A_67 = tpu.vector_load %arg24[%swap3A_65, %swap3A_66] {strides = array<i32>} : memref<5x144xf32, #tpu.memory_space<vmem>>, vector<1x16xf32>,
    %swap3A_68 = vector.shape_cast %swap3A_67 : vector<1x16xf32> to vector<16xf32>
    %swap3A_69 = vector.shape_cast %broadcast_in_dim3A_63 : vector<16xf32> to vector<1x16xf32>
    tpu.vector_store %arg24[%swap3A_65, %swap3A_66], %swap3A_69 {strides = array<i32>} : memref<5x144xf32, #tpu.memory_space<vmem>>, vector<1x16xf32>,
    %broadcast_in_dim3A_70 = arith.constant 0.000000e+00 : f32
    %broadcast_in_dim3A_71 = vector.broadcast %broadcast_in_dim3A_70 : f32 to vector<16xf32>
    %swap3A_72 = arith.constant 1 : i32
    %swap3A_73 = arith.index_cast %swap3A_72 : i32 to index
    %swap3A_74 = arith.constant 0 : index
    %swap3A_75 = tpu.vector_load %arg24[%swap3A_73, %swap3A_74] {strides = array<i32>} : memref<5x144xf32, #tpu.memory_space<vmem>>, vector<1x16xf32>,
    %swap3A_76 = vector.shape_cast %swap3A_75 : vector<1x16xf32> to vector<16xf32>
    %swap3A_77 = vector.shape_cast %broadcast_in_dim3A_71 : vector<16xf32> to vector<1x16xf32>
    tpu.vector_store %arg24[%swap3A_73, %swap3A_74], %swap3A_77 {strides = array<i32>} : memref<5x144xf32, #tpu.memory_space<vmem>>, vector<1x16xf32>,
    %broadcast_in_dim3A_78 = arith.constant 0.000000e+00 : f32
    %broadcast_in_dim3A_79 = vector.broadcast %broadcast_in_dim3A_78 : f32 to vector<16xf32>
    %swap3A_80 = arith.constant 1 : i32
    %swap3A_81 = arith.index_cast %swap3A_80 : i32 to index
    %swap3A_82 = arith.constant 16 : index
    %swap3A_83 = tpu.vector_load %arg24[%swap3A_81, %swap3A_82] {strides = array<i32>} : memref<5x144xf32, #tpu.memory_space<vmem>>, vector<1x16xf32>,
    %swap3A_84 = vector.shape_cast %swap3A_83 : vector<1x16xf32> to vector<16xf32>
    %swap3A_85 = vector.shape_cast %broadcast_in_dim3A_79 : vector<16xf32> to vector<1x16xf32>
    tpu.vector_store %arg24[%swap3A_81, %swap3A_82], %swap3A_85 {strides = array<i32>} : memref<5x144xf32, #tpu.memory_space<vmem>>, vector<1x16xf32>,
    %broadcast_in_dim3A_86 = arith.constant 0.000000e+00 : f32
    %broadcast_in_dim3A_87 = vector.broadcast %broadcast_in_dim3A_86 : f32 to vector<16xf32>
    %swap3A_88 = arith.constant 1 : i32
    %swap3A_89 = arith.index_cast %swap3A_88 : i32 to index
    %swap3A_90 = arith.constant 32 : index
    %swap3A_91 = tpu.vector_load %arg24[%swap3A_89, %swap3A_90] {strides = array<i32>} : memref<5x144xf32, #tpu.memory_space<vmem>>, vector<1x16xf32>,
    %swap3A_92 = vector.shape_cast %swap3A_91 : vector<1x16xf32> to vector<16xf32>
    %swap3A_93 = vector.shape_cast %broadcast_in_dim3A_87 : vector<16xf32> to vector<1x16xf32>
    tpu.vector_store %arg24[%swap3A_89, %swap3A_90], %swap3A_93 {strides = array<i32>} : memref<5x144xf32, #tpu.memory_space<vmem>>, vector<1x16xf32>,
    %broadcast_in_dim3A_94 = arith.constant 0.000000e+00 : f32
    %broadcast_in_dim3A_95 = vector.broadcast %broadcast_in_dim3A_94 : f32 to vector<16xf32>
    %swap3A_96 = arith.constant 1 : i32
    %swap3A_97 = arith.index_cast %swap3A_96 : i32 to index
    %swap3A_98 = arith.constant 48 : index
    %swap3A_99 = tpu.vector_load %arg24[%swap3A_97, %swap3A_98] {strides = array<i32>} : memref<5x144xf32, #tpu.memory_space<vmem>>, vector<1x16xf32>,
    %swap3A_100 = vector.shape_cast %swap3A_99 : vector<1x16xf32> to vector<16xf32>
    %swap3A_101 = vector.shape_cast %broadcast_in_dim3A_95 : vector<16xf32> to vector<1x16xf32>
    tpu.vector_store %arg24[%swap3A_97, %swap3A_98], %swap3A_101 {strides = array<i32>} : memref<5x144xf32, #tpu.memory_space<vmem>>, vector<1x16xf32>,
    %broadcast_in_dim3A_102 = arith.constant 0.000000e+00 : f32
    %broadcast_in_dim3A_103 = vector.broadcast %broadcast_in_dim3A_102 : f32 to vector<16xf32>
    %swap3A_104 = arith.constant 1 : i32
    %swap3A_105 = arith.index_cast %swap3A_104 : i32 to index
    %swap3A_106 = arith.constant 64 : index
    %swap3A_107 = tpu.vector_load %arg24[%swap3A_105, %swap3A_106] {strides = array<i32>} : memref<5x144xf32, #tpu.memory_space<vmem>>, vector<1x16xf32>,
    %swap3A_108 = vector.shape_cast %swap3A_107 : vector<1x16xf32> to vector<16xf32>
    %swap3A_109 = vector.shape_cast %broadcast_in_dim3A_103 : vector<16xf32> to vector<1x16xf32>
    tpu.vector_store %arg24[%swap3A_105, %swap3A_106], %swap3A_109 {strides = array<i32>} : memref<5x144xf32, #tpu.memory_space<vmem>>, vector<1x16xf32>,
    %broadcast_in_dim3A_110 = arith.constant 0.000000e+00 : f32
    %broadcast_in_dim3A_111 = vector.broadcast %broadcast_in_dim3A_110 : f32 to vector<16xf32>
    %swap3A_112 = arith.constant 1 : i32
    %swap3A_113 = arith.index_cast %swap3A_112 : i32 to index
    %swap3A_114 = arith.constant 80 : index
    %swap3A_115 = tpu.vector_load %arg24[%swap3A_113, %swap3A_114] {strides = array<i32>} : memref<5x144xf32, #tpu.memory_space<vmem>>, vector<1x16xf32>,
    %swap3A_116 = vector.shape_cast %swap3A_115 : vector<1x16xf32> to vector<16xf32>
    %swap3A_117 = vector.shape_cast %broadcast_in_dim3A_111 : vector<16xf32> to vector<1x16xf32>
    tpu.vector_store %arg24[%swap3A_113, %swap3A_114], %swap3A_117 {strides = array<i32>} : memref<5x144xf32, #tpu.memory_space<vmem>>, vector<1x16xf32>,
    %broadcast_in_dim3A_118 = arith.constant 0.000000e+00 : f32
    %broadcast_in_dim3A_119 = vector.broadcast %broadcast_in_dim3A_118 : f32 to vector<16xf32>
    %swap3A_120 = arith.constant 1 : i32
    %swap3A_121 = arith.index_cast %swap3A_120 : i32 to index
    %swap3A_122 = arith.constant 96 : index
    %swap3A_123 = tpu.vector_load %arg24[%swap3A_121, %swap3A_122] {strides = array<i32>} : memref<5x144xf32, #tpu.memory_space<vmem>>, vector<1x16xf32>,
    %swap3A_124 = vector.shape_cast %swap3A_123 : vector<1x16xf32> to vector<16xf32>
    %swap3A_125 = vector.shape_cast %broadcast_in_dim3A_119 : vector<16xf32> to vector<1x16xf32>
    tpu.vector_store %arg24[%swap3A_121, %swap3A_122], %swap3A_125 {strides = array<i32>} : memref<5x144xf32, #tpu.memory_space<vmem>>, vector<1x16xf32>,
    %broadcast_in_dim3A_126 = arith.constant 0.000000e+00 : f32
    %broadcast_in_dim3A_127 = vector.broadcast %broadcast_in_dim3A_126 : f32 to vector<16xf32>
    %swap3A_128 = arith.constant 1 : i32
    %swap3A_129 = arith.index_cast %swap3A_128 : i32 to index
    %swap3A_130 = arith.constant 112 : index
    %swap3A_131 = tpu.vector_load %arg24[%swap3A_129, %swap3A_130] {strides = array<i32>} : memref<5x144xf32, #tpu.memory_space<vmem>>, vector<1x16xf32>,
    %swap3A_132 = vector.shape_cast %swap3A_131 : vector<1x16xf32> to vector<16xf32>
    %swap3A_133 = vector.shape_cast %broadcast_in_dim3A_127 : vector<16xf32> to vector<1x16xf32>
    tpu.vector_store %arg24[%swap3A_129, %swap3A_130], %swap3A_133 {strides = array<i32>} : memref<5x144xf32, #tpu.memory_space<vmem>>, vector<1x16xf32>,
    %broadcast_in_dim3A_134 = arith.constant 0.000000e+00 : f32
    %broadcast_in_dim3A_135 = vector.broadcast %broadcast_in_dim3A_134 : f32 to vector<16xf32>
    %swap3A_136 = arith.constant 1 : i32
    %swap3A_137 = arith.index_cast %swap3A_136 : i32 to index
    %swap3A_138 = arith.constant 128 : index
    %swap3A_139 = tpu.vector_load %arg24[%swap3A_137, %swap3A_138] {strides = array<i32>} : memref<5x144xf32, #tpu.memory_space<vmem>>, vector<1x16xf32>,
    %swap3A_140 = vector.shape_cast %swap3A_139 : vector<1x16xf32> to vector<16xf32>
    %swap3A_141 = vector.shape_cast %broadcast_in_dim3A_135 : vector<16xf32> to vector<1x16xf32>
    tpu.vector_store %arg24[%swap3A_137, %swap3A_138], %swap3A_141 {strides = array<i32>} : memref<5x144xf32, #tpu.memory_space<vmem>>, vector<1x16xf32>,
    %broadcast_in_dim3A_142 = arith.constant 0.000000e+00 : f32
    %broadcast_in_dim3A_143 = vector.broadcast %broadcast_in_dim3A_142 : f32 to vector<16xf32>
    %swap3A_144 = arith.constant 2 : i32
    %swap3A_145 = arith.index_cast %swap3A_144 : i32 to index
    %swap3A_146 = arith.constant 0 : index
    %swap3A_147 = tpu.vector_load %arg24[%swap3A_145, %swap3A_146] {strides = array<i32>} : memref<5x144xf32, #tpu.memory_space<vmem>>, vector<1x16xf32>,
    %swap3A_148 = vector.shape_cast %swap3A_147 : vector<1x16xf32> to vector<16xf32>
    %swap3A_149 = vector.shape_cast %broadcast_in_dim3A_143 : vector<16xf32> to vector<1x16xf32>
    tpu.vector_store %arg24[%swap3A_145, %swap3A_146], %swap3A_149 {strides = array<i32>} : memref<5x144xf32, #tpu.memory_space<vmem>>, vector<1x16xf32>,
    %broadcast_in_dim3A_150 = arith.constant 0.000000e+00 : f32
    %broadcast_in_dim3A_151 = vector.broadcast %broadcast_in_dim3A_150 : f32 to vector<16xf32>
    %swap3A_152 = arith.constant 2 : i32
    %swap3A_153 = arith.index_cast %swap3A_152 : i32 to index
    %swap3A_154 = arith.constant 16 : index
    %swap3A_155 = tpu.vector_load %arg24[%swap3A_153, %swap3A_154] {strides = array<i32>} : memref<5x144xf32, #tpu.memory_space<vmem>>, vector<1x16xf32>,
    %swap3A_156 = vector.shape_cast %swap3A_155 : vector<1x16xf32> to vector<16xf32>
    %swap3A_157 = vector.shape_cast %broadcast_in_dim3A_151 : vector<16xf32> to vector<1x16xf32>
    tpu.vector_store %arg24[%swap3A_153, %swap3A_154], %swap3A_157 {strides = array<i32>} : memref<5x144xf32, #tpu.memory_space<vmem>>, vector<1x16xf32>,
    %broadcast_in_dim3A_158 = arith.constant 0.000000e+00 : f32
    %broadcast_in_dim3A_159 = vector.broadcast %broadcast_in_dim3A_158 : f32 to vector<16xf32>
    %swap3A_160 = arith.constant 2 : i32
    %swap3A_161 = arith.index_cast %swap3A_160 : i32 to index
    %swap3A_162 = arith.constant 32 : index
    %swap3A_163 = tpu.vector_load %arg24[%swap3A_161, %swap3A_162] {strides = array<i32>} : memref<5x144xf32, #tpu.memory_space<vmem>>, vector<1x16xf32>,
    %swap3A_164 = vector.shape_cast %swap3A_163 : vector<1x16xf32> to vector<16xf32>
    %swap3A_165 = vector.shape_cast %broadcast_in_dim3A_159 : vector<16xf32> to vector<1x16xf32>
    tpu.vector_store %arg24[%swap3A_161, %swap3A_162], %swap3A_165 {strides = array<i32>} : memref<5x144xf32, #tpu.memory_space<vmem>>, vector<1x16xf32>,
    %broadcast_in_dim3A_166 = arith.constant 0.000000e+00 : f32
    %broadcast_in_dim3A_167 = vector.broadcast %broadcast_in_dim3A_166 : f32 to vector<16xf32>
    %swap3A_168 = arith.constant 2 : i32
    %swap3A_169 = arith.index_cast %swap3A_168 : i32 to index
    %swap3A_170 = arith.constant 48 : index
    %swap3A_171 = tpu.vector_load %arg24[%swap3A_169, %swap3A_170] {strides = array<i32>} : memref<5x144xf32, #tpu.memory_space<vmem>>, vector<1x16xf32>,
    %swap3A_172 = vector.shape_cast %swap3A_171 : vector<1x16xf32> to vector<16xf32>
    %swap3A_173 = vector.shape_cast %broadcast_in_dim3A_167 : vector<16xf32> to vector<1x16xf32>
    tpu.vector_store %arg24[%swap3A_169, %swap3A_170], %swap3A_173 {strides = array<i32>} : memref<5x144xf32, #tpu.memory_space<vmem>>, vector<1x16xf32>,
    %broadcast_in_dim3A_174 = arith.constant 0.000000e+00 : f32
    %broadcast_in_dim3A_175 = vector.broadcast %broadcast_in_dim3A_174 : f32 to vector<16xf32>
    %swap3A_176 = arith.constant 2 : i32
    %swap3A_177 = arith.index_cast %swap3A_176 : i32 to index
    %swap3A_178 = arith.constant 64 : index
    %swap3A_179 = tpu.vector_load %arg24[%swap3A_177, %swap3A_178] {strides = array<i32>} : memref<5x144xf32, #tpu.memory_space<vmem>>, vector<1x16xf32>,
    %swap3A_180 = vector.shape_cast %swap3A_179 : vector<1x16xf32> to vector<16xf32>
    %swap3A_181 = vector.shape_cast %broadcast_in_dim3A_175 : vector<16xf32> to vector<1x16xf32>
    tpu.vector_store %arg24[%swap3A_177, %swap3A_178], %swap3A_181 {strides = array<i32>} : memref<5x144xf32, #tpu.memory_space<vmem>>, vector<1x16xf32>,
    %broadcast_in_dim3A_182 = arith.constant 0.000000e+00 : f32
    %broadcast_in_dim3A_183 = vector.broadcast %broadcast_in_dim3A_182 : f32 to vector<16xf32>
    %swap3A_184 = arith.constant 2 : i32
    %swap3A_185 = arith.index_cast %swap3A_184 : i32 to index
    %swap3A_186 = arith.constant 80 : index
    %swap3A_187 = tpu.vector_load %arg24[%swap3A_185, %swap3A_186] {strides = array<i32>} : memref<5x144xf32, #tpu.memory_space<vmem>>, vector<1x16xf32>,
    %swap3A_188 = vector.shape_cast %swap3A_187 : vector<1x16xf32> to vector<16xf32>
    %swap3A_189 = vector.shape_cast %broadcast_in_dim3A_183 : vector<16xf32> to vector<1x16xf32>
    tpu.vector_store %arg24[%swap3A_185, %swap3A_186], %swap3A_189 {strides = array<i32>} : memref<5x144xf32, #tpu.memory_space<vmem>>, vector<1x16xf32>,
    %broadcast_in_dim3A_190 = arith.constant 0.000000e+00 : f32
    %broadcast_in_dim3A_191 = vector.broadcast %broadcast_in_dim3A_190 : f32 to vector<16xf32>
    %swap3A_192 = arith.constant 2 : i32
    %swap3A_193 = arith.index_cast %swap3A_192 : i32 to index
    %swap3A_194 = arith.constant 96 : index
    %swap3A_195 = tpu.vector_load %arg24[%swap3A_193, %swap3A_194] {strides = array<i32>} : memref<5x144xf32, #tpu.memory_space<vmem>>, vector<1x16xf32>,
    %swap3A_196 = vector.shape_cast %swap3A_195 : vector<1x16xf32> to vector<16xf32>
    %swap3A_197 = vector.shape_cast %broadcast_in_dim3A_191 : vector<16xf32> to vector<1x16xf32>
    tpu.vector_store %arg24[%swap3A_193, %swap3A_194], %swap3A_197 {strides = array<i32>} : memref<5x144xf32, #tpu.memory_space<vmem>>, vector<1x16xf32>,
    %broadcast_in_dim3A_198 = arith.constant 0.000000e+00 : f32
    %broadcast_in_dim3A_199 = vector.broadcast %broadcast_in_dim3A_198 : f32 to vector<16xf32>
    %swap3A_200 = arith.constant 2 : i32
    %swap3A_201 = arith.index_cast %swap3A_200 : i32 to index
    %swap3A_202 = arith.constant 112 : index
    %swap3A_203 = tpu.vector_load %arg24[%swap3A_201, %swap3A_202] {strides = array<i32>} : memref<5x144xf32, #tpu.memory_space<vmem>>, vector<1x16xf32>,
    %swap3A_204 = vector.shape_cast %swap3A_203 : vector<1x16xf32> to vector<16xf32>
    %swap3A_205 = vector.shape_cast %broadcast_in_dim3A_199 : vector<16xf32> to vector<1x16xf32>
    tpu.vector_store %arg24[%swap3A_201, %swap3A_202], %swap3A_205 {strides = array<i32>} : memref<5x144xf32, #tpu.memory_space<vmem>>, vector<1x16xf32>,
    %broadcast_in_dim3A_206 = arith.constant 0.000000e+00 : f32
    %broadcast_in_dim3A_207 = vector.broadcast %broadcast_in_dim3A_206 : f32 to vector<16xf32>
    %swap3A_208 = arith.constant 2 : i32
    %swap3A_209 = arith.index_cast %swap3A_208 : i32 to index
    %swap3A_210 = arith.constant 128 : index
    %swap3A_211 = tpu.vector_load %arg24[%swap3A_209, %swap3A_210] {strides = array<i32>} : memref<5x144xf32, #tpu.memory_space<vmem>>, vector<1x16xf32>,
    %swap3A_212 = vector.shape_cast %swap3A_211 : vector<1x16xf32> to vector<16xf32>
    %swap3A_213 = vector.shape_cast %broadcast_in_dim3A_207 : vector<16xf32> to vector<1x16xf32>
    tpu.vector_store %arg24[%swap3A_209, %swap3A_210], %swap3A_213 {strides = array<i32>} : memref<5x144xf32, #tpu.memory_space<vmem>>, vector<1x16xf32>,
    %broadcast_in_dim3A_214 = arith.constant 0.000000e+00 : f32
    %broadcast_in_dim3A_215 = vector.broadcast %broadcast_in_dim3A_214 : f32 to vector<16xf32>
    %swap3A_216 = arith.constant 3 : i32
    %swap3A_217 = arith.index_cast %swap3A_216 : i32 to index
    %swap3A_218 = arith.constant 0 : index
    %swap3A_219 = tpu.vector_load %arg24[%swap3A_217, %swap3A_218] {strides = array<i32>} : memref<5x144xf32, #tpu.memory_space<vmem>>, vector<1x16xf32>,
    %swap3A_220 = vector.shape_cast %swap3A_219 : vector<1x16xf32> to vector<16xf32>
    %swap3A_221 = vector.shape_cast %broadcast_in_dim3A_215 : vector<16xf32> to vector<1x16xf32>
    tpu.vector_store %arg24[%swap3A_217, %swap3A_218], %swap3A_221 {strides = array<i32>} : memref<5x144xf32, #tpu.memory_space<vmem>>, vector<1x16xf32>,
    %broadcast_in_dim3A_222 = arith.constant 0.000000e+00 : f32
    %broadcast_in_dim3A_223 = vector.broadcast %broadcast_in_dim3A_222 : f32 to vector<16xf32>
    %swap3A_224 = arith.constant 3 : i32
    %swap3A_225 = arith.index_cast %swap3A_224 : i32 to index
    %swap3A_226 = arith.constant 16 : index
    %swap3A_227 = tpu.vector_load %arg24[%swap3A_225, %swap3A_226] {strides = array<i32>} : memref<5x144xf32, #tpu.memory_space<vmem>>, vector<1x16xf32>,
    %swap3A_228 = vector.shape_cast %swap3A_227 : vector<1x16xf32> to vector<16xf32>
    %swap3A_229 = vector.shape_cast %broadcast_in_dim3A_223 : vector<16xf32> to vector<1x16xf32>
    tpu.vector_store %arg24[%swap3A_225, %swap3A_226], %swap3A_229 {strides = array<i32>} : memref<5x144xf32, #tpu.memory_space<vmem>>, vector<1x16xf32>,
    %broadcast_in_dim3A_230 = arith.constant 0.000000e+00 : f32
    %broadcast_in_dim3A_231 = vector.broadcast %broadcast_in_dim3A_230 : f32 to vector<16xf32>
    %swap3A_232 = arith.constant 3 : i32
    %swap3A_233 = arith.index_cast %swap3A_232 : i32 to index
    %swap3A_234 = arith.constant 32 : index
    %swap3A_235 = tpu.vector_load %arg24[%swap3A_233, %swap3A_234] {strides = array<i32>} : memref<5x144xf32, #tpu.memory_space<vmem>>, vector<1x16xf32>,
    %swap3A_236 = vector.shape_cast %swap3A_235 : vector<1x16xf32> to vector<16xf32>
    %swap3A_237 = vector.shape_cast %broadcast_in_dim3A_231 : vector<16xf32> to vector<1x16xf32>
    tpu.vector_store %arg24[%swap3A_233, %swap3A_234], %swap3A_237 {strides = array<i32>} : memref<5x144xf32, #tpu.memory_space<vmem>>, vector<1x16xf32>,
    %broadcast_in_dim3A_238 = arith.constant 0.000000e+00 : f32
    %broadcast_in_dim3A_239 = vector.broadcast %broadcast_in_dim3A_238 : f32 to vector<16xf32>
    %swap3A_240 = arith.constant 3 : i32
    %swap3A_241 = arith.index_cast %swap3A_240 : i32 to index
    %swap3A_242 = arith.constant 48 : index
    %swap3A_243 = tpu.vector_load %arg24[%swap3A_241, %swap3A_242] {strides = array<i32>} : memref<5x144xf32, #tpu.memory_space<vmem>>, vector<1x16xf32>,
    %swap3A_244 = vector.shape_cast %swap3A_243 : vector<1x16xf32> to vector<16xf32>
    %swap3A_245 = vector.shape_cast %broadcast_in_dim3A_239 : vector<16xf32> to vector<1x16xf32>
    tpu.vector_store %arg24[%swap3A_241, %swap3A_242], %swap3A_245 {strides = array<i32>} : memref<5x144xf32, #tpu.memory_space<vmem>>, vector<1x16xf32>,
    %broadcast_in_dim3A_246 = arith.constant 0.000000e+00 : f32
    %broadcast_in_dim3A_247 = vector.broadcast %broadcast_in_dim3A_246 : f32 to vector<16xf32>
    %swap3A_248 = arith.constant 3 : i32
    %swap3A_249 = arith.index_cast %swap3A_248 : i32 to index
    %swap3A_250 = arith.constant 64 : index
    %swap3A_251 = tpu.vector_load %arg24[%swap3A_249, %swap3A_250] {strides = array<i32>} : memref<5x144xf32, #tpu.memory_space<vmem>>, vector<1x16xf32>,
    %swap3A_252 = vector.shape_cast %swap3A_251 : vector<1x16xf32> to vector<16xf32>
    %swap3A_253 = vector.shape_cast %broadcast_in_dim3A_247 : vector<16xf32> to vector<1x16xf32>
    tpu.vector_store %arg24[%swap3A_249, %swap3A_250], %swap3A_253 {strides = array<i32>} : memref<5x144xf32, #tpu.memory_space<vmem>>, vector<1x16xf32>,
    %broadcast_in_dim3A_254 = arith.constant 0.000000e+00 : f32
    %broadcast_in_dim3A_255 = vector.broadcast %broadcast_in_dim3A_254 : f32 to vector<16xf32>
    %swap3A_256 = arith.constant 3 : i32
    %swap3A_257 = arith.index_cast %swap3A_256 : i32 to index
    %swap3A_258 = arith.constant 80 : index
    %swap3A_259 = tpu.vector_load %arg24[%swap3A_257, %swap3A_258] {strides = array<i32>} : memref<5x144xf32, #tpu.memory_space<vmem>>, vector<1x16xf32>,
    %swap3A_260 = vector.shape_cast %swap3A_259 : vector<1x16xf32> to vector<16xf32>
    %swap3A_261 = vector.shape_cast %broadcast_in_dim3A_255 : vector<16xf32> to vector<1x16xf32>
    tpu.vector_store %arg24[%swap3A_257, %swap3A_258], %swap3A_261 {strides = array<i32>} : memref<5x144xf32, #tpu.memory_space<vmem>>, vector<1x16xf32>,
    %broadcast_in_dim3A_262 = arith.constant 0.000000e+00 : f32
    %broadcast_in_dim3A_263 = vector.broadcast %broadcast_in_dim3A_262 : f32 to vector<16xf32>
    %swap3A_264 = arith.constant 3 : i32
    %swap3A_265 = arith.index_cast %swap3A_264 : i32 to index
    %swap3A_266 = arith.constant 96 : index
    %swap3A_267 = tpu.vector_load %arg24[%swap3A_265, %swap3A_266] {strides = array<i32>} : memref<5x144xf32, #tpu.memory_space<vmem>>, vector<1x16xf32>,
    %swap3A_268 = vector.shape_cast %swap3A_267 : vector<1x16xf32> to vector<16xf32>
    %swap3A_269 = vector.shape_cast %broadcast_in_dim3A_263 : vector<16xf32> to vector<1x16xf32>
    tpu.vector_store %arg24[%swap3A_265, %swap3A_266], %swap3A_269 {strides = array<i32>} : memref<5x144xf32, #tpu.memory_space<vmem>>, vector<1x16xf32>,
    %broadcast_in_dim3A_270 = arith.constant 0.000000e+00 : f32
    %broadcast_in_dim3A_271 = vector.broadcast %broadcast_in_dim3A_270 : f32 to vector<16xf32>
    %swap3A_272 = arith.constant 3 : i32
    %swap3A_273 = arith.index_cast %swap3A_272 : i32 to index
    %swap3A_274 = arith.constant 112 : index
    %swap3A_275 = tpu.vector_load %arg24[%swap3A_273, %swap3A_274] {strides = array<i32>} : memref<5x144xf32, #tpu.memory_space<vmem>>, vector<1x16xf32>,
    %swap3A_276 = vector.shape_cast %swap3A_275 : vector<1x16xf32> to vector<16xf32>
    %swap3A_277 = vector.shape_cast %broadcast_in_dim3A_271 : vector<16xf32> to vector<1x16xf32>
    tpu.vector_store %arg24[%swap3A_273, %swap3A_274], %swap3A_277 {strides = array<i32>} : memref<5x144xf32, #tpu.memory_space<vmem>>, vector<1x16xf32>,
    %broadcast_in_dim3A_278 = arith.constant 0.000000e+00 : f32
    %broadcast_in_dim3A_279 = vector.broadcast %broadcast_in_dim3A_278 : f32 to vector<16xf32>
    %swap3A_280 = arith.constant 3 : i32
    %swap3A_281 = arith.index_cast %swap3A_280 : i32 to index
    %swap3A_282 = arith.constant 128 : index
    %swap3A_283 = tpu.vector_load %arg24[%swap3A_281, %swap3A_282] {strides = array<i32>} : memref<5x144xf32, #tpu.memory_space<vmem>>, vector<1x16xf32>,
    %swap3A_284 = vector.shape_cast %swap3A_283 : vector<1x16xf32> to vector<16xf32>
    %swap3A_285 = vector.shape_cast %broadcast_in_dim3A_279 : vector<16xf32> to vector<1x16xf32>
    tpu.vector_store %arg24[%swap3A_281, %swap3A_282], %swap3A_285 {strides = array<i32>} : memref<5x144xf32, #tpu.memory_space<vmem>>, vector<1x16xf32>,
    %broadcast_in_dim3A_286 = arith.constant 0.000000e+00 : f32
    %broadcast_in_dim3A_287 = vector.broadcast %broadcast_in_dim3A_286 : f32 to vector<16xf32>
    %swap3A_288 = arith.constant 4 : i32
    %swap3A_289 = arith.index_cast %swap3A_288 : i32 to index
    %swap3A_290 = arith.constant 0 : index
    %swap3A_291 = tpu.vector_load %arg24[%swap3A_289, %swap3A_290] {strides = array<i32>} : memref<5x144xf32, #tpu.memory_space<vmem>>, vector<1x16xf32>,
    %swap3A_292 = vector.shape_cast %swap3A_291 : vector<1x16xf32> to vector<16xf32>
    %swap3A_293 = vector.shape_cast %broadcast_in_dim3A_287 : vector<16xf32> to vector<1x16xf32>
    tpu.vector_store %arg24[%swap3A_289, %swap3A_290], %swap3A_293 {strides = array<i32>} : memref<5x144xf32, #tpu.memory_space<vmem>>, vector<1x16xf32>,
    %broadcast_in_dim3A_294 = arith.constant 0.000000e+00 : f32
    %broadcast_in_dim3A_295 = vector.broadcast %broadcast_in_dim3A_294 : f32 to vector<16xf32>
    %swap3A_296 = arith.constant 4 : i32
    %swap3A_297 = arith.index_cast %swap3A_296 : i32 to index
    %swap3A_298 = arith.constant 16 : index
    %swap3A_299 = tpu.vector_load %arg24[%swap3A_297, %swap3A_298] {strides = array<i32>} : memref<5x144xf32, #tpu.memory_space<vmem>>, vector<1x16xf32>,
    %swap3A_300 = vector.shape_cast %swap3A_299 : vector<1x16xf32> to vector<16xf32>
    %swap3A_301 = vector.shape_cast %broadcast_in_dim3A_295 : vector<16xf32> to vector<1x16xf32>
    tpu.vector_store %arg24[%swap3A_297, %swap3A_298], %swap3A_301 {strides = array<i32>} : memref<5x144xf32, #tpu.memory_space<vmem>>, vector<1x16xf32>,
    %broadcast_in_dim3A_302 = arith.constant 0.000000e+00 : f32
    %broadcast_in_dim3A_303 = vector.broadcast %broadcast_in_dim3A_302 : f32 to vector<16xf32>
    %swap3A_304 = arith.constant 4 : i32
    %swap3A_305 = arith.index_cast %swap3A_304 : i32 to index
    %swap3A_306 = arith.constant 32 : index
    %swap3A_307 = tpu.vector_load %arg24[%swap3A_305, %swap3A_306] {strides = array<i32>} : memref<5x144xf32, #tpu.memory_space<vmem>>, vector<1x16xf32>,
    %swap3A_308 = vector.shape_cast %swap3A_307 : vector<1x16xf32> to vector<16xf32>
    %swap3A_309 = vector.shape_cast %broadcast_in_dim3A_303 : vector<16xf32> to vector<1x16xf32>
    tpu.vector_store %arg24[%swap3A_305, %swap3A_306], %swap3A_309 {strides = array<i32>} : memref<5x144xf32, #tpu.memory_space<vmem>>, vector<1x16xf32>,
    %broadcast_in_dim3A_310 = arith.constant 0.000000e+00 : f32
    %broadcast_in_dim3A_311 = vector.broadcast %broadcast_in_dim3A_310 : f32 to vector<16xf32>
    %swap3A_312 = arith.constant 4 : i32
    %swap3A_313 = arith.index_cast %swap3A_312 : i32 to index
    %swap3A_314 = arith.constant 48 : index
    %swap3A_315 = tpu.vector_load %arg24[%swap3A_313, %swap3A_314] {strides = array<i32>} : memref<5x144xf32, #tpu.memory_space<vmem>>, vector<1x16xf32>,
    %swap3A_316 = vector.shape_cast %swap3A_315 : vector<1x16xf32> to vector<16xf32>
    %swap3A_317 = vector.shape_cast %broadcast_in_dim3A_311 : vector<16xf32> to vector<1x16xf32>
    tpu.vector_store %arg24[%swap3A_313, %swap3A_314], %swap3A_317 {strides = array<i32>} : memref<5x144xf32, #tpu.memory_space<vmem>>, vector<1x16xf32>,
    %broadcast_in_dim3A_318 = arith.constant 0.000000e+00 : f32
    %broadcast_in_dim3A_319 = vector.broadcast %broadcast_in_dim3A_318 : f32 to vector<16xf32>
    %swap3A_320 = arith.constant 4 : i32
    %swap3A_321 = arith.index_cast %swap3A_320 : i32 to index
    %swap3A_322 = arith.constant 64 : index
    %swap3A_323 = tpu.vector_load %arg24[%swap3A_321, %swap3A_322] {strides = array<i32>} : memref<5x144xf32, #tpu.memory_space<vmem>>, vector<1x16xf32>,
    %swap3A_324 = vector.shape_cast %swap3A_323 : vector<1x16xf32> to vector<16xf32>
    %swap3A_325 = vector.shape_cast %broadcast_in_dim3A_319 : vector<16xf32> to vector<1x16xf32>
    tpu.vector_store %arg24[%swap3A_321, %swap3A_322], %swap3A_325 {strides = array<i32>} : memref<5x144xf32, #tpu.memory_space<vmem>>, vector<1x16xf32>,
    %broadcast_in_dim3A_326 = arith.constant 0.000000e+00 : f32
    %broadcast_in_dim3A_327 = vector.broadcast %broadcast_in_dim3A_326 : f32 to vector<16xf32>
    %swap3A_328 = arith.constant 4 : i32
    %swap3A_329 = arith.index_cast %swap3A_328 : i32 to index
    %swap3A_330 = arith.constant 80 : index
    %swap3A_331 = tpu.vector_load %arg24[%swap3A_329, %swap3A_330] {strides = array<i32>} : memref<5x144xf32, #tpu.memory_space<vmem>>, vector<1x16xf32>,
    %swap3A_332 = vector.shape_cast %swap3A_331 : vector<1x16xf32> to vector<16xf32>
    %swap3A_333 = vector.shape_cast %broadcast_in_dim3A_327 : vector<16xf32> to vector<1x16xf32>
    tpu.vector_store %arg24[%swap3A_329, %swap3A_330], %swap3A_333 {strides = array<i32>} : memref<5x144xf32, #tpu.memory_space<vmem>>, vector<1x16xf32>,
    %broadcast_in_dim3A_334 = arith.constant 0.000000e+00 : f32
    %broadcast_in_dim3A_335 = vector.broadcast %broadcast_in_dim3A_334 : f32 to vector<16xf32>
    %swap3A_336 = arith.constant 4 : i32
    %swap3A_337 = arith.index_cast %swap3A_336 : i32 to index
    %swap3A_338 = arith.constant 96 : index
    %swap3A_339 = tpu.vector_load %arg24[%swap3A_337, %swap3A_338] {strides = array<i32>} : memref<5x144xf32, #tpu.memory_space<vmem>>, vector<1x16xf32>,
    %swap3A_340 = vector.shape_cast %swap3A_339 : vector<1x16xf32> to vector<16xf32>
    %swap3A_341 = vector.shape_cast %broadcast_in_dim3A_335 : vector<16xf32> to vector<1x16xf32>
    tpu.vector_store %arg24[%swap3A_337, %swap3A_338], %swap3A_341 {strides = array<i32>} : memref<5x144xf32, #tpu.memory_space<vmem>>, vector<1x16xf32>,
    %broadcast_in_dim3A_342 = arith.constant 0.000000e+00 : f32
    %broadcast_in_dim3A_343 = vector.broadcast %broadcast_in_dim3A_342 : f32 to vector<16xf32>
    %swap3A_344 = arith.constant 4 : i32
    %swap3A_345 = arith.index_cast %swap3A_344 : i32 to index
    %swap3A_346 = arith.constant 112 : index
    %swap3A_347 = tpu.vector_load %arg24[%swap3A_345, %swap3A_346] {strides = array<i32>} : memref<5x144xf32, #tpu.memory_space<vmem>>, vector<1x16xf32>,
    %swap3A_348 = vector.shape_cast %swap3A_347 : vector<1x16xf32> to vector<16xf32>
    %swap3A_349 = vector.shape_cast %broadcast_in_dim3A_343 : vector<16xf32> to vector<1x16xf32>
    tpu.vector_store %arg24[%swap3A_345, %swap3A_346], %swap3A_349 {strides = array<i32>} : memref<5x144xf32, #tpu.memory_space<vmem>>, vector<1x16xf32>,
    %broadcast_in_dim3A_350 = arith.constant 0.000000e+00 : f32
    %broadcast_in_dim3A_351 = vector.broadcast %broadcast_in_dim3A_350 : f32 to vector<16xf32>
    %swap3A_352 = arith.constant 4 : i32
    %swap3A_353 = arith.index_cast %swap3A_352 : i32 to index
    %swap3A_354 = arith.constant 128 : index
    %swap3A_355 = tpu.vector_load %arg24[%swap3A_353, %swap3A_354] {strides = array<i32>} : memref<5x144xf32, #tpu.memory_space<vmem>>, vector<1x16xf32>,
    %swap3A_356 = vector.shape_cast %swap3A_355 : vector<1x16xf32> to vector<16xf32>
    %swap3A_357 = vector.shape_cast %broadcast_in_dim3A_351 : vector<16xf32> to vector<1x16xf32>
    tpu.vector_store %arg24[%swap3A_353, %swap3A_354], %swap3A_357 {strides = array<i32>} : memref<5x144xf32, #tpu.memory_space<vmem>>, vector<1x16xf32>,
    %mul3A = arith.constant 10080 : i32
    %mul3A_358 = arith.muli %arg1, %mul3A : i32
    %eq3A = arith.constant 0 : i32
    %eq3A_359 = arith.cmpi eq, %arg0, %eq3A : i32
    %convert_element_type3A = arith.extui %eq3A_359 : i1 to i32
    %cond3A = arith.constant 0 : i32
    %cond3A_360 = arith.cmpi ne, %convert_element_type3A, %cond3A : i32
    scf.if %cond3A_360 {
      %scan3A = arith.constant 0 : i32
      %scan3A_366 = arith.constant 0 : i32
      %scan3A_367 = arith.constant 125 : i32
      %scan3A_368 = arith.addi %scan3A_366, %scan3A_367 : i32
      %scan3A_369 = arith.constant 1 : i32
      scf.for %scan3A_418 = %scan3A_366 to %scan3A_368 step %scan3A_369  : i32 {
        %mul3A_419 = arith.constant 625 : i32
        %mul3A_420 = arith.muli %arg1, %mul3A_419 : i32
        %mul3A_421 = arith.constant 5 : i32
        %mul3A_422 = arith.muli %scan3A_418, %mul3A_421 : i32
        %add3A_423 = arith.addi %mul3A_420, %mul3A_422 : i32
        %dma_start3A_424 = arith.constant 0 : i32
        %dma_start3A_425 = tpu.memref_slice %arg26[%add3A_423, %dma_start3A_424] : memref<10000x144xf32, #tpu.memory_space<vmem_shared>> -> memref<5x144xf32, #tpu.memory_space<vmem_shared>>
        %dma_start3A_426 = arith.constant 0 : i32
        %dma_start3A_427 = tpu.memref_slice %arg26[%add3A_423, %dma_start3A_426] : memref<10000x144xf32, #tpu.memory_space<vmem_shared>> -> memref<5x144xf32, #tpu.memory_space<vmem_shared>>
        tpu.enqueue_dma source(%arg24 : memref<5x144xf32, #tpu.memory_space<vmem>>) target(%dma_start3A_427 : memref<5x144xf32, #tpu.memory_space<vmem_shared>>) target_semaphore(%arg29 : memref<!tpu.dma_semaphore, #tpu.memory_space<semaphore_mem>>)
      }
      %scan3A_370 = arith.constant 125 : i32
      %scan3A_371 = arith.constant 0 : i32
      %scan3A_372 = arith.constant 0 : i32
      %scan3A_373 = arith.constant 125 : i32
      %scan3A_374 = arith.addi %scan3A_372, %scan3A_373 : i32
      %scan3A_375 = arith.constant 1 : i32
      scf.for %scan3A_418 = %scan3A_372 to %scan3A_374 step %scan3A_375  : i32 {
        %mul3A_419 = arith.constant 625 : i32
        %mul3A_420 = arith.muli %arg1, %mul3A_419 : i32
        %dma_wait3A_421 = arith.constant 0 : i32
        %dma_wait3A_422 = tpu.memref_slice %arg26[%mul3A_420, %dma_wait3A_421] : memref<10000x144xf32, #tpu.memory_space<vmem_shared>> -> memref<5x144xf32, #tpu.memory_space<vmem_shared>>
        %dma_wait3A_423 = arith.constant 0 : i32
        %dma_wait3A_424 = tpu.memref_slice %arg26[%mul3A_420, %dma_wait3A_423] : memref<10000x144xf32, #tpu.memory_space<vmem_shared>> -> memref<5x144xf32, #tpu.memory_space<vmem_shared>>
        tpu.wait_dma2 semaphore(%arg29 : memref<!tpu.dma_semaphore, #tpu.memory_space<semaphore_mem>>) src(%arg24 : memref<5x144xf32, #tpu.memory_space<vmem>>) dst(%dma_wait3A_424 : memref<5x144xf32, #tpu.memory_space<vmem_shared>>)
      }
      %scan3A_376 = arith.constant 125 : i32
      "tpu.region"() ({
        %run_scoped3A = tpu.sem_alloc : memref<!tpu.dma_semaphore, #tpu.memory_space<semaphore_mem>>
        tpu.enqueue_dma source(%arg6 : memref<16xf32, #tpu.memory_space<hbm>>) target(%arg25 : memref<16xf32, #tpu.memory_space<vmem>>) target_semaphore(%run_scoped3A : memref<!tpu.dma_semaphore, #tpu.memory_space<semaphore_mem>>)
        tpu.wait_dma2 semaphore(%run_scoped3A : memref<!tpu.dma_semaphore, #tpu.memory_space<semaphore_mem>>) src(%arg6 : memref<16xf32, #tpu.memory_space<hbm>>) dst(%arg25 : memref<16xf32, #tpu.memory_space<vmem>>)
        tpu.yield
      }) : () -> ()
      %barrier3A = arith.constant 0 : index
      tpu.barrier barrier_id(%barrier3A)
      %get3A = arith.constant 0 : index
      %get3A_377 = tpu.vector_load %arg25[%get3A] {strides = array<i32>} : memref<16xf32, #tpu.memory_space<vmem>>, vector<16xf32>,
      %get3A_378 = vector.shape_cast %get3A_377 : vector<16xf32> to vector<16xf32>
      %add3A = arith.constant 0 : i32
      %add3A_379 = arith.addi %mul3A_358, %add3A : i32
      "tpu.region"() ({
        %run_scoped3A = tpu.sem_alloc : memref<!tpu.dma_semaphore, #tpu.memory_space<semaphore_mem>>
        %dma_start3A_418 = tpu.memref_slice %arg2[%add3A_379] : memref<161280xi32, #tpu.memory_space<hbm>> -> memref<112xi32, #tpu.memory_space<hbm>>
        %dma_start3A_419 = tpu.memref_slice %arg2[%add3A_379] : memref<161280xi32, #tpu.memory_space<hbm>> -> memref<112xi32, #tpu.memory_space<hbm>>
        tpu.enqueue_dma source(%dma_start3A_419 : memref<112xi32, #tpu.memory_space<hbm>>) target(%arg14 : memref<112xi32, #tpu.memory_space<vmem>>) target_semaphore(%run_scoped3A : memref<!tpu.dma_semaphore, #tpu.memory_space<semaphore_mem>>)
        %dma_wait3A_420 = tpu.memref_slice %arg2[%add3A_379] : memref<161280xi32, #tpu.memory_space<hbm>> -> memref<112xi32, #tpu.memory_space<hbm>>
        %dma_wait3A_421 = tpu.memref_slice %arg2[%add3A_379] : memref<161280xi32, #tpu.memory_space<hbm>> -> memref<112xi32, #tpu.memory_space<hbm>>
        tpu.wait_dma2 semaphore(%run_scoped3A : memref<!tpu.dma_semaphore, #tpu.memory_space<semaphore_mem>>) src(%dma_wait3A_421 : memref<112xi32, #tpu.memory_space<hbm>>) dst(%arg14 : memref<112xi32, #tpu.memory_space<vmem>>)
        tpu.yield
      }) : () -> ()
      %add3A_380 = arith.constant 0 : i32
      %add3A_381 = arith.addi %mul3A_358, %add3A_380 : i32
      "tpu.region"() ({
        %run_scoped3A = tpu.sem_alloc : memref<!tpu.dma_semaphore, #tpu.memory_space<semaphore_mem>>
        %dma_start3A_418 = tpu.memref_slice %arg3[%add3A_381] : memref<161280xi32, #tpu.memory_space<hbm>> -> memref<112xi32, #tpu.memory_space<hbm>>
        %dma_start3A_419 = tpu.memref_slice %arg3[%add3A_381] : memref<161280xi32, #tpu.memory_space<hbm>> -> memref<112xi32, #tpu.memory_space<hbm>>
        tpu.enqueue_dma source(%dma_start3A_419 : memref<112xi32, #tpu.memory_space<hbm>>) target(%arg15 : memref<112xi32, #tpu.memory_space<vmem>>) target_semaphore(%run_scoped3A : memref<!tpu.dma_semaphore, #tpu.memory_space<semaphore_mem>>)
        %dma_wait3A_420 = tpu.memref_slice %arg3[%add3A_381] : memref<161280xi32, #tpu.memory_space<hbm>> -> memref<112xi32, #tpu.memory_space<hbm>>
        %dma_wait3A_421 = tpu.memref_slice %arg3[%add3A_381] : memref<161280xi32, #tpu.memory_space<hbm>> -> memref<112xi32, #tpu.memory_space<hbm>>
        tpu.wait_dma2 semaphore(%run_scoped3A : memref<!tpu.dma_semaphore, #tpu.memory_space<semaphore_mem>>) src(%dma_wait3A_421 : memref<112xi32, #tpu.memory_space<hbm>>) dst(%arg15 : memref<112xi32, #tpu.memory_space<vmem>>)
        tpu.yield
      }) : () -> ()
      %add3A_382 = arith.constant 0 : i32
      %add3A_383 = arith.addi %mul3A_358, %add3A_382 : i32
      %dma_start3A = arith.constant 0 : i32
      %dma_start3A_384 = arith.constant 0 : i32
      %dma_start3A_385 = tpu.memref_slice %arg5[%dma_start3A, %dma_start3A_384] : memref<10000x16xf32, #tpu.memory_space<hbm>> -> memref<10000x16xf32, #tpu.memory_space<hbm>>
      tpu.enqueue_indirect_dma source(%dma_start3A_385 : memref<10000x16xf32, #tpu.memory_space<hbm>>) target(%arg20 : memref<112x16xf32, #tpu.memory_space<vmem>>) offsets(%arg15 : memref<112xi32, #tpu.memory_space<vmem>>) semaphore(%arg29 : memref<!tpu.dma_semaphore, #tpu.memory_space<semaphore_mem>>)
      %dma_start3A_386 = arith.constant 0 : i32
      %dma_start3A_387 = arith.constant 0 : i32
      %dma_start3A_388 = tpu.memref_slice %arg4[%dma_start3A_386, %dma_start3A_387] : memref<10000x144xf32, #tpu.memory_space<hbm>> -> memref<10000x144xf32, #tpu.memory_space<hbm>>
      tpu.enqueue_indirect_dma source(%dma_start3A_388 : memref<10000x144xf32, #tpu.memory_space<hbm>>) target(%arg21 : memref<112x144xf32, #tpu.memory_space<vmem>>) offsets(%arg14 : memref<112xi32, #tpu.memory_space<vmem>>) semaphore(%arg29 : memref<!tpu.dma_semaphore, #tpu.memory_space<semaphore_mem>>)
      %dma_start3A_389 = tpu.memref_slice %arg3[%add3A_383] : memref<161280xi32, #tpu.memory_space<hbm>> -> memref<112xi32, #tpu.memory_space<hbm>>
      %dma_start3A_390 = tpu.memref_slice %arg3[%add3A_383] : memref<161280xi32, #tpu.memory_space<hbm>> -> memref<112xi32, #tpu.memory_space<hbm>>
      tpu.enqueue_dma source(%dma_start3A_390 : memref<112xi32, #tpu.memory_space<hbm>>) target(%arg18 : memref<112xi32, #tpu.memory_space<vmem>>) target_semaphore(%arg29 : memref<!tpu.dma_semaphore, #tpu.memory_space<semaphore_mem>>)
      %add3A_391 = arith.constant 112 : i32
      %add3A_392 = arith.addi %mul3A_358, %add3A_391 : i32
      "tpu.region"() ({
        %run_scoped3A = tpu.sem_alloc : memref<!tpu.dma_semaphore, #tpu.memory_space<semaphore_mem>>
        %dma_start3A_418 = tpu.memref_slice %arg2[%add3A_392] : memref<161280xi32, #tpu.memory_space<hbm>> -> memref<112xi32, #tpu.memory_space<hbm>>
        %dma_start3A_419 = tpu.memref_slice %arg2[%add3A_392] : memref<161280xi32, #tpu.memory_space<hbm>> -> memref<112xi32, #tpu.memory_space<hbm>>
        tpu.enqueue_dma source(%dma_start3A_419 : memref<112xi32, #tpu.memory_space<hbm>>) target(%arg16 : memref<112xi32, #tpu.memory_space<vmem>>) target_semaphore(%run_scoped3A : memref<!tpu.dma_semaphore, #tpu.memory_space<semaphore_mem>>)
        %dma_wait3A_420 = tpu.memref_slice %arg2[%add3A_392] : memref<161280xi32, #tpu.memory_space<hbm>> -> memref<112xi32, #tpu.memory_space<hbm>>
        %dma_wait3A_421 = tpu.memref_slice %arg2[%add3A_392] : memref<161280xi32, #tpu.memory_space<hbm>> -> memref<112xi32, #tpu.memory_space<hbm>>
        tpu.wait_dma2 semaphore(%run_scoped3A : memref<!tpu.dma_semaphore, #tpu.memory_space<semaphore_mem>>) src(%dma_wait3A_421 : memref<112xi32, #tpu.memory_space<hbm>>) dst(%arg16 : memref<112xi32, #tpu.memory_space<vmem>>)
        tpu.yield
      }) : () -> ()
      %add3A_393 = arith.constant 112 : i32
      %add3A_394 = arith.addi %mul3A_358, %add3A_393 : i32
      "tpu.region"() ({
        %run_scoped3A = tpu.sem_alloc : memref<!tpu.dma_semaphore, #tpu.memory_space<semaphore_mem>>
        %dma_start3A_418 = tpu.memref_slice %arg3[%add3A_394] : memref<161280xi32, #tpu.memory_space<hbm>> -> memref<112xi32, #tpu.memory_space<hbm>>
        %dma_start3A_419 = tpu.memref_slice %arg3[%add3A_394] : memref<161280xi32, #tpu.memory_space<hbm>> -> memref<112xi32, #tpu.memory_space<hbm>>
        tpu.enqueue_dma source(%dma_start3A_419 : memref<112xi32, #tpu.memory_space<hbm>>) target(%arg17 : memref<112xi32, #tpu.memory_space<vmem>>) target_semaphore(%run_scoped3A : memref<!tpu.dma_semaphore, #tpu.memory_space<semaphore_mem>>)
        %dma_wait3A_420 = tpu.memref_slice %arg3[%add3A_394] : memref<161280xi32, #tpu.memory_space<hbm>> -> memref<112xi32, #tpu.memory_space<hbm>>
        %dma_wait3A_421 = tpu.memref_slice %arg3[%add3A_394] : memref<161280xi32, #tpu.memory_space<hbm>> -> memref<112xi32, #tpu.memory_space<hbm>>
        tpu.wait_dma2 semaphore(%run_scoped3A : memref<!tpu.dma_semaphore, #tpu.memory_space<semaphore_mem>>) src(%dma_wait3A_421 : memref<112xi32, #tpu.memory_space<hbm>>) dst(%arg17 : memref<112xi32, #tpu.memory_space<vmem>>)
        tpu.yield
      }) : () -> ()
      %add3A_395 = arith.constant 112 : i32
      %add3A_396 = arith.addi %mul3A_358, %add3A_395 : i32
      %dma_start3A_397 = arith.constant 0 : i32
      %dma_start3A_398 = arith.constant 0 : i32
      %dma_start3A_399 = tpu.memref_slice %arg5[%dma_start3A_397, %dma_start3A_398] : memref<10000x16xf32, #tpu.memory_space<hbm>> -> memref<10000x16xf32, #tpu.memory_space<hbm>>
      tpu.enqueue_indirect_dma source(%dma_start3A_399 : memref<10000x16xf32, #tpu.memory_space<hbm>>) target(%arg22 : memref<112x16xf32, #tpu.memory_space<vmem>>) offsets(%arg17 : memref<112xi32, #tpu.memory_space<vmem>>) semaphore(%arg30 : memref<!tpu.dma_semaphore, #tpu.memory_space<semaphore_mem>>)
      %dma_start3A_400 = arith.constant 0 : i32
      %dma_start3A_401 = arith.constant 0 : i32
      %dma_start3A_402 = tpu.memref_slice %arg4[%dma_start3A_400, %dma_start3A_401] : memref<10000x144xf32, #tpu.memory_space<hbm>> -> memref<10000x144xf32, #tpu.memory_space<hbm>>
      tpu.enqueue_indirect_dma source(%dma_start3A_402 : memref<10000x144xf32, #tpu.memory_space<hbm>>) target(%arg23 : memref<112x144xf32, #tpu.memory_space<vmem>>) offsets(%arg16 : memref<112xi32, #tpu.memory_space<vmem>>) semaphore(%arg30 : memref<!tpu.dma_semaphore, #tpu.memory_space<semaphore_mem>>)
      %dma_start3A_403 = tpu.memref_slice %arg3[%add3A_396] : memref<161280xi32, #tpu.memory_space<hbm>> -> memref<112xi32, #tpu.memory_space<hbm>>
      %dma_start3A_404 = tpu.memref_slice %arg3[%add3A_396] : memref<161280xi32, #tpu.memory_space<hbm>> -> memref<112xi32, #tpu.memory_space<hbm>>
      tpu.enqueue_dma source(%dma_start3A_404 : memref<112xi32, #tpu.memory_space<hbm>>) target(%arg19 : memref<112xi32, #tpu.memory_space<vmem>>) target_semaphore(%arg30 : memref<!tpu.dma_semaphore, #tpu.memory_space<semaphore_mem>>)
      %scan3A_405 = arith.constant 0 : i32
      %scan3A_406 = arith.constant 0 : i32
      %scan3A_407 = arith.constant 45 : i32
      %scan3A_408 = arith.addi %scan3A_406, %scan3A_407 : i32
      %scan3A_409 = arith.constant 1 : i32
      scf.for %scan3A_418 = %scan3A_406 to %scan3A_408 step %scan3A_409  : i32 {
        %mul3A_419 = arith.constant 2 : i32
        %mul3A_420 = arith.muli %mul3A_419, %scan3A_418 : i32
        %dma_wait3A_421 = arith.constant 0 : i32
        %dma_wait3A_422 = arith.constant 0 : i32
        %dma_wait3A_423 = tpu.memref_slice %arg5[%dma_wait3A_421, %dma_wait3A_422] : memref<10000x16xf32, #tpu.memory_space<hbm>> -> memref<10000x16xf32, #tpu.memory_space<hbm>>
        tpu.wait_indirect_dma semaphore(%arg29 : memref<!tpu.dma_semaphore, #tpu.memory_space<semaphore_mem>>) src(%dma_wait3A_423 : memref<10000x16xf32, #tpu.memory_space<hbm>>) dst(%arg20 : memref<112x16xf32, #tpu.memory_space<vmem>>)
        %dma_wait3A_424 = arith.constant 0 : i32
        %dma_wait3A_425 = arith.constant 0 : i32
        %dma_wait3A_426 = tpu.memref_slice %arg4[%dma_wait3A_424, %dma_wait3A_425] : memref<10000x144xf32, #tpu.memory_space<hbm>> -> memref<10000x144xf32, #tpu.memory_space<hbm>>
        tpu.wait_indirect_dma semaphore(%arg29 : memref<!tpu.dma_semaphore, #tpu.memory_space<semaphore_mem>>) src(%dma_wait3A_426 : memref<10000x144xf32, #tpu.memory_space<hbm>>) dst(%arg21 : memref<112x144xf32, #tpu.memory_space<vmem>>)
        %dma_wait3A_427 = tpu.memref_slice %arg3[%mul3A_358] : memref<161280xi32, #tpu.memory_space<hbm>> -> memref<112xi32, #tpu.memory_space<hbm>>
        %dma_wait3A_428 = tpu.memref_slice %arg3[%mul3A_358] : memref<161280xi32, #tpu.memory_space<hbm>> -> memref<112xi32, #tpu.memory_space<hbm>>
        tpu.wait_dma2 semaphore(%arg29 : memref<!tpu.dma_semaphore, #tpu.memory_space<semaphore_mem>>) src(%dma_wait3A_428 : memref<112xi32, #tpu.memory_space<hbm>>) dst(%arg18 : memref<112xi32, #tpu.memory_space<vmem>>)
        %lt3A = arith.constant 88 : i32
        %lt3A_429 = arith.cmpi slt, %mul3A_420, %lt3A : i32
        %convert_element_type3A_430 = arith.extui %lt3A_429 : i1 to i32
        %cond3A_431 = arith.constant 0 : i32
        %cond3A_432 = arith.cmpi ne, %convert_element_type3A_430, %cond3A_431 : i32
        scf.if %cond3A_432 {
          %add3A_491 = arith.constant 2 : i32
          %add3A_492 = arith.addi %mul3A_420, %add3A_491 : i32
          %mul3A_493 = arith.constant 112 : i32
          %mul3A_494 = arith.muli %add3A_492, %mul3A_493 : i32
          %add3A_495 = arith.addi %mul3A_358, %mul3A_494 : i32
          %dma_start3A_496 = tpu.memref_slice %arg2[%add3A_495] : memref<161280xi32, #tpu.memory_space<hbm>> -> memref<112xi32, #tpu.memory_space<hbm>>
          %dma_start3A_497 = tpu.memref_slice %arg2[%add3A_495] : memref<161280xi32, #tpu.memory_space<hbm>> -> memref<112xi32, #tpu.memory_space<hbm>>
          tpu.enqueue_dma source(%dma_start3A_497 : memref<112xi32, #tpu.memory_space<hbm>>) target(%arg14 : memref<112xi32, #tpu.memory_space<vmem>>) target_semaphore(%arg27 : memref<!tpu.dma_semaphore, #tpu.memory_space<semaphore_mem>>)
          %dma_start3A_498 = tpu.memref_slice %arg3[%add3A_495] : memref<161280xi32, #tpu.memory_space<hbm>> -> memref<112xi32, #tpu.memory_space<hbm>>
          %dma_start3A_499 = tpu.memref_slice %arg3[%add3A_495] : memref<161280xi32, #tpu.memory_space<hbm>> -> memref<112xi32, #tpu.memory_space<hbm>>
          tpu.enqueue_dma source(%dma_start3A_499 : memref<112xi32, #tpu.memory_space<hbm>>) target(%arg15 : memref<112xi32, #tpu.memory_space<vmem>>) target_semaphore(%arg27 : memref<!tpu.dma_semaphore, #tpu.memory_space<semaphore_mem>>)
        } else {
        }
        %ge3A = arith.constant 1 : i32
        %ge3A_433 = arith.cmpi sge, %mul3A_420, %ge3A : i32
        %convert_element_type3A_434 = arith.extui %ge3A_433 : i1 to i32
        %cond3A_435 = arith.constant 0 : i32
        %cond3A_436 = arith.cmpi ne, %convert_element_type3A_434, %cond3A_435 : i32
        scf.if %cond3A_436 {
          %dma_wait3A_491 = arith.constant 0 : i32
          %dma_wait3A_492 = arith.constant 0 : i32
          %dma_wait3A_493 = tpu.memref_slice %arg26[%dma_wait3A_491, %dma_wait3A_492] : memref<10000x144xf32, #tpu.memory_space<vmem_shared>> -> memref<10000x144xf32, #tpu.memory_space<vmem_shared>>
          tpu.wait_indirect_dma semaphore(%arg31 : memref<!tpu.dma_semaphore, #tpu.memory_space<semaphore_mem>>) src(%arg21 : memref<112x144xf32, #tpu.memory_space<vmem>>) dst(%dma_wait3A_493 : memref<10000x144xf32, #tpu.memory_space<vmem_shared>>)
        } else {
        }
        %ge3A_437 = arith.constant 1 : i32
        %ge3A_438 = arith.cmpi sge, %mul3A_420, %ge3A_437 : i32
        %lt3A_439 = arith.constant 89 : i32
        %lt3A_440 = arith.cmpi slt, %mul3A_420, %lt3A_439 : i32
        %and3A = arith.andi %ge3A_438, %lt3A_440 : i1
        %convert_element_type3A_441 = arith.extui %and3A : i1 to i32
        %cond3A_442 = arith.constant 0 : i32
        %cond3A_443 = arith.cmpi ne, %convert_element_type3A_441, %cond3A_442 : i32
        scf.if %cond3A_443 {
          %dma_wait3A_491 = tpu.memref_slice %arg2[%mul3A_358] : memref<161280xi32, #tpu.memory_space<hbm>> -> memref<112xi32, #tpu.memory_space<hbm>>
          %dma_wait3A_492 = tpu.memref_slice %arg2[%mul3A_358] : memref<161280xi32, #tpu.memory_space<hbm>> -> memref<112xi32, #tpu.memory_space<hbm>>
          tpu.wait_dma2 semaphore(%arg28 : memref<!tpu.dma_semaphore, #tpu.memory_space<semaphore_mem>>) src(%dma_wait3A_492 : memref<112xi32, #tpu.memory_space<hbm>>) dst(%arg16 : memref<112xi32, #tpu.memory_space<vmem>>)
          %dma_wait3A_493 = tpu.memref_slice %arg3[%mul3A_358] : memref<161280xi32, #tpu.memory_space<hbm>> -> memref<112xi32, #tpu.memory_space<hbm>>
          %dma_wait3A_494 = tpu.memref_slice %arg3[%mul3A_358] : memref<161280xi32, #tpu.memory_space<hbm>> -> memref<112xi32, #tpu.memory_space<hbm>>
          tpu.wait_dma2 semaphore(%arg28 : memref<!tpu.dma_semaphore, #tpu.memory_space<semaphore_mem>>) src(%dma_wait3A_494 : memref<112xi32, #tpu.memory_space<hbm>>) dst(%arg17 : memref<112xi32, #tpu.memory_space<vmem>>)
          %add3A_495 = arith.constant 1 : i32
          %add3A_496 = arith.addi %mul3A_420, %add3A_495 : i32
          %mul3A_497 = arith.constant 112 : i32
          %mul3A_498 = arith.muli %add3A_496, %mul3A_497 : i32
          %add3A_499 = arith.addi %mul3A_358, %mul3A_498 : i32
          %dma_start3A_500 = arith.constant 0 : i32
          %dma_start3A_501 = arith.constant 0 : i32
          %dma_start3A_502 = tpu.memref_slice %arg5[%dma_start3A_500, %dma_start3A_501] : memref<10000x16xf32, #tpu.memory_space<hbm>> -> memref<10000x16xf32, #tpu.memory_space<hbm>>
          tpu.enqueue_indirect_dma source(%dma_start3A_502 : memref<10000x16xf32, #tpu.memory_space<hbm>>) target(%arg22 : memref<112x16xf32, #tpu.memory_space<vmem>>) offsets(%arg17 : memref<112xi32, #tpu.memory_space<vmem>>) semaphore(%arg30 : memref<!tpu.dma_semaphore, #tpu.memory_space<semaphore_mem>>)
          %dma_start3A_503 = arith.constant 0 : i32
          %dma_start3A_504 = arith.constant 0 : i32
          %dma_start3A_505 = tpu.memref_slice %arg4[%dma_start3A_503, %dma_start3A_504] : memref<10000x144xf32, #tpu.memory_space<hbm>> -> memref<10000x144xf32, #tpu.memory_space<hbm>>
          tpu.enqueue_indirect_dma source(%dma_start3A_505 : memref<10000x144xf32, #tpu.memory_space<hbm>>) target(%arg23 : memref<112x144xf32, #tpu.memory_space<vmem>>) offsets(%arg16 : memref<112xi32, #tpu.memory_space<vmem>>) semaphore(%arg30 : memref<!tpu.dma_semaphore, #tpu.memory_space<semaphore_mem>>)
          %dma_start3A_506 = tpu.memref_slice %arg3[%add3A_499] : memref<161280xi32, #tpu.memory_space<hbm>> -> memref<112xi32, #tpu.memory_space<hbm>>
          %dma_start3A_507 = tpu.memref_slice %arg3[%add3A_499] : memref<161280xi32, #tpu.memory_space<hbm>> -> memref<112xi32, #tpu.memory_space<hbm>>
          tpu.enqueue_dma source(%dma_start3A_507 : memref<112xi32, #tpu.memory_space<hbm>>) target(%arg19 : memref<112xi32, #tpu.memory_space<vmem>>) target_semaphore(%arg30 : memref<!tpu.dma_semaphore, #tpu.memory_space<semaphore_mem>>)
        } else {
        }
        %mul3A_444 = arith.constant 112 : i32
        %mul3A_445 = arith.muli %mul3A_420, %mul3A_444 : i32
        %add3A_446 = arith.addi %mul3A_358, %mul3A_445 : i32
        %parallel_loop3A = arith.constant 0 : i32
        %parallel_loop3A_447 = arith.constant 112 : i32
        %parallel_loop3A_448 = arith.constant 1 : i32
        scf.for %parallel_loop3A_491 = %parallel_loop3A to %parallel_loop3A_447 step %parallel_loop3A_448  : i32 {
          %parallel_loop3A_492 = arith.index_cast %parallel_loop3A_491 : i32 to index
          %parallel_loop3A_493 = arith.constant 128 : index
          %parallel_loop3A_494 = tpu.vector_load %arg21[%parallel_loop3A_492, %parallel_loop3A_493] {strides = array<i32>} : memref<112x144xf32, #tpu.memory_space<vmem>>, vector<1x16xf32>,
          %parallel_loop3A_495 = vector.shape_cast %parallel_loop3A_494 : vector<1x16xf32> to vector<16xf32>
          %parallel_loop3A_496 = arith.index_cast %parallel_loop3A_491 : i32 to index
          %parallel_loop3A_497 = arith.constant 0 : index
          %parallel_loop3A_498 = tpu.vector_load %arg20[%parallel_loop3A_496, %parallel_loop3A_497] {strides = array<i32>} : memref<112x16xf32, #tpu.memory_space<vmem>>, vector<1x16xf32>,
          %parallel_loop3A_499 = vector.shape_cast %parallel_loop3A_498 : vector<1x16xf32> to vector<16xf32>
          %parallel_loop3A_500 = arith.addf %parallel_loop3A_495, %parallel_loop3A_499 : vector<16xf32>
          %parallel_loop3A_501 = arith.constant 0.000000e+00 : f32
          %parallel_loop3A_502 = vector.broadcast %parallel_loop3A_501 : f32 to vector<16xf32>
          %parallel_loop3A_503 = arith.cmpf oge, %parallel_loop3A_500, %parallel_loop3A_502 : vector<16xf32>
          %parallel_loop3A_504 = arith.constant 2.000000e-01 : f32
          %parallel_loop3A_505 = vector.broadcast %parallel_loop3A_504 : f32 to vector<16xf32>
          %parallel_loop3A_506 = arith.mulf %parallel_loop3A_505, %parallel_loop3A_500 : vector<16xf32>
          %parallel_loop3A_507 = arith.select %parallel_loop3A_503, %parallel_loop3A_500, %parallel_loop3A_506 : vector<16xi1>, vector<16xf32>
          %parallel_loop3A_508 = arith.subf %parallel_loop3A_507, %get3A_378 : vector<16xf32>
          %parallel_loop3A_509 = math.exp %parallel_loop3A_508 : vector<16xf32>
          %parallel_loop3A_510 = arith.addi %add3A_446, %parallel_loop3A_491 : i32
          %parallel_loop3A_511 = arith.constant 160000 : i32
          %parallel_loop3A_512 = arith.cmpi sge, %parallel_loop3A_510, %parallel_loop3A_511 : i32
          %parallel_loop3A_513 = arith.constant 0.000000e+00 : f32
          %parallel_loop3A_514 = vector.broadcast %parallel_loop3A_513 : f32 to vector<16xf32>
          %parallel_loop3A_515 = arith.select %parallel_loop3A_512, %parallel_loop3A_514, %parallel_loop3A_509 : vector<16xf32>
          %parallel_loop3A_516 = arith.index_cast %parallel_loop3A_491 : i32 to index
          %parallel_loop3A_517 = arith.constant 128 : index
          %parallel_loop3A_518 = tpu.vector_load %arg21[%parallel_loop3A_516, %parallel_loop3A_517] {strides = array<i32>} : memref<112x144xf32, #tpu.memory_space<vmem>>, vector<1x16xf32>,
          %parallel_loop3A_519 = vector.shape_cast %parallel_loop3A_518 : vector<1x16xf32> to vector<16xf32>
          %parallel_loop3A_520 = vector.shape_cast %parallel_loop3A_515 : vector<16xf32> to vector<1x16xf32>
          tpu.vector_store %arg21[%parallel_loop3A_516, %parallel_loop3A_517], %parallel_loop3A_520 {strides = array<i32>} : memref<112x144xf32, #tpu.memory_space<vmem>>, vector<1x16xf32>,
          %parallel_loop3A_521 = arith.constant 0 : i32
          %parallel_loop3A_522 = vector.broadcast %parallel_loop3A_521 : i32 to vector<16xi32>
          %parallel_loop3A_523 = arith.constant 0 : i32
          %parallel_loop3A_524 = vector.broadcast %parallel_loop3A_523 : i32 to vector<16xi32>
          %parallel_loop3A_525 = arith.cmpi slt, %parallel_loop3A_522, %parallel_loop3A_524 : vector<16xi32>
          %parallel_loop3A_526 = arith.constant 16 : i32
          %parallel_loop3A_527 = vector.broadcast %parallel_loop3A_526 : i32 to vector<16xi32>
          %parallel_loop3A_528 = arith.addi %parallel_loop3A_522, %parallel_loop3A_527 : vector<16xi32>
          %parallel_loop3A_529 = arith.select %parallel_loop3A_525, %parallel_loop3A_528, %parallel_loop3A_522 : vector<16xi1>, vector<16xi32>
          %parallel_loop3A_530 = vector.shape_cast %parallel_loop3A_529 : vector<16xi32> to vector<16x1xi32>
          %parallel_loop3A_531 = vector.shape_cast %parallel_loop3A_530 : vector<16x1xi32> to vector<16xi32>
          %parallel_loop3A_532 = tpu.dynamic_gather %parallel_loop3A_515[%parallel_loop3A_531] in [0] : vector<16xf32>, vector<16xi32> -> vector<16xf32>
          %parallel_loop3A_533 = arith.index_cast %parallel_loop3A_491 : i32 to index
          %parallel_loop3A_534 = arith.constant 0 : index
          %parallel_loop3A_535 = tpu.vector_load %arg21[%parallel_loop3A_533, %parallel_loop3A_534] {strides = array<i32>} : memref<112x144xf32, #tpu.memory_space<vmem>>, vector<1x16xf32>,
          %parallel_loop3A_536 = vector.shape_cast %parallel_loop3A_535 : vector<1x16xf32> to vector<16xf32>
          %parallel_loop3A_537 = arith.mulf %parallel_loop3A_536, %parallel_loop3A_532 : vector<16xf32>
          %parallel_loop3A_538 = arith.index_cast %parallel_loop3A_491 : i32 to index
          %parallel_loop3A_539 = arith.constant 0 : index
          %parallel_loop3A_540 = tpu.vector_load %arg21[%parallel_loop3A_538, %parallel_loop3A_539] {strides = array<i32>} : memref<112x144xf32, #tpu.memory_space<vmem>>, vector<1x16xf32>,
          %parallel_loop3A_541 = vector.shape_cast %parallel_loop3A_540 : vector<1x16xf32> to vector<16xf32>
          %parallel_loop3A_542 = vector.shape_cast %parallel_loop3A_537 : vector<16xf32> to vector<1x16xf32>
          tpu.vector_store %arg21[%parallel_loop3A_538, %parallel_loop3A_539], %parallel_loop3A_542 {strides = array<i32>} : memref<112x144xf32, #tpu.memory_space<vmem>>, vector<1x16xf32>,
          %parallel_loop3A_543 = arith.constant 1 : i32
          %parallel_loop3A_544 = vector.broadcast %parallel_loop3A_543 : i32 to vector<16xi32>
          %parallel_loop3A_545 = arith.constant 0 : i32
          %parallel_loop3A_546 = vector.broadcast %parallel_loop3A_545 : i32 to vector<16xi32>
          %parallel_loop3A_547 = arith.cmpi slt, %parallel_loop3A_544, %parallel_loop3A_546 : vector<16xi32>
          %parallel_loop3A_548 = arith.constant 16 : i32
          %parallel_loop3A_549 = vector.broadcast %parallel_loop3A_548 : i32 to vector<16xi32>
          %parallel_loop3A_550 = arith.addi %parallel_loop3A_544, %parallel_loop3A_549 : vector<16xi32>
          %parallel_loop3A_551 = arith.select %parallel_loop3A_547, %parallel_loop3A_550, %parallel_loop3A_544 : vector<16xi1>, vector<16xi32>
          %parallel_loop3A_552 = vector.shape_cast %parallel_loop3A_551 : vector<16xi32> to vector<16x1xi32>
          %parallel_loop3A_553 = vector.shape_cast %parallel_loop3A_552 : vector<16x1xi32> to vector<16xi32>
          %parallel_loop3A_554 = tpu.dynamic_gather %parallel_loop3A_515[%parallel_loop3A_553] in [0] : vector<16xf32>, vector<16xi32> -> vector<16xf32>
          %parallel_loop3A_555 = arith.index_cast %parallel_loop3A_491 : i32 to index
          %parallel_loop3A_556 = arith.constant 16 : index
          %parallel_loop3A_557 = tpu.vector_load %arg21[%parallel_loop3A_555, %parallel_loop3A_556] {strides = array<i32>} : memref<112x144xf32, #tpu.memory_space<vmem>>, vector<1x16xf32>,
          %parallel_loop3A_558 = vector.shape_cast %parallel_loop3A_557 : vector<1x16xf32> to vector<16xf32>
          %parallel_loop3A_559 = arith.mulf %parallel_loop3A_558, %parallel_loop3A_554 : vector<16xf32>
          %parallel_loop3A_560 = arith.index_cast %parallel_loop3A_491 : i32 to index
          %parallel_loop3A_561 = arith.constant 16 : index
          %parallel_loop3A_562 = tpu.vector_load %arg21[%parallel_loop3A_560, %parallel_loop3A_561] {strides = array<i32>} : memref<112x144xf32, #tpu.memory_space<vmem>>, vector<1x16xf32>,
          %parallel_loop3A_563 = vector.shape_cast %parallel_loop3A_562 : vector<1x16xf32> to vector<16xf32>
          %parallel_loop3A_564 = vector.shape_cast %parallel_loop3A_559 : vector<16xf32> to vector<1x16xf32>
          tpu.vector_store %arg21[%parallel_loop3A_560, %parallel_loop3A_561], %parallel_loop3A_564 {strides = array<i32>} : memref<112x144xf32, #tpu.memory_space<vmem>>, vector<1x16xf32>,
          %parallel_loop3A_565 = arith.constant 2 : i32
          %parallel_loop3A_566 = vector.broadcast %parallel_loop3A_565 : i32 to vector<16xi32>
          %parallel_loop3A_567 = arith.constant 0 : i32
          %parallel_loop3A_568 = vector.broadcast %parallel_loop3A_567 : i32 to vector<16xi32>
          %parallel_loop3A_569 = arith.cmpi slt, %parallel_loop3A_566, %parallel_loop3A_568 : vector<16xi32>
          %parallel_loop3A_570 = arith.constant 16 : i32
          %parallel_loop3A_571 = vector.broadcast %parallel_loop3A_570 : i32 to vector<16xi32>
          %parallel_loop3A_572 = arith.addi %parallel_loop3A_566, %parallel_loop3A_571 : vector<16xi32>
          %parallel_loop3A_573 = arith.select %parallel_loop3A_569, %parallel_loop3A_572, %parallel_loop3A_566 : vector<16xi1>, vector<16xi32>
          %parallel_loop3A_574 = vector.shape_cast %parallel_loop3A_573 : vector<16xi32> to vector<16x1xi32>
          %parallel_loop3A_575 = vector.shape_cast %parallel_loop3A_574 : vector<16x1xi32> to vector<16xi32>
          %parallel_loop3A_576 = tpu.dynamic_gather %parallel_loop3A_515[%parallel_loop3A_575] in [0] : vector<16xf32>, vector<16xi32> -> vector<16xf32>
          %parallel_loop3A_577 = arith.index_cast %parallel_loop3A_491 : i32 to index
          %parallel_loop3A_578 = arith.constant 32 : index
          %parallel_loop3A_579 = tpu.vector_load %arg21[%parallel_loop3A_577, %parallel_loop3A_578] {strides = array<i32>} : memref<112x144xf32, #tpu.memory_space<vmem>>, vector<1x16xf32>,
          %parallel_loop3A_580 = vector.shape_cast %parallel_loop3A_579 : vector<1x16xf32> to vector<16xf32>
          %parallel_loop3A_581 = arith.mulf %parallel_loop3A_580, %parallel_loop3A_576 : vector<16xf32>
          %parallel_loop3A_582 = arith.index_cast %parallel_loop3A_491 : i32 to index
          %parallel_loop3A_583 = arith.constant 32 : index
          %parallel_loop3A_584 = tpu.vector_load %arg21[%parallel_loop3A_582, %parallel_loop3A_583] {strides = array<i32>} : memref<112x144xf32, #tpu.memory_space<vmem>>, vector<1x16xf32>,
          %parallel_loop3A_585 = vector.shape_cast %parallel_loop3A_584 : vector<1x16xf32> to vector<16xf32>
          %parallel_loop3A_586 = vector.shape_cast %parallel_loop3A_581 : vector<16xf32> to vector<1x16xf32>
          tpu.vector_store %arg21[%parallel_loop3A_582, %parallel_loop3A_583], %parallel_loop3A_586 {strides = array<i32>} : memref<112x144xf32, #tpu.memory_space<vmem>>, vector<1x16xf32>,
          %parallel_loop3A_587 = arith.constant 3 : i32
          %parallel_loop3A_588 = vector.broadcast %parallel_loop3A_587 : i32 to vector<16xi32>
          %parallel_loop3A_589 = arith.constant 0 : i32
          %parallel_loop3A_590 = vector.broadcast %parallel_loop3A_589 : i32 to vector<16xi32>
          %parallel_loop3A_591 = arith.cmpi slt, %parallel_loop3A_588, %parallel_loop3A_590 : vector<16xi32>
          %parallel_loop3A_592 = arith.constant 16 : i32
          %parallel_loop3A_593 = vector.broadcast %parallel_loop3A_592 : i32 to vector<16xi32>
          %parallel_loop3A_594 = arith.addi %parallel_loop3A_588, %parallel_loop3A_593 : vector<16xi32>
          %parallel_loop3A_595 = arith.select %parallel_loop3A_591, %parallel_loop3A_594, %parallel_loop3A_588 : vector<16xi1>, vector<16xi32>
          %parallel_loop3A_596 = vector.shape_cast %parallel_loop3A_595 : vector<16xi32> to vector<16x1xi32>
          %parallel_loop3A_597 = vector.shape_cast %parallel_loop3A_596 : vector<16x1xi32> to vector<16xi32>
          %parallel_loop3A_598 = tpu.dynamic_gather %parallel_loop3A_515[%parallel_loop3A_597] in [0] : vector<16xf32>, vector<16xi32> -> vector<16xf32>
          %parallel_loop3A_599 = arith.index_cast %parallel_loop3A_491 : i32 to index
          %parallel_loop3A_600 = arith.constant 48 : index
          %parallel_loop3A_601 = tpu.vector_load %arg21[%parallel_loop3A_599, %parallel_loop3A_600] {strides = array<i32>} : memref<112x144xf32, #tpu.memory_space<vmem>>, vector<1x16xf32>,
          %parallel_loop3A_602 = vector.shape_cast %parallel_loop3A_601 : vector<1x16xf32> to vector<16xf32>
          %parallel_loop3A_603 = arith.mulf %parallel_loop3A_602, %parallel_loop3A_598 : vector<16xf32>
          %parallel_loop3A_604 = arith.index_cast %parallel_loop3A_491 : i32 to index
          %parallel_loop3A_605 = arith.constant 48 : index
          %parallel_loop3A_606 = tpu.vector_load %arg21[%parallel_loop3A_604, %parallel_loop3A_605] {strides = array<i32>} : memref<112x144xf32, #tpu.memory_space<vmem>>, vector<1x16xf32>,
          %parallel_loop3A_607 = vector.shape_cast %parallel_loop3A_606 : vector<1x16xf32> to vector<16xf32>
          %parallel_loop3A_608 = vector.shape_cast %parallel_loop3A_603 : vector<16xf32> to vector<1x16xf32>
          tpu.vector_store %arg21[%parallel_loop3A_604, %parallel_loop3A_605], %parallel_loop3A_608 {strides = array<i32>} : memref<112x144xf32, #tpu.memory_space<vmem>>, vector<1x16xf32>,
          %parallel_loop3A_609 = arith.constant 4 : i32
          %parallel_loop3A_610 = vector.broadcast %parallel_loop3A_609 : i32 to vector<16xi32>
          %parallel_loop3A_611 = arith.constant 0 : i32
          %parallel_loop3A_612 = vector.broadcast %parallel_loop3A_611 : i32 to vector<16xi32>
          %parallel_loop3A_613 = arith.cmpi slt, %parallel_loop3A_610, %parallel_loop3A_612 : vector<16xi32>
          %parallel_loop3A_614 = arith.constant 16 : i32
          %parallel_loop3A_615 = vector.broadcast %parallel_loop3A_614 : i32 to vector<16xi32>
          %parallel_loop3A_616 = arith.addi %parallel_loop3A_610, %parallel_loop3A_615 : vector<16xi32>
          %parallel_loop3A_617 = arith.select %parallel_loop3A_613, %parallel_loop3A_616, %parallel_loop3A_610 : vector<16xi1>, vector<16xi32>
          %parallel_loop3A_618 = vector.shape_cast %parallel_loop3A_617 : vector<16xi32> to vector<16x1xi32>
          %parallel_loop3A_619 = vector.shape_cast %parallel_loop3A_618 : vector<16x1xi32> to vector<16xi32>
          %parallel_loop3A_620 = tpu.dynamic_gather %parallel_loop3A_515[%parallel_loop3A_619] in [0] : vector<16xf32>, vector<16xi32> -> vector<16xf32>
          %parallel_loop3A_621 = arith.index_cast %parallel_loop3A_491 : i32 to index
          %parallel_loop3A_622 = arith.constant 64 : index
          %parallel_loop3A_623 = tpu.vector_load %arg21[%parallel_loop3A_621, %parallel_loop3A_622] {strides = array<i32>} : memref<112x144xf32, #tpu.memory_space<vmem>>, vector<1x16xf32>,
          %parallel_loop3A_624 = vector.shape_cast %parallel_loop3A_623 : vector<1x16xf32> to vector<16xf32>
          %parallel_loop3A_625 = arith.mulf %parallel_loop3A_624, %parallel_loop3A_620 : vector<16xf32>
          %parallel_loop3A_626 = arith.index_cast %parallel_loop3A_491 : i32 to index
          %parallel_loop3A_627 = arith.constant 64 : index
          %parallel_loop3A_628 = tpu.vector_load %arg21[%parallel_loop3A_626, %parallel_loop3A_627] {strides = array<i32>} : memref<112x144xf32, #tpu.memory_space<vmem>>, vector<1x16xf32>,
          %parallel_loop3A_629 = vector.shape_cast %parallel_loop3A_628 : vector<1x16xf32> to vector<16xf32>
          %parallel_loop3A_630 = vector.shape_cast %parallel_loop3A_625 : vector<16xf32> to vector<1x16xf32>
          tpu.vector_store %arg21[%parallel_loop3A_626, %parallel_loop3A_627], %parallel_loop3A_630 {strides = array<i32>} : memref<112x144xf32, #tpu.memory_space<vmem>>, vector<1x16xf32>,
          %parallel_loop3A_631 = arith.constant 5 : i32
          %parallel_loop3A_632 = vector.broadcast %parallel_loop3A_631 : i32 to vector<16xi32>
          %parallel_loop3A_633 = arith.constant 0 : i32
          %parallel_loop3A_634 = vector.broadcast %parallel_loop3A_633 : i32 to vector<16xi32>
          %parallel_loop3A_635 = arith.cmpi slt, %parallel_loop3A_632, %parallel_loop3A_634 : vector<16xi32>
          %parallel_loop3A_636 = arith.constant 16 : i32
          %parallel_loop3A_637 = vector.broadcast %parallel_loop3A_636 : i32 to vector<16xi32>
          %parallel_loop3A_638 = arith.addi %parallel_loop3A_632, %parallel_loop3A_637 : vector<16xi32>
          %parallel_loop3A_639 = arith.select %parallel_loop3A_635, %parallel_loop3A_638, %parallel_loop3A_632 : vector<16xi1>, vector<16xi32>
          %parallel_loop3A_640 = vector.shape_cast %parallel_loop3A_639 : vector<16xi32> to vector<16x1xi32>
          %parallel_loop3A_641 = vector.shape_cast %parallel_loop3A_640 : vector<16x1xi32> to vector<16xi32>
          %parallel_loop3A_642 = tpu.dynamic_gather %parallel_loop3A_515[%parallel_loop3A_641] in [0] : vector<16xf32>, vector<16xi32> -> vector<16xf32>
          %parallel_loop3A_643 = arith.index_cast %parallel_loop3A_491 : i32 to index
          %parallel_loop3A_644 = arith.constant 80 : index
          %parallel_loop3A_645 = tpu.vector_load %arg21[%parallel_loop3A_643, %parallel_loop3A_644] {strides = array<i32>} : memref<112x144xf32, #tpu.memory_space<vmem>>, vector<1x16xf32>,
          %parallel_loop3A_646 = vector.shape_cast %parallel_loop3A_645 : vector<1x16xf32> to vector<16xf32>
          %parallel_loop3A_647 = arith.mulf %parallel_loop3A_646, %parallel_loop3A_642 : vector<16xf32>
          %parallel_loop3A_648 = arith.index_cast %parallel_loop3A_491 : i32 to index
          %parallel_loop3A_649 = arith.constant 80 : index
          %parallel_loop3A_650 = tpu.vector_load %arg21[%parallel_loop3A_648, %parallel_loop3A_649] {strides = array<i32>} : memref<112x144xf32, #tpu.memory_space<vmem>>, vector<1x16xf32>,
          %parallel_loop3A_651 = vector.shape_cast %parallel_loop3A_650 : vector<1x16xf32> to vector<16xf32>
          %parallel_loop3A_652 = vector.shape_cast %parallel_loop3A_647 : vector<16xf32> to vector<1x16xf32>
          tpu.vector_store %arg21[%parallel_loop3A_648, %parallel_loop3A_649], %parallel_loop3A_652 {strides = array<i32>} : memref<112x144xf32, #tpu.memory_space<vmem>>, vector<1x16xf32>,
          %parallel_loop3A_653 = arith.constant 6 : i32
          %parallel_loop3A_654 = vector.broadcast %parallel_loop3A_653 : i32 to vector<16xi32>
          %parallel_loop3A_655 = arith.constant 0 : i32
          %parallel_loop3A_656 = vector.broadcast %parallel_loop3A_655 : i32 to vector<16xi32>
          %parallel_loop3A_657 = arith.cmpi slt, %parallel_loop3A_654, %parallel_loop3A_656 : vector<16xi32>
          %parallel_loop3A_658 = arith.constant 16 : i32
          %parallel_loop3A_659 = vector.broadcast %parallel_loop3A_658 : i32 to vector<16xi32>
          %parallel_loop3A_660 = arith.addi %parallel_loop3A_654, %parallel_loop3A_659 : vector<16xi32>
          %parallel_loop3A_661 = arith.select %parallel_loop3A_657, %parallel_loop3A_660, %parallel_loop3A_654 : vector<16xi1>, vector<16xi32>
          %parallel_loop3A_662 = vector.shape_cast %parallel_loop3A_661 : vector<16xi32> to vector<16x1xi32>
          %parallel_loop3A_663 = vector.shape_cast %parallel_loop3A_662 : vector<16x1xi32> to vector<16xi32>
          %parallel_loop3A_664 = tpu.dynamic_gather %parallel_loop3A_515[%parallel_loop3A_663] in [0] : vector<16xf32>, vector<16xi32> -> vector<16xf32>
          %parallel_loop3A_665 = arith.index_cast %parallel_loop3A_491 : i32 to index
          %parallel_loop3A_666 = arith.constant 96 : index
          %parallel_loop3A_667 = tpu.vector_load %arg21[%parallel_loop3A_665, %parallel_loop3A_666] {strides = array<i32>} : memref<112x144xf32, #tpu.memory_space<vmem>>, vector<1x16xf32>,
          %parallel_loop3A_668 = vector.shape_cast %parallel_loop3A_667 : vector<1x16xf32> to vector<16xf32>
          %parallel_loop3A_669 = arith.mulf %parallel_loop3A_668, %parallel_loop3A_664 : vector<16xf32>
          %parallel_loop3A_670 = arith.index_cast %parallel_loop3A_491 : i32 to index
          %parallel_loop3A_671 = arith.constant 96 : index
          %parallel_loop3A_672 = tpu.vector_load %arg21[%parallel_loop3A_670, %parallel_loop3A_671] {strides = array<i32>} : memref<112x144xf32, #tpu.memory_space<vmem>>, vector<1x16xf32>,
          %parallel_loop3A_673 = vector.shape_cast %parallel_loop3A_672 : vector<1x16xf32> to vector<16xf32>
          %parallel_loop3A_674 = vector.shape_cast %parallel_loop3A_669 : vector<16xf32> to vector<1x16xf32>
          tpu.vector_store %arg21[%parallel_loop3A_670, %parallel_loop3A_671], %parallel_loop3A_674 {strides = array<i32>} : memref<112x144xf32, #tpu.memory_space<vmem>>, vector<1x16xf32>,
          %parallel_loop3A_675 = arith.constant 7 : i32
          %parallel_loop3A_676 = vector.broadcast %parallel_loop3A_675 : i32 to vector<16xi32>
          %parallel_loop3A_677 = arith.constant 0 : i32
          %parallel_loop3A_678 = vector.broadcast %parallel_loop3A_677 : i32 to vector<16xi32>
          %parallel_loop3A_679 = arith.cmpi slt, %parallel_loop3A_676, %parallel_loop3A_678 : vector<16xi32>
          %parallel_loop3A_680 = arith.constant 16 : i32
          %parallel_loop3A_681 = vector.broadcast %parallel_loop3A_680 : i32 to vector<16xi32>
          %parallel_loop3A_682 = arith.addi %parallel_loop3A_676, %parallel_loop3A_681 : vector<16xi32>
          %parallel_loop3A_683 = arith.select %parallel_loop3A_679, %parallel_loop3A_682, %parallel_loop3A_676 : vector<16xi1>, vector<16xi32>
          %parallel_loop3A_684 = vector.shape_cast %parallel_loop3A_683 : vector<16xi32> to vector<16x1xi32>
          %parallel_loop3A_685 = vector.shape_cast %parallel_loop3A_684 : vector<16x1xi32> to vector<16xi32>
          %parallel_loop3A_686 = tpu.dynamic_gather %parallel_loop3A_515[%parallel_loop3A_685] in [0] : vector<16xf32>, vector<16xi32> -> vector<16xf32>
          %parallel_loop3A_687 = arith.index_cast %parallel_loop3A_491 : i32 to index
          %parallel_loop3A_688 = arith.constant 112 : index
          %parallel_loop3A_689 = tpu.vector_load %arg21[%parallel_loop3A_687, %parallel_loop3A_688] {strides = array<i32>} : memref<112x144xf32, #tpu.memory_space<vmem>>, vector<1x16xf32>,
          %parallel_loop3A_690 = vector.shape_cast %parallel_loop3A_689 : vector<1x16xf32> to vector<16xf32>
          %parallel_loop3A_691 = arith.mulf %parallel_loop3A_690, %parallel_loop3A_686 : vector<16xf32>
          %parallel_loop3A_692 = arith.index_cast %parallel_loop3A_491 : i32 to index
          %parallel_loop3A_693 = arith.constant 112 : index
          %parallel_loop3A_694 = tpu.vector_load %arg21[%parallel_loop3A_692, %parallel_loop3A_693] {strides = array<i32>} : memref<112x144xf32, #tpu.memory_space<vmem>>, vector<1x16xf32>,
          %parallel_loop3A_695 = vector.shape_cast %parallel_loop3A_694 : vector<1x16xf32> to vector<16xf32>
          %parallel_loop3A_696 = vector.shape_cast %parallel_loop3A_691 : vector<16xf32> to vector<1x16xf32>
          tpu.vector_store %arg21[%parallel_loop3A_692, %parallel_loop3A_693], %parallel_loop3A_696 {strides = array<i32>} : memref<112x144xf32, #tpu.memory_space<vmem>>, vector<1x16xf32>,
        } {sc.loop_unroll_factor = 4 : i64, sc.parallel_access}
        %dma_start3A_449 = arith.constant 0 : i32
        %dma_start3A_450 = arith.constant 0 : i32
        %dma_start3A_451 = tpu.memref_slice %arg26[%dma_start3A_449, %dma_start3A_450] : memref<10000x144xf32, #tpu.memory_space<vmem_shared>> -> memref<10000x144xf32, #tpu.memory_space<vmem_shared>>
        tpu.enqueue_indirect_dma source(%arg21 : memref<112x144xf32, #tpu.memory_space<vmem>>) target(%dma_start3A_451 : memref<10000x144xf32, #tpu.memory_space<vmem_shared>>) offsets(%arg18 : memref<112xi32, #tpu.memory_space<vmem>>) semaphore(%arg31 : memref<!tpu.dma_semaphore, #tpu.memory_space<semaphore_mem>>) {add = true}
        %mul3A_452 = arith.constant 2 : i32
        %mul3A_453 = arith.muli %mul3A_452, %scan3A_418 : i32
        %add3A_454 = arith.constant 1 : i32
        %add3A_455 = arith.addi %mul3A_453, %add3A_454 : i32
        %dma_wait3A_456 = arith.constant 0 : i32
        %dma_wait3A_457 = arith.constant 0 : i32
        %dma_wait3A_458 = tpu.memref_slice %arg5[%dma_wait3A_456, %dma_wait3A_457] : memref<10000x16xf32, #tpu.memory_space<hbm>> -> memref<10000x16xf32, #tpu.memory_space<hbm>>
        tpu.wait_indirect_dma semaphore(%arg30 : memref<!tpu.dma_semaphore, #tpu.memory_space<semaphore_mem>>) src(%dma_wait3A_458 : memref<10000x16xf32, #tpu.memory_space<hbm>>) dst(%arg22 : memref<112x16xf32, #tpu.memory_space<vmem>>)
        %dma_wait3A_459 = arith.constant 0 : i32
        %dma_wait3A_460 = arith.constant 0 : i32
        %dma_wait3A_461 = tpu.memref_slice %arg4[%dma_wait3A_459, %dma_wait3A_460] : memref<10000x144xf32, #tpu.memory_space<hbm>> -> memref<10000x144xf32, #tpu.memory_space<hbm>>
        tpu.wait_indirect_dma semaphore(%arg30 : memref<!tpu.dma_semaphore, #tpu.memory_space<semaphore_mem>>) src(%dma_wait3A_461 : memref<10000x144xf32, #tpu.memory_space<hbm>>) dst(%arg23 : memref<112x144xf32, #tpu.memory_space<vmem>>)
        %dma_wait3A_462 = tpu.memref_slice %arg3[%mul3A_358] : memref<161280xi32, #tpu.memory_space<hbm>> -> memref<112xi32, #tpu.memory_space<hbm>>
        %dma_wait3A_463 = tpu.memref_slice %arg3[%mul3A_358] : memref<161280xi32, #tpu.memory_space<hbm>> -> memref<112xi32, #tpu.memory_space<hbm>>
        tpu.wait_dma2 semaphore(%arg30 : memref<!tpu.dma_semaphore, #tpu.memory_space<semaphore_mem>>) src(%dma_wait3A_463 : memref<112xi32, #tpu.memory_space<hbm>>) dst(%arg19 : memref<112xi32, #tpu.memory_space<vmem>>)
        %lt3A_464 = arith.constant 88 : i32
        %lt3A_465 = arith.cmpi slt, %add3A_455, %lt3A_464 : i32
        %convert_element_type3A_466 = arith.extui %lt3A_465 : i1 to i32
        %cond3A_467 = arith.constant 0 : i32
        %cond3A_468 = arith.cmpi ne, %convert_element_type3A_466, %cond3A_467 : i32
        scf.if %cond3A_468 {
          %add3A_491 = arith.constant 2 : i32
          %add3A_492 = arith.addi %add3A_455, %add3A_491 : i32
          %mul3A_493 = arith.constant 112 : i32
          %mul3A_494 = arith.muli %add3A_492, %mul3A_493 : i32
          %add3A_495 = arith.addi %mul3A_358, %mul3A_494 : i32
          %dma_start3A_496 = tpu.memref_slice %arg2[%add3A_495] : memref<161280xi32, #tpu.memory_space<hbm>> -> memref<112xi32, #tpu.memory_space<hbm>>
          %dma_start3A_497 = tpu.memref_slice %arg2[%add3A_495] : memref<161280xi32, #tpu.memory_space<hbm>> -> memref<112xi32, #tpu.memory_space<hbm>>
          tpu.enqueue_dma source(%dma_start3A_497 : memref<112xi32, #tpu.memory_space<hbm>>) target(%arg16 : memref<112xi32, #tpu.memory_space<vmem>>) target_semaphore(%arg28 : memref<!tpu.dma_semaphore, #tpu.memory_space<semaphore_mem>>)
          %dma_start3A_498 = tpu.memref_slice %arg3[%add3A_495] : memref<161280xi32, #tpu.memory_space<hbm>> -> memref<112xi32, #tpu.memory_space<hbm>>
          %dma_start3A_499 = tpu.memref_slice %arg3[%add3A_495] : memref<161280xi32, #tpu.memory_space<hbm>> -> memref<112xi32, #tpu.memory_space<hbm>>
          tpu.enqueue_dma source(%dma_start3A_499 : memref<112xi32, #tpu.memory_space<hbm>>) target(%arg17 : memref<112xi32, #tpu.memory_space<vmem>>) target_semaphore(%arg28 : memref<!tpu.dma_semaphore, #tpu.memory_space<semaphore_mem>>)
        } else {
        }
        %ge3A_469 = arith.constant 1 : i32
        %ge3A_470 = arith.cmpi sge, %add3A_455, %ge3A_469 : i32
        %convert_element_type3A_471 = arith.extui %ge3A_470 : i1 to i32
        %cond3A_472 = arith.constant 0 : i32
        %cond3A_473 = arith.cmpi ne, %convert_element_type3A_471, %cond3A_472 : i32
        scf.if %cond3A_473 {
          %dma_wait3A_491 = arith.constant 0 : i32
          %dma_wait3A_492 = arith.constant 0 : i32
          %dma_wait3A_493 = tpu.memref_slice %arg26[%dma_wait3A_491, %dma_wait3A_492] : memref<10000x144xf32, #tpu.memory_space<vmem_shared>> -> memref<10000x144xf32, #tpu.memory_space<vmem_shared>>
          tpu.wait_indirect_dma semaphore(%arg31 : memref<!tpu.dma_semaphore, #tpu.memory_space<semaphore_mem>>) src(%arg23 : memref<112x144xf32, #tpu.memory_space<vmem>>) dst(%dma_wait3A_493 : memref<10000x144xf32, #tpu.memory_space<vmem_shared>>)
        } else {
        }
        %ge3A_474 = arith.constant 1 : i32
        %ge3A_475 = arith.cmpi sge, %add3A_455, %ge3A_474 : i32
        %lt3A_476 = arith.constant 89 : i32
        %lt3A_477 = arith.cmpi slt, %add3A_455, %lt3A_476 : i32
        %and3A_478 = arith.andi %ge3A_475, %lt3A_477 : i1
        %convert_element_type3A_479 = arith.extui %and3A_478 : i1 to i32
        %cond3A_480 = arith.constant 0 : i32
        %cond3A_481 = arith.cmpi ne, %convert_element_type3A_479, %cond3A_480 : i32
        scf.if %cond3A_481 {
          %dma_wait3A_491 = tpu.memref_slice %arg2[%mul3A_358] : memref<161280xi32, #tpu.memory_space<hbm>> -> memref<112xi32, #tpu.memory_space<hbm>>
          %dma_wait3A_492 = tpu.memref_slice %arg2[%mul3A_358] : memref<161280xi32, #tpu.memory_space<hbm>> -> memref<112xi32, #tpu.memory_space<hbm>>
          tpu.wait_dma2 semaphore(%arg27 : memref<!tpu.dma_semaphore, #tpu.memory_space<semaphore_mem>>) src(%dma_wait3A_492 : memref<112xi32, #tpu.memory_space<hbm>>) dst(%arg14 : memref<112xi32, #tpu.memory_space<vmem>>)
          %dma_wait3A_493 = tpu.memref_slice %arg3[%mul3A_358] : memref<161280xi32, #tpu.memory_space<hbm>> -> memref<112xi32, #tpu.memory_space<hbm>>
          %dma_wait3A_494 = tpu.memref_slice %arg3[%mul3A_358] : memref<161280xi32, #tpu.memory_space<hbm>> -> memref<112xi32, #tpu.memory_space<hbm>>
          tpu.wait_dma2 semaphore(%arg27 : memref<!tpu.dma_semaphore, #tpu.memory_space<semaphore_mem>>) src(%dma_wait3A_494 : memref<112xi32, #tpu.memory_space<hbm>>) dst(%arg15 : memref<112xi32, #tpu.memory_space<vmem>>)
          %add3A_495 = arith.constant 1 : i32
          %add3A_496 = arith.addi %add3A_455, %add3A_495 : i32
          %mul3A_497 = arith.constant 112 : i32
          %mul3A_498 = arith.muli %add3A_496, %mul3A_497 : i32
          %add3A_499 = arith.addi %mul3A_358, %mul3A_498 : i32
          %dma_start3A_500 = arith.constant 0 : i32
          %dma_start3A_501 = arith.constant 0 : i32
          %dma_start3A_502 = tpu.memref_slice %arg5[%dma_start3A_500, %dma_start3A_501] : memref<10000x16xf32, #tpu.memory_space<hbm>> -> memref<10000x16xf32, #tpu.memory_space<hbm>>
          tpu.enqueue_indirect_dma source(%dma_start3A_502 : memref<10000x16xf32, #tpu.memory_space<hbm>>) target(%arg20 : memref<112x16xf32, #tpu.memory_space<vmem>>) offsets(%arg15 : memref<112xi32, #tpu.memory_space<vmem>>) semaphore(%arg29 : memref<!tpu.dma_semaphore, #tpu.memory_space<semaphore_mem>>)
          %dma_start3A_503 = arith.constant 0 : i32
          %dma_start3A_504 = arith.constant 0 : i32
          %dma_start3A_505 = tpu.memref_slice %arg4[%dma_start3A_503, %dma_start3A_504] : memref<10000x144xf32, #tpu.memory_space<hbm>> -> memref<10000x144xf32, #tpu.memory_space<hbm>>
          tpu.enqueue_indirect_dma source(%dma_start3A_505 : memref<10000x144xf32, #tpu.memory_space<hbm>>) target(%arg21 : memref<112x144xf32, #tpu.memory_space<vmem>>) offsets(%arg14 : memref<112xi32, #tpu.memory_space<vmem>>) semaphore(%arg29 : memref<!tpu.dma_semaphore, #tpu.memory_space<semaphore_mem>>)
          %dma_start3A_506 = tpu.memref_slice %arg3[%add3A_499] : memref<161280xi32, #tpu.memory_space<hbm>> -> memref<112xi32, #tpu.memory_space<hbm>>
          %dma_start3A_507 = tpu.memref_slice %arg3[%add3A_499] : memref<161280xi32, #tpu.memory_space<hbm>> -> memref<112xi32, #tpu.memory_space<hbm>>
          tpu.enqueue_dma source(%dma_start3A_507 : memref<112xi32, #tpu.memory_space<hbm>>) target(%arg18 : memref<112xi32, #tpu.memory_space<vmem>>) target_semaphore(%arg29 : memref<!tpu.dma_semaphore, #tpu.memory_space<semaphore_mem>>)
        } else {
        }
        %mul3A_482 = arith.constant 112 : i32
        %mul3A_483 = arith.muli %add3A_455, %mul3A_482 : i32
        %add3A_484 = arith.addi %mul3A_358, %mul3A_483 : i32
        %parallel_loop3A_485 = arith.constant 0 : i32
        %parallel_loop3A_486 = arith.constant 112 : i32
        %parallel_loop3A_487 = arith.constant 1 : i32
        scf.for %parallel_loop3A_491 = %parallel_loop3A_485 to %parallel_loop3A_486 step %parallel_loop3A_487  : i32 {
          %parallel_loop3A_492 = arith.index_cast %parallel_loop3A_491 : i32 to index
          %parallel_loop3A_493 = arith.constant 128 : index
          %parallel_loop3A_494 = tpu.vector_load %arg23[%parallel_loop3A_492, %parallel_loop3A_493] {strides = array<i32>} : memref<112x144xf32, #tpu.memory_space<vmem>>, vector<1x16xf32>,
          %parallel_loop3A_495 = vector.shape_cast %parallel_loop3A_494 : vector<1x16xf32> to vector<16xf32>
          %parallel_loop3A_496 = arith.index_cast %parallel_loop3A_491 : i32 to index
          %parallel_loop3A_497 = arith.constant 0 : index
          %parallel_loop3A_498 = tpu.vector_load %arg22[%parallel_loop3A_496, %parallel_loop3A_497] {strides = array<i32>} : memref<112x16xf32, #tpu.memory_space<vmem>>, vector<1x16xf32>,
          %parallel_loop3A_499 = vector.shape_cast %parallel_loop3A_498 : vector<1x16xf32> to vector<16xf32>
          %parallel_loop3A_500 = arith.addf %parallel_loop3A_495, %parallel_loop3A_499 : vector<16xf32>
          %parallel_loop3A_501 = arith.constant 0.000000e+00 : f32
          %parallel_loop3A_502 = vector.broadcast %parallel_loop3A_501 : f32 to vector<16xf32>
          %parallel_loop3A_503 = arith.cmpf oge, %parallel_loop3A_500, %parallel_loop3A_502 : vector<16xf32>
          %parallel_loop3A_504 = arith.constant 2.000000e-01 : f32
          %parallel_loop3A_505 = vector.broadcast %parallel_loop3A_504 : f32 to vector<16xf32>
          %parallel_loop3A_506 = arith.mulf %parallel_loop3A_505, %parallel_loop3A_500 : vector<16xf32>
          %parallel_loop3A_507 = arith.select %parallel_loop3A_503, %parallel_loop3A_500, %parallel_loop3A_506 : vector<16xi1>, vector<16xf32>
          %parallel_loop3A_508 = arith.subf %parallel_loop3A_507, %get3A_378 : vector<16xf32>
          %parallel_loop3A_509 = math.exp %parallel_loop3A_508 : vector<16xf32>
          %parallel_loop3A_510 = arith.addi %add3A_484, %parallel_loop3A_491 : i32
          %parallel_loop3A_511 = arith.constant 160000 : i32
          %parallel_loop3A_512 = arith.cmpi sge, %parallel_loop3A_510, %parallel_loop3A_511 : i32
          %parallel_loop3A_513 = arith.constant 0.000000e+00 : f32
          %parallel_loop3A_514 = vector.broadcast %parallel_loop3A_513 : f32 to vector<16xf32>
          %parallel_loop3A_515 = arith.select %parallel_loop3A_512, %parallel_loop3A_514, %parallel_loop3A_509 : vector<16xf32>
          %parallel_loop3A_516 = arith.index_cast %parallel_loop3A_491 : i32 to index
          %parallel_loop3A_517 = arith.constant 128 : index
          %parallel_loop3A_518 = tpu.vector_load %arg23[%parallel_loop3A_516, %parallel_loop3A_517] {strides = array<i32>} : memref<112x144xf32, #tpu.memory_space<vmem>>, vector<1x16xf32>,
          %parallel_loop3A_519 = vector.shape_cast %parallel_loop3A_518 : vector<1x16xf32> to vector<16xf32>
          %parallel_loop3A_520 = vector.shape_cast %parallel_loop3A_515 : vector<16xf32> to vector<1x16xf32>
          tpu.vector_store %arg23[%parallel_loop3A_516, %parallel_loop3A_517], %parallel_loop3A_520 {strides = array<i32>} : memref<112x144xf32, #tpu.memory_space<vmem>>, vector<1x16xf32>,
          %parallel_loop3A_521 = arith.constant 0 : i32
          %parallel_loop3A_522 = vector.broadcast %parallel_loop3A_521 : i32 to vector<16xi32>
          %parallel_loop3A_523 = arith.constant 0 : i32
          %parallel_loop3A_524 = vector.broadcast %parallel_loop3A_523 : i32 to vector<16xi32>
          %parallel_loop3A_525 = arith.cmpi slt, %parallel_loop3A_522, %parallel_loop3A_524 : vector<16xi32>
          %parallel_loop3A_526 = arith.constant 16 : i32
          %parallel_loop3A_527 = vector.broadcast %parallel_loop3A_526 : i32 to vector<16xi32>
          %parallel_loop3A_528 = arith.addi %parallel_loop3A_522, %parallel_loop3A_527 : vector<16xi32>
          %parallel_loop3A_529 = arith.select %parallel_loop3A_525, %parallel_loop3A_528, %parallel_loop3A_522 : vector<16xi1>, vector<16xi32>
          %parallel_loop3A_530 = vector.shape_cast %parallel_loop3A_529 : vector<16xi32> to vector<16x1xi32>
          %parallel_loop3A_531 = vector.shape_cast %parallel_loop3A_530 : vector<16x1xi32> to vector<16xi32>
          %parallel_loop3A_532 = tpu.dynamic_gather %parallel_loop3A_515[%parallel_loop3A_531] in [0] : vector<16xf32>, vector<16xi32> -> vector<16xf32>
          %parallel_loop3A_533 = arith.index_cast %parallel_loop3A_491 : i32 to index
          %parallel_loop3A_534 = arith.constant 0 : index
          %parallel_loop3A_535 = tpu.vector_load %arg23[%parallel_loop3A_533, %parallel_loop3A_534] {strides = array<i32>} : memref<112x144xf32, #tpu.memory_space<vmem>>, vector<1x16xf32>,
          %parallel_loop3A_536 = vector.shape_cast %parallel_loop3A_535 : vector<1x16xf32> to vector<16xf32>
          %parallel_loop3A_537 = arith.mulf %parallel_loop3A_536, %parallel_loop3A_532 : vector<16xf32>
          %parallel_loop3A_538 = arith.index_cast %parallel_loop3A_491 : i32 to index
          %parallel_loop3A_539 = arith.constant 0 : index
          %parallel_loop3A_540 = tpu.vector_load %arg23[%parallel_loop3A_538, %parallel_loop3A_539] {strides = array<i32>} : memref<112x144xf32, #tpu.memory_space<vmem>>, vector<1x16xf32>,
          %parallel_loop3A_541 = vector.shape_cast %parallel_loop3A_540 : vector<1x16xf32> to vector<16xf32>
          %parallel_loop3A_542 = vector.shape_cast %parallel_loop3A_537 : vector<16xf32> to vector<1x16xf32>
          tpu.vector_store %arg23[%parallel_loop3A_538, %parallel_loop3A_539], %parallel_loop3A_542 {strides = array<i32>} : memref<112x144xf32, #tpu.memory_space<vmem>>, vector<1x16xf32>,
          %parallel_loop3A_543 = arith.constant 1 : i32
          %parallel_loop3A_544 = vector.broadcast %parallel_loop3A_543 : i32 to vector<16xi32>
          %parallel_loop3A_545 = arith.constant 0 : i32
          %parallel_loop3A_546 = vector.broadcast %parallel_loop3A_545 : i32 to vector<16xi32>
          %parallel_loop3A_547 = arith.cmpi slt, %parallel_loop3A_544, %parallel_loop3A_546 : vector<16xi32>
          %parallel_loop3A_548 = arith.constant 16 : i32
          %parallel_loop3A_549 = vector.broadcast %parallel_loop3A_548 : i32 to vector<16xi32>
          %parallel_loop3A_550 = arith.addi %parallel_loop3A_544, %parallel_loop3A_549 : vector<16xi32>
          %parallel_loop3A_551 = arith.select %parallel_loop3A_547, %parallel_loop3A_550, %parallel_loop3A_544 : vector<16xi1>, vector<16xi32>
          %parallel_loop3A_552 = vector.shape_cast %parallel_loop3A_551 : vector<16xi32> to vector<16x1xi32>
          %parallel_loop3A_553 = vector.shape_cast %parallel_loop3A_552 : vector<16x1xi32> to vector<16xi32>
          %parallel_loop3A_554 = tpu.dynamic_gather %parallel_loop3A_515[%parallel_loop3A_553] in [0] : vector<16xf32>, vector<16xi32> -> vector<16xf32>
          %parallel_loop3A_555 = arith.index_cast %parallel_loop3A_491 : i32 to index
          %parallel_loop3A_556 = arith.constant 16 : index
          %parallel_loop3A_557 = tpu.vector_load %arg23[%parallel_loop3A_555, %parallel_loop3A_556] {strides = array<i32>} : memref<112x144xf32, #tpu.memory_space<vmem>>, vector<1x16xf32>,
          %parallel_loop3A_558 = vector.shape_cast %parallel_loop3A_557 : vector<1x16xf32> to vector<16xf32>
          %parallel_loop3A_559 = arith.mulf %parallel_loop3A_558, %parallel_loop3A_554 : vector<16xf32>
          %parallel_loop3A_560 = arith.index_cast %parallel_loop3A_491 : i32 to index
          %parallel_loop3A_561 = arith.constant 16 : index
          %parallel_loop3A_562 = tpu.vector_load %arg23[%parallel_loop3A_560, %parallel_loop3A_561] {strides = array<i32>} : memref<112x144xf32, #tpu.memory_space<vmem>>, vector<1x16xf32>,
          %parallel_loop3A_563 = vector.shape_cast %parallel_loop3A_562 : vector<1x16xf32> to vector<16xf32>
          %parallel_loop3A_564 = vector.shape_cast %parallel_loop3A_559 : vector<16xf32> to vector<1x16xf32>
          tpu.vector_store %arg23[%parallel_loop3A_560, %parallel_loop3A_561], %parallel_loop3A_564 {strides = array<i32>} : memref<112x144xf32, #tpu.memory_space<vmem>>, vector<1x16xf32>,
          %parallel_loop3A_565 = arith.constant 2 : i32
          %parallel_loop3A_566 = vector.broadcast %parallel_loop3A_565 : i32 to vector<16xi32>
          %parallel_loop3A_567 = arith.constant 0 : i32
          %parallel_loop3A_568 = vector.broadcast %parallel_loop3A_567 : i32 to vector<16xi32>
          %parallel_loop3A_569 = arith.cmpi slt, %parallel_loop3A_566, %parallel_loop3A_568 : vector<16xi32>
          %parallel_loop3A_570 = arith.constant 16 : i32
          %parallel_loop3A_571 = vector.broadcast %parallel_loop3A_570 : i32 to vector<16xi32>
          %parallel_loop3A_572 = arith.addi %parallel_loop3A_566, %parallel_loop3A_571 : vector<16xi32>
          %parallel_loop3A_573 = arith.select %parallel_loop3A_569, %parallel_loop3A_572, %parallel_loop3A_566 : vector<16xi1>, vector<16xi32>
          %parallel_loop3A_574 = vector.shape_cast %parallel_loop3A_573 : vector<16xi32> to vector<16x1xi32>
          %parallel_loop3A_575 = vector.shape_cast %parallel_loop3A_574 : vector<16x1xi32> to vector<16xi32>
          %parallel_loop3A_576 = tpu.dynamic_gather %parallel_loop3A_515[%parallel_loop3A_575] in [0] : vector<16xf32>, vector<16xi32> -> vector<16xf32>
          %parallel_loop3A_577 = arith.index_cast %parallel_loop3A_491 : i32 to index
          %parallel_loop3A_578 = arith.constant 32 : index
          %parallel_loop3A_579 = tpu.vector_load %arg23[%parallel_loop3A_577, %parallel_loop3A_578] {strides = array<i32>} : memref<112x144xf32, #tpu.memory_space<vmem>>, vector<1x16xf32>,
          %parallel_loop3A_580 = vector.shape_cast %parallel_loop3A_579 : vector<1x16xf32> to vector<16xf32>
          %parallel_loop3A_581 = arith.mulf %parallel_loop3A_580, %parallel_loop3A_576 : vector<16xf32>
          %parallel_loop3A_582 = arith.index_cast %parallel_loop3A_491 : i32 to index
          %parallel_loop3A_583 = arith.constant 32 : index
          %parallel_loop3A_584 = tpu.vector_load %arg23[%parallel_loop3A_582, %parallel_loop3A_583] {strides = array<i32>} : memref<112x144xf32, #tpu.memory_space<vmem>>, vector<1x16xf32>,
          %parallel_loop3A_585 = vector.shape_cast %parallel_loop3A_584 : vector<1x16xf32> to vector<16xf32>
          %parallel_loop3A_586 = vector.shape_cast %parallel_loop3A_581 : vector<16xf32> to vector<1x16xf32>
          tpu.vector_store %arg23[%parallel_loop3A_582, %parallel_loop3A_583], %parallel_loop3A_586 {strides = array<i32>} : memref<112x144xf32, #tpu.memory_space<vmem>>, vector<1x16xf32>,
          %parallel_loop3A_587 = arith.constant 3 : i32
          %parallel_loop3A_588 = vector.broadcast %parallel_loop3A_587 : i32 to vector<16xi32>
          %parallel_loop3A_589 = arith.constant 0 : i32
          %parallel_loop3A_590 = vector.broadcast %parallel_loop3A_589 : i32 to vector<16xi32>
          %parallel_loop3A_591 = arith.cmpi slt, %parallel_loop3A_588, %parallel_loop3A_590 : vector<16xi32>
          %parallel_loop3A_592 = arith.constant 16 : i32
          %parallel_loop3A_593 = vector.broadcast %parallel_loop3A_592 : i32 to vector<16xi32>
          %parallel_loop3A_594 = arith.addi %parallel_loop3A_588, %parallel_loop3A_593 : vector<16xi32>
          %parallel_loop3A_595 = arith.select %parallel_loop3A_591, %parallel_loop3A_594, %parallel_loop3A_588 : vector<16xi1>, vector<16xi32>
          %parallel_loop3A_596 = vector.shape_cast %parallel_loop3A_595 : vector<16xi32> to vector<16x1xi32>
          %parallel_loop3A_597 = vector.shape_cast %parallel_loop3A_596 : vector<16x1xi32> to vector<16xi32>
          %parallel_loop3A_598 = tpu.dynamic_gather %parallel_loop3A_515[%parallel_loop3A_597] in [0] : vector<16xf32>, vector<16xi32> -> vector<16xf32>
          %parallel_loop3A_599 = arith.index_cast %parallel_loop3A_491 : i32 to index
          %parallel_loop3A_600 = arith.constant 48 : index
          %parallel_loop3A_601 = tpu.vector_load %arg23[%parallel_loop3A_599, %parallel_loop3A_600] {strides = array<i32>} : memref<112x144xf32, #tpu.memory_space<vmem>>, vector<1x16xf32>,
          %parallel_loop3A_602 = vector.shape_cast %parallel_loop3A_601 : vector<1x16xf32> to vector<16xf32>
          %parallel_loop3A_603 = arith.mulf %parallel_loop3A_602, %parallel_loop3A_598 : vector<16xf32>
          %parallel_loop3A_604 = arith.index_cast %parallel_loop3A_491 : i32 to index
          %parallel_loop3A_605 = arith.constant 48 : index
          %parallel_loop3A_606 = tpu.vector_load %arg23[%parallel_loop3A_604, %parallel_loop3A_605] {strides = array<i32>} : memref<112x144xf32, #tpu.memory_space<vmem>>, vector<1x16xf32>,
          %parallel_loop3A_607 = vector.shape_cast %parallel_loop3A_606 : vector<1x16xf32> to vector<16xf32>
          %parallel_loop3A_608 = vector.shape_cast %parallel_loop3A_603 : vector<16xf32> to vector<1x16xf32>
          tpu.vector_store %arg23[%parallel_loop3A_604, %parallel_loop3A_605], %parallel_loop3A_608 {strides = array<i32>} : memref<112x144xf32, #tpu.memory_space<vmem>>, vector<1x16xf32>,
          %parallel_loop3A_609 = arith.constant 4 : i32
          %parallel_loop3A_610 = vector.broadcast %parallel_loop3A_609 : i32 to vector<16xi32>
          %parallel_loop3A_611 = arith.constant 0 : i32
          %parallel_loop3A_612 = vector.broadcast %parallel_loop3A_611 : i32 to vector<16xi32>
          %parallel_loop3A_613 = arith.cmpi slt, %parallel_loop3A_610, %parallel_loop3A_612 : vector<16xi32>
          %parallel_loop3A_614 = arith.constant 16 : i32
          %parallel_loop3A_615 = vector.broadcast %parallel_loop3A_614 : i32 to vector<16xi32>
          %parallel_loop3A_616 = arith.addi %parallel_loop3A_610, %parallel_loop3A_615 : vector<16xi32>
          %parallel_loop3A_617 = arith.select %parallel_loop3A_613, %parallel_loop3A_616, %parallel_loop3A_610 : vector<16xi1>, vector<16xi32>
          %parallel_loop3A_618 = vector.shape_cast %parallel_loop3A_617 : vector<16xi32> to vector<16x1xi32>
          %parallel_loop3A_619 = vector.shape_cast %parallel_loop3A_618 : vector<16x1xi32> to vector<16xi32>
          %parallel_loop3A_620 = tpu.dynamic_gather %parallel_loop3A_515[%parallel_loop3A_619] in [0] : vector<16xf32>, vector<16xi32> -> vector<16xf32>
          %parallel_loop3A_621 = arith.index_cast %parallel_loop3A_491 : i32 to index
          %parallel_loop3A_622 = arith.constant 64 : index
          %parallel_loop3A_623 = tpu.vector_load %arg23[%parallel_loop3A_621, %parallel_loop3A_622] {strides = array<i32>} : memref<112x144xf32, #tpu.memory_space<vmem>>, vector<1x16xf32>,
          %parallel_loop3A_624 = vector.shape_cast %parallel_loop3A_623 : vector<1x16xf32> to vector<16xf32>
          %parallel_loop3A_625 = arith.mulf %parallel_loop3A_624, %parallel_loop3A_620 : vector<16xf32>
          %parallel_loop3A_626 = arith.index_cast %parallel_loop3A_491 : i32 to index
          %parallel_loop3A_627 = arith.constant 64 : index
          %parallel_loop3A_628 = tpu.vector_load %arg23[%parallel_loop3A_626, %parallel_loop3A_627] {strides = array<i32>} : memref<112x144xf32, #tpu.memory_space<vmem>>, vector<1x16xf32>,
          %parallel_loop3A_629 = vector.shape_cast %parallel_loop3A_628 : vector<1x16xf32> to vector<16xf32>
          %parallel_loop3A_630 = vector.shape_cast %parallel_loop3A_625 : vector<16xf32> to vector<1x16xf32>
          tpu.vector_store %arg23[%parallel_loop3A_626, %parallel_loop3A_627], %parallel_loop3A_630 {strides = array<i32>} : memref<112x144xf32, #tpu.memory_space<vmem>>, vector<1x16xf32>,
          %parallel_loop3A_631 = arith.constant 5 : i32
          %parallel_loop3A_632 = vector.broadcast %parallel_loop3A_631 : i32 to vector<16xi32>
          %parallel_loop3A_633 = arith.constant 0 : i32
          %parallel_loop3A_634 = vector.broadcast %parallel_loop3A_633 : i32 to vector<16xi32>
          %parallel_loop3A_635 = arith.cmpi slt, %parallel_loop3A_632, %parallel_loop3A_634 : vector<16xi32>
          %parallel_loop3A_636 = arith.constant 16 : i32
          %parallel_loop3A_637 = vector.broadcast %parallel_loop3A_636 : i32 to vector<16xi32>
          %parallel_loop3A_638 = arith.addi %parallel_loop3A_632, %parallel_loop3A_637 : vector<16xi32>
          %parallel_loop3A_639 = arith.select %parallel_loop3A_635, %parallel_loop3A_638, %parallel_loop3A_632 : vector<16xi1>, vector<16xi32>
          %parallel_loop3A_640 = vector.shape_cast %parallel_loop3A_639 : vector<16xi32> to vector<16x1xi32>
          %parallel_loop3A_641 = vector.shape_cast %parallel_loop3A_640 : vector<16x1xi32> to vector<16xi32>
          %parallel_loop3A_642 = tpu.dynamic_gather %parallel_loop3A_515[%parallel_loop3A_641] in [0] : vector<16xf32>, vector<16xi32> -> vector<16xf32>
          %parallel_loop3A_643 = arith.index_cast %parallel_loop3A_491 : i32 to index
          %parallel_loop3A_644 = arith.constant 80 : index
          %parallel_loop3A_645 = tpu.vector_load %arg23[%parallel_loop3A_643, %parallel_loop3A_644] {strides = array<i32>} : memref<112x144xf32, #tpu.memory_space<vmem>>, vector<1x16xf32>,
          %parallel_loop3A_646 = vector.shape_cast %parallel_loop3A_645 : vector<1x16xf32> to vector<16xf32>
          %parallel_loop3A_647 = arith.mulf %parallel_loop3A_646, %parallel_loop3A_642 : vector<16xf32>
          %parallel_loop3A_648 = arith.index_cast %parallel_loop3A_491 : i32 to index
          %parallel_loop3A_649 = arith.constant 80 : index
          %parallel_loop3A_650 = tpu.vector_load %arg23[%parallel_loop3A_648, %parallel_loop3A_649] {strides = array<i32>} : memref<112x144xf32, #tpu.memory_space<vmem>>, vector<1x16xf32>,
          %parallel_loop3A_651 = vector.shape_cast %parallel_loop3A_650 : vector<1x16xf32> to vector<16xf32>
          %parallel_loop3A_652 = vector.shape_cast %parallel_loop3A_647 : vector<16xf32> to vector<1x16xf32>
          tpu.vector_store %arg23[%parallel_loop3A_648, %parallel_loop3A_649], %parallel_loop3A_652 {strides = array<i32>} : memref<112x144xf32, #tpu.memory_space<vmem>>, vector<1x16xf32>,
          %parallel_loop3A_653 = arith.constant 6 : i32
          %parallel_loop3A_654 = vector.broadcast %parallel_loop3A_653 : i32 to vector<16xi32>
          %parallel_loop3A_655 = arith.constant 0 : i32
          %parallel_loop3A_656 = vector.broadcast %parallel_loop3A_655 : i32 to vector<16xi32>
          %parallel_loop3A_657 = arith.cmpi slt, %parallel_loop3A_654, %parallel_loop3A_656 : vector<16xi32>
          %parallel_loop3A_658 = arith.constant 16 : i32
          %parallel_loop3A_659 = vector.broadcast %parallel_loop3A_658 : i32 to vector<16xi32>
          %parallel_loop3A_660 = arith.addi %parallel_loop3A_654, %parallel_loop3A_659 : vector<16xi32>
          %parallel_loop3A_661 = arith.select %parallel_loop3A_657, %parallel_loop3A_660, %parallel_loop3A_654 : vector<16xi1>, vector<16xi32>
          %parallel_loop3A_662 = vector.shape_cast %parallel_loop3A_661 : vector<16xi32> to vector<16x1xi32>
          %parallel_loop3A_663 = vector.shape_cast %parallel_loop3A_662 : vector<16x1xi32> to vector<16xi32>
          %parallel_loop3A_664 = tpu.dynamic_gather %parallel_loop3A_515[%parallel_loop3A_663] in [0] : vector<16xf32>, vector<16xi32> -> vector<16xf32>
          %parallel_loop3A_665 = arith.index_cast %parallel_loop3A_491 : i32 to index
          %parallel_loop3A_666 = arith.constant 96 : index
          %parallel_loop3A_667 = tpu.vector_load %arg23[%parallel_loop3A_665, %parallel_loop3A_666] {strides = array<i32>} : memref<112x144xf32, #tpu.memory_space<vmem>>, vector<1x16xf32>,
          %parallel_loop3A_668 = vector.shape_cast %parallel_loop3A_667 : vector<1x16xf32> to vector<16xf32>
          %parallel_loop3A_669 = arith.mulf %parallel_loop3A_668, %parallel_loop3A_664 : vector<16xf32>
          %parallel_loop3A_670 = arith.index_cast %parallel_loop3A_491 : i32 to index
          %parallel_loop3A_671 = arith.constant 96 : index
          %parallel_loop3A_672 = tpu.vector_load %arg23[%parallel_loop3A_670, %parallel_loop3A_671] {strides = array<i32>} : memref<112x144xf32, #tpu.memory_space<vmem>>, vector<1x16xf32>,
          %parallel_loop3A_673 = vector.shape_cast %parallel_loop3A_672 : vector<1x16xf32> to vector<16xf32>
          %parallel_loop3A_674 = vector.shape_cast %parallel_loop3A_669 : vector<16xf32> to vector<1x16xf32>
          tpu.vector_store %arg23[%parallel_loop3A_670, %parallel_loop3A_671], %parallel_loop3A_674 {strides = array<i32>} : memref<112x144xf32, #tpu.memory_space<vmem>>, vector<1x16xf32>,
          %parallel_loop3A_675 = arith.constant 7 : i32
          %parallel_loop3A_676 = vector.broadcast %parallel_loop3A_675 : i32 to vector<16xi32>
          %parallel_loop3A_677 = arith.constant 0 : i32
          %parallel_loop3A_678 = vector.broadcast %parallel_loop3A_677 : i32 to vector<16xi32>
          %parallel_loop3A_679 = arith.cmpi slt, %parallel_loop3A_676, %parallel_loop3A_678 : vector<16xi32>
          %parallel_loop3A_680 = arith.constant 16 : i32
          %parallel_loop3A_681 = vector.broadcast %parallel_loop3A_680 : i32 to vector<16xi32>
          %parallel_loop3A_682 = arith.addi %parallel_loop3A_676, %parallel_loop3A_681 : vector<16xi32>
          %parallel_loop3A_683 = arith.select %parallel_loop3A_679, %parallel_loop3A_682, %parallel_loop3A_676 : vector<16xi1>, vector<16xi32>
          %parallel_loop3A_684 = vector.shape_cast %parallel_loop3A_683 : vector<16xi32> to vector<16x1xi32>
          %parallel_loop3A_685 = vector.shape_cast %parallel_loop3A_684 : vector<16x1xi32> to vector<16xi32>
          %parallel_loop3A_686 = tpu.dynamic_gather %parallel_loop3A_515[%parallel_loop3A_685] in [0] : vector<16xf32>, vector<16xi32> -> vector<16xf32>
          %parallel_loop3A_687 = arith.index_cast %parallel_loop3A_491 : i32 to index
          %parallel_loop3A_688 = arith.constant 112 : index
          %parallel_loop3A_689 = tpu.vector_load %arg23[%parallel_loop3A_687, %parallel_loop3A_688] {strides = array<i32>} : memref<112x144xf32, #tpu.memory_space<vmem>>, vector<1x16xf32>,
          %parallel_loop3A_690 = vector.shape_cast %parallel_loop3A_689 : vector<1x16xf32> to vector<16xf32>
          %parallel_loop3A_691 = arith.mulf %parallel_loop3A_690, %parallel_loop3A_686 : vector<16xf32>
          %parallel_loop3A_692 = arith.index_cast %parallel_loop3A_491 : i32 to index
          %parallel_loop3A_693 = arith.constant 112 : index
          %parallel_loop3A_694 = tpu.vector_load %arg23[%parallel_loop3A_692, %parallel_loop3A_693] {strides = array<i32>} : memref<112x144xf32, #tpu.memory_space<vmem>>, vector<1x16xf32>,
          %parallel_loop3A_695 = vector.shape_cast %parallel_loop3A_694 : vector<1x16xf32> to vector<16xf32>
          %parallel_loop3A_696 = vector.shape_cast %parallel_loop3A_691 : vector<16xf32> to vector<1x16xf32>
          tpu.vector_store %arg23[%parallel_loop3A_692, %parallel_loop3A_693], %parallel_loop3A_696 {strides = array<i32>} : memref<112x144xf32, #tpu.memory_space<vmem>>, vector<1x16xf32>,
        } {sc.loop_unroll_factor = 4 : i64, sc.parallel_access}
        %dma_start3A_488 = arith.constant 0 : i32
        %dma_start3A_489 = arith.constant 0 : i32
        %dma_start3A_490 = tpu.memref_slice %arg26[%dma_start3A_488, %dma_start3A_489] : memref<10000x144xf32, #tpu.memory_space<vmem_shared>> -> memref<10000x144xf32, #tpu.memory_space<vmem_shared>>
        tpu.enqueue_indirect_dma source(%arg23 : memref<112x144xf32, #tpu.memory_space<vmem>>) target(%dma_start3A_490 : memref<10000x144xf32, #tpu.memory_space<vmem_shared>>) offsets(%arg19 : memref<112xi32, #tpu.memory_space<vmem>>) semaphore(%arg31 : memref<!tpu.dma_semaphore, #tpu.memory_space<semaphore_mem>>) {add = true}
      }
      %scan3A_410 = arith.constant 45 : i32
      %dma_wait3A = arith.constant 0 : i32
      %dma_wait3A_411 = arith.constant 0 : i32
      %dma_wait3A_412 = tpu.memref_slice %arg26[%dma_wait3A, %dma_wait3A_411] : memref<10000x144xf32, #tpu.memory_space<vmem_shared>> -> memref<10000x144xf32, #tpu.memory_space<vmem_shared>>
      tpu.wait_indirect_dma semaphore(%arg31 : memref<!tpu.dma_semaphore, #tpu.memory_space<semaphore_mem>>) src(%arg23 : memref<112x144xf32, #tpu.memory_space<vmem>>) dst(%dma_wait3A_412 : memref<10000x144xf32, #tpu.memory_space<vmem_shared>>)
      %barrier3A_413 = arith.constant 0 : index
      tpu.barrier barrier_id(%barrier3A_413)
      %mul3A_414 = arith.constant 625 : i32
      %mul3A_415 = arith.muli %arg1, %mul3A_414 : i32
      %mul3A_416 = arith.constant 625 : i32
      %mul3A_417 = arith.muli %arg1, %mul3A_416 : i32
      "tpu.region"() ({
        %run_scoped3A = tpu.sem_alloc : memref<!tpu.dma_semaphore, #tpu.memory_space<semaphore_mem>>
        %dma_start3A_418 = arith.constant 0 : i32
        %dma_start3A_419 = tpu.memref_slice %arg12[%mul3A_417, %dma_start3A_418] : memref<10000x144xf32, #tpu.memory_space<hbm>> -> memref<625x144xf32, #tpu.memory_space<hbm>>
        %dma_start3A_420 = arith.constant 0 : i32
        %dma_start3A_421 = tpu.memref_slice %arg26[%mul3A_415, %dma_start3A_420] : memref<10000x144xf32, #tpu.memory_space<vmem_shared>> -> memref<625x144xf32, #tpu.memory_space<vmem_shared>>
        tpu.enqueue_dma source(%dma_start3A_421 : memref<625x144xf32, #tpu.memory_space<vmem_shared>>) target(%dma_start3A_419 : memref<625x144xf32, #tpu.memory_space<hbm>>) target_semaphore(%run_scoped3A : memref<!tpu.dma_semaphore, #tpu.memory_space<semaphore_mem>>)
        %dma_wait3A_422 = arith.constant 0 : i32
        %dma_wait3A_423 = tpu.memref_slice %arg12[%mul3A_417, %dma_wait3A_422] : memref<10000x144xf32, #tpu.memory_space<hbm>> -> memref<625x144xf32, #tpu.memory_space<hbm>>
        %dma_wait3A_424 = arith.constant 0 : i32
        %dma_wait3A_425 = tpu.memref_slice %arg26[%mul3A_415, %dma_wait3A_424] : memref<10000x144xf32, #tpu.memory_space<vmem_shared>> -> memref<625x144xf32, #tpu.memory_space<vmem_shared>>
        tpu.wait_dma2 semaphore(%run_scoped3A : memref<!tpu.dma_semaphore, #tpu.memory_space<semaphore_mem>>) src(%dma_wait3A_425 : memref<625x144xf32, #tpu.memory_space<vmem_shared>>) dst(%dma_wait3A_423 : memref<625x144xf32, #tpu.memory_space<hbm>>)
        tpu.yield
      }) : () -> ()
    } else {
    }
    %eq3A_361 = arith.constant 1 : i32
    %eq3A_362 = arith.cmpi eq, %arg0, %eq3A_361 : i32
    %convert_element_type3A_363 = arith.extui %eq3A_362 : i1 to i32
    %cond3A_364 = arith.constant 0 : i32
    %cond3A_365 = arith.cmpi ne, %convert_element_type3A_363, %cond3A_364 : i32
    scf.if %cond3A_365 {
      %scan3A = arith.constant 0 : i32
      %scan3A_366 = arith.constant 0 : i32
      %scan3A_367 = arith.constant 125 : i32
      %scan3A_368 = arith.addi %scan3A_366, %scan3A_367 : i32
      %scan3A_369 = arith.constant 1 : i32
      scf.for %scan3A_418 = %scan3A_366 to %scan3A_368 step %scan3A_369  : i32 {
        %mul3A_419 = arith.constant 625 : i32
        %mul3A_420 = arith.muli %arg1, %mul3A_419 : i32
        %mul3A_421 = arith.constant 5 : i32
        %mul3A_422 = arith.muli %scan3A_418, %mul3A_421 : i32
        %add3A_423 = arith.addi %mul3A_420, %mul3A_422 : i32
        %dma_start3A_424 = arith.constant 0 : i32
        %dma_start3A_425 = tpu.memref_slice %arg26[%add3A_423, %dma_start3A_424] : memref<10000x144xf32, #tpu.memory_space<vmem_shared>> -> memref<5x144xf32, #tpu.memory_space<vmem_shared>>
        %dma_start3A_426 = arith.constant 0 : i32
        %dma_start3A_427 = tpu.memref_slice %arg26[%add3A_423, %dma_start3A_426] : memref<10000x144xf32, #tpu.memory_space<vmem_shared>> -> memref<5x144xf32, #tpu.memory_space<vmem_shared>>
        tpu.enqueue_dma source(%arg24 : memref<5x144xf32, #tpu.memory_space<vmem>>) target(%dma_start3A_427 : memref<5x144xf32, #tpu.memory_space<vmem_shared>>) target_semaphore(%arg29 : memref<!tpu.dma_semaphore, #tpu.memory_space<semaphore_mem>>)
      }
      %scan3A_370 = arith.constant 125 : i32
      %scan3A_371 = arith.constant 0 : i32
      %scan3A_372 = arith.constant 0 : i32
      %scan3A_373 = arith.constant 125 : i32
      %scan3A_374 = arith.addi %scan3A_372, %scan3A_373 : i32
      %scan3A_375 = arith.constant 1 : i32
      scf.for %scan3A_418 = %scan3A_372 to %scan3A_374 step %scan3A_375  : i32 {
        %mul3A_419 = arith.constant 625 : i32
        %mul3A_420 = arith.muli %arg1, %mul3A_419 : i32
        %dma_wait3A_421 = arith.constant 0 : i32
        %dma_wait3A_422 = tpu.memref_slice %arg26[%mul3A_420, %dma_wait3A_421] : memref<10000x144xf32, #tpu.memory_space<vmem_shared>> -> memref<5x144xf32, #tpu.memory_space<vmem_shared>>
        %dma_wait3A_423 = arith.constant 0 : i32
        %dma_wait3A_424 = tpu.memref_slice %arg26[%mul3A_420, %dma_wait3A_423] : memref<10000x144xf32, #tpu.memory_space<vmem_shared>> -> memref<5x144xf32, #tpu.memory_space<vmem_shared>>
        tpu.wait_dma2 semaphore(%arg29 : memref<!tpu.dma_semaphore, #tpu.memory_space<semaphore_mem>>) src(%arg24 : memref<5x144xf32, #tpu.memory_space<vmem>>) dst(%dma_wait3A_424 : memref<5x144xf32, #tpu.memory_space<vmem_shared>>)
      }
      %scan3A_376 = arith.constant 125 : i32
      "tpu.region"() ({
        %run_scoped3A = tpu.sem_alloc : memref<!tpu.dma_semaphore, #tpu.memory_space<semaphore_mem>>
        tpu.enqueue_dma source(%arg11 : memref<16xf32, #tpu.memory_space<hbm>>) target(%arg25 : memref<16xf32, #tpu.memory_space<vmem>>) target_semaphore(%run_scoped3A : memref<!tpu.dma_semaphore, #tpu.memory_space<semaphore_mem>>)
        tpu.wait_dma2 semaphore(%run_scoped3A : memref<!tpu.dma_semaphore, #tpu.memory_space<semaphore_mem>>) src(%arg11 : memref<16xf32, #tpu.memory_space<hbm>>) dst(%arg25 : memref<16xf32, #tpu.memory_space<vmem>>)
        tpu.yield
      }) : () -> ()
      %barrier3A = arith.constant 0 : index
      tpu.barrier barrier_id(%barrier3A)
      %get3A = arith.constant 0 : index
      %get3A_377 = tpu.vector_load %arg25[%get3A] {strides = array<i32>} : memref<16xf32, #tpu.memory_space<vmem>>, vector<16xf32>,
      %get3A_378 = vector.shape_cast %get3A_377 : vector<16xf32> to vector<16xf32>
      %add3A = arith.constant 0 : i32
      %add3A_379 = arith.addi %mul3A_358, %add3A : i32
      "tpu.region"() ({
        %run_scoped3A = tpu.sem_alloc : memref<!tpu.dma_semaphore, #tpu.memory_space<semaphore_mem>>
        %dma_start3A_418 = tpu.memref_slice %arg7[%add3A_379] : memref<161280xi32, #tpu.memory_space<hbm>> -> memref<112xi32, #tpu.memory_space<hbm>>
        %dma_start3A_419 = tpu.memref_slice %arg7[%add3A_379] : memref<161280xi32, #tpu.memory_space<hbm>> -> memref<112xi32, #tpu.memory_space<hbm>>
        tpu.enqueue_dma source(%dma_start3A_419 : memref<112xi32, #tpu.memory_space<hbm>>) target(%arg14 : memref<112xi32, #tpu.memory_space<vmem>>) target_semaphore(%run_scoped3A : memref<!tpu.dma_semaphore, #tpu.memory_space<semaphore_mem>>)
        %dma_wait3A_420 = tpu.memref_slice %arg7[%add3A_379] : memref<161280xi32, #tpu.memory_space<hbm>> -> memref<112xi32, #tpu.memory_space<hbm>>
        %dma_wait3A_421 = tpu.memref_slice %arg7[%add3A_379] : memref<161280xi32, #tpu.memory_space<hbm>> -> memref<112xi32, #tpu.memory_space<hbm>>
        tpu.wait_dma2 semaphore(%run_scoped3A : memref<!tpu.dma_semaphore, #tpu.memory_space<semaphore_mem>>) src(%dma_wait3A_421 : memref<112xi32, #tpu.memory_space<hbm>>) dst(%arg14 : memref<112xi32, #tpu.memory_space<vmem>>)
        tpu.yield
      }) : () -> ()
      %add3A_380 = arith.constant 0 : i32
      %add3A_381 = arith.addi %mul3A_358, %add3A_380 : i32
      "tpu.region"() ({
        %run_scoped3A = tpu.sem_alloc : memref<!tpu.dma_semaphore, #tpu.memory_space<semaphore_mem>>
        %dma_start3A_418 = tpu.memref_slice %arg8[%add3A_381] : memref<161280xi32, #tpu.memory_space<hbm>> -> memref<112xi32, #tpu.memory_space<hbm>>
        %dma_start3A_419 = tpu.memref_slice %arg8[%add3A_381] : memref<161280xi32, #tpu.memory_space<hbm>> -> memref<112xi32, #tpu.memory_space<hbm>>
        tpu.enqueue_dma source(%dma_start3A_419 : memref<112xi32, #tpu.memory_space<hbm>>) target(%arg15 : memref<112xi32, #tpu.memory_space<vmem>>) target_semaphore(%run_scoped3A : memref<!tpu.dma_semaphore, #tpu.memory_space<semaphore_mem>>)
        %dma_wait3A_420 = tpu.memref_slice %arg8[%add3A_381] : memref<161280xi32, #tpu.memory_space<hbm>> -> memref<112xi32, #tpu.memory_space<hbm>>
        %dma_wait3A_421 = tpu.memref_slice %arg8[%add3A_381] : memref<161280xi32, #tpu.memory_space<hbm>> -> memref<112xi32, #tpu.memory_space<hbm>>
        tpu.wait_dma2 semaphore(%run_scoped3A : memref<!tpu.dma_semaphore, #tpu.memory_space<semaphore_mem>>) src(%dma_wait3A_421 : memref<112xi32, #tpu.memory_space<hbm>>) dst(%arg15 : memref<112xi32, #tpu.memory_space<vmem>>)
        tpu.yield
      }) : () -> ()
      %add3A_382 = arith.constant 0 : i32
      %add3A_383 = arith.addi %mul3A_358, %add3A_382 : i32
      %dma_start3A = arith.constant 0 : i32
      %dma_start3A_384 = arith.constant 0 : i32
      %dma_start3A_385 = tpu.memref_slice %arg10[%dma_start3A, %dma_start3A_384] : memref<10000x16xf32, #tpu.memory_space<hbm>> -> memref<10000x16xf32, #tpu.memory_space<hbm>>
      tpu.enqueue_indirect_dma source(%dma_start3A_385 : memref<10000x16xf32, #tpu.memory_space<hbm>>) target(%arg20 : memref<112x16xf32, #tpu.memory_space<vmem>>) offsets(%arg15 : memref<112xi32, #tpu.memory_space<vmem>>) semaphore(%arg29 : memref<!tpu.dma_semaphore, #tpu.memory_space<semaphore_mem>>)
      %dma_start3A_386 = arith.constant 0 : i32
      %dma_start3A_387 = arith.constant 0 : i32
      %dma_start3A_388 = tpu.memref_slice %arg9[%dma_start3A_386, %dma_start3A_387] : memref<10000x144xf32, #tpu.memory_space<hbm>> -> memref<10000x144xf32, #tpu.memory_space<hbm>>
      tpu.enqueue_indirect_dma source(%dma_start3A_388 : memref<10000x144xf32, #tpu.memory_space<hbm>>) target(%arg21 : memref<112x144xf32, #tpu.memory_space<vmem>>) offsets(%arg14 : memref<112xi32, #tpu.memory_space<vmem>>) semaphore(%arg29 : memref<!tpu.dma_semaphore, #tpu.memory_space<semaphore_mem>>)
      %dma_start3A_389 = tpu.memref_slice %arg8[%add3A_383] : memref<161280xi32, #tpu.memory_space<hbm>> -> memref<112xi32, #tpu.memory_space<hbm>>
      %dma_start3A_390 = tpu.memref_slice %arg8[%add3A_383] : memref<161280xi32, #tpu.memory_space<hbm>> -> memref<112xi32, #tpu.memory_space<hbm>>
      tpu.enqueue_dma source(%dma_start3A_390 : memref<112xi32, #tpu.memory_space<hbm>>) target(%arg18 : memref<112xi32, #tpu.memory_space<vmem>>) target_semaphore(%arg29 : memref<!tpu.dma_semaphore, #tpu.memory_space<semaphore_mem>>)
      %add3A_391 = arith.constant 112 : i32
      %add3A_392 = arith.addi %mul3A_358, %add3A_391 : i32
      "tpu.region"() ({
        %run_scoped3A = tpu.sem_alloc : memref<!tpu.dma_semaphore, #tpu.memory_space<semaphore_mem>>
        %dma_start3A_418 = tpu.memref_slice %arg7[%add3A_392] : memref<161280xi32, #tpu.memory_space<hbm>> -> memref<112xi32, #tpu.memory_space<hbm>>
        %dma_start3A_419 = tpu.memref_slice %arg7[%add3A_392] : memref<161280xi32, #tpu.memory_space<hbm>> -> memref<112xi32, #tpu.memory_space<hbm>>
        tpu.enqueue_dma source(%dma_start3A_419 : memref<112xi32, #tpu.memory_space<hbm>>) target(%arg16 : memref<112xi32, #tpu.memory_space<vmem>>) target_semaphore(%run_scoped3A : memref<!tpu.dma_semaphore, #tpu.memory_space<semaphore_mem>>)
        %dma_wait3A_420 = tpu.memref_slice %arg7[%add3A_392] : memref<161280xi32, #tpu.memory_space<hbm>> -> memref<112xi32, #tpu.memory_space<hbm>>
        %dma_wait3A_421 = tpu.memref_slice %arg7[%add3A_392] : memref<161280xi32, #tpu.memory_space<hbm>> -> memref<112xi32, #tpu.memory_space<hbm>>
        tpu.wait_dma2 semaphore(%run_scoped3A : memref<!tpu.dma_semaphore, #tpu.memory_space<semaphore_mem>>) src(%dma_wait3A_421 : memref<112xi32, #tpu.memory_space<hbm>>) dst(%arg16 : memref<112xi32, #tpu.memory_space<vmem>>)
        tpu.yield
      }) : () -> ()
      %add3A_393 = arith.constant 112 : i32
      %add3A_394 = arith.addi %mul3A_358, %add3A_393 : i32
      "tpu.region"() ({
        %run_scoped3A = tpu.sem_alloc : memref<!tpu.dma_semaphore, #tpu.memory_space<semaphore_mem>>
        %dma_start3A_418 = tpu.memref_slice %arg8[%add3A_394] : memref<161280xi32, #tpu.memory_space<hbm>> -> memref<112xi32, #tpu.memory_space<hbm>>
        %dma_start3A_419 = tpu.memref_slice %arg8[%add3A_394] : memref<161280xi32, #tpu.memory_space<hbm>> -> memref<112xi32, #tpu.memory_space<hbm>>
        tpu.enqueue_dma source(%dma_start3A_419 : memref<112xi32, #tpu.memory_space<hbm>>) target(%arg17 : memref<112xi32, #tpu.memory_space<vmem>>) target_semaphore(%run_scoped3A : memref<!tpu.dma_semaphore, #tpu.memory_space<semaphore_mem>>)
        %dma_wait3A_420 = tpu.memref_slice %arg8[%add3A_394] : memref<161280xi32, #tpu.memory_space<hbm>> -> memref<112xi32, #tpu.memory_space<hbm>>
        %dma_wait3A_421 = tpu.memref_slice %arg8[%add3A_394] : memref<161280xi32, #tpu.memory_space<hbm>> -> memref<112xi32, #tpu.memory_space<hbm>>
        tpu.wait_dma2 semaphore(%run_scoped3A : memref<!tpu.dma_semaphore, #tpu.memory_space<semaphore_mem>>) src(%dma_wait3A_421 : memref<112xi32, #tpu.memory_space<hbm>>) dst(%arg17 : memref<112xi32, #tpu.memory_space<vmem>>)
        tpu.yield
      }) : () -> ()
      %add3A_395 = arith.constant 112 : i32
      %add3A_396 = arith.addi %mul3A_358, %add3A_395 : i32
      %dma_start3A_397 = arith.constant 0 : i32
      %dma_start3A_398 = arith.constant 0 : i32
      %dma_start3A_399 = tpu.memref_slice %arg10[%dma_start3A_397, %dma_start3A_398] : memref<10000x16xf32, #tpu.memory_space<hbm>> -> memref<10000x16xf32, #tpu.memory_space<hbm>>
      tpu.enqueue_indirect_dma source(%dma_start3A_399 : memref<10000x16xf32, #tpu.memory_space<hbm>>) target(%arg22 : memref<112x16xf32, #tpu.memory_space<vmem>>) offsets(%arg17 : memref<112xi32, #tpu.memory_space<vmem>>) semaphore(%arg30 : memref<!tpu.dma_semaphore, #tpu.memory_space<semaphore_mem>>)
      %dma_start3A_400 = arith.constant 0 : i32
      %dma_start3A_401 = arith.constant 0 : i32
      %dma_start3A_402 = tpu.memref_slice %arg9[%dma_start3A_400, %dma_start3A_401] : memref<10000x144xf32, #tpu.memory_space<hbm>> -> memref<10000x144xf32, #tpu.memory_space<hbm>>
      tpu.enqueue_indirect_dma source(%dma_start3A_402 : memref<10000x144xf32, #tpu.memory_space<hbm>>) target(%arg23 : memref<112x144xf32, #tpu.memory_space<vmem>>) offsets(%arg16 : memref<112xi32, #tpu.memory_space<vmem>>) semaphore(%arg30 : memref<!tpu.dma_semaphore, #tpu.memory_space<semaphore_mem>>)
      %dma_start3A_403 = tpu.memref_slice %arg8[%add3A_396] : memref<161280xi32, #tpu.memory_space<hbm>> -> memref<112xi32, #tpu.memory_space<hbm>>
      %dma_start3A_404 = tpu.memref_slice %arg8[%add3A_396] : memref<161280xi32, #tpu.memory_space<hbm>> -> memref<112xi32, #tpu.memory_space<hbm>>
      tpu.enqueue_dma source(%dma_start3A_404 : memref<112xi32, #tpu.memory_space<hbm>>) target(%arg19 : memref<112xi32, #tpu.memory_space<vmem>>) target_semaphore(%arg30 : memref<!tpu.dma_semaphore, #tpu.memory_space<semaphore_mem>>)
      %scan3A_405 = arith.constant 0 : i32
      %scan3A_406 = arith.constant 0 : i32
      %scan3A_407 = arith.constant 45 : i32
      %scan3A_408 = arith.addi %scan3A_406, %scan3A_407 : i32
      %scan3A_409 = arith.constant 1 : i32
      scf.for %scan3A_418 = %scan3A_406 to %scan3A_408 step %scan3A_409  : i32 {
        %mul3A_419 = arith.constant 2 : i32
        %mul3A_420 = arith.muli %mul3A_419, %scan3A_418 : i32
        %dma_wait3A_421 = arith.constant 0 : i32
        %dma_wait3A_422 = arith.constant 0 : i32
        %dma_wait3A_423 = tpu.memref_slice %arg10[%dma_wait3A_421, %dma_wait3A_422] : memref<10000x16xf32, #tpu.memory_space<hbm>> -> memref<10000x16xf32, #tpu.memory_space<hbm>>
        tpu.wait_indirect_dma semaphore(%arg29 : memref<!tpu.dma_semaphore, #tpu.memory_space<semaphore_mem>>) src(%dma_wait3A_423 : memref<10000x16xf32, #tpu.memory_space<hbm>>) dst(%arg20 : memref<112x16xf32, #tpu.memory_space<vmem>>)
        %dma_wait3A_424 = arith.constant 0 : i32
        %dma_wait3A_425 = arith.constant 0 : i32
        %dma_wait3A_426 = tpu.memref_slice %arg9[%dma_wait3A_424, %dma_wait3A_425] : memref<10000x144xf32, #tpu.memory_space<hbm>> -> memref<10000x144xf32, #tpu.memory_space<hbm>>
        tpu.wait_indirect_dma semaphore(%arg29 : memref<!tpu.dma_semaphore, #tpu.memory_space<semaphore_mem>>) src(%dma_wait3A_426 : memref<10000x144xf32, #tpu.memory_space<hbm>>) dst(%arg21 : memref<112x144xf32, #tpu.memory_space<vmem>>)
        %dma_wait3A_427 = tpu.memref_slice %arg8[%mul3A_358] : memref<161280xi32, #tpu.memory_space<hbm>> -> memref<112xi32, #tpu.memory_space<hbm>>
        %dma_wait3A_428 = tpu.memref_slice %arg8[%mul3A_358] : memref<161280xi32, #tpu.memory_space<hbm>> -> memref<112xi32, #tpu.memory_space<hbm>>
        tpu.wait_dma2 semaphore(%arg29 : memref<!tpu.dma_semaphore, #tpu.memory_space<semaphore_mem>>) src(%dma_wait3A_428 : memref<112xi32, #tpu.memory_space<hbm>>) dst(%arg18 : memref<112xi32, #tpu.memory_space<vmem>>)
        %lt3A = arith.constant 88 : i32
        %lt3A_429 = arith.cmpi slt, %mul3A_420, %lt3A : i32
        %convert_element_type3A_430 = arith.extui %lt3A_429 : i1 to i32
        %cond3A_431 = arith.constant 0 : i32
        %cond3A_432 = arith.cmpi ne, %convert_element_type3A_430, %cond3A_431 : i32
        scf.if %cond3A_432 {
          %add3A_491 = arith.constant 2 : i32
          %add3A_492 = arith.addi %mul3A_420, %add3A_491 : i32
          %mul3A_493 = arith.constant 112 : i32
          %mul3A_494 = arith.muli %add3A_492, %mul3A_493 : i32
          %add3A_495 = arith.addi %mul3A_358, %mul3A_494 : i32
          %dma_start3A_496 = tpu.memref_slice %arg7[%add3A_495] : memref<161280xi32, #tpu.memory_space<hbm>> -> memref<112xi32, #tpu.memory_space<hbm>>
          %dma_start3A_497 = tpu.memref_slice %arg7[%add3A_495] : memref<161280xi32, #tpu.memory_space<hbm>> -> memref<112xi32, #tpu.memory_space<hbm>>
          tpu.enqueue_dma source(%dma_start3A_497 : memref<112xi32, #tpu.memory_space<hbm>>) target(%arg14 : memref<112xi32, #tpu.memory_space<vmem>>) target_semaphore(%arg27 : memref<!tpu.dma_semaphore, #tpu.memory_space<semaphore_mem>>)
          %dma_start3A_498 = tpu.memref_slice %arg8[%add3A_495] : memref<161280xi32, #tpu.memory_space<hbm>> -> memref<112xi32, #tpu.memory_space<hbm>>
          %dma_start3A_499 = tpu.memref_slice %arg8[%add3A_495] : memref<161280xi32, #tpu.memory_space<hbm>> -> memref<112xi32, #tpu.memory_space<hbm>>
          tpu.enqueue_dma source(%dma_start3A_499 : memref<112xi32, #tpu.memory_space<hbm>>) target(%arg15 : memref<112xi32, #tpu.memory_space<vmem>>) target_semaphore(%arg27 : memref<!tpu.dma_semaphore, #tpu.memory_space<semaphore_mem>>)
        } else {
        }
        %ge3A = arith.constant 1 : i32
        %ge3A_433 = arith.cmpi sge, %mul3A_420, %ge3A : i32
        %convert_element_type3A_434 = arith.extui %ge3A_433 : i1 to i32
        %cond3A_435 = arith.constant 0 : i32
        %cond3A_436 = arith.cmpi ne, %convert_element_type3A_434, %cond3A_435 : i32
        scf.if %cond3A_436 {
          %dma_wait3A_491 = arith.constant 0 : i32
          %dma_wait3A_492 = arith.constant 0 : i32
          %dma_wait3A_493 = tpu.memref_slice %arg26[%dma_wait3A_491, %dma_wait3A_492] : memref<10000x144xf32, #tpu.memory_space<vmem_shared>> -> memref<10000x144xf32, #tpu.memory_space<vmem_shared>>
          tpu.wait_indirect_dma semaphore(%arg31 : memref<!tpu.dma_semaphore, #tpu.memory_space<semaphore_mem>>) src(%arg21 : memref<112x144xf32, #tpu.memory_space<vmem>>) dst(%dma_wait3A_493 : memref<10000x144xf32, #tpu.memory_space<vmem_shared>>)
        } else {
        }
        %ge3A_437 = arith.constant 1 : i32
        %ge3A_438 = arith.cmpi sge, %mul3A_420, %ge3A_437 : i32
        %lt3A_439 = arith.constant 89 : i32
        %lt3A_440 = arith.cmpi slt, %mul3A_420, %lt3A_439 : i32
        %and3A = arith.andi %ge3A_438, %lt3A_440 : i1
        %convert_element_type3A_441 = arith.extui %and3A : i1 to i32
        %cond3A_442 = arith.constant 0 : i32
        %cond3A_443 = arith.cmpi ne, %convert_element_type3A_441, %cond3A_442 : i32
        scf.if %cond3A_443 {
          %dma_wait3A_491 = tpu.memref_slice %arg7[%mul3A_358] : memref<161280xi32, #tpu.memory_space<hbm>> -> memref<112xi32, #tpu.memory_space<hbm>>
          %dma_wait3A_492 = tpu.memref_slice %arg7[%mul3A_358] : memref<161280xi32, #tpu.memory_space<hbm>> -> memref<112xi32, #tpu.memory_space<hbm>>
          tpu.wait_dma2 semaphore(%arg28 : memref<!tpu.dma_semaphore, #tpu.memory_space<semaphore_mem>>) src(%dma_wait3A_492 : memref<112xi32, #tpu.memory_space<hbm>>) dst(%arg16 : memref<112xi32, #tpu.memory_space<vmem>>)
          %dma_wait3A_493 = tpu.memref_slice %arg8[%mul3A_358] : memref<161280xi32, #tpu.memory_space<hbm>> -> memref<112xi32, #tpu.memory_space<hbm>>
          %dma_wait3A_494 = tpu.memref_slice %arg8[%mul3A_358] : memref<161280xi32, #tpu.memory_space<hbm>> -> memref<112xi32, #tpu.memory_space<hbm>>
          tpu.wait_dma2 semaphore(%arg28 : memref<!tpu.dma_semaphore, #tpu.memory_space<semaphore_mem>>) src(%dma_wait3A_494 : memref<112xi32, #tpu.memory_space<hbm>>) dst(%arg17 : memref<112xi32, #tpu.memory_space<vmem>>)
          %add3A_495 = arith.constant 1 : i32
          %add3A_496 = arith.addi %mul3A_420, %add3A_495 : i32
          %mul3A_497 = arith.constant 112 : i32
          %mul3A_498 = arith.muli %add3A_496, %mul3A_497 : i32
          %add3A_499 = arith.addi %mul3A_358, %mul3A_498 : i32
          %dma_start3A_500 = arith.constant 0 : i32
          %dma_start3A_501 = arith.constant 0 : i32
          %dma_start3A_502 = tpu.memref_slice %arg10[%dma_start3A_500, %dma_start3A_501] : memref<10000x16xf32, #tpu.memory_space<hbm>> -> memref<10000x16xf32, #tpu.memory_space<hbm>>
          tpu.enqueue_indirect_dma source(%dma_start3A_502 : memref<10000x16xf32, #tpu.memory_space<hbm>>) target(%arg22 : memref<112x16xf32, #tpu.memory_space<vmem>>) offsets(%arg17 : memref<112xi32, #tpu.memory_space<vmem>>) semaphore(%arg30 : memref<!tpu.dma_semaphore, #tpu.memory_space<semaphore_mem>>)
          %dma_start3A_503 = arith.constant 0 : i32
          %dma_start3A_504 = arith.constant 0 : i32
          %dma_start3A_505 = tpu.memref_slice %arg9[%dma_start3A_503, %dma_start3A_504] : memref<10000x144xf32, #tpu.memory_space<hbm>> -> memref<10000x144xf32, #tpu.memory_space<hbm>>
          tpu.enqueue_indirect_dma source(%dma_start3A_505 : memref<10000x144xf32, #tpu.memory_space<hbm>>) target(%arg23 : memref<112x144xf32, #tpu.memory_space<vmem>>) offsets(%arg16 : memref<112xi32, #tpu.memory_space<vmem>>) semaphore(%arg30 : memref<!tpu.dma_semaphore, #tpu.memory_space<semaphore_mem>>)
          %dma_start3A_506 = tpu.memref_slice %arg8[%add3A_499] : memref<161280xi32, #tpu.memory_space<hbm>> -> memref<112xi32, #tpu.memory_space<hbm>>
          %dma_start3A_507 = tpu.memref_slice %arg8[%add3A_499] : memref<161280xi32, #tpu.memory_space<hbm>> -> memref<112xi32, #tpu.memory_space<hbm>>
          tpu.enqueue_dma source(%dma_start3A_507 : memref<112xi32, #tpu.memory_space<hbm>>) target(%arg19 : memref<112xi32, #tpu.memory_space<vmem>>) target_semaphore(%arg30 : memref<!tpu.dma_semaphore, #tpu.memory_space<semaphore_mem>>)
        } else {
        }
        %mul3A_444 = arith.constant 112 : i32
        %mul3A_445 = arith.muli %mul3A_420, %mul3A_444 : i32
        %add3A_446 = arith.addi %mul3A_358, %mul3A_445 : i32
        %parallel_loop3A = arith.constant 0 : i32
        %parallel_loop3A_447 = arith.constant 112 : i32
        %parallel_loop3A_448 = arith.constant 1 : i32
        scf.for %parallel_loop3A_491 = %parallel_loop3A to %parallel_loop3A_447 step %parallel_loop3A_448  : i32 {
          %parallel_loop3A_492 = arith.index_cast %parallel_loop3A_491 : i32 to index
          %parallel_loop3A_493 = arith.constant 128 : index
          %parallel_loop3A_494 = tpu.vector_load %arg21[%parallel_loop3A_492, %parallel_loop3A_493] {strides = array<i32>} : memref<112x144xf32, #tpu.memory_space<vmem>>, vector<1x16xf32>,
          %parallel_loop3A_495 = vector.shape_cast %parallel_loop3A_494 : vector<1x16xf32> to vector<16xf32>
          %parallel_loop3A_496 = arith.index_cast %parallel_loop3A_491 : i32 to index
          %parallel_loop3A_497 = arith.constant 0 : index
          %parallel_loop3A_498 = tpu.vector_load %arg20[%parallel_loop3A_496, %parallel_loop3A_497] {strides = array<i32>} : memref<112x16xf32, #tpu.memory_space<vmem>>, vector<1x16xf32>,
          %parallel_loop3A_499 = vector.shape_cast %parallel_loop3A_498 : vector<1x16xf32> to vector<16xf32>
          %parallel_loop3A_500 = arith.addf %parallel_loop3A_495, %parallel_loop3A_499 : vector<16xf32>
          %parallel_loop3A_501 = arith.constant 0.000000e+00 : f32
          %parallel_loop3A_502 = vector.broadcast %parallel_loop3A_501 : f32 to vector<16xf32>
          %parallel_loop3A_503 = arith.cmpf oge, %parallel_loop3A_500, %parallel_loop3A_502 : vector<16xf32>
          %parallel_loop3A_504 = arith.constant 2.000000e-01 : f32
          %parallel_loop3A_505 = vector.broadcast %parallel_loop3A_504 : f32 to vector<16xf32>
          %parallel_loop3A_506 = arith.mulf %parallel_loop3A_505, %parallel_loop3A_500 : vector<16xf32>
          %parallel_loop3A_507 = arith.select %parallel_loop3A_503, %parallel_loop3A_500, %parallel_loop3A_506 : vector<16xi1>, vector<16xf32>
          %parallel_loop3A_508 = arith.subf %parallel_loop3A_507, %get3A_378 : vector<16xf32>
          %parallel_loop3A_509 = math.exp %parallel_loop3A_508 : vector<16xf32>
          %parallel_loop3A_510 = arith.addi %add3A_446, %parallel_loop3A_491 : i32
          %parallel_loop3A_511 = arith.constant 160000 : i32
          %parallel_loop3A_512 = arith.cmpi sge, %parallel_loop3A_510, %parallel_loop3A_511 : i32
          %parallel_loop3A_513 = arith.constant 0.000000e+00 : f32
          %parallel_loop3A_514 = vector.broadcast %parallel_loop3A_513 : f32 to vector<16xf32>
          %parallel_loop3A_515 = arith.select %parallel_loop3A_512, %parallel_loop3A_514, %parallel_loop3A_509 : vector<16xf32>
          %parallel_loop3A_516 = arith.index_cast %parallel_loop3A_491 : i32 to index
          %parallel_loop3A_517 = arith.constant 128 : index
          %parallel_loop3A_518 = tpu.vector_load %arg21[%parallel_loop3A_516, %parallel_loop3A_517] {strides = array<i32>} : memref<112x144xf32, #tpu.memory_space<vmem>>, vector<1x16xf32>,
          %parallel_loop3A_519 = vector.shape_cast %parallel_loop3A_518 : vector<1x16xf32> to vector<16xf32>
          %parallel_loop3A_520 = vector.shape_cast %parallel_loop3A_515 : vector<16xf32> to vector<1x16xf32>
          tpu.vector_store %arg21[%parallel_loop3A_516, %parallel_loop3A_517], %parallel_loop3A_520 {strides = array<i32>} : memref<112x144xf32, #tpu.memory_space<vmem>>, vector<1x16xf32>,
          %parallel_loop3A_521 = arith.constant 0 : i32
          %parallel_loop3A_522 = vector.broadcast %parallel_loop3A_521 : i32 to vector<16xi32>
          %parallel_loop3A_523 = arith.constant 0 : i32
          %parallel_loop3A_524 = vector.broadcast %parallel_loop3A_523 : i32 to vector<16xi32>
          %parallel_loop3A_525 = arith.cmpi slt, %parallel_loop3A_522, %parallel_loop3A_524 : vector<16xi32>
          %parallel_loop3A_526 = arith.constant 16 : i32
          %parallel_loop3A_527 = vector.broadcast %parallel_loop3A_526 : i32 to vector<16xi32>
          %parallel_loop3A_528 = arith.addi %parallel_loop3A_522, %parallel_loop3A_527 : vector<16xi32>
          %parallel_loop3A_529 = arith.select %parallel_loop3A_525, %parallel_loop3A_528, %parallel_loop3A_522 : vector<16xi1>, vector<16xi32>
          %parallel_loop3A_530 = vector.shape_cast %parallel_loop3A_529 : vector<16xi32> to vector<16x1xi32>
          %parallel_loop3A_531 = vector.shape_cast %parallel_loop3A_530 : vector<16x1xi32> to vector<16xi32>
          %parallel_loop3A_532 = tpu.dynamic_gather %parallel_loop3A_515[%parallel_loop3A_531] in [0] : vector<16xf32>, vector<16xi32> -> vector<16xf32>
          %parallel_loop3A_533 = arith.index_cast %parallel_loop3A_491 : i32 to index
          %parallel_loop3A_534 = arith.constant 0 : index
          %parallel_loop3A_535 = tpu.vector_load %arg21[%parallel_loop3A_533, %parallel_loop3A_534] {strides = array<i32>} : memref<112x144xf32, #tpu.memory_space<vmem>>, vector<1x16xf32>,
          %parallel_loop3A_536 = vector.shape_cast %parallel_loop3A_535 : vector<1x16xf32> to vector<16xf32>
          %parallel_loop3A_537 = arith.mulf %parallel_loop3A_536, %parallel_loop3A_532 : vector<16xf32>
          %parallel_loop3A_538 = arith.index_cast %parallel_loop3A_491 : i32 to index
          %parallel_loop3A_539 = arith.constant 0 : index
          %parallel_loop3A_540 = tpu.vector_load %arg21[%parallel_loop3A_538, %parallel_loop3A_539] {strides = array<i32>} : memref<112x144xf32, #tpu.memory_space<vmem>>, vector<1x16xf32>,
          %parallel_loop3A_541 = vector.shape_cast %parallel_loop3A_540 : vector<1x16xf32> to vector<16xf32>
          %parallel_loop3A_542 = vector.shape_cast %parallel_loop3A_537 : vector<16xf32> to vector<1x16xf32>
          tpu.vector_store %arg21[%parallel_loop3A_538, %parallel_loop3A_539], %parallel_loop3A_542 {strides = array<i32>} : memref<112x144xf32, #tpu.memory_space<vmem>>, vector<1x16xf32>,
          %parallel_loop3A_543 = arith.constant 1 : i32
          %parallel_loop3A_544 = vector.broadcast %parallel_loop3A_543 : i32 to vector<16xi32>
          %parallel_loop3A_545 = arith.constant 0 : i32
          %parallel_loop3A_546 = vector.broadcast %parallel_loop3A_545 : i32 to vector<16xi32>
          %parallel_loop3A_547 = arith.cmpi slt, %parallel_loop3A_544, %parallel_loop3A_546 : vector<16xi32>
          %parallel_loop3A_548 = arith.constant 16 : i32
          %parallel_loop3A_549 = vector.broadcast %parallel_loop3A_548 : i32 to vector<16xi32>
          %parallel_loop3A_550 = arith.addi %parallel_loop3A_544, %parallel_loop3A_549 : vector<16xi32>
          %parallel_loop3A_551 = arith.select %parallel_loop3A_547, %parallel_loop3A_550, %parallel_loop3A_544 : vector<16xi1>, vector<16xi32>
          %parallel_loop3A_552 = vector.shape_cast %parallel_loop3A_551 : vector<16xi32> to vector<16x1xi32>
          %parallel_loop3A_553 = vector.shape_cast %parallel_loop3A_552 : vector<16x1xi32> to vector<16xi32>
          %parallel_loop3A_554 = tpu.dynamic_gather %parallel_loop3A_515[%parallel_loop3A_553] in [0] : vector<16xf32>, vector<16xi32> -> vector<16xf32>
          %parallel_loop3A_555 = arith.index_cast %parallel_loop3A_491 : i32 to index
          %parallel_loop3A_556 = arith.constant 16 : index
          %parallel_loop3A_557 = tpu.vector_load %arg21[%parallel_loop3A_555, %parallel_loop3A_556] {strides = array<i32>} : memref<112x144xf32, #tpu.memory_space<vmem>>, vector<1x16xf32>,
          %parallel_loop3A_558 = vector.shape_cast %parallel_loop3A_557 : vector<1x16xf32> to vector<16xf32>
          %parallel_loop3A_559 = arith.mulf %parallel_loop3A_558, %parallel_loop3A_554 : vector<16xf32>
          %parallel_loop3A_560 = arith.index_cast %parallel_loop3A_491 : i32 to index
          %parallel_loop3A_561 = arith.constant 16 : index
          %parallel_loop3A_562 = tpu.vector_load %arg21[%parallel_loop3A_560, %parallel_loop3A_561] {strides = array<i32>} : memref<112x144xf32, #tpu.memory_space<vmem>>, vector<1x16xf32>,
          %parallel_loop3A_563 = vector.shape_cast %parallel_loop3A_562 : vector<1x16xf32> to vector<16xf32>
          %parallel_loop3A_564 = vector.shape_cast %parallel_loop3A_559 : vector<16xf32> to vector<1x16xf32>
          tpu.vector_store %arg21[%parallel_loop3A_560, %parallel_loop3A_561], %parallel_loop3A_564 {strides = array<i32>} : memref<112x144xf32, #tpu.memory_space<vmem>>, vector<1x16xf32>,
          %parallel_loop3A_565 = arith.constant 2 : i32
          %parallel_loop3A_566 = vector.broadcast %parallel_loop3A_565 : i32 to vector<16xi32>
          %parallel_loop3A_567 = arith.constant 0 : i32
          %parallel_loop3A_568 = vector.broadcast %parallel_loop3A_567 : i32 to vector<16xi32>
          %parallel_loop3A_569 = arith.cmpi slt, %parallel_loop3A_566, %parallel_loop3A_568 : vector<16xi32>
          %parallel_loop3A_570 = arith.constant 16 : i32
          %parallel_loop3A_571 = vector.broadcast %parallel_loop3A_570 : i32 to vector<16xi32>
          %parallel_loop3A_572 = arith.addi %parallel_loop3A_566, %parallel_loop3A_571 : vector<16xi32>
          %parallel_loop3A_573 = arith.select %parallel_loop3A_569, %parallel_loop3A_572, %parallel_loop3A_566 : vector<16xi1>, vector<16xi32>
          %parallel_loop3A_574 = vector.shape_cast %parallel_loop3A_573 : vector<16xi32> to vector<16x1xi32>
          %parallel_loop3A_575 = vector.shape_cast %parallel_loop3A_574 : vector<16x1xi32> to vector<16xi32>
          %parallel_loop3A_576 = tpu.dynamic_gather %parallel_loop3A_515[%parallel_loop3A_575] in [0] : vector<16xf32>, vector<16xi32> -> vector<16xf32>
          %parallel_loop3A_577 = arith.index_cast %parallel_loop3A_491 : i32 to index
          %parallel_loop3A_578 = arith.constant 32 : index
          %parallel_loop3A_579 = tpu.vector_load %arg21[%parallel_loop3A_577, %parallel_loop3A_578] {strides = array<i32>} : memref<112x144xf32, #tpu.memory_space<vmem>>, vector<1x16xf32>,
          %parallel_loop3A_580 = vector.shape_cast %parallel_loop3A_579 : vector<1x16xf32> to vector<16xf32>
          %parallel_loop3A_581 = arith.mulf %parallel_loop3A_580, %parallel_loop3A_576 : vector<16xf32>
          %parallel_loop3A_582 = arith.index_cast %parallel_loop3A_491 : i32 to index
          %parallel_loop3A_583 = arith.constant 32 : index
          %parallel_loop3A_584 = tpu.vector_load %arg21[%parallel_loop3A_582, %parallel_loop3A_583] {strides = array<i32>} : memref<112x144xf32, #tpu.memory_space<vmem>>, vector<1x16xf32>,
          %parallel_loop3A_585 = vector.shape_cast %parallel_loop3A_584 : vector<1x16xf32> to vector<16xf32>
          %parallel_loop3A_586 = vector.shape_cast %parallel_loop3A_581 : vector<16xf32> to vector<1x16xf32>
          tpu.vector_store %arg21[%parallel_loop3A_582, %parallel_loop3A_583], %parallel_loop3A_586 {strides = array<i32>} : memref<112x144xf32, #tpu.memory_space<vmem>>, vector<1x16xf32>,
          %parallel_loop3A_587 = arith.constant 3 : i32
          %parallel_loop3A_588 = vector.broadcast %parallel_loop3A_587 : i32 to vector<16xi32>
          %parallel_loop3A_589 = arith.constant 0 : i32
          %parallel_loop3A_590 = vector.broadcast %parallel_loop3A_589 : i32 to vector<16xi32>
          %parallel_loop3A_591 = arith.cmpi slt, %parallel_loop3A_588, %parallel_loop3A_590 : vector<16xi32>
          %parallel_loop3A_592 = arith.constant 16 : i32
          %parallel_loop3A_593 = vector.broadcast %parallel_loop3A_592 : i32 to vector<16xi32>
          %parallel_loop3A_594 = arith.addi %parallel_loop3A_588, %parallel_loop3A_593 : vector<16xi32>
          %parallel_loop3A_595 = arith.select %parallel_loop3A_591, %parallel_loop3A_594, %parallel_loop3A_588 : vector<16xi1>, vector<16xi32>
          %parallel_loop3A_596 = vector.shape_cast %parallel_loop3A_595 : vector<16xi32> to vector<16x1xi32>
          %parallel_loop3A_597 = vector.shape_cast %parallel_loop3A_596 : vector<16x1xi32> to vector<16xi32>
          %parallel_loop3A_598 = tpu.dynamic_gather %parallel_loop3A_515[%parallel_loop3A_597] in [0] : vector<16xf32>, vector<16xi32> -> vector<16xf32>
          %parallel_loop3A_599 = arith.index_cast %parallel_loop3A_491 : i32 to index
          %parallel_loop3A_600 = arith.constant 48 : index
          %parallel_loop3A_601 = tpu.vector_load %arg21[%parallel_loop3A_599, %parallel_loop3A_600] {strides = array<i32>} : memref<112x144xf32, #tpu.memory_space<vmem>>, vector<1x16xf32>,
          %parallel_loop3A_602 = vector.shape_cast %parallel_loop3A_601 : vector<1x16xf32> to vector<16xf32>
          %parallel_loop3A_603 = arith.mulf %parallel_loop3A_602, %parallel_loop3A_598 : vector<16xf32>
          %parallel_loop3A_604 = arith.index_cast %parallel_loop3A_491 : i32 to index
          %parallel_loop3A_605 = arith.constant 48 : index
          %parallel_loop3A_606 = tpu.vector_load %arg21[%parallel_loop3A_604, %parallel_loop3A_605] {strides = array<i32>} : memref<112x144xf32, #tpu.memory_space<vmem>>, vector<1x16xf32>,
          %parallel_loop3A_607 = vector.shape_cast %parallel_loop3A_606 : vector<1x16xf32> to vector<16xf32>
          %parallel_loop3A_608 = vector.shape_cast %parallel_loop3A_603 : vector<16xf32> to vector<1x16xf32>
          tpu.vector_store %arg21[%parallel_loop3A_604, %parallel_loop3A_605], %parallel_loop3A_608 {strides = array<i32>} : memref<112x144xf32, #tpu.memory_space<vmem>>, vector<1x16xf32>,
          %parallel_loop3A_609 = arith.constant 4 : i32
          %parallel_loop3A_610 = vector.broadcast %parallel_loop3A_609 : i32 to vector<16xi32>
          %parallel_loop3A_611 = arith.constant 0 : i32
          %parallel_loop3A_612 = vector.broadcast %parallel_loop3A_611 : i32 to vector<16xi32>
          %parallel_loop3A_613 = arith.cmpi slt, %parallel_loop3A_610, %parallel_loop3A_612 : vector<16xi32>
          %parallel_loop3A_614 = arith.constant 16 : i32
          %parallel_loop3A_615 = vector.broadcast %parallel_loop3A_614 : i32 to vector<16xi32>
          %parallel_loop3A_616 = arith.addi %parallel_loop3A_610, %parallel_loop3A_615 : vector<16xi32>
          %parallel_loop3A_617 = arith.select %parallel_loop3A_613, %parallel_loop3A_616, %parallel_loop3A_610 : vector<16xi1>, vector<16xi32>
          %parallel_loop3A_618 = vector.shape_cast %parallel_loop3A_617 : vector<16xi32> to vector<16x1xi32>
          %parallel_loop3A_619 = vector.shape_cast %parallel_loop3A_618 : vector<16x1xi32> to vector<16xi32>
          %parallel_loop3A_620 = tpu.dynamic_gather %parallel_loop3A_515[%parallel_loop3A_619] in [0] : vector<16xf32>, vector<16xi32> -> vector<16xf32>
          %parallel_loop3A_621 = arith.index_cast %parallel_loop3A_491 : i32 to index
          %parallel_loop3A_622 = arith.constant 64 : index
          %parallel_loop3A_623 = tpu.vector_load %arg21[%parallel_loop3A_621, %parallel_loop3A_622] {strides = array<i32>} : memref<112x144xf32, #tpu.memory_space<vmem>>, vector<1x16xf32>,
          %parallel_loop3A_624 = vector.shape_cast %parallel_loop3A_623 : vector<1x16xf32> to vector<16xf32>
          %parallel_loop3A_625 = arith.mulf %parallel_loop3A_624, %parallel_loop3A_620 : vector<16xf32>
          %parallel_loop3A_626 = arith.index_cast %parallel_loop3A_491 : i32 to index
          %parallel_loop3A_627 = arith.constant 64 : index
          %parallel_loop3A_628 = tpu.vector_load %arg21[%parallel_loop3A_626, %parallel_loop3A_627] {strides = array<i32>} : memref<112x144xf32, #tpu.memory_space<vmem>>, vector<1x16xf32>,
          %parallel_loop3A_629 = vector.shape_cast %parallel_loop3A_628 : vector<1x16xf32> to vector<16xf32>
          %parallel_loop3A_630 = vector.shape_cast %parallel_loop3A_625 : vector<16xf32> to vector<1x16xf32>
          tpu.vector_store %arg21[%parallel_loop3A_626, %parallel_loop3A_627], %parallel_loop3A_630 {strides = array<i32>} : memref<112x144xf32, #tpu.memory_space<vmem>>, vector<1x16xf32>,
          %parallel_loop3A_631 = arith.constant 5 : i32
          %parallel_loop3A_632 = vector.broadcast %parallel_loop3A_631 : i32 to vector<16xi32>
          %parallel_loop3A_633 = arith.constant 0 : i32
          %parallel_loop3A_634 = vector.broadcast %parallel_loop3A_633 : i32 to vector<16xi32>
          %parallel_loop3A_635 = arith.cmpi slt, %parallel_loop3A_632, %parallel_loop3A_634 : vector<16xi32>
          %parallel_loop3A_636 = arith.constant 16 : i32
          %parallel_loop3A_637 = vector.broadcast %parallel_loop3A_636 : i32 to vector<16xi32>
          %parallel_loop3A_638 = arith.addi %parallel_loop3A_632, %parallel_loop3A_637 : vector<16xi32>
          %parallel_loop3A_639 = arith.select %parallel_loop3A_635, %parallel_loop3A_638, %parallel_loop3A_632 : vector<16xi1>, vector<16xi32>
          %parallel_loop3A_640 = vector.shape_cast %parallel_loop3A_639 : vector<16xi32> to vector<16x1xi32>
          %parallel_loop3A_641 = vector.shape_cast %parallel_loop3A_640 : vector<16x1xi32> to vector<16xi32>
          %parallel_loop3A_642 = tpu.dynamic_gather %parallel_loop3A_515[%parallel_loop3A_641] in [0] : vector<16xf32>, vector<16xi32> -> vector<16xf32>
          %parallel_loop3A_643 = arith.index_cast %parallel_loop3A_491 : i32 to index
          %parallel_loop3A_644 = arith.constant 80 : index
          %parallel_loop3A_645 = tpu.vector_load %arg21[%parallel_loop3A_643, %parallel_loop3A_644] {strides = array<i32>} : memref<112x144xf32, #tpu.memory_space<vmem>>, vector<1x16xf32>,
          %parallel_loop3A_646 = vector.shape_cast %parallel_loop3A_645 : vector<1x16xf32> to vector<16xf32>
          %parallel_loop3A_647 = arith.mulf %parallel_loop3A_646, %parallel_loop3A_642 : vector<16xf32>
          %parallel_loop3A_648 = arith.index_cast %parallel_loop3A_491 : i32 to index
          %parallel_loop3A_649 = arith.constant 80 : index
          %parallel_loop3A_650 = tpu.vector_load %arg21[%parallel_loop3A_648, %parallel_loop3A_649] {strides = array<i32>} : memref<112x144xf32, #tpu.memory_space<vmem>>, vector<1x16xf32>,
          %parallel_loop3A_651 = vector.shape_cast %parallel_loop3A_650 : vector<1x16xf32> to vector<16xf32>
          %parallel_loop3A_652 = vector.shape_cast %parallel_loop3A_647 : vector<16xf32> to vector<1x16xf32>
          tpu.vector_store %arg21[%parallel_loop3A_648, %parallel_loop3A_649], %parallel_loop3A_652 {strides = array<i32>} : memref<112x144xf32, #tpu.memory_space<vmem>>, vector<1x16xf32>,
          %parallel_loop3A_653 = arith.constant 6 : i32
          %parallel_loop3A_654 = vector.broadcast %parallel_loop3A_653 : i32 to vector<16xi32>
          %parallel_loop3A_655 = arith.constant 0 : i32
          %parallel_loop3A_656 = vector.broadcast %parallel_loop3A_655 : i32 to vector<16xi32>
          %parallel_loop3A_657 = arith.cmpi slt, %parallel_loop3A_654, %parallel_loop3A_656 : vector<16xi32>
          %parallel_loop3A_658 = arith.constant 16 : i32
          %parallel_loop3A_659 = vector.broadcast %parallel_loop3A_658 : i32 to vector<16xi32>
          %parallel_loop3A_660 = arith.addi %parallel_loop3A_654, %parallel_loop3A_659 : vector<16xi32>
          %parallel_loop3A_661 = arith.select %parallel_loop3A_657, %parallel_loop3A_660, %parallel_loop3A_654 : vector<16xi1>, vector<16xi32>
          %parallel_loop3A_662 = vector.shape_cast %parallel_loop3A_661 : vector<16xi32> to vector<16x1xi32>
          %parallel_loop3A_663 = vector.shape_cast %parallel_loop3A_662 : vector<16x1xi32> to vector<16xi32>
          %parallel_loop3A_664 = tpu.dynamic_gather %parallel_loop3A_515[%parallel_loop3A_663] in [0] : vector<16xf32>, vector<16xi32> -> vector<16xf32>
          %parallel_loop3A_665 = arith.index_cast %parallel_loop3A_491 : i32 to index
          %parallel_loop3A_666 = arith.constant 96 : index
          %parallel_loop3A_667 = tpu.vector_load %arg21[%parallel_loop3A_665, %parallel_loop3A_666] {strides = array<i32>} : memref<112x144xf32, #tpu.memory_space<vmem>>, vector<1x16xf32>,
          %parallel_loop3A_668 = vector.shape_cast %parallel_loop3A_667 : vector<1x16xf32> to vector<16xf32>
          %parallel_loop3A_669 = arith.mulf %parallel_loop3A_668, %parallel_loop3A_664 : vector<16xf32>
          %parallel_loop3A_670 = arith.index_cast %parallel_loop3A_491 : i32 to index
          %parallel_loop3A_671 = arith.constant 96 : index
          %parallel_loop3A_672 = tpu.vector_load %arg21[%parallel_loop3A_670, %parallel_loop3A_671] {strides = array<i32>} : memref<112x144xf32, #tpu.memory_space<vmem>>, vector<1x16xf32>,
          %parallel_loop3A_673 = vector.shape_cast %parallel_loop3A_672 : vector<1x16xf32> to vector<16xf32>
          %parallel_loop3A_674 = vector.shape_cast %parallel_loop3A_669 : vector<16xf32> to vector<1x16xf32>
          tpu.vector_store %arg21[%parallel_loop3A_670, %parallel_loop3A_671], %parallel_loop3A_674 {strides = array<i32>} : memref<112x144xf32, #tpu.memory_space<vmem>>, vector<1x16xf32>,
          %parallel_loop3A_675 = arith.constant 7 : i32
          %parallel_loop3A_676 = vector.broadcast %parallel_loop3A_675 : i32 to vector<16xi32>
          %parallel_loop3A_677 = arith.constant 0 : i32
          %parallel_loop3A_678 = vector.broadcast %parallel_loop3A_677 : i32 to vector<16xi32>
          %parallel_loop3A_679 = arith.cmpi slt, %parallel_loop3A_676, %parallel_loop3A_678 : vector<16xi32>
          %parallel_loop3A_680 = arith.constant 16 : i32
          %parallel_loop3A_681 = vector.broadcast %parallel_loop3A_680 : i32 to vector<16xi32>
          %parallel_loop3A_682 = arith.addi %parallel_loop3A_676, %parallel_loop3A_681 : vector<16xi32>
          %parallel_loop3A_683 = arith.select %parallel_loop3A_679, %parallel_loop3A_682, %parallel_loop3A_676 : vector<16xi1>, vector<16xi32>
          %parallel_loop3A_684 = vector.shape_cast %parallel_loop3A_683 : vector<16xi32> to vector<16x1xi32>
          %parallel_loop3A_685 = vector.shape_cast %parallel_loop3A_684 : vector<16x1xi32> to vector<16xi32>
          %parallel_loop3A_686 = tpu.dynamic_gather %parallel_loop3A_515[%parallel_loop3A_685] in [0] : vector<16xf32>, vector<16xi32> -> vector<16xf32>
          %parallel_loop3A_687 = arith.index_cast %parallel_loop3A_491 : i32 to index
          %parallel_loop3A_688 = arith.constant 112 : index
          %parallel_loop3A_689 = tpu.vector_load %arg21[%parallel_loop3A_687, %parallel_loop3A_688] {strides = array<i32>} : memref<112x144xf32, #tpu.memory_space<vmem>>, vector<1x16xf32>,
          %parallel_loop3A_690 = vector.shape_cast %parallel_loop3A_689 : vector<1x16xf32> to vector<16xf32>
          %parallel_loop3A_691 = arith.mulf %parallel_loop3A_690, %parallel_loop3A_686 : vector<16xf32>
          %parallel_loop3A_692 = arith.index_cast %parallel_loop3A_491 : i32 to index
          %parallel_loop3A_693 = arith.constant 112 : index
          %parallel_loop3A_694 = tpu.vector_load %arg21[%parallel_loop3A_692, %parallel_loop3A_693] {strides = array<i32>} : memref<112x144xf32, #tpu.memory_space<vmem>>, vector<1x16xf32>,
          %parallel_loop3A_695 = vector.shape_cast %parallel_loop3A_694 : vector<1x16xf32> to vector<16xf32>
          %parallel_loop3A_696 = vector.shape_cast %parallel_loop3A_691 : vector<16xf32> to vector<1x16xf32>
          tpu.vector_store %arg21[%parallel_loop3A_692, %parallel_loop3A_693], %parallel_loop3A_696 {strides = array<i32>} : memref<112x144xf32, #tpu.memory_space<vmem>>, vector<1x16xf32>,
        } {sc.loop_unroll_factor = 4 : i64, sc.parallel_access}
        %dma_start3A_449 = arith.constant 0 : i32
        %dma_start3A_450 = arith.constant 0 : i32
        %dma_start3A_451 = tpu.memref_slice %arg26[%dma_start3A_449, %dma_start3A_450] : memref<10000x144xf32, #tpu.memory_space<vmem_shared>> -> memref<10000x144xf32, #tpu.memory_space<vmem_shared>>
        tpu.enqueue_indirect_dma source(%arg21 : memref<112x144xf32, #tpu.memory_space<vmem>>) target(%dma_start3A_451 : memref<10000x144xf32, #tpu.memory_space<vmem_shared>>) offsets(%arg18 : memref<112xi32, #tpu.memory_space<vmem>>) semaphore(%arg31 : memref<!tpu.dma_semaphore, #tpu.memory_space<semaphore_mem>>) {add = true}
        %mul3A_452 = arith.constant 2 : i32
        %mul3A_453 = arith.muli %mul3A_452, %scan3A_418 : i32
        %add3A_454 = arith.constant 1 : i32
        %add3A_455 = arith.addi %mul3A_453, %add3A_454 : i32
        %dma_wait3A_456 = arith.constant 0 : i32
        %dma_wait3A_457 = arith.constant 0 : i32
        %dma_wait3A_458 = tpu.memref_slice %arg10[%dma_wait3A_456, %dma_wait3A_457] : memref<10000x16xf32, #tpu.memory_space<hbm>> -> memref<10000x16xf32, #tpu.memory_space<hbm>>
        tpu.wait_indirect_dma semaphore(%arg30 : memref<!tpu.dma_semaphore, #tpu.memory_space<semaphore_mem>>) src(%dma_wait3A_458 : memref<10000x16xf32, #tpu.memory_space<hbm>>) dst(%arg22 : memref<112x16xf32, #tpu.memory_space<vmem>>)
        %dma_wait3A_459 = arith.constant 0 : i32
        %dma_wait3A_460 = arith.constant 0 : i32
        %dma_wait3A_461 = tpu.memref_slice %arg9[%dma_wait3A_459, %dma_wait3A_460] : memref<10000x144xf32, #tpu.memory_space<hbm>> -> memref<10000x144xf32, #tpu.memory_space<hbm>>
        tpu.wait_indirect_dma semaphore(%arg30 : memref<!tpu.dma_semaphore, #tpu.memory_space<semaphore_mem>>) src(%dma_wait3A_461 : memref<10000x144xf32, #tpu.memory_space<hbm>>) dst(%arg23 : memref<112x144xf32, #tpu.memory_space<vmem>>)
        %dma_wait3A_462 = tpu.memref_slice %arg8[%mul3A_358] : memref<161280xi32, #tpu.memory_space<hbm>> -> memref<112xi32, #tpu.memory_space<hbm>>
        %dma_wait3A_463 = tpu.memref_slice %arg8[%mul3A_358] : memref<161280xi32, #tpu.memory_space<hbm>> -> memref<112xi32, #tpu.memory_space<hbm>>
        tpu.wait_dma2 semaphore(%arg30 : memref<!tpu.dma_semaphore, #tpu.memory_space<semaphore_mem>>) src(%dma_wait3A_463 : memref<112xi32, #tpu.memory_space<hbm>>) dst(%arg19 : memref<112xi32, #tpu.memory_space<vmem>>)
        %lt3A_464 = arith.constant 88 : i32
        %lt3A_465 = arith.cmpi slt, %add3A_455, %lt3A_464 : i32
        %convert_element_type3A_466 = arith.extui %lt3A_465 : i1 to i32
        %cond3A_467 = arith.constant 0 : i32
        %cond3A_468 = arith.cmpi ne, %convert_element_type3A_466, %cond3A_467 : i32
        scf.if %cond3A_468 {
          %add3A_491 = arith.constant 2 : i32
          %add3A_492 = arith.addi %add3A_455, %add3A_491 : i32
          %mul3A_493 = arith.constant 112 : i32
          %mul3A_494 = arith.muli %add3A_492, %mul3A_493 : i32
          %add3A_495 = arith.addi %mul3A_358, %mul3A_494 : i32
          %dma_start3A_496 = tpu.memref_slice %arg7[%add3A_495] : memref<161280xi32, #tpu.memory_space<hbm>> -> memref<112xi32, #tpu.memory_space<hbm>>
          %dma_start3A_497 = tpu.memref_slice %arg7[%add3A_495] : memref<161280xi32, #tpu.memory_space<hbm>> -> memref<112xi32, #tpu.memory_space<hbm>>
          tpu.enqueue_dma source(%dma_start3A_497 : memref<112xi32, #tpu.memory_space<hbm>>) target(%arg16 : memref<112xi32, #tpu.memory_space<vmem>>) target_semaphore(%arg28 : memref<!tpu.dma_semaphore, #tpu.memory_space<semaphore_mem>>)
          %dma_start3A_498 = tpu.memref_slice %arg8[%add3A_495] : memref<161280xi32, #tpu.memory_space<hbm>> -> memref<112xi32, #tpu.memory_space<hbm>>
          %dma_start3A_499 = tpu.memref_slice %arg8[%add3A_495] : memref<161280xi32, #tpu.memory_space<hbm>> -> memref<112xi32, #tpu.memory_space<hbm>>
          tpu.enqueue_dma source(%dma_start3A_499 : memref<112xi32, #tpu.memory_space<hbm>>) target(%arg17 : memref<112xi32, #tpu.memory_space<vmem>>) target_semaphore(%arg28 : memref<!tpu.dma_semaphore, #tpu.memory_space<semaphore_mem>>)
        } else {
        }
        %ge3A_469 = arith.constant 1 : i32
        %ge3A_470 = arith.cmpi sge, %add3A_455, %ge3A_469 : i32
        %convert_element_type3A_471 = arith.extui %ge3A_470 : i1 to i32
        %cond3A_472 = arith.constant 0 : i32
        %cond3A_473 = arith.cmpi ne, %convert_element_type3A_471, %cond3A_472 : i32
        scf.if %cond3A_473 {
          %dma_wait3A_491 = arith.constant 0 : i32
          %dma_wait3A_492 = arith.constant 0 : i32
          %dma_wait3A_493 = tpu.memref_slice %arg26[%dma_wait3A_491, %dma_wait3A_492] : memref<10000x144xf32, #tpu.memory_space<vmem_shared>> -> memref<10000x144xf32, #tpu.memory_space<vmem_shared>>
          tpu.wait_indirect_dma semaphore(%arg31 : memref<!tpu.dma_semaphore, #tpu.memory_space<semaphore_mem>>) src(%arg23 : memref<112x144xf32, #tpu.memory_space<vmem>>) dst(%dma_wait3A_493 : memref<10000x144xf32, #tpu.memory_space<vmem_shared>>)
        } else {
        }
        %ge3A_474 = arith.constant 1 : i32
        %ge3A_475 = arith.cmpi sge, %add3A_455, %ge3A_474 : i32
        %lt3A_476 = arith.constant 89 : i32
        %lt3A_477 = arith.cmpi slt, %add3A_455, %lt3A_476 : i32
        %and3A_478 = arith.andi %ge3A_475, %lt3A_477 : i1
        %convert_element_type3A_479 = arith.extui %and3A_478 : i1 to i32
        %cond3A_480 = arith.constant 0 : i32
        %cond3A_481 = arith.cmpi ne, %convert_element_type3A_479, %cond3A_480 : i32
        scf.if %cond3A_481 {
          %dma_wait3A_491 = tpu.memref_slice %arg7[%mul3A_358] : memref<161280xi32, #tpu.memory_space<hbm>> -> memref<112xi32, #tpu.memory_space<hbm>>
          %dma_wait3A_492 = tpu.memref_slice %arg7[%mul3A_358] : memref<161280xi32, #tpu.memory_space<hbm>> -> memref<112xi32, #tpu.memory_space<hbm>>
          tpu.wait_dma2 semaphore(%arg27 : memref<!tpu.dma_semaphore, #tpu.memory_space<semaphore_mem>>) src(%dma_wait3A_492 : memref<112xi32, #tpu.memory_space<hbm>>) dst(%arg14 : memref<112xi32, #tpu.memory_space<vmem>>)
          %dma_wait3A_493 = tpu.memref_slice %arg8[%mul3A_358] : memref<161280xi32, #tpu.memory_space<hbm>> -> memref<112xi32, #tpu.memory_space<hbm>>
          %dma_wait3A_494 = tpu.memref_slice %arg8[%mul3A_358] : memref<161280xi32, #tpu.memory_space<hbm>> -> memref<112xi32, #tpu.memory_space<hbm>>
          tpu.wait_dma2 semaphore(%arg27 : memref<!tpu.dma_semaphore, #tpu.memory_space<semaphore_mem>>) src(%dma_wait3A_494 : memref<112xi32, #tpu.memory_space<hbm>>) dst(%arg15 : memref<112xi32, #tpu.memory_space<vmem>>)
          %add3A_495 = arith.constant 1 : i32
          %add3A_496 = arith.addi %add3A_455, %add3A_495 : i32
          %mul3A_497 = arith.constant 112 : i32
          %mul3A_498 = arith.muli %add3A_496, %mul3A_497 : i32
          %add3A_499 = arith.addi %mul3A_358, %mul3A_498 : i32
          %dma_start3A_500 = arith.constant 0 : i32
          %dma_start3A_501 = arith.constant 0 : i32
          %dma_start3A_502 = tpu.memref_slice %arg10[%dma_start3A_500, %dma_start3A_501] : memref<10000x16xf32, #tpu.memory_space<hbm>> -> memref<10000x16xf32, #tpu.memory_space<hbm>>
          tpu.enqueue_indirect_dma source(%dma_start3A_502 : memref<10000x16xf32, #tpu.memory_space<hbm>>) target(%arg20 : memref<112x16xf32, #tpu.memory_space<vmem>>) offsets(%arg15 : memref<112xi32, #tpu.memory_space<vmem>>) semaphore(%arg29 : memref<!tpu.dma_semaphore, #tpu.memory_space<semaphore_mem>>)
          %dma_start3A_503 = arith.constant 0 : i32
          %dma_start3A_504 = arith.constant 0 : i32
          %dma_start3A_505 = tpu.memref_slice %arg9[%dma_start3A_503, %dma_start3A_504] : memref<10000x144xf32, #tpu.memory_space<hbm>> -> memref<10000x144xf32, #tpu.memory_space<hbm>>
          tpu.enqueue_indirect_dma source(%dma_start3A_505 : memref<10000x144xf32, #tpu.memory_space<hbm>>) target(%arg21 : memref<112x144xf32, #tpu.memory_space<vmem>>) offsets(%arg14 : memref<112xi32, #tpu.memory_space<vmem>>) semaphore(%arg29 : memref<!tpu.dma_semaphore, #tpu.memory_space<semaphore_mem>>)
          %dma_start3A_506 = tpu.memref_slice %arg8[%add3A_499] : memref<161280xi32, #tpu.memory_space<hbm>> -> memref<112xi32, #tpu.memory_space<hbm>>
          %dma_start3A_507 = tpu.memref_slice %arg8[%add3A_499] : memref<161280xi32, #tpu.memory_space<hbm>> -> memref<112xi32, #tpu.memory_space<hbm>>
          tpu.enqueue_dma source(%dma_start3A_507 : memref<112xi32, #tpu.memory_space<hbm>>) target(%arg18 : memref<112xi32, #tpu.memory_space<vmem>>) target_semaphore(%arg29 : memref<!tpu.dma_semaphore, #tpu.memory_space<semaphore_mem>>)
        } else {
        }
        %mul3A_482 = arith.constant 112 : i32
        %mul3A_483 = arith.muli %add3A_455, %mul3A_482 : i32
        %add3A_484 = arith.addi %mul3A_358, %mul3A_483 : i32
        %parallel_loop3A_485 = arith.constant 0 : i32
        %parallel_loop3A_486 = arith.constant 112 : i32
        %parallel_loop3A_487 = arith.constant 1 : i32
        scf.for %parallel_loop3A_491 = %parallel_loop3A_485 to %parallel_loop3A_486 step %parallel_loop3A_487  : i32 {
          %parallel_loop3A_492 = arith.index_cast %parallel_loop3A_491 : i32 to index
          %parallel_loop3A_493 = arith.constant 128 : index
          %parallel_loop3A_494 = tpu.vector_load %arg23[%parallel_loop3A_492, %parallel_loop3A_493] {strides = array<i32>} : memref<112x144xf32, #tpu.memory_space<vmem>>, vector<1x16xf32>,
          %parallel_loop3A_495 = vector.shape_cast %parallel_loop3A_494 : vector<1x16xf32> to vector<16xf32>
          %parallel_loop3A_496 = arith.index_cast %parallel_loop3A_491 : i32 to index
          %parallel_loop3A_497 = arith.constant 0 : index
          %parallel_loop3A_498 = tpu.vector_load %arg22[%parallel_loop3A_496, %parallel_loop3A_497] {strides = array<i32>} : memref<112x16xf32, #tpu.memory_space<vmem>>, vector<1x16xf32>,
          %parallel_loop3A_499 = vector.shape_cast %parallel_loop3A_498 : vector<1x16xf32> to vector<16xf32>
          %parallel_loop3A_500 = arith.addf %parallel_loop3A_495, %parallel_loop3A_499 : vector<16xf32>
          %parallel_loop3A_501 = arith.constant 0.000000e+00 : f32
          %parallel_loop3A_502 = vector.broadcast %parallel_loop3A_501 : f32 to vector<16xf32>
          %parallel_loop3A_503 = arith.cmpf oge, %parallel_loop3A_500, %parallel_loop3A_502 : vector<16xf32>
          %parallel_loop3A_504 = arith.constant 2.000000e-01 : f32
          %parallel_loop3A_505 = vector.broadcast %parallel_loop3A_504 : f32 to vector<16xf32>
          %parallel_loop3A_506 = arith.mulf %parallel_loop3A_505, %parallel_loop3A_500 : vector<16xf32>
          %parallel_loop3A_507 = arith.select %parallel_loop3A_503, %parallel_loop3A_500, %parallel_loop3A_506 : vector<16xi1>, vector<16xf32>
          %parallel_loop3A_508 = arith.subf %parallel_loop3A_507, %get3A_378 : vector<16xf32>
          %parallel_loop3A_509 = math.exp %parallel_loop3A_508 : vector<16xf32>
          %parallel_loop3A_510 = arith.addi %add3A_484, %parallel_loop3A_491 : i32
          %parallel_loop3A_511 = arith.constant 160000 : i32
          %parallel_loop3A_512 = arith.cmpi sge, %parallel_loop3A_510, %parallel_loop3A_511 : i32
          %parallel_loop3A_513 = arith.constant 0.000000e+00 : f32
          %parallel_loop3A_514 = vector.broadcast %parallel_loop3A_513 : f32 to vector<16xf32>
          %parallel_loop3A_515 = arith.select %parallel_loop3A_512, %parallel_loop3A_514, %parallel_loop3A_509 : vector<16xf32>
          %parallel_loop3A_516 = arith.index_cast %parallel_loop3A_491 : i32 to index
          %parallel_loop3A_517 = arith.constant 128 : index
          %parallel_loop3A_518 = tpu.vector_load %arg23[%parallel_loop3A_516, %parallel_loop3A_517] {strides = array<i32>} : memref<112x144xf32, #tpu.memory_space<vmem>>, vector<1x16xf32>,
          %parallel_loop3A_519 = vector.shape_cast %parallel_loop3A_518 : vector<1x16xf32> to vector<16xf32>
          %parallel_loop3A_520 = vector.shape_cast %parallel_loop3A_515 : vector<16xf32> to vector<1x16xf32>
          tpu.vector_store %arg23[%parallel_loop3A_516, %parallel_loop3A_517], %parallel_loop3A_520 {strides = array<i32>} : memref<112x144xf32, #tpu.memory_space<vmem>>, vector<1x16xf32>,
          %parallel_loop3A_521 = arith.constant 0 : i32
          %parallel_loop3A_522 = vector.broadcast %parallel_loop3A_521 : i32 to vector<16xi32>
          %parallel_loop3A_523 = arith.constant 0 : i32
          %parallel_loop3A_524 = vector.broadcast %parallel_loop3A_523 : i32 to vector<16xi32>
          %parallel_loop3A_525 = arith.cmpi slt, %parallel_loop3A_522, %parallel_loop3A_524 : vector<16xi32>
          %parallel_loop3A_526 = arith.constant 16 : i32
          %parallel_loop3A_527 = vector.broadcast %parallel_loop3A_526 : i32 to vector<16xi32>
          %parallel_loop3A_528 = arith.addi %parallel_loop3A_522, %parallel_loop3A_527 : vector<16xi32>
          %parallel_loop3A_529 = arith.select %parallel_loop3A_525, %parallel_loop3A_528, %parallel_loop3A_522 : vector<16xi1>, vector<16xi32>
          %parallel_loop3A_530 = vector.shape_cast %parallel_loop3A_529 : vector<16xi32> to vector<16x1xi32>
          %parallel_loop3A_531 = vector.shape_cast %parallel_loop3A_530 : vector<16x1xi32> to vector<16xi32>
          %parallel_loop3A_532 = tpu.dynamic_gather %parallel_loop3A_515[%parallel_loop3A_531] in [0] : vector<16xf32>, vector<16xi32> -> vector<16xf32>
          %parallel_loop3A_533 = arith.index_cast %parallel_loop3A_491 : i32 to index
          %parallel_loop3A_534 = arith.constant 0 : index
          %parallel_loop3A_535 = tpu.vector_load %arg23[%parallel_loop3A_533, %parallel_loop3A_534] {strides = array<i32>} : memref<112x144xf32, #tpu.memory_space<vmem>>, vector<1x16xf32>,
          %parallel_loop3A_536 = vector.shape_cast %parallel_loop3A_535 : vector<1x16xf32> to vector<16xf32>
          %parallel_loop3A_537 = arith.mulf %parallel_loop3A_536, %parallel_loop3A_532 : vector<16xf32>
          %parallel_loop3A_538 = arith.index_cast %parallel_loop3A_491 : i32 to index
          %parallel_loop3A_539 = arith.constant 0 : index
          %parallel_loop3A_540 = tpu.vector_load %arg23[%parallel_loop3A_538, %parallel_loop3A_539] {strides = array<i32>} : memref<112x144xf32, #tpu.memory_space<vmem>>, vector<1x16xf32>,
          %parallel_loop3A_541 = vector.shape_cast %parallel_loop3A_540 : vector<1x16xf32> to vector<16xf32>
          %parallel_loop3A_542 = vector.shape_cast %parallel_loop3A_537 : vector<16xf32> to vector<1x16xf32>
          tpu.vector_store %arg23[%parallel_loop3A_538, %parallel_loop3A_539], %parallel_loop3A_542 {strides = array<i32>} : memref<112x144xf32, #tpu.memory_space<vmem>>, vector<1x16xf32>,
          %parallel_loop3A_543 = arith.constant 1 : i32
          %parallel_loop3A_544 = vector.broadcast %parallel_loop3A_543 : i32 to vector<16xi32>
          %parallel_loop3A_545 = arith.constant 0 : i32
          %parallel_loop3A_546 = vector.broadcast %parallel_loop3A_545 : i32 to vector<16xi32>
          %parallel_loop3A_547 = arith.cmpi slt, %parallel_loop3A_544, %parallel_loop3A_546 : vector<16xi32>
          %parallel_loop3A_548 = arith.constant 16 : i32
          %parallel_loop3A_549 = vector.broadcast %parallel_loop3A_548 : i32 to vector<16xi32>
          %parallel_loop3A_550 = arith.addi %parallel_loop3A_544, %parallel_loop3A_549 : vector<16xi32>
          %parallel_loop3A_551 = arith.select %parallel_loop3A_547, %parallel_loop3A_550, %parallel_loop3A_544 : vector<16xi1>, vector<16xi32>
          %parallel_loop3A_552 = vector.shape_cast %parallel_loop3A_551 : vector<16xi32> to vector<16x1xi32>
          %parallel_loop3A_553 = vector.shape_cast %parallel_loop3A_552 : vector<16x1xi32> to vector<16xi32>
          %parallel_loop3A_554 = tpu.dynamic_gather %parallel_loop3A_515[%parallel_loop3A_553] in [0] : vector<16xf32>, vector<16xi32> -> vector<16xf32>
          %parallel_loop3A_555 = arith.index_cast %parallel_loop3A_491 : i32 to index
          %parallel_loop3A_556 = arith.constant 16 : index
          %parallel_loop3A_557 = tpu.vector_load %arg23[%parallel_loop3A_555, %parallel_loop3A_556] {strides = array<i32>} : memref<112x144xf32, #tpu.memory_space<vmem>>, vector<1x16xf32>,
          %parallel_loop3A_558 = vector.shape_cast %parallel_loop3A_557 : vector<1x16xf32> to vector<16xf32>
          %parallel_loop3A_559 = arith.mulf %parallel_loop3A_558, %parallel_loop3A_554 : vector<16xf32>
          %parallel_loop3A_560 = arith.index_cast %parallel_loop3A_491 : i32 to index
          %parallel_loop3A_561 = arith.constant 16 : index
          %parallel_loop3A_562 = tpu.vector_load %arg23[%parallel_loop3A_560, %parallel_loop3A_561] {strides = array<i32>} : memref<112x144xf32, #tpu.memory_space<vmem>>, vector<1x16xf32>,
          %parallel_loop3A_563 = vector.shape_cast %parallel_loop3A_562 : vector<1x16xf32> to vector<16xf32>
          %parallel_loop3A_564 = vector.shape_cast %parallel_loop3A_559 : vector<16xf32> to vector<1x16xf32>
          tpu.vector_store %arg23[%parallel_loop3A_560, %parallel_loop3A_561], %parallel_loop3A_564 {strides = array<i32>} : memref<112x144xf32, #tpu.memory_space<vmem>>, vector<1x16xf32>,
          %parallel_loop3A_565 = arith.constant 2 : i32
          %parallel_loop3A_566 = vector.broadcast %parallel_loop3A_565 : i32 to vector<16xi32>
          %parallel_loop3A_567 = arith.constant 0 : i32
          %parallel_loop3A_568 = vector.broadcast %parallel_loop3A_567 : i32 to vector<16xi32>
          %parallel_loop3A_569 = arith.cmpi slt, %parallel_loop3A_566, %parallel_loop3A_568 : vector<16xi32>
          %parallel_loop3A_570 = arith.constant 16 : i32
          %parallel_loop3A_571 = vector.broadcast %parallel_loop3A_570 : i32 to vector<16xi32>
          %parallel_loop3A_572 = arith.addi %parallel_loop3A_566, %parallel_loop3A_571 : vector<16xi32>
          %parallel_loop3A_573 = arith.select %parallel_loop3A_569, %parallel_loop3A_572, %parallel_loop3A_566 : vector<16xi1>, vector<16xi32>
          %parallel_loop3A_574 = vector.shape_cast %parallel_loop3A_573 : vector<16xi32> to vector<16x1xi32>
          %parallel_loop3A_575 = vector.shape_cast %parallel_loop3A_574 : vector<16x1xi32> to vector<16xi32>
          %parallel_loop3A_576 = tpu.dynamic_gather %parallel_loop3A_515[%parallel_loop3A_575] in [0] : vector<16xf32>, vector<16xi32> -> vector<16xf32>
          %parallel_loop3A_577 = arith.index_cast %parallel_loop3A_491 : i32 to index
          %parallel_loop3A_578 = arith.constant 32 : index
          %parallel_loop3A_579 = tpu.vector_load %arg23[%parallel_loop3A_577, %parallel_loop3A_578] {strides = array<i32>} : memref<112x144xf32, #tpu.memory_space<vmem>>, vector<1x16xf32>,
          %parallel_loop3A_580 = vector.shape_cast %parallel_loop3A_579 : vector<1x16xf32> to vector<16xf32>
          %parallel_loop3A_581 = arith.mulf %parallel_loop3A_580, %parallel_loop3A_576 : vector<16xf32>
          %parallel_loop3A_582 = arith.index_cast %parallel_loop3A_491 : i32 to index
          %parallel_loop3A_583 = arith.constant 32 : index
          %parallel_loop3A_584 = tpu.vector_load %arg23[%parallel_loop3A_582, %parallel_loop3A_583] {strides = array<i32>} : memref<112x144xf32, #tpu.memory_space<vmem>>, vector<1x16xf32>,
          %parallel_loop3A_585 = vector.shape_cast %parallel_loop3A_584 : vector<1x16xf32> to vector<16xf32>
          %parallel_loop3A_586 = vector.shape_cast %parallel_loop3A_581 : vector<16xf32> to vector<1x16xf32>
          tpu.vector_store %arg23[%parallel_loop3A_582, %parallel_loop3A_583], %parallel_loop3A_586 {strides = array<i32>} : memref<112x144xf32, #tpu.memory_space<vmem>>, vector<1x16xf32>,
          %parallel_loop3A_587 = arith.constant 3 : i32
          %parallel_loop3A_588 = vector.broadcast %parallel_loop3A_587 : i32 to vector<16xi32>
          %parallel_loop3A_589 = arith.constant 0 : i32
          %parallel_loop3A_590 = vector.broadcast %parallel_loop3A_589 : i32 to vector<16xi32>
          %parallel_loop3A_591 = arith.cmpi slt, %parallel_loop3A_588, %parallel_loop3A_590 : vector<16xi32>
          %parallel_loop3A_592 = arith.constant 16 : i32
          %parallel_loop3A_593 = vector.broadcast %parallel_loop3A_592 : i32 to vector<16xi32>
          %parallel_loop3A_594 = arith.addi %parallel_loop3A_588, %parallel_loop3A_593 : vector<16xi32>
          %parallel_loop3A_595 = arith.select %parallel_loop3A_591, %parallel_loop3A_594, %parallel_loop3A_588 : vector<16xi1>, vector<16xi32>
          %parallel_loop3A_596 = vector.shape_cast %parallel_loop3A_595 : vector<16xi32> to vector<16x1xi32>
          %parallel_loop3A_597 = vector.shape_cast %parallel_loop3A_596 : vector<16x1xi32> to vector<16xi32>
          %parallel_loop3A_598 = tpu.dynamic_gather %parallel_loop3A_515[%parallel_loop3A_597] in [0] : vector<16xf32>, vector<16xi32> -> vector<16xf32>
          %parallel_loop3A_599 = arith.index_cast %parallel_loop3A_491 : i32 to index
          %parallel_loop3A_600 = arith.constant 48 : index
          %parallel_loop3A_601 = tpu.vector_load %arg23[%parallel_loop3A_599, %parallel_loop3A_600] {strides = array<i32>} : memref<112x144xf32, #tpu.memory_space<vmem>>, vector<1x16xf32>,
          %parallel_loop3A_602 = vector.shape_cast %parallel_loop3A_601 : vector<1x16xf32> to vector<16xf32>
          %parallel_loop3A_603 = arith.mulf %parallel_loop3A_602, %parallel_loop3A_598 : vector<16xf32>
          %parallel_loop3A_604 = arith.index_cast %parallel_loop3A_491 : i32 to index
          %parallel_loop3A_605 = arith.constant 48 : index
          %parallel_loop3A_606 = tpu.vector_load %arg23[%parallel_loop3A_604, %parallel_loop3A_605] {strides = array<i32>} : memref<112x144xf32, #tpu.memory_space<vmem>>, vector<1x16xf32>,
          %parallel_loop3A_607 = vector.shape_cast %parallel_loop3A_606 : vector<1x16xf32> to vector<16xf32>
          %parallel_loop3A_608 = vector.shape_cast %parallel_loop3A_603 : vector<16xf32> to vector<1x16xf32>
          tpu.vector_store %arg23[%parallel_loop3A_604, %parallel_loop3A_605], %parallel_loop3A_608 {strides = array<i32>} : memref<112x144xf32, #tpu.memory_space<vmem>>, vector<1x16xf32>,
          %parallel_loop3A_609 = arith.constant 4 : i32
          %parallel_loop3A_610 = vector.broadcast %parallel_loop3A_609 : i32 to vector<16xi32>
          %parallel_loop3A_611 = arith.constant 0 : i32
          %parallel_loop3A_612 = vector.broadcast %parallel_loop3A_611 : i32 to vector<16xi32>
          %parallel_loop3A_613 = arith.cmpi slt, %parallel_loop3A_610, %parallel_loop3A_612 : vector<16xi32>
          %parallel_loop3A_614 = arith.constant 16 : i32
          %parallel_loop3A_615 = vector.broadcast %parallel_loop3A_614 : i32 to vector<16xi32>
          %parallel_loop3A_616 = arith.addi %parallel_loop3A_610, %parallel_loop3A_615 : vector<16xi32>
          %parallel_loop3A_617 = arith.select %parallel_loop3A_613, %parallel_loop3A_616, %parallel_loop3A_610 : vector<16xi1>, vector<16xi32>
          %parallel_loop3A_618 = vector.shape_cast %parallel_loop3A_617 : vector<16xi32> to vector<16x1xi32>
          %parallel_loop3A_619 = vector.shape_cast %parallel_loop3A_618 : vector<16x1xi32> to vector<16xi32>
          %parallel_loop3A_620 = tpu.dynamic_gather %parallel_loop3A_515[%parallel_loop3A_619] in [0] : vector<16xf32>, vector<16xi32> -> vector<16xf32>
          %parallel_loop3A_621 = arith.index_cast %parallel_loop3A_491 : i32 to index
          %parallel_loop3A_622 = arith.constant 64 : index
          %parallel_loop3A_623 = tpu.vector_load %arg23[%parallel_loop3A_621, %parallel_loop3A_622] {strides = array<i32>} : memref<112x144xf32, #tpu.memory_space<vmem>>, vector<1x16xf32>,
          %parallel_loop3A_624 = vector.shape_cast %parallel_loop3A_623 : vector<1x16xf32> to vector<16xf32>
          %parallel_loop3A_625 = arith.mulf %parallel_loop3A_624, %parallel_loop3A_620 : vector<16xf32>
          %parallel_loop3A_626 = arith.index_cast %parallel_loop3A_491 : i32 to index
          %parallel_loop3A_627 = arith.constant 64 : index
          %parallel_loop3A_628 = tpu.vector_load %arg23[%parallel_loop3A_626, %parallel_loop3A_627] {strides = array<i32>} : memref<112x144xf32, #tpu.memory_space<vmem>>, vector<1x16xf32>,
          %parallel_loop3A_629 = vector.shape_cast %parallel_loop3A_628 : vector<1x16xf32> to vector<16xf32>
          %parallel_loop3A_630 = vector.shape_cast %parallel_loop3A_625 : vector<16xf32> to vector<1x16xf32>
          tpu.vector_store %arg23[%parallel_loop3A_626, %parallel_loop3A_627], %parallel_loop3A_630 {strides = array<i32>} : memref<112x144xf32, #tpu.memory_space<vmem>>, vector<1x16xf32>,
          %parallel_loop3A_631 = arith.constant 5 : i32
          %parallel_loop3A_632 = vector.broadcast %parallel_loop3A_631 : i32 to vector<16xi32>
          %parallel_loop3A_633 = arith.constant 0 : i32
          %parallel_loop3A_634 = vector.broadcast %parallel_loop3A_633 : i32 to vector<16xi32>
          %parallel_loop3A_635 = arith.cmpi slt, %parallel_loop3A_632, %parallel_loop3A_634 : vector<16xi32>
          %parallel_loop3A_636 = arith.constant 16 : i32
          %parallel_loop3A_637 = vector.broadcast %parallel_loop3A_636 : i32 to vector<16xi32>
          %parallel_loop3A_638 = arith.addi %parallel_loop3A_632, %parallel_loop3A_637 : vector<16xi32>
          %parallel_loop3A_639 = arith.select %parallel_loop3A_635, %parallel_loop3A_638, %parallel_loop3A_632 : vector<16xi1>, vector<16xi32>
          %parallel_loop3A_640 = vector.shape_cast %parallel_loop3A_639 : vector<16xi32> to vector<16x1xi32>
          %parallel_loop3A_641 = vector.shape_cast %parallel_loop3A_640 : vector<16x1xi32> to vector<16xi32>
          %parallel_loop3A_642 = tpu.dynamic_gather %parallel_loop3A_515[%parallel_loop3A_641] in [0] : vector<16xf32>, vector<16xi32> -> vector<16xf32>
          %parallel_loop3A_643 = arith.index_cast %parallel_loop3A_491 : i32 to index
          %parallel_loop3A_644 = arith.constant 80 : index
          %parallel_loop3A_645 = tpu.vector_load %arg23[%parallel_loop3A_643, %parallel_loop3A_644] {strides = array<i32>} : memref<112x144xf32, #tpu.memory_space<vmem>>, vector<1x16xf32>,
          %parallel_loop3A_646 = vector.shape_cast %parallel_loop3A_645 : vector<1x16xf32> to vector<16xf32>
          %parallel_loop3A_647 = arith.mulf %parallel_loop3A_646, %parallel_loop3A_642 : vector<16xf32>
          %parallel_loop3A_648 = arith.index_cast %parallel_loop3A_491 : i32 to index
          %parallel_loop3A_649 = arith.constant 80 : index
          %parallel_loop3A_650 = tpu.vector_load %arg23[%parallel_loop3A_648, %parallel_loop3A_649] {strides = array<i32>} : memref<112x144xf32, #tpu.memory_space<vmem>>, vector<1x16xf32>,
          %parallel_loop3A_651 = vector.shape_cast %parallel_loop3A_650 : vector<1x16xf32> to vector<16xf32>
          %parallel_loop3A_652 = vector.shape_cast %parallel_loop3A_647 : vector<16xf32> to vector<1x16xf32>
          tpu.vector_store %arg23[%parallel_loop3A_648, %parallel_loop3A_649], %parallel_loop3A_652 {strides = array<i32>} : memref<112x144xf32, #tpu.memory_space<vmem>>, vector<1x16xf32>,
          %parallel_loop3A_653 = arith.constant 6 : i32
          %parallel_loop3A_654 = vector.broadcast %parallel_loop3A_653 : i32 to vector<16xi32>
          %parallel_loop3A_655 = arith.constant 0 : i32
          %parallel_loop3A_656 = vector.broadcast %parallel_loop3A_655 : i32 to vector<16xi32>
          %parallel_loop3A_657 = arith.cmpi slt, %parallel_loop3A_654, %parallel_loop3A_656 : vector<16xi32>
          %parallel_loop3A_658 = arith.constant 16 : i32
          %parallel_loop3A_659 = vector.broadcast %parallel_loop3A_658 : i32 to vector<16xi32>
          %parallel_loop3A_660 = arith.addi %parallel_loop3A_654, %parallel_loop3A_659 : vector<16xi32>
          %parallel_loop3A_661 = arith.select %parallel_loop3A_657, %parallel_loop3A_660, %parallel_loop3A_654 : vector<16xi1>, vector<16xi32>
          %parallel_loop3A_662 = vector.shape_cast %parallel_loop3A_661 : vector<16xi32> to vector<16x1xi32>
          %parallel_loop3A_663 = vector.shape_cast %parallel_loop3A_662 : vector<16x1xi32> to vector<16xi32>
          %parallel_loop3A_664 = tpu.dynamic_gather %parallel_loop3A_515[%parallel_loop3A_663] in [0] : vector<16xf32>, vector<16xi32> -> vector<16xf32>
          %parallel_loop3A_665 = arith.index_cast %parallel_loop3A_491 : i32 to index
          %parallel_loop3A_666 = arith.constant 96 : index
          %parallel_loop3A_667 = tpu.vector_load %arg23[%parallel_loop3A_665, %parallel_loop3A_666] {strides = array<i32>} : memref<112x144xf32, #tpu.memory_space<vmem>>, vector<1x16xf32>,
          %parallel_loop3A_668 = vector.shape_cast %parallel_loop3A_667 : vector<1x16xf32> to vector<16xf32>
          %parallel_loop3A_669 = arith.mulf %parallel_loop3A_668, %parallel_loop3A_664 : vector<16xf32>
          %parallel_loop3A_670 = arith.index_cast %parallel_loop3A_491 : i32 to index
          %parallel_loop3A_671 = arith.constant 96 : index
          %parallel_loop3A_672 = tpu.vector_load %arg23[%parallel_loop3A_670, %parallel_loop3A_671] {strides = array<i32>} : memref<112x144xf32, #tpu.memory_space<vmem>>, vector<1x16xf32>,
          %parallel_loop3A_673 = vector.shape_cast %parallel_loop3A_672 : vector<1x16xf32> to vector<16xf32>
          %parallel_loop3A_674 = vector.shape_cast %parallel_loop3A_669 : vector<16xf32> to vector<1x16xf32>
          tpu.vector_store %arg23[%parallel_loop3A_670, %parallel_loop3A_671], %parallel_loop3A_674 {strides = array<i32>} : memref<112x144xf32, #tpu.memory_space<vmem>>, vector<1x16xf32>,
          %parallel_loop3A_675 = arith.constant 7 : i32
          %parallel_loop3A_676 = vector.broadcast %parallel_loop3A_675 : i32 to vector<16xi32>
          %parallel_loop3A_677 = arith.constant 0 : i32
          %parallel_loop3A_678 = vector.broadcast %parallel_loop3A_677 : i32 to vector<16xi32>
          %parallel_loop3A_679 = arith.cmpi slt, %parallel_loop3A_676, %parallel_loop3A_678 : vector<16xi32>
          %parallel_loop3A_680 = arith.constant 16 : i32
          %parallel_loop3A_681 = vector.broadcast %parallel_loop3A_680 : i32 to vector<16xi32>
          %parallel_loop3A_682 = arith.addi %parallel_loop3A_676, %parallel_loop3A_681 : vector<16xi32>
          %parallel_loop3A_683 = arith.select %parallel_loop3A_679, %parallel_loop3A_682, %parallel_loop3A_676 : vector<16xi1>, vector<16xi32>
          %parallel_loop3A_684 = vector.shape_cast %parallel_loop3A_683 : vector<16xi32> to vector<16x1xi32>
          %parallel_loop3A_685 = vector.shape_cast %parallel_loop3A_684 : vector<16x1xi32> to vector<16xi32>
          %parallel_loop3A_686 = tpu.dynamic_gather %parallel_loop3A_515[%parallel_loop3A_685] in [0] : vector<16xf32>, vector<16xi32> -> vector<16xf32>
          %parallel_loop3A_687 = arith.index_cast %parallel_loop3A_491 : i32 to index
          %parallel_loop3A_688 = arith.constant 112 : index
          %parallel_loop3A_689 = tpu.vector_load %arg23[%parallel_loop3A_687, %parallel_loop3A_688] {strides = array<i32>} : memref<112x144xf32, #tpu.memory_space<vmem>>, vector<1x16xf32>,
          %parallel_loop3A_690 = vector.shape_cast %parallel_loop3A_689 : vector<1x16xf32> to vector<16xf32>
          %parallel_loop3A_691 = arith.mulf %parallel_loop3A_690, %parallel_loop3A_686 : vector<16xf32>
          %parallel_loop3A_692 = arith.index_cast %parallel_loop3A_491 : i32 to index
          %parallel_loop3A_693 = arith.constant 112 : index
          %parallel_loop3A_694 = tpu.vector_load %arg23[%parallel_loop3A_692, %parallel_loop3A_693] {strides = array<i32>} : memref<112x144xf32, #tpu.memory_space<vmem>>, vector<1x16xf32>,
          %parallel_loop3A_695 = vector.shape_cast %parallel_loop3A_694 : vector<1x16xf32> to vector<16xf32>
          %parallel_loop3A_696 = vector.shape_cast %parallel_loop3A_691 : vector<16xf32> to vector<1x16xf32>
          tpu.vector_store %arg23[%parallel_loop3A_692, %parallel_loop3A_693], %parallel_loop3A_696 {strides = array<i32>} : memref<112x144xf32, #tpu.memory_space<vmem>>, vector<1x16xf32>,
        } {sc.loop_unroll_factor = 4 : i64, sc.parallel_access}
        %dma_start3A_488 = arith.constant 0 : i32
        %dma_start3A_489 = arith.constant 0 : i32
        %dma_start3A_490 = tpu.memref_slice %arg26[%dma_start3A_488, %dma_start3A_489] : memref<10000x144xf32, #tpu.memory_space<vmem_shared>> -> memref<10000x144xf32, #tpu.memory_space<vmem_shared>>
        tpu.enqueue_indirect_dma source(%arg23 : memref<112x144xf32, #tpu.memory_space<vmem>>) target(%dma_start3A_490 : memref<10000x144xf32, #tpu.memory_space<vmem_shared>>) offsets(%arg19 : memref<112xi32, #tpu.memory_space<vmem>>) semaphore(%arg31 : memref<!tpu.dma_semaphore, #tpu.memory_space<semaphore_mem>>) {add = true}
      }
      %scan3A_410 = arith.constant 45 : i32
      %dma_wait3A = arith.constant 0 : i32
      %dma_wait3A_411 = arith.constant 0 : i32
      %dma_wait3A_412 = tpu.memref_slice %arg26[%dma_wait3A, %dma_wait3A_411] : memref<10000x144xf32, #tpu.memory_space<vmem_shared>> -> memref<10000x144xf32, #tpu.memory_space<vmem_shared>>
      tpu.wait_indirect_dma semaphore(%arg31 : memref<!tpu.dma_semaphore, #tpu.memory_space<semaphore_mem>>) src(%arg23 : memref<112x144xf32, #tpu.memory_space<vmem>>) dst(%dma_wait3A_412 : memref<10000x144xf32, #tpu.memory_space<vmem_shared>>)
      %barrier3A_413 = arith.constant 0 : index
      tpu.barrier barrier_id(%barrier3A_413)
      %mul3A_414 = arith.constant 625 : i32
      %mul3A_415 = arith.muli %arg1, %mul3A_414 : i32
      %mul3A_416 = arith.constant 625 : i32
      %mul3A_417 = arith.muli %arg1, %mul3A_416 : i32
      "tpu.region"() ({
        %run_scoped3A = tpu.sem_alloc : memref<!tpu.dma_semaphore, #tpu.memory_space<semaphore_mem>>
        %dma_start3A_418 = arith.constant 0 : i32
        %dma_start3A_419 = tpu.memref_slice %arg13[%mul3A_417, %dma_start3A_418] : memref<10000x144xf32, #tpu.memory_space<hbm>> -> memref<625x144xf32, #tpu.memory_space<hbm>>
        %dma_start3A_420 = arith.constant 0 : i32
        %dma_start3A_421 = tpu.memref_slice %arg26[%mul3A_415, %dma_start3A_420] : memref<10000x144xf32, #tpu.memory_space<vmem_shared>> -> memref<625x144xf32, #tpu.memory_space<vmem_shared>>
        tpu.enqueue_dma source(%dma_start3A_421 : memref<625x144xf32, #tpu.memory_space<vmem_shared>>) target(%dma_start3A_419 : memref<625x144xf32, #tpu.memory_space<hbm>>) target_semaphore(%run_scoped3A : memref<!tpu.dma_semaphore, #tpu.memory_space<semaphore_mem>>)
        %dma_wait3A_422 = arith.constant 0 : i32
        %dma_wait3A_423 = tpu.memref_slice %arg13[%mul3A_417, %dma_wait3A_422] : memref<10000x144xf32, #tpu.memory_space<hbm>> -> memref<625x144xf32, #tpu.memory_space<hbm>>
        %dma_wait3A_424 = arith.constant 0 : i32
        %dma_wait3A_425 = tpu.memref_slice %arg26[%mul3A_415, %dma_wait3A_424] : memref<10000x144xf32, #tpu.memory_space<vmem_shared>> -> memref<625x144xf32, #tpu.memory_space<vmem_shared>>
        tpu.wait_dma2 semaphore(%run_scoped3A : memref<!tpu.dma_semaphore, #tpu.memory_space<semaphore_mem>>) src(%dma_wait3A_425 : memref<625x144xf32, #tpu.memory_space<vmem_shared>>) dst(%dma_wait3A_423 : memref<625x144xf32, #tpu.memory_space<hbm>>)
        tpu.yield
      }) : () -> ()
    } else {
    }
    return
  }
}

module attributes {stable_mosaic.version = 14 : i64} {
  func.func @_tc1_body(%arg0: i32, %arg1: memref<2000x128xf32, #tpu.memory_space<vmem>>, %arg2: memref<2000x128xf32, #tpu.memory_space<vmem>>, %arg3: memref<128x128xf32, #tpu.memory_space<vmem>>, %arg4: memref<128x128xf32, #tpu.memory_space<vmem>>, %arg5: memref<1x128xf32, #tpu.memory_space<vmem>>, %arg6: memref<1x128xf32, #tpu.memory_space<vmem>>, %arg7: memref<128x16xf32, #tpu.memory_space<vmem>>, %arg8: memref<128x16xf32, #tpu.memory_space<vmem>>, %arg9: memref<128x16xf32, #tpu.memory_space<vmem>>, %arg10: memref<128x16xf32, #tpu.memory_space<vmem>>, %arg11: memref<2000x144xf32, #tpu.memory_space<vmem>>, %arg12: memref<2000x144xf32, #tpu.memory_space<vmem>>, %arg13: memref<2000x16xf32, #tpu.memory_space<vmem>>, %arg14: memref<2000x16xf32, #tpu.memory_space<vmem>>, %arg15: memref<8x64xf32, #tpu.memory_space<vmem>>) attributes {dimension_semantics = [#tpu.dimension_semantics<arbitrary>], iteration_bounds = array<i64: 5>, scalar_prefetch = 0 : i64, scratch_operands = 0 : i64, tpu.core_type = #tpu.core_type<tc>, window_params = [{transform_indices = @transform_0, window_bounds = array<i64: 2000, 128>}, {transform_indices = @transform_1, window_bounds = array<i64: 2000, 128>}, {pipeline_mode = #tpu.pipeline_mode<synchronous>, transform_indices = @transform_2, window_bounds = array<i64: 128, 128>}, {pipeline_mode = #tpu.pipeline_mode<synchronous>, transform_indices = @transform_3, window_bounds = array<i64: 128, 128>}, {pipeline_mode = #tpu.pipeline_mode<synchronous>, transform_indices = @transform_4, window_bounds = array<i64: 1, 128>}, {pipeline_mode = #tpu.pipeline_mode<synchronous>, transform_indices = @transform_5, window_bounds = array<i64: 1, 128>}, {pipeline_mode = #tpu.pipeline_mode<synchronous>, transform_indices = @transform_6, window_bounds = array<i64: 128, 16>}, {pipeline_mode = #tpu.pipeline_mode<synchronous>, transform_indices = @transform_7, window_bounds = array<i64: 128, 16>}, {pipeline_mode = #tpu.pipeline_mode<synchronous>, transform_indices = @transform_8, window_bounds = array<i64: 128, 16>}, {pipeline_mode = #tpu.pipeline_mode<synchronous>, transform_indices = @transform_9, window_bounds = array<i64: 128, 16>}, {transform_indices = @transform_10, window_bounds = array<i64: 2000, 144>}, {transform_indices = @transform_11, window_bounds = array<i64: 2000, 144>}, {transform_indices = @transform_12, window_bounds = array<i64: 2000, 16>}, {transform_indices = @transform_13, window_bounds = array<i64: 2000, 16>}, {pipeline_mode = #tpu.pipeline_mode<synchronous>, transform_indices = @transform_14, window_bounds = array<i64: 8, 64>}]} {
    %get3A = arith.constant 0 : index
    %get3A_0 = arith.constant 0 : index
    %get3A_1 = vector.load %arg1[%get3A, %get3A_0] : memref<2000x128xf32, #tpu.memory_space<vmem>>, vector<2000x128xf32>
    %get3A_2 = arith.constant 0 : index
    %get3A_3 = arith.constant 0 : index
    %get3A_4 = vector.load %arg3[%get3A_2, %get3A_3] : memref<128x128xf32, #tpu.memory_space<vmem>>, vector<128x128xf32>
    %dot_general3A = arith.constant dense<0.000000e+00> : vector<2000x128xf32>
    %dot_general3A_5 = tpu.matmul %get3A_1, %get3A_4, %dot_general3A {dimension_numbers = #tpu.dot_dimension_numbers<[1], [0], [0], [1], [0, 0, 1, 1], [], []>, transpose_lhs_hint = false} : vector<2000x128xf32>, vector<128x128xf32>, vector<2000x128xf32> -> vector<2000x128xf32>
    %get3A_6 = arith.constant 0 : index
    %get3A_7 = arith.constant 0 : index
    %get3A_8 = vector.load %arg5[%get3A_6, %get3A_7] : memref<1x128xf32, #tpu.memory_space<vmem>>, vector<1x128xf32>
    %add3A = vector.broadcast %get3A_8 : vector<1x128xf32> to vector<2000x128xf32>
    %add3A_9 = arith.addf %dot_general3A_5, %add3A : vector<2000x128xf32>
    %get3A_10 = arith.constant 0 : index
    %get3A_11 = arith.constant 0 : index
    %get3A_12 = vector.load %arg2[%get3A_10, %get3A_11] : memref<2000x128xf32, #tpu.memory_space<vmem>>, vector<2000x128xf32>
    %get3A_13 = arith.constant 0 : index
    %get3A_14 = arith.constant 0 : index
    %get3A_15 = vector.load %arg4[%get3A_13, %get3A_14] : memref<128x128xf32, #tpu.memory_space<vmem>>, vector<128x128xf32>
    %dot_general3A_16 = arith.constant dense<0.000000e+00> : vector<2000x128xf32>
    %dot_general3A_17 = tpu.matmul %get3A_12, %get3A_15, %dot_general3A_16 {dimension_numbers = #tpu.dot_dimension_numbers<[1], [0], [0], [1], [0, 0, 1, 1], [], []>, transpose_lhs_hint = false} : vector<2000x128xf32>, vector<128x128xf32>, vector<2000x128xf32> -> vector<2000x128xf32>
    %get3A_18 = arith.constant 0 : index
    %get3A_19 = arith.constant 0 : index
    %get3A_20 = vector.load %arg6[%get3A_18, %get3A_19] : memref<1x128xf32, #tpu.memory_space<vmem>>, vector<1x128xf32>
    %add3A_21 = vector.broadcast %get3A_20 : vector<1x128xf32> to vector<2000x128xf32>
    %add3A_22 = arith.addf %dot_general3A_17, %add3A_21 : vector<2000x128xf32>
    %get3A_23 = arith.constant 0 : index
    %get3A_24 = arith.constant 0 : index
    %get3A_25 = vector.load %arg7[%get3A_23, %get3A_24] : memref<128x16xf32, #tpu.memory_space<vmem>>, vector<128x16xf32>
    %dot_general3A_26 = arith.constant dense<0.000000e+00> : vector<2000x16xf32>
    %dot_general3A_27 = tpu.matmul %add3A_9, %get3A_25, %dot_general3A_26 {dimension_numbers = #tpu.dot_dimension_numbers<[1], [0], [0], [1], [0, 0, 1, 1], [], []>, transpose_lhs_hint = false} : vector<2000x128xf32>, vector<128x16xf32>, vector<2000x16xf32> -> vector<2000x16xf32>
    %get3A_28 = arith.constant 0 : index
    %get3A_29 = arith.constant 0 : index
    %get3A_30 = vector.load %arg8[%get3A_28, %get3A_29] : memref<128x16xf32, #tpu.memory_space<vmem>>, vector<128x16xf32>
    %dot_general3A_31 = arith.constant dense<0.000000e+00> : vector<2000x16xf32>
    %dot_general3A_32 = tpu.matmul %add3A_9, %get3A_30, %dot_general3A_31 {dimension_numbers = #tpu.dot_dimension_numbers<[1], [0], [0], [1], [0, 0, 1, 1], [], []>, transpose_lhs_hint = false} : vector<2000x128xf32>, vector<128x16xf32>, vector<2000x16xf32> -> vector<2000x16xf32>
    %get3A_33 = arith.constant 0 : index
    %get3A_34 = arith.constant 0 : index
    %get3A_35 = vector.load %arg9[%get3A_33, %get3A_34] : memref<128x16xf32, #tpu.memory_space<vmem>>, vector<128x16xf32>
    %dot_general3A_36 = arith.constant dense<0.000000e+00> : vector<2000x16xf32>
    %dot_general3A_37 = tpu.matmul %add3A_9, %get3A_35, %dot_general3A_36 {dimension_numbers = #tpu.dot_dimension_numbers<[1], [0], [0], [1], [0, 0, 1, 1], [], []>, transpose_lhs_hint = false} : vector<2000x128xf32>, vector<128x16xf32>, vector<2000x16xf32> -> vector<2000x16xf32>
    %get3A_38 = arith.constant 0 : index
    %get3A_39 = arith.constant 0 : index
    %get3A_40 = vector.load %arg10[%get3A_38, %get3A_39] : memref<128x16xf32, #tpu.memory_space<vmem>>, vector<128x16xf32>
    %dot_general3A_41 = arith.constant dense<0.000000e+00> : vector<2000x16xf32>
    %dot_general3A_42 = tpu.matmul %add3A_22, %get3A_40, %dot_general3A_41 {dimension_numbers = #tpu.dot_dimension_numbers<[1], [0], [0], [1], [0, 0, 1, 1], [], []>, transpose_lhs_hint = false} : vector<2000x128xf32>, vector<128x16xf32>, vector<2000x16xf32> -> vector<2000x16xf32>
    %concatenate3A = tpu.concatenate %add3A_9, %dot_general3A_32 in 1 : vector<2000x128xf32>, vector<2000x16xf32> -> vector<2000x144xf32>
    %swap3A = arith.constant 0 : index
    %swap3A_43 = arith.constant 0 : index
    %swap3A_44 = vector.load %arg11[%swap3A, %swap3A_43] : memref<2000x144xf32, #tpu.memory_space<vmem>>, vector<2000x144xf32>
    tpu.vector_store %arg11[%swap3A, %swap3A_43], %concatenate3A {strides = array<i32>} : memref<2000x144xf32, #tpu.memory_space<vmem>>, vector<2000x144xf32>,
    %concatenate3A_45 = tpu.concatenate %add3A_22, %dot_general3A_42 in 1 : vector<2000x128xf32>, vector<2000x16xf32> -> vector<2000x144xf32>
    %swap3A_46 = arith.constant 0 : index
    %swap3A_47 = arith.constant 0 : index
    %swap3A_48 = vector.load %arg12[%swap3A_46, %swap3A_47] : memref<2000x144xf32, #tpu.memory_space<vmem>>, vector<2000x144xf32>
    tpu.vector_store %arg12[%swap3A_46, %swap3A_47], %concatenate3A_45 {strides = array<i32>} : memref<2000x144xf32, #tpu.memory_space<vmem>>, vector<2000x144xf32>,
    %swap3A_49 = arith.constant 0 : index
    %swap3A_50 = arith.constant 0 : index
    %swap3A_51 = vector.load %arg13[%swap3A_49, %swap3A_50] : memref<2000x16xf32, #tpu.memory_space<vmem>>, vector<2000x16xf32>
    tpu.vector_store %arg13[%swap3A_49, %swap3A_50], %dot_general3A_27 {strides = array<i32>} : memref<2000x16xf32, #tpu.memory_space<vmem>>, vector<2000x16xf32>,
    %swap3A_52 = arith.constant 0 : index
    %swap3A_53 = arith.constant 0 : index
    %swap3A_54 = vector.load %arg14[%swap3A_52, %swap3A_53] : memref<2000x16xf32, #tpu.memory_space<vmem>>, vector<2000x16xf32>
    tpu.vector_store %arg14[%swap3A_52, %swap3A_53], %dot_general3A_37 {strides = array<i32>} : memref<2000x16xf32, #tpu.memory_space<vmem>>, vector<2000x16xf32>,
    %reduce_max3A = arith.constant dense<0xFF800000> : vector<16xf32>
    %reduce_max3A_55 = vector.multi_reduction <maximumf>, %dot_general3A_27, %reduce_max3A [0] : vector<2000x16xf32> to vector<16xf32>
    %broadcast_in_dim3A = vector.shape_cast %reduce_max3A_55 : vector<16xf32> to vector<1x16xf32>
    %reduce_max3A_56 = arith.constant dense<0xFF800000> : vector<16xf32>
    %reduce_max3A_57 = vector.multi_reduction <maximumf>, %dot_general3A_32, %reduce_max3A_56 [0] : vector<2000x16xf32> to vector<16xf32>
    %broadcast_in_dim3A_58 = vector.shape_cast %reduce_max3A_57 : vector<16xf32> to vector<1x16xf32>
    %reduce_max3A_59 = arith.constant dense<0xFF800000> : vector<16xf32>
    %reduce_max3A_60 = vector.multi_reduction <maximumf>, %dot_general3A_37, %reduce_max3A_59 [0] : vector<2000x16xf32> to vector<16xf32>
    %broadcast_in_dim3A_61 = vector.shape_cast %reduce_max3A_60 : vector<16xf32> to vector<1x16xf32>
    %reduce_max3A_62 = arith.constant dense<0xFF800000> : vector<16xf32>
    %reduce_max3A_63 = vector.multi_reduction <maximumf>, %dot_general3A_42, %reduce_max3A_62 [0] : vector<2000x16xf32> to vector<16xf32>
    %broadcast_in_dim3A_64 = vector.shape_cast %reduce_max3A_63 : vector<16xf32> to vector<1x16xf32>
    %concatenate3A_65 = tpu.concatenate %broadcast_in_dim3A, %broadcast_in_dim3A_58, %broadcast_in_dim3A_61, %broadcast_in_dim3A_64 in 1 : vector<1x16xf32>, vector<1x16xf32>, vector<1x16xf32>, vector<1x16xf32> -> vector<1x64xf32>
    %broadcast_in_dim3A_66 = vector.shape_cast %concatenate3A_65 : vector<1x64xf32> to vector<1x64xf32>
    %broadcast_in_dim3A_67 = vector.broadcast %broadcast_in_dim3A_66 : vector<1x64xf32> to vector<8x64xf32>
    %eq3A = arith.constant 0 : i32
    %eq3A_68 = arith.cmpi eq, %arg0, %eq3A : i32
    %convert_element_type3A = arith.extui %eq3A_68 : i1 to i32
    %cond3A = arith.constant 0 : i32
    %cond3A_69 = arith.cmpi ne, %convert_element_type3A, %cond3A : i32
    scf.if %cond3A_69 {
      %swap3A_74 = arith.constant 0 : index
      %swap3A_75 = arith.constant 0 : index
      %swap3A_76 = vector.load %arg15[%swap3A_74, %swap3A_75] : memref<8x64xf32, #tpu.memory_space<vmem>>, vector<8x64xf32>
      tpu.vector_store %arg15[%swap3A_74, %swap3A_75], %broadcast_in_dim3A_67 {strides = array<i32>} : memref<8x64xf32, #tpu.memory_space<vmem>>, vector<8x64xf32>,
    } else {
    }
    %ne3A = arith.constant 0 : i32
    %ne3A_70 = arith.cmpi ne, %arg0, %ne3A : i32
    %convert_element_type3A_71 = arith.extui %ne3A_70 : i1 to i32
    %cond3A_72 = arith.constant 0 : i32
    %cond3A_73 = arith.cmpi ne, %convert_element_type3A_71, %cond3A_72 : i32
    scf.if %cond3A_73 {
      %get3A_74 = arith.constant 0 : index
      %get3A_75 = arith.constant 0 : index
      %get3A_76 = vector.load %arg15[%get3A_74, %get3A_75] : memref<8x64xf32, #tpu.memory_space<vmem>>, vector<8x64xf32>
      %max3A = arith.maximumf %get3A_76, %broadcast_in_dim3A_67 : vector<8x64xf32>
      %swap3A_77 = arith.constant 0 : index
      %swap3A_78 = arith.constant 0 : index
      %swap3A_79 = vector.load %arg15[%swap3A_77, %swap3A_78] : memref<8x64xf32, #tpu.memory_space<vmem>>, vector<8x64xf32>
      tpu.vector_store %arg15[%swap3A_77, %swap3A_78], %max3A {strides = array<i32>} : memref<8x64xf32, #tpu.memory_space<vmem>>, vector<8x64xf32>,
    } else {
    }
    return
  }
  func.func @transform_0(%arg0: i32) -> (i32, i32) {
    %c0_i32 = arith.constant 0 : i32
    %c0_i32_0 = arith.constant 0 : i32
    return %arg0, %c0_i32 : i32, i32
  }
  func.func @transform_1(%arg0: i32) -> (i32, i32) {
    %c0_i32 = arith.constant 0 : i32
    %c0_i32_0 = arith.constant 0 : i32
    return %arg0, %c0_i32 : i32, i32
  }
  func.func @transform_2(%arg0: i32) -> (i32, i32) {
    %c0_i32 = arith.constant 0 : i32
    %c0_i32_0 = arith.constant 0 : i32
    %c0_i32_1 = arith.constant 0 : i32
    return %c0_i32, %c0_i32_0 : i32, i32
  }
  func.func @transform_3(%arg0: i32) -> (i32, i32) {
    %c0_i32 = arith.constant 0 : i32
    %c0_i32_0 = arith.constant 0 : i32
    %c0_i32_1 = arith.constant 0 : i32
    return %c0_i32, %c0_i32_0 : i32, i32
  }
  func.func @transform_4(%arg0: i32) -> (i32, i32) {
    %c0_i32 = arith.constant 0 : i32
    %c0_i32_0 = arith.constant 0 : i32
    %c0_i32_1 = arith.constant 0 : i32
    return %c0_i32, %c0_i32_0 : i32, i32
  }
  func.func @transform_5(%arg0: i32) -> (i32, i32) {
    %c0_i32 = arith.constant 0 : i32
    %c0_i32_0 = arith.constant 0 : i32
    %c0_i32_1 = arith.constant 0 : i32
    return %c0_i32, %c0_i32_0 : i32, i32
  }
  func.func @transform_6(%arg0: i32) -> (i32, i32) {
    %c0_i32 = arith.constant 0 : i32
    %c0_i32_0 = arith.constant 0 : i32
    %c0_i32_1 = arith.constant 0 : i32
    return %c0_i32, %c0_i32_0 : i32, i32
  }
  func.func @transform_7(%arg0: i32) -> (i32, i32) {
    %c0_i32 = arith.constant 0 : i32
    %c0_i32_0 = arith.constant 0 : i32
    %c0_i32_1 = arith.constant 0 : i32
    return %c0_i32, %c0_i32_0 : i32, i32
  }
  func.func @transform_8(%arg0: i32) -> (i32, i32) {
    %c0_i32 = arith.constant 0 : i32
    %c0_i32_0 = arith.constant 0 : i32
    %c0_i32_1 = arith.constant 0 : i32
    return %c0_i32, %c0_i32_0 : i32, i32
  }
  func.func @transform_9(%arg0: i32) -> (i32, i32) {
    %c0_i32 = arith.constant 0 : i32
    %c0_i32_0 = arith.constant 0 : i32
    %c0_i32_1 = arith.constant 0 : i32
    return %c0_i32, %c0_i32_0 : i32, i32
  }
  func.func @transform_10(%arg0: i32) -> (i32, i32) {
    %c0_i32 = arith.constant 0 : i32
    %c0_i32_0 = arith.constant 0 : i32
    return %arg0, %c0_i32 : i32, i32
  }
  func.func @transform_11(%arg0: i32) -> (i32, i32) {
    %c0_i32 = arith.constant 0 : i32
    %c0_i32_0 = arith.constant 0 : i32
    return %arg0, %c0_i32 : i32, i32
  }
  func.func @transform_12(%arg0: i32) -> (i32, i32) {
    %c0_i32 = arith.constant 0 : i32
    %c0_i32_0 = arith.constant 0 : i32
    return %arg0, %c0_i32 : i32, i32
  }
  func.func @transform_13(%arg0: i32) -> (i32, i32) {
    %c0_i32 = arith.constant 0 : i32
    %c0_i32_0 = arith.constant 0 : i32
    return %arg0, %c0_i32 : i32, i32
  }
  func.func @transform_14(%arg0: i32) -> (i32, i32) {
    %c0_i32 = arith.constant 0 : i32
    %c0_i32_0 = arith.constant 0 : i32
    %c0_i32_1 = arith.constant 0 : i32
    return %c0_i32, %c0_i32_0 : i32, i32
  }
}

module attributes {stable_mosaic.version = 14 : i64} {
  func.func @_tc2_body(%arg0: i32, %arg1: i32, %arg2: memref<2000x144xf32, #tpu.memory_space<vmem>>, %arg3: memref<2000x144xf32, #tpu.memory_space<vmem>>, %arg4: memref<128x128xf32, #tpu.memory_space<vmem>>, %arg5: memref<1x128xf32, #tpu.memory_space<vmem>>, %arg6: memref<1x128xf32, #tpu.memory_space<vmem>>, %arg7: memref<16x128xf32, #tpu.memory_space<vmem>>, %arg8: memref<128x8xf32, #tpu.memory_space<vmem>>, %arg9: memref<1x8xf32, #tpu.memory_space<vmem>>, %arg10: memref<2000x8xf32, #tpu.memory_space<vmem>>, %arg11: memref<10000x128xf32, #tpu.memory_space<vmem>>, %arg12: memref<10000x128xf32, #tpu.memory_space<vmem>>, %arg13: memref<1x8xf32, #tpu.memory_space<vmem>>) attributes {dimension_semantics = [#tpu.dimension_semantics<arbitrary>, #tpu.dimension_semantics<arbitrary>], iteration_bounds = array<i64: 2, 5>, scalar_prefetch = 0 : i64, scratch_operands = 3 : i64, tpu.core_type = #tpu.core_type<tc>, window_params = [{transform_indices = @transform_0, window_bounds = array<i64: 2000, 144>}, {transform_indices = @transform_1, window_bounds = array<i64: 2000, 144>}, {pipeline_mode = #tpu.pipeline_mode<synchronous>, transform_indices = @transform_2, window_bounds = array<i64: 128, 128>}, {pipeline_mode = #tpu.pipeline_mode<synchronous>, transform_indices = @transform_3, window_bounds = array<i64: 1, 128>}, {pipeline_mode = #tpu.pipeline_mode<synchronous>, transform_indices = @transform_4, window_bounds = array<i64: 1, 128>}, {pipeline_mode = #tpu.pipeline_mode<synchronous>, transform_indices = @transform_5, window_bounds = array<i64: 16, 128>}, {pipeline_mode = #tpu.pipeline_mode<synchronous>, transform_indices = @transform_6, window_bounds = array<i64: 128, 8>}, {pipeline_mode = #tpu.pipeline_mode<synchronous>, transform_indices = @transform_7, window_bounds = array<i64: 1, 8>}, {transform_indices = @transform_8, window_bounds = array<i64: 2000, 8>}]} {
    %eq3A = arith.constant 0 : i32
    %eq3A_0 = arith.cmpi eq, %arg0, %eq3A : i32
    %convert_element_type3A = arith.extui %eq3A_0 : i1 to i32
    %cond3A = arith.constant 0 : i32
    %cond3A_1 = arith.cmpi ne, %convert_element_type3A, %cond3A : i32
    scf.if %cond3A_1 {
      %get3A = arith.constant 0 : index
      %get3A_7 = arith.constant 0 : index
      %get3A_8 = vector.load %arg2[%get3A, %get3A_7] : memref<2000x144xf32, #tpu.memory_space<vmem>>, vector<2000x144xf32>
      %slice3A = vector.extract_strided_slice %get3A_8 {offsets = [0, 128], sizes = [2000, 16], strides = [1, 1]} : vector<2000x144xf32> to vector<2000x16xf32>
      %get3A_9 = arith.constant 0 : index
      %get3A_10 = arith.constant 0 : index
      %get3A_11 = vector.load %arg7[%get3A_9, %get3A_10] : memref<16x128xf32, #tpu.memory_space<vmem>>, vector<16x128xf32>
      %dot_general3A = arith.constant dense<0.000000e+00> : vector<2000x128xf32>
      %dot_general3A_12 = tpu.matmul %slice3A, %get3A_11, %dot_general3A {dimension_numbers = #tpu.dot_dimension_numbers<[1], [0], [0], [1], [0, 0, 1, 1], [], []>, transpose_lhs_hint = false} : vector<2000x16xf32>, vector<16x128xf32>, vector<2000x128xf32> -> vector<2000x128xf32>
      %slice3A_13 = vector.extract_strided_slice %get3A_8 {offsets = [0, 0], sizes = [2000, 128], strides = [1, 1]} : vector<2000x144xf32> to vector<2000x128xf32>
      %add3A = arith.constant 1.000000e-16 : f32
      %add3A_14 = vector.broadcast %add3A : f32 to vector<2000x128xf32>
      %add3A_15 = arith.addf %dot_general3A_12, %add3A_14 : vector<2000x128xf32>
      %div3A = arith.divf %slice3A_13, %add3A_15 : vector<2000x128xf32>
      %max3A = arith.constant 0.000000e+00 : f32
      %max3A_16 = vector.broadcast %max3A : f32 to vector<2000x128xf32>
      %max3A_17 = arith.maximumf %div3A, %max3A_16 : vector<2000x128xf32>
      %get3A_18 = arith.constant 0 : index
      %get3A_19 = arith.constant 0 : index
      %get3A_20 = vector.load %arg3[%get3A_18, %get3A_19] : memref<2000x144xf32, #tpu.memory_space<vmem>>, vector<2000x144xf32>
      %slice3A_21 = vector.extract_strided_slice %get3A_20 {offsets = [0, 128], sizes = [2000, 16], strides = [1, 1]} : vector<2000x144xf32> to vector<2000x16xf32>
      %get3A_22 = arith.constant 0 : index
      %get3A_23 = arith.constant 0 : index
      %get3A_24 = vector.load %arg7[%get3A_22, %get3A_23] : memref<16x128xf32, #tpu.memory_space<vmem>>, vector<16x128xf32>
      %dot_general3A_25 = arith.constant dense<0.000000e+00> : vector<2000x128xf32>
      %dot_general3A_26 = tpu.matmul %slice3A_21, %get3A_24, %dot_general3A_25 {dimension_numbers = #tpu.dot_dimension_numbers<[1], [0], [0], [1], [0, 0, 1, 1], [], []>, transpose_lhs_hint = false} : vector<2000x16xf32>, vector<16x128xf32>, vector<2000x128xf32> -> vector<2000x128xf32>
      %slice3A_27 = vector.extract_strided_slice %get3A_20 {offsets = [0, 0], sizes = [2000, 128], strides = [1, 1]} : vector<2000x144xf32> to vector<2000x128xf32>
      %add3A_28 = arith.constant 1.000000e-16 : f32
      %add3A_29 = vector.broadcast %add3A_28 : f32 to vector<2000x128xf32>
      %add3A_30 = arith.addf %dot_general3A_26, %add3A_29 : vector<2000x128xf32>
      %div3A_31 = arith.divf %slice3A_27, %add3A_30 : vector<2000x128xf32>
      %max3A_32 = arith.constant 0.000000e+00 : f32
      %max3A_33 = vector.broadcast %max3A_32 : f32 to vector<2000x128xf32>
      %max3A_34 = arith.maximumf %div3A_31, %max3A_33 : vector<2000x128xf32>
      %mul3A = arith.constant 2000 : i32
      %mul3A_35 = arith.muli %arg1, %mul3A : i32
      %swap3A = arith.index_cast %mul3A_35 : i32 to index
      %swap3A_36 = arith.constant 0 : index
      %swap3A_37 = vector.load %arg11[%swap3A, %swap3A_36] : memref<10000x128xf32, #tpu.memory_space<vmem>>, vector<2000x128xf32>
      tpu.vector_store %arg11[%swap3A, %swap3A_36], %max3A_17 {strides = array<i32>} : memref<10000x128xf32, #tpu.memory_space<vmem>>, vector<2000x128xf32>,
      %mul3A_38 = arith.constant 2000 : i32
      %mul3A_39 = arith.muli %arg1, %mul3A_38 : i32
      %swap3A_40 = arith.index_cast %mul3A_39 : i32 to index
      %swap3A_41 = arith.constant 0 : index
      %swap3A_42 = vector.load %arg12[%swap3A_40, %swap3A_41] : memref<10000x128xf32, #tpu.memory_space<vmem>>, vector<2000x128xf32>
      tpu.vector_store %arg12[%swap3A_40, %swap3A_41], %max3A_34 {strides = array<i32>} : memref<10000x128xf32, #tpu.memory_space<vmem>>, vector<2000x128xf32>,
      %get3A_43 = arith.constant 0 : index
      %get3A_44 = arith.constant 0 : index
      %get3A_45 = vector.load %arg4[%get3A_43, %get3A_44] : memref<128x128xf32, #tpu.memory_space<vmem>>, vector<128x128xf32>
      %dot_general3A_46 = arith.constant dense<0.000000e+00> : vector<2000x128xf32>
      %dot_general3A_47 = tpu.matmul %max3A_17, %get3A_45, %dot_general3A_46 {dimension_numbers = #tpu.dot_dimension_numbers<[1], [0], [0], [1], [0, 0, 1, 1], [], []>, transpose_lhs_hint = false} : vector<2000x128xf32>, vector<128x128xf32>, vector<2000x128xf32> -> vector<2000x128xf32>
      %get3A_48 = arith.constant 0 : index
      %get3A_49 = arith.constant 0 : index
      %get3A_50 = vector.load %arg5[%get3A_48, %get3A_49] : memref<1x128xf32, #tpu.memory_space<vmem>>, vector<1x128xf32>
      %add3A_51 = vector.broadcast %get3A_50 : vector<1x128xf32> to vector<2000x128xf32>
      %add3A_52 = arith.addf %dot_general3A_47, %add3A_51 : vector<2000x128xf32>
      %tanh3A = math.tanh %add3A_52 : vector<2000x128xf32>
      %get3A_53 = arith.constant 0 : index
      %get3A_54 = arith.constant 0 : index
      %get3A_55 = vector.load %arg4[%get3A_53, %get3A_54] : memref<128x128xf32, #tpu.memory_space<vmem>>, vector<128x128xf32>
      %dot_general3A_56 = arith.constant dense<0.000000e+00> : vector<2000x128xf32>
      %dot_general3A_57 = tpu.matmul %max3A_34, %get3A_55, %dot_general3A_56 {dimension_numbers = #tpu.dot_dimension_numbers<[1], [0], [0], [1], [0, 0, 1, 1], [], []>, transpose_lhs_hint = false} : vector<2000x128xf32>, vector<128x128xf32>, vector<2000x128xf32> -> vector<2000x128xf32>
      %get3A_58 = arith.constant 0 : index
      %get3A_59 = arith.constant 0 : index
      %get3A_60 = vector.load %arg5[%get3A_58, %get3A_59] : memref<1x128xf32, #tpu.memory_space<vmem>>, vector<1x128xf32>
      %add3A_61 = vector.broadcast %get3A_60 : vector<1x128xf32> to vector<2000x128xf32>
      %add3A_62 = arith.addf %dot_general3A_57, %add3A_61 : vector<2000x128xf32>
      %tanh3A_63 = math.tanh %add3A_62 : vector<2000x128xf32>
      %get3A_64 = arith.constant 0 : index
      %get3A_65 = arith.constant 0 : index
      %get3A_66 = vector.load %arg6[%get3A_64, %get3A_65] : memref<1x128xf32, #tpu.memory_space<vmem>>, vector<1x128xf32>
      %mul3A_67 = vector.broadcast %get3A_66 : vector<1x128xf32> to vector<2000x128xf32>
      %mul3A_68 = arith.mulf %tanh3A, %mul3A_67 : vector<2000x128xf32>
      %reduce_sum3A = vector.shape_cast %mul3A_68 : vector<2000x128xf32> to vector<1x2000x128xf32>
      %reduce_sum3A_69 = arith.constant dense<0.000000e+00> : vector<1xf32>
      %reduce_sum3A_70 = vector.multi_reduction <add>, %reduce_sum3A, %reduce_sum3A_69 [1, 2] : vector<1x2000x128xf32> to vector<1xf32>
      %reduce_sum3A_71 = vector.shape_cast %reduce_sum3A_70 : vector<1xf32> to vector<1x1x1xf32>
      %reduce_sum3A_72 = vector.extract %reduce_sum3A_71[0, 0, 0] : f32 from vector<1x1x1xf32>
      %mul3A_73 = arith.constant 9.99999974E-5 : f32
      %mul3A_74 = arith.mulf %reduce_sum3A_72, %mul3A_73 : f32
      %get3A_75 = arith.constant 0 : index
      %get3A_76 = arith.constant 0 : index
      %get3A_77 = vector.load %arg6[%get3A_75, %get3A_76] : memref<1x128xf32, #tpu.memory_space<vmem>>, vector<1x128xf32>
      %mul3A_78 = vector.broadcast %get3A_77 : vector<1x128xf32> to vector<2000x128xf32>
      %mul3A_79 = arith.mulf %tanh3A_63, %mul3A_78 : vector<2000x128xf32>
      %reduce_sum3A_80 = vector.shape_cast %mul3A_79 : vector<2000x128xf32> to vector<1x2000x128xf32>
      %reduce_sum3A_81 = arith.constant dense<0.000000e+00> : vector<1xf32>
      %reduce_sum3A_82 = vector.multi_reduction <add>, %reduce_sum3A_80, %reduce_sum3A_81 [1, 2] : vector<1x2000x128xf32> to vector<1xf32>
      %reduce_sum3A_83 = vector.shape_cast %reduce_sum3A_82 : vector<1xf32> to vector<1x1x1xf32>
      %reduce_sum3A_84 = vector.extract %reduce_sum3A_83[0, 0, 0] : f32 from vector<1x1x1xf32>
      %mul3A_85 = arith.constant 9.99999974E-5 : f32
      %mul3A_86 = arith.mulf %reduce_sum3A_84, %mul3A_85 : f32
      %iota3A = tpu.iota {dimensions = array<i32: 1>} : vector<1x8xi32>
      %eq3A_87 = arith.constant 0 : i32
      %eq3A_88 = vector.broadcast %eq3A_87 : i32 to vector<1x8xi32>
      %eq3A_89 = arith.cmpi eq, %iota3A, %eq3A_88 : vector<1x8xi32>
      %jit3A = arith.constant 0.000000e+00 : f32
      %broadcast_in_dim3A = vector.broadcast %mul3A_74 : f32 to vector<1x8xf32>
      %broadcast_in_dim3A_90 = vector.broadcast %jit3A : f32 to vector<1x8xf32>
      %select_n3A = arith.select %eq3A_89, %broadcast_in_dim3A, %broadcast_in_dim3A_90 : vector<1x8xi1>, vector<1x8xf32>
      %eq3A_91 = arith.constant 1 : i32
      %eq3A_92 = vector.broadcast %eq3A_91 : i32 to vector<1x8xi32>
      %eq3A_93 = arith.cmpi eq, %iota3A, %eq3A_92 : vector<1x8xi32>
      %jit3A_94 = arith.constant 0.000000e+00 : f32
      %broadcast_in_dim3A_95 = vector.broadcast %mul3A_86 : f32 to vector<1x8xf32>
      %broadcast_in_dim3A_96 = vector.broadcast %jit3A_94 : f32 to vector<1x8xf32>
      %select_n3A_97 = arith.select %eq3A_93, %broadcast_in_dim3A_95, %broadcast_in_dim3A_96 : vector<1x8xi1>, vector<1x8xf32>
      %add3A_98 = arith.addf %select_n3A, %select_n3A_97 : vector<1x8xf32>
      %eq3A_99 = arith.constant 0 : i32
      %eq3A_100 = arith.cmpi eq, %arg1, %eq3A_99 : i32
      %convert_element_type3A_101 = arith.extui %eq3A_100 : i1 to i32
      %cond3A_102 = arith.constant 0 : i32
      %cond3A_103 = arith.cmpi ne, %convert_element_type3A_101, %cond3A_102 : i32
      scf.if %cond3A_103 {
        %swap3A_108 = arith.constant 0 : index
        %swap3A_109 = arith.constant 0 : index
        %swap3A_110 = vector.load %arg13[%swap3A_108, %swap3A_109] : memref<1x8xf32, #tpu.memory_space<vmem>>, vector<1x8xf32>
        tpu.vector_store %arg13[%swap3A_108, %swap3A_109], %add3A_98 {strides = array<i32>} : memref<1x8xf32, #tpu.memory_space<vmem>>, vector<1x8xf32>,
      } else {
      }
      %ne3A = arith.constant 0 : i32
      %ne3A_104 = arith.cmpi ne, %arg1, %ne3A : i32
      %convert_element_type3A_105 = arith.extui %ne3A_104 : i1 to i32
      %cond3A_106 = arith.constant 0 : i32
      %cond3A_107 = arith.cmpi ne, %convert_element_type3A_105, %cond3A_106 : i32
      scf.if %cond3A_107 {
        %get3A_108 = arith.constant 0 : index
        %get3A_109 = arith.constant 0 : index
        %get3A_110 = vector.load %arg13[%get3A_108, %get3A_109] : memref<1x8xf32, #tpu.memory_space<vmem>>, vector<1x8xf32>
        %add3A_111 = arith.addf %get3A_110, %add3A_98 : vector<1x8xf32>
        %swap3A_112 = arith.constant 0 : index
        %swap3A_113 = arith.constant 0 : index
        %swap3A_114 = vector.load %arg13[%swap3A_112, %swap3A_113] : memref<1x8xf32, #tpu.memory_space<vmem>>, vector<1x8xf32>
        tpu.vector_store %arg13[%swap3A_112, %swap3A_113], %add3A_111 {strides = array<i32>} : memref<1x8xf32, #tpu.memory_space<vmem>>, vector<1x8xf32>,
      } else {
      }
    } else {
    }
    %eq3A_2 = arith.constant 1 : i32
    %eq3A_3 = arith.cmpi eq, %arg0, %eq3A_2 : i32
    %convert_element_type3A_4 = arith.extui %eq3A_3 : i1 to i32
    %cond3A_5 = arith.constant 0 : i32
    %cond3A_6 = arith.cmpi ne, %convert_element_type3A_4, %cond3A_5 : i32
    scf.if %cond3A_6 {
      %get3A = arith.constant 0 : index
      %get3A_7 = arith.constant 0 : index
      %get3A_8 = vector.load %arg13[%get3A, %get3A_7] : memref<1x8xf32, #tpu.memory_space<vmem>>, vector<1x8xf32>
      %slice3A = vector.extract_strided_slice %get3A_8 {offsets = [0, 0], sizes = [1, 1], strides = [1, 1]} : vector<1x8xf32> to vector<1x1xf32>
      %slice3A_9 = vector.extract_strided_slice %get3A_8 {offsets = [0, 1], sizes = [1, 1], strides = [1, 1]} : vector<1x8xf32> to vector<1x1xf32>
      %max3A = arith.maximumf %slice3A, %slice3A_9 : vector<1x1xf32>
      %sub3A = arith.subf %slice3A, %max3A : vector<1x1xf32>
      %exp3A = math.exp %sub3A : vector<1x1xf32>
      %sub3A_10 = arith.subf %slice3A_9, %max3A : vector<1x1xf32>
      %exp3A_11 = math.exp %sub3A_10 : vector<1x1xf32>
      %add3A = arith.addf %exp3A, %exp3A_11 : vector<1x1xf32>
      %div3A = arith.divf %exp3A, %add3A : vector<1x1xf32>
      %add3A_12 = arith.addf %exp3A, %exp3A_11 : vector<1x1xf32>
      %div3A_13 = arith.divf %exp3A_11, %add3A_12 : vector<1x1xf32>
      %mul3A = arith.constant 2000 : i32
      %mul3A_14 = arith.muli %arg1, %mul3A : i32
      %get3A_15 = arith.index_cast %mul3A_14 : i32 to index
      %get3A_16 = arith.constant 0 : index
      %get3A_17 = vector.load %arg11[%get3A_15, %get3A_16] : memref<10000x128xf32, #tpu.memory_space<vmem>>, vector<2000x128xf32>
      %mul3A_18 = vector.broadcast %div3A : vector<1x1xf32> to vector<2000x128xf32>
      %mul3A_19 = arith.mulf %get3A_17, %mul3A_18 : vector<2000x128xf32>
      %mul3A_20 = arith.constant 2000 : i32
      %mul3A_21 = arith.muli %arg1, %mul3A_20 : i32
      %get3A_22 = arith.index_cast %mul3A_21 : i32 to index
      %get3A_23 = arith.constant 0 : index
      %get3A_24 = vector.load %arg12[%get3A_22, %get3A_23] : memref<10000x128xf32, #tpu.memory_space<vmem>>, vector<2000x128xf32>
      %mul3A_25 = vector.broadcast %div3A_13 : vector<1x1xf32> to vector<2000x128xf32>
      %mul3A_26 = arith.mulf %get3A_24, %mul3A_25 : vector<2000x128xf32>
      %add3A_27 = arith.addf %mul3A_19, %mul3A_26 : vector<2000x128xf32>
      %get3A_28 = arith.constant 0 : index
      %get3A_29 = arith.constant 0 : index
      %get3A_30 = vector.load %arg8[%get3A_28, %get3A_29] : memref<128x8xf32, #tpu.memory_space<vmem>>, vector<128x8xf32>
      %dot_general3A = arith.constant dense<0.000000e+00> : vector<2000x8xf32>
      %dot_general3A_31 = tpu.matmul %add3A_27, %get3A_30, %dot_general3A {dimension_numbers = #tpu.dot_dimension_numbers<[1], [0], [0], [1], [0, 0, 1, 1], [], []>, transpose_lhs_hint = false} : vector<2000x128xf32>, vector<128x8xf32>, vector<2000x8xf32> -> vector<2000x8xf32>
      %get3A_32 = arith.constant 0 : index
      %get3A_33 = arith.constant 0 : index
      %get3A_34 = vector.load %arg9[%get3A_32, %get3A_33] : memref<1x8xf32, #tpu.memory_space<vmem>>, vector<1x8xf32>
      %add3A_35 = vector.broadcast %get3A_34 : vector<1x8xf32> to vector<2000x8xf32>
      %add3A_36 = arith.addf %dot_general3A_31, %add3A_35 : vector<2000x8xf32>
      %swap3A = arith.constant 0 : index
      %swap3A_37 = arith.constant 0 : index
      %swap3A_38 = vector.load %arg10[%swap3A, %swap3A_37] : memref<2000x8xf32, #tpu.memory_space<vmem>>, vector<2000x8xf32>
      tpu.vector_store %arg10[%swap3A, %swap3A_37], %add3A_36 {strides = array<i32>} : memref<2000x8xf32, #tpu.memory_space<vmem>>, vector<2000x8xf32>,
    } else {
    }
    return
  }
  func.func @transform_0(%arg0: i32, %arg1: i32) -> (i32, i32) {
    %sub3A = arith.constant 1 : i32
    %sub3A_0 = arith.subi %sub3A, %arg0 : i32
    %mul3A = arith.muli %arg1, %sub3A_0 : i32
    %c0_i32 = arith.constant 0 : i32
    %c0_i32_1 = arith.constant 0 : i32
    return %mul3A, %c0_i32 : i32, i32
  }
  func.func @transform_1(%arg0: i32, %arg1: i32) -> (i32, i32) {
    %sub3A = arith.constant 1 : i32
    %sub3A_0 = arith.subi %sub3A, %arg0 : i32
    %mul3A = arith.muli %arg1, %sub3A_0 : i32
    %c0_i32 = arith.constant 0 : i32
    %c0_i32_1 = arith.constant 0 : i32
    return %mul3A, %c0_i32 : i32, i32
  }
  func.func @transform_2(%arg0: i32, %arg1: i32) -> (i32, i32) {
    %c0_i32 = arith.constant 0 : i32
    %c0_i32_0 = arith.constant 0 : i32
    %c0_i32_1 = arith.constant 0 : i32
    return %c0_i32, %c0_i32_0 : i32, i32
  }
  func.func @transform_3(%arg0: i32, %arg1: i32) -> (i32, i32) {
    %c0_i32 = arith.constant 0 : i32
    %c0_i32_0 = arith.constant 0 : i32
    %c0_i32_1 = arith.constant 0 : i32
    return %c0_i32, %c0_i32_0 : i32, i32
  }
  func.func @transform_4(%arg0: i32, %arg1: i32) -> (i32, i32) {
    %c0_i32 = arith.constant 0 : i32
    %c0_i32_0 = arith.constant 0 : i32
    %c0_i32_1 = arith.constant 0 : i32
    return %c0_i32, %c0_i32_0 : i32, i32
  }
  func.func @transform_5(%arg0: i32, %arg1: i32) -> (i32, i32) {
    %c0_i32 = arith.constant 0 : i32
    %c0_i32_0 = arith.constant 0 : i32
    %c0_i32_1 = arith.constant 0 : i32
    return %c0_i32, %c0_i32_0 : i32, i32
  }
  func.func @transform_6(%arg0: i32, %arg1: i32) -> (i32, i32) {
    %c0_i32 = arith.constant 0 : i32
    %c0_i32_0 = arith.constant 0 : i32
    %c0_i32_1 = arith.constant 0 : i32
    return %c0_i32, %c0_i32_0 : i32, i32
  }
  func.func @transform_7(%arg0: i32, %arg1: i32) -> (i32, i32) {
    %c0_i32 = arith.constant 0 : i32
    %c0_i32_0 = arith.constant 0 : i32
    %c0_i32_1 = arith.constant 0 : i32
    return %c0_i32, %c0_i32_0 : i32, i32
  }
  func.func @transform_8(%arg0: i32, %arg1: i32) -> (i32, i32) {
    %c0_i32 = arith.constant 0 : i32
    %c0_i32_0 = arith.constant 0 : i32
    return %arg1, %c0_i32 : i32, i32
  }
}

</mosaic_0001>

<sc_bundles>
// kernel: kernel.5.cloned.1.call-start
scs
__scs_entry_jumppad:
0x0: {  	(pc) =	sbr.rel $0x88, $3  }
0x1: {  	(tag) =	ssettag $0x0;
	lr =	simm.s32 $0x1  }
0x2: {  	[smem:$0x3F90] =	sst lr;
	_ =	strace $0xD0000000  }
0x3: {  	_ = 	snop  }
0x4: {  	_ = 	snop  }
0x5: {  	_ = 	snop  }
0x6: {  	_ = 	snop  }
0x7: {  	_ = 	snop  }
__scs_overlays_trampoline_lowered:
0x8: {  	[smem:$0x3F9F] =	sst s0  }
0x9: {  	[smem:$0x3FA0] =	sst s1  }
0xa: {  	[smem:$0x3FA1] =	sst s2  }
0xb: {  	[smem:$0x3FA2] =	sst s3  }
0xc: {  	[smem:$0x3FA3] =	sst s4  }
0xd: {  	[smem:$0x3FA4] =	sst s5  }
0xe: {  	[smem:$0x3FA5] =	sst s6  }
0xf: {  	[smem:$0x3FA6] =	sst s7  }
0x10: {  	[smem:$0x3FA7] =	sst s8  }
0x11: {  	[smem:$0x3FA8] =	sst s9;
	s0 =	simm.s32 @!p0 $0x0  }
0x12: {  	s1 =	sld [smem:$0x3F8E];
	s0 =	simm.s32 @p0 $0x1  }
0x13: {  	[smem:$0x3FA9] =	sst s0;
	s0 =	simm.s32 @!p1 $0x0  }
0x14: {  	s2 =	sld [smem:$0x3F8D];
	s0 =	simm.s32 @p1 $0x1  }
0x15: {  	[smem:$0x3FAA] =	sst s0;
	s0 =	simm.s32 @!p2 $0x0  }
0x16: {  	s3 =	sld [smem:$0x3FDB];
	s0 =	simm.s32 @p2 $0x1  }
0x17: {  	s4 =	simm.s32 $0x1BF5;
	[smem:$0x3FAC] =	sst s0  }
0x18: {  	s0 =	sld [smem:$0x3F8F];
	_ =	swait.ge [sflag:s4], $0x0  }
0x19: {  	s7 =	sld [smem:$0x3F90]  }
0x1a: {  	s8 =	sadd.s32 $0xFFFFE003, lr  }
0x1b: {  	s9 =	sadd.s32 $0xFFFFFEF7, lr;
	s5 =	simm.s32 $0xFFFFFFFF;
	p2 =	slt.u32 s8, $0xFFFFF086  }
0x1c: {  	p1 =	slt.u32 s9, $0xF7A;
	s5 =	simm.s32 @!p2 $0x0  }
0x1d: {  	s5 =	simm.s32 @p1 $0x1;
	p0 =	seq.s32 s7, s2  }
0x1e: {  	s7 =	smul.u32 @!p0 $0xF7A, s2;
	p2 =	seq.s32 @!p0 s5, $0x0  }
0x1f: {  	s9 =	smul.u32 $0xF7A, s1;
	s8 =	simm.s32 @!p0 $0x1BF5;
	p2 =	por !p2, p0  }
0x20: {  	[sflag:s8] =	ssyncset.s32 @!p0 $0xFFFFF086;
	s6 =	sadd.s32 @!p0 s3, s7;
	s7 =	simm.s32 @!p0 $0x108  }
0x21: {  	s3 =	sadd.s32 s3, s9;
	s6 =	sadd.s32 @!p0 $0x88, s6;
	s7 =	simm.s32 @p2 $0x1082  }
0x22: {  	[simem:s7], [sflag:s8] =	dma.local @!p0 [hbm:s6], $0xF7A  }
0x23: {  	s9 =	sor.u32 $0xD0000000, s2;
	s6 =	simm.s32 $0x108;
	_ =	swait.ge @!p0 [sflag:s8], $0x0  }
0x24: {  	s3 =	sadd.s32 $0x88, s3;
	s6 =	simm.s32 @!p1 $0x1082;
	[sflag:s4] =	ssyncset.s32 $0xFFFFF086  }
0x25: {  	[simem:s6], [sflag:s4] =	dma.local [hbm:s3], $0xF7A  }
0x26: {  	[smem:$0x3F90] =	sst s1;
	(tag) =	ssettag s2;
	_ =	strace s9  }
0x27: {  	s1 =	sld [smem:$0x3FA0]  }
0x28: {  	s2 =	sld [smem:$0x3FA1]  }
0x29: {  	s4 =	sld [smem:$0x3FA3]  }
0x2a: {  	p0 =	seq.s32 s5, $0x0;
	s5 =	sld [smem:$0x3FA4]  }
0x2b: {  	s6 =	sld [smem:$0x3FA5]  }
0x2c: {  	s7 =	sld [smem:$0x3FA6]  }
0x2d: {  	s3 =	simm.s32 $0x108;
	s8 =	sld [smem:$0x3FA7]  }
0x2e: {  	s3 =	simm.s32 @!p0 $0x1082;
	s9 =	sld [smem:$0x3FA8]  }
0x2f: {  	lr =	sadd.s32 s0, s3;
	s0 =	sld [smem:$0x3F9F]  }
0x30: {  	s3 =	sld [smem:$0x3FA2]  }
0x31: {  	[smem:$0x3FAB] =	sst s10  }
0x32: {  	s10 =	sld [smem:$0x3FA9];
	_ =	sdelay $0x3  }
0x33: {  	p0 =	seq.s32 s10, $0x1;
	s10 =	sld [smem:$0x3FAB];
	_ =	sdelay $0x3  }
0x34: {  	[smem:$0x3FAB] =	sst s10  }
0x35: {  	s10 =	sld [smem:$0x3FAA];
	_ =	sdelay $0x3  }
0x36: {  	p1 =	seq.s32 s10, $0x1;
	s10 =	sld [smem:$0x3FAB];
	_ =	sdelay $0x3  }
0x37: {  	[smem:$0x3FAB] =	sst s10  }
0x38: {  	s10 =	sld [smem:$0x3FAC]  }
0x39: {  	_ = 	snop;
	(pc) =	sbr.ind lr, $3  }
0x3a: {  	_ = 	snop  }
0x3b: {  	_ = 	snop  }
0x3c: {  	p2 =	seq.s32 s10, $0x1;
	s10 =	sld [smem:$0x3FAB]  }
0x3d: {  	_ =	shalt  }
0x3e: {  	_ =	shalt  }
0x3f: {  	_ =	shalt  }
0x40: {  	_ =	shalt  }
0x41: {  	_ =	shalt  }
0x42: {  	_ =	shalt  }
0x43: {  	_ =	shalt  }
0x44: {  	_ =	shalt  }
0x45: {  	_ =	shalt  }
0x46: {  	_ =	shalt  }
0x47: {  	_ =	shalt  }
0x48: {  	_ =	shalt  }
0x49: {  	_ =	shalt  }
0x4a: {  	_ =	shalt  }
0x4b: {  	_ =	shalt  }
0x4c: {  	_ =	shalt  }
0x4d: {  	_ =	shalt  }
0x4e: {  	_ =	shalt  }
0x4f: {  	_ =	shalt  }
0x50: {  	_ =	shalt  }
0x51: {  	_ =	shalt  }
0x52: {  	_ =	shalt  }
0x53: {  	_ =	shalt  }
0x54: {  	_ =	shalt  }
0x55: {  	_ =	shalt  }
0x56: {  	_ =	shalt  }
0x57: {  	_ =	shalt  }
0x58: {  	_ =	shalt  }
0x59: {  	_ =	shalt  }
0x5a: {  	_ =	shalt  }
0x5b: {  	_ =	shalt  }
0x5c: {  	_ =	shalt  }
0x5d: {  	_ =	shalt  }
0x5e: {  	_ =	shalt  }
0x5f: {  	_ =	shalt  }
0x60: {  	_ =	shalt  }
0x61: {  	_ =	shalt  }
0x62: {  	_ =	shalt  }
0x63: {  	_ =	shalt  }
0x64: {  	_ =	shalt  }
0x65: {  	_ =	shalt  }
0x66: {  	_ =	shalt  }
0x67: {  	_ =	shalt  }
0x68: {  	_ =	shalt  }
0x69: {  	_ =	shalt  }
0x6a: {  	_ =	shalt  }
0x6b: {  	_ =	shalt  }
0x6c: {  	_ =	shalt  }
0x6d: {  	_ =	shalt  }
0x6e: {  	_ =	shalt  }
0x6f: {  	_ =	shalt  }
0x70: {  	_ =	shalt  }
0x71: {  	_ =	shalt  }
0x72: {  	_ =	shalt  }
0x73: {  	_ =	shalt  }
0x74: {  	_ =	shalt  }
0x75: {  	_ =	shalt  }
0x76: {  	_ =	shalt  }
0x77: {  	_ =	shalt  }
0x78: {  	_ =	shalt  }
0x79: {  	_ =	shalt  }
0x7a: {  	_ =	shalt  }
0x7b: {  	_ =	shalt  }
0x7c: {  	_ =	shalt  }
0x7d: {  	_ =	shalt  }
0x7e: {  	_ =	shalt  }
0x7f: {  	_ =	shalt  }
0x80: {  	_ =	shalt  }
0x81: {  	_ =	shalt  }
0x82: {  	_ =	shalt  }
0x83: {  	_ =	shalt  }
0x84: {  	_ =	shalt  }
0x85: {  	_ =	shalt  }
0x86: {  	_ =	shalt  }
0x87: {  	_ =	shalt  }
.Lfunc_end0:
.L_simem_size_0:
called_computation_lowered:
.L_overlay_start_0:
0x88: {  	s2 =	sld [smem:$0x3FD9]  }
0x89: {  	s3 =	sld [smem:$0x3FFE];
	_ =	sdelay $0x1  }
0x8a: {  	s1 =	srdreg.scid  }
0x8b: {  	s0 =	sand.u32 $0x1, s1  }
0x8c: {  	s17 =	sshll.u32 s0, $0xA;
	s2 =	sadd.s32 s3, s2  }
0x8d: {  	s2 =	sadd.s32 s2, s17  }
0x8e: {  	[smem:$0x3FB7] =	sst s2  }
0x8f: {  	_ = 	snop  }
0x90: {  	s2 =	sld [smem:$0x3FD0];
	(tm) =	ssettm $0x1  }
0x91: {  	s18 =	sld [smem:$0x3FFB];
	_ =	sdelay $0x3  }
0x92: {  	_ =	strace s18  }
0x93: {  	s3 =	sld [smem:$0x3FFC];
	_ =	sdelay $0x3  }
0x94: {  	_ =	strace s3  }
0x95: {  	s3 =	sld [smem:$0x3FFD];
	_ =	sdelay $0x3  }
0x96: {  	_ =	strace s3  }
0x97: {  	_ =	strace $0x8FFFFFFF  }
0x98: {  	s19 =	sld [smem:$0x3FDB];
	_ =	sdelay $0x1  }
0x99: {  	s4 =	simm.s32 $_scs_section_size  }
0x9a: {  	s5 =	simm.s32 $_size__tile_overlayer_lowered;
	s6 =	simm.s32 $_tile_overlayer_lowered  }
0x9b: {  	s22 =	simm.s32 $0x1BFF;
	s21 =	sshll.u32 s6, $0x1;
	s3 =	sadd.s32 s4, s19  }
0x9c: {  	s7 =	simm.s32 $0x0;
	s20 =	sshll.u32 s5, $0x1;
	s5 =	sadd.s32 s21, s3  }
0x9d: {  	[timem:s7], [sflag:s22] =	dma.local [hbm:s5], s20  }
0x9e: {  	_ =	swait.ge [sflag:s22], s20  }
0x9f: {  	s4 =	ssub.s32 $0x0, s20;
	[sflag:s22] =	ssyncset.done $0x0  }
0xa0: {  	[sflag:s22] =	ssyncadd.s32 s4;
	_ =	sdelay $0x1  }
0xa1: {  	s23 =	simm.s32 $0x1B8B  }
0xa2: {  	_ =	swait.ge [sflag:s23], $0x1  }
0xa3: {  	[sflag:s23] =	ssyncset.done $0x0  }
0xa4: {  	s25 =	simm.s32 $0x1B8E;
	s24 =	sld [smem:$0x3FFE];
	[sflag:s23] =	ssyncadd.s32 $0xFFFFFFFF  }
0xa5: {  	s26 =	simm.s32 $execute0_lowered;
	[smem:$0x3FD2] =	sst s25  }
0xa6: {  	s5 =	sshll.u32 s26, $0x1;
	_ =	strace $0x80000046;
	[dreg:$0x1] =	wrdreg $0xFFFFFFFF  }
0xa7: {  	s28 =	simm.s32 $_size_execute0_lowered;
	s3 =	sadd.s32 s3, s5;
	[dreg:$0x0] =	wrdreg $0x0  }
0xa8: {  	s5 =	sshll.u32 s28, $0x1;
	[dreg:$0x2] =	wrdreg s3  }
0xa9: {  	[dreg:$0x3] =	wrdreg s5  }
0xaa: {  	[dreg:$0x4] =	wrdreg $0xC0  }
0xab: {  	_ =	task [dreg:s7], $0x5FFFF  }
0xac: {  	[dreg:$0x1] =	wrdreg $0xFFFFFFFF  }
0xad: {  	[dreg:$0x0] =	wrdreg $0x60  }
0xae: {  	[dreg:$0x2] =	wrdreg s24  }
0xaf: {  	[dreg:$0x3] =	wrdreg s2  }
0xb0: {  	[dreg:$0x4] =	wrdreg $0x91800  }
0xb1: {  	[dreg:$0x5] =	wrdreg $0x9  }
0xb2: {  	_ =	task.clear_ibuf [dreg:s7], $0x6FFFF;
	_ =	strace $0x90000046  }
0xb3: {  	s29 =	simm.s32 $0x9;
	_ =	strace $0x80000048  }
0xb4: {  	_ =	swait.ge [sflag:s29], $0x1  }
0xb5: {  	[sflag:s29] =	ssyncadd.s32 $0xFFFFFFFF  }
0xb6: {  	_ =	strace $0x90000048  }
0xb7: {  	_ =	sfence  }
0xb8: {  	s30 =	sld [smem:$0x0];
	_ =	sdelay $0x2  }
0xb9: {  	s31 =	sshll.u32 s1, $0xD;
	s1 =	sshrl.u32 s1, $0x2  }
0xba: {  	s3 =	sand.u32 $0x4000, s31;
	s1 =	sadd.s32 s1, s30  }
0xbb: {  	s0 =	sor.u32 s3, s0;
	s1 =	sshll.u32 s1, $0x11  }
0xbc: {  	s0 =	sor.u32 s1, s0  }
0xbd: {  	s0 =	sadd.s32 $0x8F2B, s0  }
0xbe: {  	[sflag:s0] =	ssyncadd.remote.s32 $0x1  }
0xbf: {  	_ =	sfence.sel $0xFFFF  }
0xc0: {  	[dreg:$0x0] =	wrdreg $0xFFFFFFFF;
	(pc) =	sbr.abs _section_cstart, $3  }
0xc1: {  	[dreg:$0x1] =	wrdreg $0xFFFFFFFF  }
0xc2: {  	_ =	task.clear_ibuf [dreg:s7], $0x2FFFF;
	_ =	strace $0x9FFFFFFF  }
0xc3: {  	(tm) =	ssettm $0x7FFFFFFF  }
tec
execute0_lowered:
.L_overlay_start_1:
0x0: {  	(tag) =	ssettag $0x1  }
0x1: {  	s0 =	rddreg [dreg:$0x0]  }
0x2: {  	s2 =	rddreg [dreg:$0x2];
	s17 =	simm.s32 $0x0;
	s26 =	srdreg.scid  }
0x3: {  	s9 =	stileid.u32;
	[smem:$0x7FF] =	sst s17  }
0x4: {  	s4 =	sadd.s32 $0x41800, s0;
	s5 =	sadd.s32 $0x46800, s0;
	s6 =	sadd.s32 $0x1800, s0  }
0x5: {  	s7 =	sadd.s32 $0x32800, s0;
	s1 =	sadd.s32 $0x9DC00, s0;
	s10 =	sadd.s32 $0x3C800, s0  }
0x6: {  	s11 =	sadd.s32 $0x37800, s0;
	s12 =	sadd.s32 $0x9DE00, s0;
	s13 =	smul.u32 $0x2760, s9  }
0x7: {  	s14 =	sadd.s32 $0x2D800, s0;
	s8 =	sadd.s32 $0xC9E00, s0;
	s0 =	sadd.s32 $0x4B800, s0  }
0x8: {  	s16 =	smul.u32 $0x15F90, s9;
	_ =	strace $0x80000047;
	[dreg:$0x5] =	wrdreg s1  }
0x9: {  	s19 =	smul.u32 $0x57E40, s9;
	s1 =	sand.u32 $0x1, s26;
	[dreg:$0x6] =	wrdreg s8  }
0xa: {  	s9 =	simm.s32 $0x3;
	[dreg:$0x7] =	wrdreg s0;
	s3 =	ssub.s32 $0x2, s1  }
0xb: {  	s30 =	sshrl.u32 s13, $0x3;
	p0 =	seq.s32 s1, $0x1;
	s22 =	sadd.s32 $0x70, s13  }
0xc: {  	s20 =	sshrl.u32 s16, $0x3;
	s1 =	sadd.s32 s16, s2;
	s23 =	sshrl.u32 s19, $0x2  }
0xd: {  	s31 =	sadd.s32 $0xE0, s13;
	s19 =	simm.s32 $0x8EA0;
	s16 =	simm.s32 $0x5  }
0xe: {  	s28 =	sshrl.u32 s3, $0x1;
	s15 =	sadd.s32 s4, s30;
	[dreg:$0xa] =	wrdreg s20  }
0xf: {  	s18 =	sadd.s32 s5, s30;
	s21 =	sadd.s32 s10, s30;
	[dreg:$0x8] =	wrdreg s15  }
0x10: {  	s24 =	sshrl.u32 s22, $0x3;
	s29 =	sadd.s32 s23, s2;
	[dreg:$0x9] =	wrdreg s18  }
0x11: {  	s0 =	ssub.s32 s3, s28;
	[dreg:$0xb] =	wrdreg s21;
	s3 =	sadd.s32 s11, s30  }
0x12: {  	s23 =	simm.s32 $0x6;
	s25 =	sadd.s32 s4, s24;
	[dreg:$0xc] =	wrdreg s3  }
0x13: {  	s26 =	sadd.s32 s5, s24;
	s28 =	sadd.s32 s10, s24;
	[dreg:$0xd] =	wrdreg s25  }
.Ltmp0:
0x14: {  	s8 =	sadd.s32 s11, s24;
	[dreg:$0xe] =	wrdreg s26;
	(pc) =	sbr.rel .LBB2_1-.Ltmp0, $4  }
0x15: {  	s30 =	sshrl.u32 s1, $0x3;
	s21 =	simm.s32 $0x70;
	[dreg:$0xf] =	wrdreg s28  }
0x16: {  	s15 =	simm.s32 $0x230;
	s18 =	simm.s32 $0x4;
	[dreg:$0x10] =	wrdreg s8  }
0x17: {  	v9 =	vimm.s32 $0x0;
	v46 =	vimm.s32 $0x1;
	v53 =	vimm.s32 $0x2;
	s0 =	smax.u32 s0, $0x1;
	[dreg:$0x12] =	wrdreg s30;
	s25 =	simm.s32 $0x1C0  }
0x18: {  	v50 =	vimm.s32 $0x3;
	v8 =	vimm.s32 $0x6;
	v10 =	vimm.s32 $0x7;
	s8 =	simm.s32 $0x4FA0;
	[dreg:$0x11] =	wrdreg s0;
	s0 =	sadd.s32 $0x150, s13  }
.LBB2_26:
0x19: {  	_ =	swait.ge [sflag:s16], $0x3F00  }
0x1a: {  	[sflag:s16] =	ssyncset.done $0x0  }
0x1b: {  	s3 =	stileid.u32;
	s23 =	simm.s32 $0x6;
	[sflag:s16] =	ssyncadd.s32 $0xFFFFC100  }
0x1c: {  	s3 =	sshll.u32 s3, $0x6;
	s19 =	rddreg [dreg:$0xa];
	[bflag:$0x0] =	sbarrier.arrive $0xFFFF  }
0x1d: {  	s1 =	sadd.s32 s1, s19;
	s3 =	sor.u32 $0x1C06, s3;
	s28 =	rddreg [dreg:$0x12]  }
0x1e: {  	[hbm:s1], [sflag:s3] =	dma.local [spmem:s28], $0x2BF2  }
0x1f: {  	_ =	swait.ge [sflag:s23], $0x2BF2  }
0x20: {  	s17 =	sadd.s32 $0x1, s17;
	s30 =	rddreg [dreg:$0x11]  }
0x21: {  	p1 =	sne.s32 s17, s30  }
.Ltmp1:
0x22: {  	_ = 	snop;
	(pc) =	sbr.rel @!p1 .LBB2_27-.Ltmp1, $3  }
0x23: {  	_ =	sdelay $0x1  }
0x24: {  	[sflag:s23] =	ssyncset.done $0x0  }
0x25: {  	s19 =	simm.s32 $0x8EA0;
	[sflag:s23] =	ssyncadd.s32 $0xFFFFD40E  }
.LBB2_1:
0x26: {  	v0 =	vimm.f32 $0.0e+00  }
0x27: {  	[tilespmem:$0x8EA0] =	vst v0  }
0x28: {  	[tilespmem:$0x8EB0] =	vst v0  }
0x29: {  	[tilespmem:$0x8EC0] =	vst v0  }
0x2a: {  	[tilespmem:$0x8ED0] =	vst v0  }
0x2b: {  	[tilespmem:$0x8EE0] =	vst v0  }
0x2c: {  	[tilespmem:$0x8EF0] =	vst v0  }
0x2d: {  	[tilespmem:$0x8F00] =	vst v0  }
0x2e: {  	[tilespmem:$0x8F10] =	vst v0  }
0x2f: {  	[tilespmem:$0x8F20] =	vst v0  }
0x30: {  	[tilespmem:$0x8F30] =	vst v0  }
0x31: {  	[tilespmem:$0x8F40] =	vst v0  }
0x32: {  	[tilespmem:$0x8F50] =	vst v0  }
0x33: {  	[tilespmem:$0x8F60] =	vst v0  }
0x34: {  	[tilespmem:$0x8F70] =	vst v0  }
0x35: {  	[tilespmem:$0x8F80] =	vst v0  }
0x36: {  	[tilespmem:$0x8F90] =	vst v0  }
0x37: {  	[tilespmem:$0x8FA0] =	vst v0  }
0x38: {  	[tilespmem:$0x8FB0] =	vst v0  }
0x39: {  	[tilespmem:$0x8FC0] =	vst v0  }
0x3a: {  	[tilespmem:$0x8FD0] =	vst v0  }
0x3b: {  	[tilespmem:$0x8FE0] =	vst v0  }
0x3c: {  	[tilespmem:$0x8FF0] =	vst v0  }
0x3d: {  	[tilespmem:$0x9000] =	vst v0  }
0x3e: {  	[tilespmem:$0x9010] =	vst v0  }
0x3f: {  	[tilespmem:$0x9020] =	vst v0  }
0x40: {  	[tilespmem:$0x9030] =	vst v0  }
0x41: {  	[tilespmem:$0x9040] =	vst v0  }
0x42: {  	[tilespmem:$0x9050] =	vst v0  }
0x43: {  	[tilespmem:$0x9060] =	vst v0  }
0x44: {  	[tilespmem:$0x9070] =	vst v0  }
0x45: {  	[tilespmem:$0x9080] =	vst v0  }
0x46: {  	[tilespmem:$0x9090] =	vst v0  }
0x47: {  	[tilespmem:$0x90A0] =	vst v0  }
0x48: {  	[tilespmem:$0x90B0] =	vst v0  }
0x49: {  	[tilespmem:$0x90C0] =	vst v0  }
0x4a: {  	[tilespmem:$0x90D0] =	vst v0  }
0x4b: {  	[tilespmem:$0x90E0] =	vst v0  }
0x4c: {  	[tilespmem:$0x90F0] =	vst v0  }
0x4d: {  	[tilespmem:$0x9100] =	vst v0  }
0x4e: {  	[tilespmem:$0x9110] =	vst v0  }
.Ltmp2:
0x4f: {  	[tilespmem:$0x9120] =	vst v0;
	(pc) =	sbr.rel @!p0 .LBB2_2-.Ltmp2, $4  }
0x50: {  	[tilespmem:$0x9130] =	vst v0  }
0x51: {  	[tilespmem:$0x9140] =	vst v0  }
0x52: {  	[tilespmem:$0x9150] =	vst v0  }
0x53: {  	s1 =	simm.s32 $0x0;
	s3 =	simm.s32 $0x0;
	[dreg:$0x4] =	wrdreg s17;
	[tilespmem:$0x9160] =	vst v0  }
.LBB2_14:
0x54: {  	p1 =	sne.s32 s3, $0x57300  }
.Ltmp3:
0x55: {  	_ = 	snop;
	(pc) =	sbr.rel @p1 .LBB2_14-.Ltmp3, $4  }
0x56: {  	_ = 	snop  }
0x57: {  	s1 =	sshra.s32 s3, $0x2  }
0x58: {  	s3 =	sadd.s32 $0xB40, s3;
	s1 =	sadd.s32 s1, s29  }
0x59: {  	[spmem:s1] =	stream.linear.scatter [tilespmem:s19], [sflag:$0x3], $0x2D0, $0x38;
	[tilespmem:$0x1F110] =	vst v63  }
0x5a: {  	_ =	swait.ge [sflag:s9], $0x2D0  }
0x5b: {  	s1 =	simm.s32 $0x7C;
	[sflag:s9] =	ssyncset.done $0x0  }
.LBB2_16:
0x5c: {  	p1 =	sne.s32 s1, $0x1;
	s1 =	sadd.s32 $0xFFFFFFFF, s1;
	[sflag:s9] =	ssyncadd.s32 $0xFFFFFD30  }
.Ltmp4:
0x5d: {  	(pc) =	sbr.rel @p1 .LBB2_16-.Ltmp4, $3  }
0x5e: {  	_ =	sdelay $0x1  }
0x5f: {  	_ =	swait.ge [sflag:s9], $0x2D0  }
0x60: {  	[sflag:s9] =	ssyncset.done $0x0  }
0x61: {  	[sflag:s9] =	ssyncadd.s32 $0xFFFFFD30  }
0x62: {  	s20 =	simm.s32 $0x0;
	s3 =	simm.s32 $0x9170;
	s1 =	rddreg [dreg:$0x1]  }
0x63: {  	[tilespmem:s3], [sflag:$0x6] =	stream.linear.gather [hbm4b:s1+s20], $0x10, $0x38;
	[tilespmem:$0x1F110] =	vst v63  }
0x64: {  	_ =	swait.ge [sflag:s23], $0x10  }
0x65: {  	[sflag:s23] =	ssyncset.done $0x0  }
0x66: {  	[sflag:s23] =	ssyncadd.s32 $0xFFFFFFF0  }
0x67: {  	[bflag:$0x0] =	sbarrier.arrive $0xFFFF  }
0x68: {  	s3 =	rddreg [dreg:$0xb]  }
0x69: {  	v11 =	vld [tilespmem:$0x9170];
	[tilespmem:s20], [sflag:$0x6] =	stream.linear.gather [hbm4b:s3+s20], $0x70, $0x38  }
0x6a: {  	_ =	swait.ge [sflag:s23], $0x70  }
0x6b: {  	[sflag:s23] =	ssyncset.done $0x0  }
0x6c: {  	s17 =	rddreg [dreg:$0xc];
	[sflag:s23] =	ssyncadd.s32 $0xFFFFFF90  }
0x6d: {  	[tilespmem:s21], [sflag:$0x6] =	stream.linear.gather [hbm4b:s17+s20], $0x70, $0x38;
	[tilespmem:$0x1F110] =	vst v63  }
0x6e: {  	_ =	swait.ge [sflag:s23], $0x70  }
0x6f: {  	[sflag:s23] =	ssyncset.done $0x0  }
0x70: {  	s19 =	simm.s32 $0x2A0;
	[sflag:s23] =	ssyncadd.s32 $0xFFFFFF90  }
0x71: {  	[tilespmem:s19], [sflag:$0x3] =	stream.indirect.gather [hbm4b:s14+s21], $0x10, s21, s21, $0xb8;
	[tilespmem:$0x1F110] =	vst v63  }
0x72: {  	s24 =	simm.s32 $0x9A0  }
0x73: {  	[tilespmem:s24], [sflag:$0x3] =	stream.indirect.gather [hbm4b:s12+s21], $0x90, s20, s21, $0xb8;
	[tilespmem:$0x1F110] =	vst v63  }
0x74: {  	_ = 	snop  }
0x75: {  	[tilespmem:s25], [sflag:$0x3] =	stream.linear.gather [hbm4b:s17+s20], $0x70, $0x38;
	[tilespmem:$0x1F110] =	vst v63  }
0x76: {  	s28 =	simm.s32 $0xE0;
	s26 =	rddreg [dreg:$0xf]  }
0x77: {  	[tilespmem:s28], [sflag:$0x6] =	stream.linear.gather [hbm4b:s26+s20], $0x70, $0x38;
	[tilespmem:$0x1F110] =	vst v63  }
0x78: {  	_ =	swait.ge [sflag:s23], $0x70  }
0x79: {  	[sflag:s23] =	ssyncset.done $0x0  }
0x7a: {  	s17 =	simm.s32 $0x150;
	s30 =	rddreg [dreg:$0x10];
	[sflag:s23] =	ssyncadd.s32 $0xFFFFFF90  }
0x7b: {  	[tilespmem:s17], [sflag:$0x6] =	stream.linear.gather [hbm4b:s30+s20], $0x70, $0x38;
	[tilespmem:$0x1F110] =	vst v63  }
0x7c: {  	_ =	swait.ge [sflag:s23], $0x70  }
0x7d: {  	[sflag:s23] =	ssyncset.done $0x0  }
0x7e: {  	s19 =	simm.s32 $0x48A0;
	[sflag:s23] =	ssyncadd.s32 $0xFFFFFF90  }
0x7f: {  	[tilespmem:s19], [sflag:$0x4] =	stream.indirect.gather [hbm4b:s14+s21], $0x10, s17, s21, $0xb8;
	[tilespmem:$0x1F110] =	vst v63  }
0x80: {  	_ = 	snop  }
0x81: {  	[tilespmem:s8], [sflag:$0x4] =	stream.indirect.gather [hbm4b:s12+s21], $0x90, s28, s21, $0xb8;
	[tilespmem:$0x1F110] =	vst v63  }
0x82: {  	[tilespmem:$0x1FF80] =	vst v11;
	s19 =	smov.u32 s22  }
0x83: {  	[tilespmem:s15], [sflag:$0x4] =	stream.linear.gather [hbm4b:s30+s20], $0x70, $0x38;
	[tilespmem:$0x1F110] =	vst v63  }
.LBB2_18:
0x84: {  	_ =	swait.ge [sflag:s9], $0x700  }
0x85: {  	[sflag:s9] =	ssyncset.done $0x0  }
0x86: {  	[sflag:s9] =	ssyncadd.s32 $0xFFFFF900  }
0x87: {  	p1 =	seq.s32 s20, $0x2C;
	_ =	swait.ge [sflag:s9], $0x3F00  }
0x88: {  	s1 =	smul.u32 @!p1 $0xE0, s20;
	[sflag:s9] =	ssyncset.done $0x0  }
0x89: {  	p2 =	seq.s32 @!p1 s20, $0x0;
	[sflag:s9] =	ssyncadd.s32 $0xFFFFC100  }
0x8a: {  	p2 =	por p1, !p2;
	s1 =	sadd.s32 @!p1 s1, s31;
	_ =	swait.ge [sflag:s9], $0x70  }
.Ltmp5:
0x8b: {  	s1 =	sshrl.u32 @!p1 s1, $0x3;
	[sflag:s9] =	ssyncset.done $0x0;
	(pc) =	sbr.rel @!p2 .LBB2_20-.Ltmp5, $4  }
0x8c: {  	s26 =	simm.s32 @!p1 $0x0;
	s3 =	sadd.s32 @!p1 s10, s1;
	[sflag:s9] =	ssyncadd.s32 $0xFFFFFF90  }
0x8d: {  	[tilespmem:s26], [sflag:$0x1] =	stream.linear.gather @!p1 [hbm4b:s3+s26], $0x70, $0x38;
	[tilespmem:$0x1F110] =	vst v63  }
0x8e: {  	s24 =	sshll.u32 s20, $0x1;
	s1 =	sadd.s32 @!p1 s11, s1;
	s3 =	simm.s32 @!p1 $0x70  }
0x8f: {  	[tilespmem:s3], [sflag:$0x1] =	stream.linear.gather @!p1 [hbm4b:s1+s26], $0x70, $0x38;
	[tilespmem:$0x1F110] =	vst v63  }
0x90: {  	_ =	swait.ge [sflag:s16], $0x3F00;
	s1 =	sadd.s32 $0xFFFFFFFE, s24  }
0x91: {  	[sflag:s16] =	ssyncset.done $0x0;
	p2 =	slt.u32 s1, $0x58  }
0x92: {  	[sflag:s16] =	ssyncadd.s32 $0xFFFFC100;
	s1 =	simm.s32 @p2 $0x2  }
0x93: {  	_ =	swait.ge @p2 [sflag:s1], $0x70  }
0x94: {  	[sflag:s1] =	ssyncset.done @p2 $0x0  }
0x95: {  	[sflag:s1] =	ssyncadd.s32 @p2 $0xFFFFFF90  }
0x96: {  	_ =	swait.ge @p2 [sflag:s1], $0x70  }
0x97: {  	s3 =	simm.s32 @p2 $0x150;
	s17 =	simm.s32 @p2 $0x48A0;
	[sflag:s1] =	ssyncset.done @p2 $0x0  }
0x98: {  	s23 =	smul.u32 @p2 $0xE0, s20;
	[sflag:s1] =	ssyncadd.s32 @p2 $0xFFFFFF90;
	s1 =	simm.s32 @p2 $0x70  }
0x99: {  	[tilespmem:s17], [sflag:$0x4] =	stream.indirect.gather @p2 [hbm4b:s14+s1], $0x10, s3, s1, $0xb8;
	[tilespmem:$0x1F110] =	vst v63  }
0x9a: {  	s26 =	smul.u32 @!p2 $0xE0, s20;
	s3 =	simm.s32 @p2 $0xE0;
	s17 =	simm.s32 @p2 $0x4FA0  }
0x9b: {  	[tilespmem:s17], [sflag:$0x4] =	stream.indirect.gather @p2 [hbm4b:s12+s1], $0x90, s3, s1, $0xb8;
	[tilespmem:$0x1F110] =	vst v63  }
0x9c: {  	s1 =	sadd.s32 @p2 s23, s22  }
0x9d: {  	s26 =	smov.u32 @p2 s23;
	s1 =	sshrl.u32 @p2 s1, $0x3  }
0x9e: {  	s3 =	simm.s32 @p2 $0x0;
	s17 =	simm.s32 @p2 $0x230;
	s1 =	sadd.s32 @p2 s11, s1  }
0x9f: {  	[tilespmem:s17], [sflag:$0x4] =	stream.linear.gather @p2 [hbm4b:s1+s3], $0x70, $0x38;
	[tilespmem:$0x1F110] =	vst v63  }
.LBB2_20:
0xa0: {  	s28 =	simm.s32 $0xAC0  }
0xa1: {  	s30 =	simm.s32 $0x2C0;
	v0 =	vld [tilespmem:s28+$0x110]  }
0xa2: {  	v1 =	vld [tilespmem:s30+$0x10]  }
0xa3: {  	v2 =	vld [tilespmem:s30+$0xFFFFFFE0]  }
0xa4: {  	v3 =	vld [tilespmem:s28+$0xFFFFFFF0]  }
0xa5: {  	v8 =	vld [tilespmem:s28+$0xFFFFFEF0]  }
0xa6: {  	v4 =	vld [tilespmem:s30+$0xFFFFFFF0]  }
0xa7: {  	v5 =	vld [tilespmem:s28+$0x80]  }
0xa8: {  	v6 =	vld [tilespmem:s30+$0x0]  }
0xa9: {  	v18 =	vld [tilespmem:s28+$0xFFFFFEE0];
	v0 =	vadd.f32 v1, v0  }
0xaa: {  	v1 =	vld [tilespmem:s28+$0xFFFFFF60];
	[tilespmem:$0x1FF60] =	vst v8  }
0xab: {  	v3 =	vadd.f32 v4, v3;
	v4 =	vld [tilespmem:s28+$0xFFFFFF00];
	v7 =	vmul.f32 $2.000000030e-01, v0  }
0xac: {  	vm0 =	vge.f32 v0, $0.0e+00  }
0xad: {  	v0 =	vsel vm0, v0, v7  }
0xae: {  	v0 =	vsub.f32 v0, v11;
	_ =	sdelay $0x1  }
0xaf: {  	[tilespmem:$0x1FF70] =	vst v4;
	v4 =	vadd.f32 v6, v5;
	v0 =	vmul.f32 $1.442695020e+00, v0  }
0xb0: {  	v1 =	vadd.f32 v2, v1;
	v5 =	vmul.f32 $2.000000030e-01, v3  }
0xb1: {  	vm15 =	vge.f32 v3, $0.0e+00;
	v19 =	vld [tilespmem:s28+$0xFFFFFF10];
	v2 =	vmul.f32 $2.000000030e-01, v4;
	(erf) = vpow2.f32 v0  }
0xb2: {  	v20 =	vld [tilespmem:s28+$0xFFFFFF20];
	v6 =	vmul.f32 $2.000000030e-01, v1;
	vm1 =	vge.f32 v4, $0.0e+00;
	v3 =	vsel vm15, v3, v5  }
0xb3: {  	v21 =	vld [tilespmem:s28+$0xFFFFFF30];
	vm2 =	vge.f32 v1, $0.0e+00;
	v3 =	vsub.f32 v3, v11;
	v2 =	vsel vm1, v4, v2  }
0xb4: {  	v22 =	vld [tilespmem:s28+$0xFFFFFF40];
	v0 =	vsel vm2, v1, v6;
	v1 =	vsub.f32 v2, v11  }
0xb5: {  	v23 =	vld [tilespmem:s28+$0xFFFFFF50];
	v2 =	vmul.f32 $1.442695020e+00, v3  }
0xb6: {  	v24 =	vld [tilespmem:s28+$0xFFFFFF70];
	v1 =	vmul.f32 $1.442695020e+00, v1  }
0xb7: {  	v25 =	vld [tilespmem:s28+$0xFFFFFF80];
	v0 =	vsub.f32 v0, v11;
	(erf) = vpow2.f32 v2  }
0xb8: {  	s3 =	sadd.s32 s13, s26;
	v27 =	vld [tilespmem:s28+$0xFFFFFF90]  }
0xb9: {  	s1 =	sadd.s32 $0x0, s3;
	v29 =	vld [tilespmem:s28+$0xFFFFFFA0];
	v0 =	vmul.f32 $1.442695020e+00, v0  }
0xba: {  	p2 =	sgt.u32 s1, $0x270FF;
	v32 =	vld [tilespmem:s28+$0xFFFFFFB0];
	(erf) = vpow2.f32 v1;
	v1 =	vpop (erf)  }
0xbb: {  	(erf) = vpow2.f32 v0;
	v0 =	vld [tilespmem:s28+$0x100];
	v47 =	vpsel p2, $0x0, v1  }
0xbc: {  	v33 =	vld [tilespmem:s28+$0xFFFFFFC0];
	v1 =	vperm.xlane v47, v10  }
0xbd: {  	v34 =	vld [tilespmem:s28+$0xFFFFFFD0]  }
0xbe: {  	v38 =	vld [tilespmem:s28+$0xFFFFFFE0]  }
0xbf: {  	v49 =	vimm.s32 $0x4;
	v42 =	vld [tilespmem:s28+$0x0];
	v14 =	vperm.xlane v47, v9;
	v15 =	vperm.xlane v47, v46  }
0xc0: {  	v48 =	vimm.s32 $0x5;
	v39 =	vld [tilespmem:s28+$0x10];
	v13 =	vperm.xlane v47, v53;
	v0 =	vmul.f32 v0, v1;
	v1 =	vpop (erf)  }
0xc1: {  	v26 =	vld [tilespmem:s28+$0x20];
	v12 =	vperm.xlane v47, v50;
	v17 =	vperm.xlane v47, v49;
	v7 =	vpsel p2, $0x0, v1  }
0xc2: {  	v28 =	vld [tilespmem:s28+$0x30];
	v16 =	vperm.xlane v47, v48;
	v54 =	vperm.xlane v7, v9  }
0xc3: {  	v30 =	vld [tilespmem:s28+$0x40];
	v51 =	vperm.xlane v7, v46;
	v55 =	vperm.xlane v7, v53  }
0xc4: {  	v31 =	vld [tilespmem:s28+$0x50];
	v8 =	vpop (erf);
	v52 =	vperm.xlane v7, v50;
	v62 =	vperm.xlane v7, v49  }
0xc5: {  	v35 =	vld [tilespmem:s28+$0x60];
	v61 =	vperm.xlane v7, v48;
	v56 =	vpsel p2, $0x0, v8;
	v8 =	vimm.s32 $0x6  }
0xc6: {  	v36 =	vld [tilespmem:s28+$0x90];
	v1 =	vpop (erf);
	v58 =	vperm.xlane v7, v10;
	v60 =	vperm.xlane v7, v8  }
0xc7: {  	v37 =	vld [tilespmem:s28+$0xA0];
	v43 =	vpsel p2, $0x0, v1;
	v59 =	vperm.xlane v56, v9;
	v57 =	vperm.xlane v56, v46  }
0xc8: {  	v40 =	vld [tilespmem:s28+$0xB0];
	v4 =	vperm.xlane v43, v9;
	v2 =	vperm.xlane v43, v46  }
0xc9: {  	v41 =	vld [tilespmem:s28+$0xC0];
	[tilespmem:s28+$0x100] =	vst v0;
	v5 =	vperm.xlane v43, v53;
	v0 =	vperm.xlane v43, v50  }
0xca: {  	v44 =	vld [tilespmem:s28+$0xD0];
	[tilespmem:s28+$0x110] =	vst v47;
	v1 =	vimm.s32 $0x6;
	v3 =	vperm.xlane v43, v49;
	v63 =	vperm.xlane v43, v48  }
0xcb: {  	v45 =	vld [tilespmem:s28+$0xE0];
	[tilespmem:s28+$0xFFFFFFF0] =	vst v7;
	v6 =	vperm.xlane v43, v1;
	v1 =	vperm.xlane v43, v10  }
0xcc: {  	[tilespmem:s28+$0xFFFFFF60] =	vst v43;
	v43 =	vld [tilespmem:s28+$0x70];
	v53 =	vperm.xlane v56, v53;
	v50 =	vperm.xlane v56, v50  }
0xcd: {  	s17 =	simm.s32 $0x0;
	s1 =	simm.s32 $0xD00;
	[tilespmem:s28+$0x80] =	vst v56;
	v46 =	vld [tilespmem:s28+$0xF0];
	v49 =	vperm.xlane v56, v49;
	v48 =	vperm.xlane v56, v48  }
.LBB2_21:
0xce: {  	v4 =	vmul.f32 v18, v4;
	v18 =	vld [tilespmem:$0x1FF60]  }
0xcf: {  	v7 =	vld [tilespmem:s1+$0x110];
	v11 =	vimm.s32 $0x6;
	v9 =	vperm.xlane v56, v10;
	s30 =	sadd.s32 $0x40, s30  }
0xd0: {  	v8 =	vperm.xlane v56, v11;
	v10 =	vld [tilespmem:s30+$0x10];
	v0 =	vmul.f32 v19, v0  }
0xd1: {  	v56 =	vperm.xlane v47, v11;
	v47 =	vld [tilespmem:s30+$0xFFFFFFE0];
	v3 =	vmul.f32 v20, v3;
	[tilespmem:s28+$0xFFFFFEE0] =	vst v4  }
0xd2: {  	v6 =	vmul.f32 v22, v6;
	[tilespmem:s28+$0xFFFFFF10] =	vst v0  }
0xd3: {  	v1 =	vmul.f32 v23, v1;
	[tilespmem:s28+$0xFFFFFF20] =	vst v3;
	v2 =	vmul.f32 v18, v2;
	v18 =	vld [tilespmem:$0x1FF70]  }
0xd4: {  	v22 =	vld [tilespmem:s1+$0xFFFFFF60];
	v0 =	vmul.f32 v25, v51;
	[tilespmem:s28+$0xFFFFFF40] =	vst v6  }
0xd5: {  	v7 =	vadd.f32 v10, v7;
	v10 =	vmul.f32 v27, v55;
	[tilespmem:s28+$0xFFFFFF50] =	vst v1  }
0xd6: {  	v4 =	vld [tilespmem:s30+$0xFFFFFFF0];
	v3 =	vmul.f32 v29, v52;
	[tilespmem:s28+$0xFFFFFF80] =	vst v0  }
0xd7: {  	[tilespmem:s28+$0xFFFFFF90] =	vst v10  }
0xd8: {  	[tilespmem:s28+$0xFFFFFFA0] =	vst v3;
	v5 =	vmul.f32 v18, v5  }
0xd9: {  	v11 =	vld [tilespmem:$0x1FF80];
	v0 =	vmul.f32 v39, v57;
	[tilespmem:s28+$0xFFFFFEF0] =	vst v2  }
0xda: {  	v2 =	vmul.f32 v21, v63;
	v21 =	vld [tilespmem:s30+$0x0];
	[tilespmem:s28+$0xFFFFFF00] =	vst v5  }
0xdb: {  	v63 =	vmul.f32 v42, v59;
	[tilespmem:s28+$0x10] =	vst v0;
	v19 =	vld [tilespmem:s1+$0xFFFFFEE0]  }
0xdc: {  	v6 =	vmul.f32 v34, v60;
	[tilespmem:s28+$0xFFFFFF30] =	vst v2;
	v18 =	vld [tilespmem:s1+$0xFFFFFFF0]  }
0xdd: {  	v20 =	vld [tilespmem:s1+$0x80];
	v1 =	vmul.f32 v38, v58;
	[tilespmem:s28+$0x0] =	vst v63  }
0xde: {  	[tilespmem:s28+$0xFFFFFFD0] =	vst v6;
	v23 =	vld [tilespmem:s1+$0xFFFFFEF0]  }
0xdf: {  	v2 =	vmul.f32 v33, v61;
	[tilespmem:s28+$0xFFFFFFE0] =	vst v1  }
0xe0: {  	vm0 =	vge.f32 v7, $0.0e+00;
	v6 =	vmul.f32 v28, v50;
	[tilespmem:$0x1FF50] =	vst v19;
	v19 =	vmul.f32 $2.000000030e-01, v7  }
0xe1: {  	v0 =	vmul.f32 v31, v48;
	v1 =	vmul.f32 v30, v49;
	[tilespmem:s28+$0xFFFFFFC0] =	vst v2;
	v4 =	vadd.f32 v4, v18  }
0xe2: {  	v2 =	vmul.f32 v26, v53;
	v5 =	vmul.f32 v24, v54;
	[tilespmem:s28+$0x30] =	vst v6;
	v7 =	vsel vm0, v7, v19  }
0xe3: {  	v25 =	vadd.f32 v21, v20;
	v20 =	vld [tilespmem:s1+$0xFFFFFF20];
	[tilespmem:$0x1FF60] =	vst v23;
	v23 =	vmul.f32 $2.000000030e-01, v4;
	v7 =	vsub.f32 v7, v11  }
0xe4: {  	v24 =	vmul.f32 v32, v62;
	v21 =	vld [tilespmem:s1+$0xFFFFFF30];
	[tilespmem:s28+$0xFFFFFF70] =	vst v5;
	v5 =	vadd.f32 v47, v22;
	vm15 =	vge.f32 v4, $0.0e+00  }
0xe5: {  	[tilespmem:s28+$0x20] =	vst v2;
	v27 =	vmul.f32 $2.000000030e-01, v25;
	v22 =	vld [tilespmem:s1+$0xFFFFFF40];
	v4 =	vsel vm15, v4, v23;
	v7 =	vmul.f32 $1.442695020e+00, v7  }
0xe6: {  	[tilespmem:s28+$0x40] =	vst v1;
	vm1 =	vge.f32 v25, $0.0e+00;
	v42 =	vld [tilespmem:s1+$0x0];
	v10 =	vmul.f32 $2.000000030e-01, v5;
	v3 =	vsub.f32 v4, v11  }
0xe7: {  	[tilespmem:s28+$0x50] =	vst v0;
	v39 =	vld [tilespmem:s1+$0x10];
	vm2 =	vge.f32 v5, $0.0e+00;
	v4 =	vsel vm1, v25, v27;
	(erf) = vpow2.f32 v7  }
0xe8: {  	v26 =	vld [tilespmem:s1+$0x20];
	v5 =	vsel vm2, v5, v10;
	v4 =	vsub.f32 v4, v11;
	v3 =	vmul.f32 $1.442695020e+00, v3  }
0xe9: {  	v18 =	vld [tilespmem:s1+$0xFFFFFF00];
	v5 =	vsub.f32 v5, v11  }
0xea: {  	[tilespmem:s28+$0xFFFFFFB0] =	vst v24;
	v24 =	vld [tilespmem:s1+$0xFFFFFF70];
	v4 =	vmul.f32 $1.442695020e+00, v4;
	(erf) = vpow2.f32 v3  }
0xeb: {  	v29 =	vld [tilespmem:s1+$0xFFFFFFA0];
	v5 =	vmul.f32 $1.442695020e+00, v5  }
0xec: {  	v0 =	vmul.f32 v41, v12;
	v32 =	vld [tilespmem:s1+$0xFFFFFFB0];
	(erf) = vpow2.f32 v4  }
0xed: {  	v2 =	vmul.f32 v35, v8;
	v33 =	vld [tilespmem:s1+$0xFFFFFFC0];
	(erf) = vpow2.f32 v5  }
0xee: {  	s17 =	sadd.s32 $0x4, s17;
	v48 =	vimm.s32 $0x4;
	v1 =	vmul.f32 v37, v15;
	v6 =	vmul.f32 v40, v13;
	v34 =	vld [tilespmem:s1+$0xFFFFFFD0]  }
0xef: {  	s23 =	sadd.s32 s3, s17;
	v50 =	vimm.s32 $0x2;
	v8 =	vmul.f32 v44, v17;
	v38 =	vld [tilespmem:s1+$0xFFFFFFE0];
	[tilespmem:s28+$0x60] =	vst v2;
	v3 =	vmul.f32 v43, v9  }
0xf0: {  	p3 =	sgt.u32 s23, $0x270FF;
	v2 =	vimm.s32 $0x7;
	v28 =	vld [tilespmem:s1+$0x30];
	v9 =	vmul.f32 v46, v56;
	v4 =	vmul.f32 v36, v14;
	v7 =	vpop (erf)  }
0xf1: {  	v19 =	vld [tilespmem:s1+$0xFFFFFF10];
	v47 =	vpsel p3, $0x0, v7;
	v7 =	vmul.f32 v45, v16;
	v45 =	vimm.s32 $0x0  }
0xf2: {  	v49 =	vimm.s32 $0x3;
	[tilespmem:$0x1FF70] =	vst v18;
	v5 =	vld [tilespmem:s1+$0x100];
	v18 =	vperm.xlane v47, v45;
	v2 =	vperm.xlane v47, v2  }
0xf3: {  	v12 =	vimm.s32 $0x5;
	v23 =	vld [tilespmem:s1+$0xFFFFFF50];
	[tilespmem:s28+$0x70] =	vst v3;
	v3 =	vpop (erf);
	v14 =	vperm.xlane v47, v50;
	v13 =	vperm.xlane v47, v49  }
0xf4: {  	v25 =	vld [tilespmem:s1+$0xFFFFFF80];
	v10 =	vpsel p3, $0x0, v3;
	v17 =	vperm.xlane v47, v48;
	v16 =	vperm.xlane v47, v12  }
0xf5: {  	[tilespmem:s28+$0xA0] =	vst v1;
	v27 =	vld [tilespmem:s1+$0xFFFFFF90];
	v1 =	vpop (erf);
	v55 =	vperm.xlane v10, v50;
	v52 =	vperm.xlane v10, v49  }
0xf6: {  	v30 =	vld [tilespmem:s1+$0x40];
	v56 =	vpsel p3, $0x0, v1;
	v1 =	vpop (erf);
	v62 =	vperm.xlane v10, v48;
	v61 =	vperm.xlane v10, v12  }
0xf7: {  	[tilespmem:s28+$0xC0] =	vst v0;
	v31 =	vld [tilespmem:s1+$0x50];
	v2 =	vmul.f32 v5, v2;
	v1 =	vpsel p3, $0x0, v1;
	v53 =	vperm.xlane v56, v50  }
0xf8: {  	[tilespmem:s28+$0xB0] =	vst v6;
	v35 =	vld [tilespmem:s1+$0x60];
	v5 =	vperm.xlane v1, v50;
	v0 =	vperm.xlane v1, v49  }
0xf9: {  	[tilespmem:s28+$0x90] =	vst v4;
	v43 =	vld [tilespmem:s1+$0x70];
	v3 =	vperm.xlane v1, v48;
	v63 =	vperm.xlane v1, v12  }
0xfa: {  	v36 =	vld [tilespmem:s1+$0x90];
	v50 =	vperm.xlane v56, v49;
	v49 =	vperm.xlane v56, v48;
	[tilespmem:s1+$0x100] =	vst v2  }
0xfb: {  	v46 =	vimm.s32 $0x1;
	v48 =	vperm.xlane v56, v12;
	v12 =	vmovc v13;
	v13 =	vmovc v14;
	v14 =	vmov v18;
	v18 =	vld [tilespmem:$0x1FF50];
	[tilespmem:s28+$0xD0] =	vst v8  }
0xfc: {  	p2 =	slt.u32 s17, $0x6C;
	v15 =	vperm.xlane v47, v46;
	v54 =	vperm.xlane v10, v45;
	[tilespmem:s28+$0xE0] =	vst v7;
	v37 =	vld [tilespmem:s1+$0xA0]  }
.Ltmp6:
0xfd: {  	v51 =	vperm.xlane v10, v46;
	v59 =	vperm.xlane v56, v45;
	[tilespmem:s28+$0xF0] =	vst v9;
	v40 =	vld [tilespmem:s1+$0xB0];
	(pc) =	sbr.rel @p2 .LBB2_21-.Ltmp6, $4  }
0xfe: {  	[tilespmem:s1+$0xFFFFFFF0] =	vst v10;
	v57 =	vperm.xlane v56, v46;
	v4 =	vperm.xlane v1, v45;
	v41 =	vld [tilespmem:s1+$0xC0]  }
0xff: {  	[tilespmem:s1+$0x80] =	vst v56;
	v2 =	vperm.xlane v1, v46;
	v8 =	vimm.s32 $0x6;
	v7 =	vimm.s32 $0x7;
	v44 =	vld [tilespmem:s1+$0xD0]  }
0x100: {  	[tilespmem:s1+$0xFFFFFF60] =	vst v1;
	v6 =	vperm.xlane v1, v8;
	v1 =	vperm.xlane v1, v7;
	v7 =	vimm.s32 $0x7;
	v45 =	vld [tilespmem:s1+$0xE0]  }
0x101: {  	s28 =	smov.u32 s1;
	v60 =	vperm.xlane v10, v8;
	[tilespmem:s1+$0x110] =	vst v47;
	v46 =	vld [tilespmem:s1+$0xF0];
	s1 =	sadd.s32 $0x240, s1;
	v58 =	vperm.xlane v10, v7;
	v10 =	vimm.s32 $0x7  }
0x102: {  	v7 =	vld [tilespmem:$0x1FF60];
	_ =	sdelay $0x2  }
0x103: {  	v4 =	vmul.f32 v18, v4  }
0x104: {  	v0 =	vmul.f32 v19, v0  }
0x105: {  	v1 =	vmul.f32 v23, v1;
	v2 =	vmul.f32 v7, v2;
	v7 =	vld [tilespmem:$0x1FF70];
	[tilespmem:s28+$0xFFFFFEE0] =	vst v4  }
0x106: {  	[tilespmem:s28+$0xFFFFFF10] =	vst v0  }
0x107: {  	v0 =	vmul.f32 v22, v6;
	[tilespmem:s28+$0xFFFFFF50] =	vst v1  }
0x108: {  	v1 =	vmul.f32 v27, v55;
	[tilespmem:s28+$0xFFFFFEF0] =	vst v2  }
0x109: {  	v4 =	vmul.f32 v31, v48;
	[tilespmem:s28+$0xFFFFFF40] =	vst v0  }
0x10a: {  	v2 =	vmul.f32 v20, v3;
	[tilespmem:s28+$0xFFFFFF90] =	vst v1  }
0x10b: {  	v3 =	vmul.f32 v21, v63;
	[tilespmem:s28+$0x50] =	vst v4  }
0x10c: {  	v0 =	vmul.f32 v25, v51;
	[tilespmem:s28+$0xFFFFFF20] =	vst v2  }
0x10d: {  	v1 =	vmul.f32 v33, v61;
	[tilespmem:s28+$0xFFFFFF30] =	vst v3  }
0x10e: {  	v2 =	vmul.f32 v24, v54;
	[tilespmem:s28+$0xFFFFFF80] =	vst v0  }
0x10f: {  	v0 =	vmul.f32 v32, v62;
	[tilespmem:s28+$0xFFFFFFC0] =	vst v1  }
0x110: {  	v1 =	vmul.f32 v42, v59;
	[tilespmem:s28+$0xFFFFFF70] =	vst v2  }
0x111: {  	v3 =	vmul.f32 v30, v49;
	[tilespmem:s28+$0xFFFFFFB0] =	vst v0  }
0x112: {  	v5 =	vmul.f32 v7, v5;
	[tilespmem:s28+$0x0] =	vst v1  }
0x113: {  	v2 =	vmul.f32 v29, v52;
	[tilespmem:s28+$0x40] =	vst v3  }
0x114: {  	v0 =	vmul.f32 v38, v58;
	[tilespmem:s28+$0xFFFFFF00] =	vst v5  }
0x115: {  	[tilespmem:s28+$0xFFFFFFA0] =	vst v2;
	v2 =	vmul.f32 v34, v60  }
0x116: {  	[tilespmem:s28+$0xFFFFFFE0] =	vst v0;
	v0 =	vmul.f32 v26, v53  }
0x117: {  	[tilespmem:s28+$0xFFFFFFD0] =	vst v2;
	v2 =	vmul.f32 v39, v57  }
0x118: {  	v1 =	vmul.f32 v28, v50;
	[tilespmem:s28+$0x20] =	vst v0;
	v0 =	vperm.xlane v56, v10  }
0x119: {  	v3 =	vmul.f32 v44, v17;
	[tilespmem:s28+$0x10] =	vst v2;
	v2 =	vperm.xlane v56, v8  }
0x11a: {  	[tilespmem:s28+$0x30] =	vst v1;
	v0 =	vmul.f32 v43, v0  }
0x11b: {  	[tilespmem:s28+$0xD0] =	vst v3;
	v1 =	vmul.f32 v35, v2  }
0x11c: {  	v2 =	vmul.f32 v36, v14;
	[tilespmem:s28+$0x70] =	vst v0  }
0x11d: {  	[tilespmem:s28+$0x60] =	vst v1;
	v1 =	vmul.f32 v37, v15  }
0x11e: {  	v0 =	vmul.f32 v40, v13;
	[tilespmem:s28+$0x90] =	vst v2  }
0x11f: {  	v2 =	vmul.f32 v41, v12;
	[tilespmem:s28+$0xA0] =	vst v1;
	v1 =	vperm.xlane v47, v8  }
0x120: {  	[tilespmem:s28+$0xB0] =	vst v0;
	v0 =	vmul.f32 v45, v16  }
0x121: {  	[tilespmem:s28+$0xC0] =	vst v2;
	v1 =	vmul.f32 v46, v1  }
0x122: {  	[tilespmem:s28+$0xE0] =	vst v0  }
0x123: {  	s1 =	simm.s32 $0x9A0;
	[tilespmem:s28+$0xF0] =	vst v1  }
0x124: {  	[spmem:s2] =	stream.indirect.scatter.add.f32 [tilespmem:s1], [sflag:$0x5], $0x90, s25, s21, $0xb8;
	[tilespmem:$0x1F110] =	vst v63  }
0x125: {  	_ =	swait.ge [sflag:s18], $0x700  }
0x126: {  	[sflag:s18] =	ssyncset.done $0x0  }
0x127: {  	[sflag:s18] =	ssyncadd.s32 $0xFFFFF900  }
0x128: {  	_ =	swait.ge [sflag:s18], $0x3F00  }
0x129: {  	[sflag:s18] =	ssyncset.done $0x0  }
0x12a: {  	[sflag:s18] =	ssyncadd.s32 $0xFFFFC100  }
0x12b: {  	s1 =	sadd.s32 @!p1 s26, s0;
	_ =	swait.ge [sflag:s18], $0x70  }
0x12c: {  	s17 =	simm.s32 @!p1 $0x0;
	s1 =	sshrl.u32 @!p1 s1, $0x3;
	[sflag:s18] =	ssyncset.done $0x0  }
0x12d: {  	s23 =	simm.s32 @!p1 $0xE0;
	s3 =	sadd.s32 @!p1 s10, s1;
	[sflag:s18] =	ssyncadd.s32 $0xFFFFFF90  }
0x12e: {  	[tilespmem:s23], [sflag:$0x2] =	stream.linear.gather @!p1 [hbm4b:s3+s17], $0x70, $0x38;
	[tilespmem:$0x1F110] =	vst v63  }
0x12f: {  	s1 =	sadd.s32 @!p1 s11, s1;
	s3 =	simm.s32 @!p1 $0x150  }
0x130: {  	[tilespmem:s3], [sflag:$0x2] =	stream.linear.gather @!p1 [hbm4b:s1+s17], $0x70, $0x38;
	[tilespmem:$0x1F110] =	vst v63  }
0x131: {  	s28 =	sor.u32 $0x1, s24;
	_ =	swait.ge [sflag:s16], $0x3F00  }
0x132: {  	p1 =	sgt.u32 s28, $0x58;
	[sflag:s16] =	ssyncset.done $0x0  }
0x133: {  	s1 =	simm.s32 @!p1 $0x1;
	[sflag:s16] =	ssyncadd.s32 $0xFFFFC100  }
0x134: {  	_ =	swait.ge @!p1 [sflag:s1], $0x70  }
0x135: {  	[sflag:s1] =	ssyncset.done @!p1 $0x0  }
0x136: {  	[sflag:s1] =	ssyncadd.s32 @!p1 $0xFFFFFF90  }
0x137: {  	_ =	swait.ge @!p1 [sflag:s1], $0x70  }
0x138: {  	[sflag:s1] =	ssyncset.done @!p1 $0x0  }
0x139: {  	s3 =	simm.s32 @!p1 $0x2A0;
	[sflag:s1] =	ssyncadd.s32 @!p1 $0xFFFFFF90;
	s1 =	simm.s32 @!p1 $0x70  }
0x13a: {  	[tilespmem:s3], [sflag:$0x3] =	stream.indirect.gather @!p1 [hbm4b:s14+s1], $0x10, s1, s1, $0xb8;
	[tilespmem:$0x1F110] =	vst v63  }
0x13b: {  	s17 =	simm.s32 @!p1 $0x9A0;
	s3 =	simm.s32 @!p1 $0x0  }
0x13c: {  	[tilespmem:s17], [sflag:$0x3] =	stream.indirect.gather @!p1 [hbm4b:s12+s1], $0x90, s3, s1, $0xb8;
	[tilespmem:$0x1F110] =	vst v63  }
0x13d: {  	s1 =	sadd.s32 @!p1 s26, s31  }
0x13e: {  	s1 =	sshrl.u32 @!p1 s1, $0x3  }
0x13f: {  	s24 =	simm.s32 $0x50C0;
	s17 =	simm.s32 @!p1 $0x1C0;
	s1 =	sadd.s32 @!p1 s11, s1  }
0x140: {  	[tilespmem:s17], [sflag:$0x3] =	stream.linear.gather @!p1 [hbm4b:s1+s3], $0x70, $0x38;
	[tilespmem:$0x1F110] =	vst v63  }
0x141: {  	s26 =	simm.s32 $0x48C0;
	v0 =	vld [tilespmem:s24+$0x110]  }
0x142: {  	v1 =	vld [tilespmem:s26+$0x10];
	_ =	sdelay $0x2  }
0x143: {  	v2 =	vld [tilespmem:s26+$0xFFFFFFE0]  }
0x144: {  	v3 =	vld [tilespmem:s24+$0xFFFFFFF0]  }
0x145: {  	v4 =	vld [tilespmem:s26+$0xFFFFFFF0];
	v0 =	vadd.f32 v1, v0  }
0x146: {  	v5 =	vld [tilespmem:s24+$0x80]  }
0x147: {  	v6 =	vld [tilespmem:s26+$0x0];
	v7 =	vmul.f32 $2.000000030e-01, v0  }
0x148: {  	v1 =	vld [tilespmem:s24+$0xFFFFFF60];
	vm0 =	vge.f32 v0, $0.0e+00  }
0x149: {  	v0 =	vsel vm0, v0, v7  }
0x14a: {  	v16 =	vld [tilespmem:s24+$0xFFFFFEE0];
	v0 =	vsub.f32 v0, v11  }
0x14b: {  	v17 =	vld [tilespmem:s24+$0xFFFFFEF0]  }
0x14c: {  	v18 =	vld [tilespmem:s24+$0xFFFFFF00];
	v3 =	vadd.f32 v4, v3;
	v4 =	vadd.f32 v6, v5;
	v0 =	vmul.f32 $1.442695020e+00, v0  }
0x14d: {  	v19 =	vld [tilespmem:s24+$0xFFFFFF10];
	v1 =	vadd.f32 v2, v1  }
0x14e: {  	v20 =	vld [tilespmem:s24+$0xFFFFFF20];
	v2 =	vmul.f32 $2.000000030e-01, v4;
	(erf) = vpow2.f32 v0  }
0x14f: {  	v21 =	vld [tilespmem:s24+$0xFFFFFF30];
	v5 =	vmul.f32 $2.000000030e-01, v3;
	vm1 =	vge.f32 v4, $0.0e+00;
	v6 =	vmul.f32 $2.000000030e-01, v1  }
0x150: {  	v22 =	vld [tilespmem:s24+$0xFFFFFF40];
	vm15 =	vge.f32 v3, $0.0e+00;
	vm2 =	vge.f32 v1, $0.0e+00;
	v2 =	vsel vm1, v4, v2  }
0x151: {  	v23 =	vld [tilespmem:s24+$0xFFFFFF50];
	v3 =	vsel vm15, v3, v5;
	v0 =	vsel vm2, v1, v6;
	v1 =	vsub.f32 v2, v11  }
0x152: {  	v24 =	vld [tilespmem:s24+$0xFFFFFF70];
	v3 =	vsub.f32 v3, v11  }
0x153: {  	v25 =	vld [tilespmem:s24+$0xFFFFFF80];
	v1 =	vmul.f32 $1.442695020e+00, v1  }
0x154: {  	v28 =	vld [tilespmem:s24+$0xFFFFFF90];
	v2 =	vmul.f32 $1.442695020e+00, v3  }
0x155: {  	v29 =	vld [tilespmem:s24+$0xFFFFFFA0]  }
0x156: {  	s30 =	sadd.s32 $0x0, s19;
	v32 =	vld [tilespmem:s24+$0xFFFFFFB0];
	v0 =	vsub.f32 v0, v11;
	(erf) = vpow2.f32 v2  }
0x157: {  	p6 =	sgt.u32 s30, $0x270FF;
	v33 =	vld [tilespmem:s24+$0xFFFFFFC0];
	(erf) = vpow2.f32 v1;
	v1 =	vpop (erf)  }
0x158: {  	v12 =	vimm.s32 $0x0;
	v34 =	vld [tilespmem:s24+$0xFFFFFFD0];
	v0 =	vmul.f32 $1.442695020e+00, v0;
	v47 =	vpsel p6, $0x0, v1  }
0x159: {  	v38 =	vld [tilespmem:s24+$0xFFFFFFE0];
	v1 =	vperm.xlane v47, v12  }
0x15a: {  	(erf) = vpow2.f32 v0;
	v0 =	vld [tilespmem:s24+$0x100]  }
0x15b: {  	v49 =	vimm.s32 $0x2;
	v42 =	vld [tilespmem:s24+$0x0];
	[tilespmem:$0x1FF20] =	vst v1;
	v1 =	vperm.xlane v47, v10  }
0x15c: {  	v2 =	vperm.xlane v47, v49  }
0x15d: {  	v46 =	vimm.s32 $0x3  }
0x15e: {  	v48 =	vimm.s32 $0x5;
	v39 =	vld [tilespmem:s24+$0x10];
	[tilespmem:$0x1FF30] =	vst v2;
	v2 =	vperm.xlane v47, v46  }
0x15f: {  	v45 =	vimm.s32 $0x1;
	v11 =	vimm.s32 $0x4;
	v0 =	vmul.f32 v0, v1;
	v1 =	vpop (erf)  }
0x160: {  	v13 =	vperm.xlane v47, v45;
	v15 =	vperm.xlane v47, v11;
	v26 =	vld [tilespmem:s24+$0x20];
	[tilespmem:$0x1FF40] =	vst v2;
	v7 =	vpsel p6, $0x0, v1  }
0x161: {  	v14 =	vperm.xlane v47, v48;
	v27 =	vld [tilespmem:s24+$0x30];
	v54 =	vperm.xlane v7, v12  }
0x162: {  	v30 =	vld [tilespmem:s24+$0x40];
	v51 =	vperm.xlane v7, v45;
	v55 =	vperm.xlane v7, v49  }
0x163: {  	v31 =	vld [tilespmem:s24+$0x50];
	v8 =	vpop (erf);
	v52 =	vperm.xlane v7, v46;
	v62 =	vperm.xlane v7, v11  }
0x164: {  	v35 =	vld [tilespmem:s24+$0x60];
	v61 =	vperm.xlane v7, v48;
	v56 =	vpsel p6, $0x0, v8;
	v8 =	vimm.s32 $0x6  }
0x165: {  	v36 =	vld [tilespmem:s24+$0x90];
	v58 =	vperm.xlane v7, v10;
	v60 =	vperm.xlane v7, v8  }
0x166: {  	v37 =	vld [tilespmem:s24+$0xA0];
	v1 =	vpop (erf);
	v59 =	vperm.xlane v56, v12;
	v57 =	vperm.xlane v56, v45  }
0x167: {  	v40 =	vld [tilespmem:s24+$0xB0];
	v9 =	vpsel p6, $0x0, v1;
	v53 =	vperm.xlane v56, v49;
	v50 =	vperm.xlane v56, v46  }
0x168: {  	[tilespmem:s24+$0x100] =	vst v0;
	v41 =	vld [tilespmem:s24+$0xC0];
	v4 =	vperm.xlane v9, v12;
	v2 =	vperm.xlane v9, v45  }
0x169: {  	v44 =	vld [tilespmem:s24+$0xD0];
	[tilespmem:s24+$0x110] =	vst v47;
	v5 =	vperm.xlane v9, v49;
	v0 =	vperm.xlane v9, v46  }
0x16a: {  	v6 =	vimm.s32 $0x6;
	v43 =	vld [tilespmem:s24+$0x70];
	[tilespmem:s24+$0xFFFFFFF0] =	vst v7;
	v3 =	vperm.xlane v9, v11;
	v63 =	vperm.xlane v9, v48  }
0x16b: {  	[tilespmem:s24+$0x80] =	vst v56;
	v6 =	vperm.xlane v9, v6;
	v1 =	vperm.xlane v9, v10;
	v45 =	vld [tilespmem:s24+$0xE0]  }
0x16c: {  	s3 =	simm.s32 $0x0;
	s1 =	simm.s32 $0x5300;
	[tilespmem:s24+$0xFFFFFF60] =	vst v9;
	v46 =	vld [tilespmem:s24+$0xF0];
	v49 =	vperm.xlane v56, v11;
	v48 =	vperm.xlane v56, v48  }
.LBB2_23:
0x16d: {  	v11 =	vimm.s32 $0x6;
	v9 =	vperm.xlane v56, v10;
	v4 =	vmul.f32 v16, v4  }
0x16e: {  	s26 =	sadd.s32 $0x40, s26;
	v8 =	vperm.xlane v56, v11;
	v2 =	vmul.f32 v17, v2  }
0x16f: {  	v56 =	vperm.xlane v47, v11;
	v47 =	vld [tilespmem:s26+$0xFFFFFFE0];
	v5 =	vmul.f32 v18, v5;
	[tilespmem:s24+$0xFFFFFEE0] =	vst v4  }
0x170: {  	v0 =	vmul.f32 v19, v0;
	[tilespmem:s24+$0xFFFFFEF0] =	vst v2  }
0x171: {  	v7 =	vld [tilespmem:s1+$0x110];
	v3 =	vmul.f32 v20, v3;
	[tilespmem:s24+$0xFFFFFF00] =	vst v5  }
0x172: {  	v10 =	vld [tilespmem:s26+$0x10];
	v6 =	vmul.f32 v22, v6;
	[tilespmem:s24+$0xFFFFFF10] =	vst v0  }
0x173: {  	v11 =	vld [tilespmem:$0x1FF80];
	v1 =	vmul.f32 v23, v1;
	[tilespmem:s24+$0xFFFFFF20] =	vst v3  }
0x174: {  	v22 =	vld [tilespmem:s1+$0xFFFFFF60];
	v2 =	vmul.f32 v21, v63;
	[tilespmem:s24+$0xFFFFFF40] =	vst v6  }
0x175: {  	v18 =	vld [tilespmem:s1+$0xFFFFFFF0];
	v5 =	vmul.f32 v24, v54;
	[tilespmem:s24+$0xFFFFFF50] =	vst v1  }
0x176: {  	v20 =	vld [tilespmem:s1+$0x80];
	v0 =	vmul.f32 v25, v51;
	[tilespmem:s24+$0xFFFFFF30] =	vst v2  }
0x177: {  	v4 =	vld [tilespmem:s26+$0xFFFFFFF0];
	v7 =	vadd.f32 v10, v7;
	v10 =	vmul.f32 v28, v55;
	[tilespmem:s24+$0xFFFFFF70] =	vst v5  }
0x178: {  	v21 =	vld [tilespmem:s26+$0x0];
	v3 =	vmul.f32 v29, v52;
	[tilespmem:s24+$0xFFFFFF80] =	vst v0  }
0x179: {  	v24 =	vmul.f32 v32, v62;
	v16 =	vld [tilespmem:s1+$0xFFFFFEE0];
	v19 =	vmul.f32 $2.000000030e-01, v7;
	[tilespmem:s24+$0xFFFFFF90] =	vst v10  }
0x17a: {  	v6 =	vmul.f32 v34, v60;
	v17 =	vld [tilespmem:s1+$0xFFFFFEF0];
	vm0 =	vge.f32 v7, $0.0e+00;
	[tilespmem:s24+$0xFFFFFFA0] =	vst v3  }
0x17b: {  	[tilespmem:s24+$0xFFFFFFB0] =	vst v24;
	v5 =	vadd.f32 v47, v22;
	v22 =	vld [tilespmem:s1+$0xFFFFFF40];
	v7 =	vsel vm0, v7, v19  }
0x17c: {  	[tilespmem:s24+$0xFFFFFFD0] =	vst v6;
	v6 =	vmul.f32 v27, v50;
	v24 =	vld [tilespmem:s1+$0xFFFFFF70];
	v4 =	vadd.f32 v4, v18;
	v7 =	vsub.f32 v7, v11  }
0x17d: {  	v1 =	vmul.f32 v38, v58;
	v63 =	vmul.f32 v42, v59;
	v19 =	vld [tilespmem:s1+$0xFFFFFF10]  }
0x17e: {  	[tilespmem:s24+$0x30] =	vst v6;
	v6 =	vld [tilespmem:$0x1FF30];
	v23 =	vmul.f32 $2.000000030e-01, v4;
	v7 =	vmul.f32 $1.442695020e+00, v7  }
0x17f: {  	v2 =	vmul.f32 v33, v61;
	v18 =	vld [tilespmem:s1+$0xFFFFFF00];
	v25 =	vadd.f32 v21, v20;
	vm15 =	vge.f32 v4, $0.0e+00  }
0x180: {  	v0 =	vmul.f32 v39, v57;
	[tilespmem:s24+$0xFFFFFFE0] =	vst v1;
	v20 =	vld [tilespmem:s1+$0xFFFFFF20];
	v4 =	vsel vm15, v4, v23;
	(erf) = vpow2.f32 v7  }
0x181: {  	v1 =	vmul.f32 v30, v49;
	[tilespmem:s24+$0xFFFFFFC0] =	vst v2;
	v21 =	vld [tilespmem:s1+$0xFFFFFF30];
	v28 =	vmul.f32 $2.000000030e-01, v25;
	v3 =	vsub.f32 v4, v11  }
0x182: {  	v2 =	vmul.f32 v26, v53;
	v10 =	vmul.f32 $2.000000030e-01, v5;
	v29 =	vld [tilespmem:s1+$0xFFFFFFA0];
	vm1 =	vge.f32 v25, $0.0e+00  }
0x183: {  	[tilespmem:s24+$0x10] =	vst v0;
	vm2 =	vge.f32 v5, $0.0e+00;
	v32 =	vld [tilespmem:s1+$0xFFFFFFB0];
	v4 =	vsel vm1, v25, v28;
	v3 =	vmul.f32 $1.442695020e+00, v3  }
0x184: {  	v0 =	vmul.f32 v31, v48;
	[tilespmem:s24+$0x40] =	vst v1;
	v33 =	vld [tilespmem:s1+$0xFFFFFFC0];
	v5 =	vsel vm2, v5, v10;
	v4 =	vsub.f32 v4, v11  }
0x185: {  	v1 =	vmul.f32 v37, v13;
	v34 =	vld [tilespmem:s1+$0xFFFFFFD0];
	[tilespmem:s24+$0x20] =	vst v2;
	v5 =	vsub.f32 v5, v11;
	(erf) = vpow2.f32 v3  }
0x186: {  	v2 =	vmul.f32 v35, v8;
	[tilespmem:s24+$0x50] =	vst v0;
	v0 =	vld [tilespmem:$0x1FF40];
	v4 =	vmul.f32 $1.442695020e+00, v4  }
0x187: {  	s3 =	sadd.s32 $0x4, s3;
	v38 =	vld [tilespmem:s1+$0xFFFFFFE0];
	v8 =	vmul.f32 v44, v15;
	v5 =	vmul.f32 $1.442695020e+00, v5  }
0x188: {  	v12 =	vimm.s32 $0x5;
	s17 =	sadd.s32 s19, s3;
	[tilespmem:s24+$0x0] =	vst v63;
	v6 =	vmul.f32 v40, v6;
	(erf) = vpow2.f32 v4;
	v4 =	vld [tilespmem:$0x1FF20]  }
0x189: {  	p2 =	sgt.u32 s17, $0x270FF;
	v50 =	vimm.s32 $0x2;
	v42 =	vld [tilespmem:s1+$0x0];
	v3 =	vmul.f32 v43, v9;
	(erf) = vpow2.f32 v5;
	v7 =	vpop (erf)  }
0x18a: {  	v39 =	vld [tilespmem:s1+$0x10];
	v47 =	vpsel p2, $0x0, v7;
	v7 =	vmul.f32 v45, v14;
	v45 =	vimm.s32 $0x0  }
0x18b: {  	v48 =	vimm.s32 $0x4;
	[tilespmem:s24+$0x60] =	vst v2;
	v0 =	vmul.f32 v41, v0;
	v5 =	vld [tilespmem:s1+$0x100];
	v2 =	vperm.xlane v47, v45  }
0x18c: {  	v26 =	vld [tilespmem:s1+$0x20];
	v9 =	vmul.f32 v46, v56;
	v46 =	vimm.s32 $0x1;
	[tilespmem:s24+$0x70] =	vst v3;
	v10 =	vperm.xlane v47, v50  }
0x18d: {  	v23 =	vld [tilespmem:s1+$0xFFFFFF50];
	v4 =	vmul.f32 v36, v4;
	v13 =	vperm.xlane v47, v46;
	[tilespmem:$0x1FF20] =	vst v2;
	v2 =	vimm.s32 $0x7  }
0x18e: {  	v49 =	vimm.s32 $0x3;
	v27 =	vld [tilespmem:s1+$0x30];
	v15 =	vperm.xlane v47, v48;
	[tilespmem:$0x1FF30] =	vst v10;
	v2 =	vperm.xlane v47, v2;
	v3 =	vpop (erf)  }
0x18f: {  	v25 =	vld [tilespmem:s1+$0xFFFFFF80];
	v14 =	vperm.xlane v47, v12;
	[tilespmem:s24+$0x90] =	vst v4;
	v4 =	vperm.xlane v47, v49;
	v10 =	vpsel p2, $0x0, v3  }
0x190: {  	[tilespmem:s24+$0xA0] =	vst v1;
	v28 =	vld [tilespmem:s1+$0xFFFFFF90];
	v2 =	vmul.f32 v5, v2;
	v54 =	vperm.xlane v10, v45  }
0x191: {  	[tilespmem:s24+$0xB0] =	vst v6;
	v30 =	vld [tilespmem:s1+$0x40];
	v1 =	vpop (erf);
	v51 =	vperm.xlane v10, v46;
	v55 =	vperm.xlane v10, v50  }
0x192: {  	[tilespmem:s24+$0xC0] =	vst v0;
	v31 =	vld [tilespmem:s1+$0x50];
	v56 =	vpsel p2, $0x0, v1;
	v52 =	vperm.xlane v10, v49;
	v62 =	vperm.xlane v10, v48  }
0x193: {  	v35 =	vld [tilespmem:s1+$0x60];
	[tilespmem:$0x1FF40] =	vst v4;
	v1 =	vpop (erf);
	v61 =	vperm.xlane v10, v12;
	v59 =	vperm.xlane v56, v45  }
0x194: {  	v43 =	vld [tilespmem:s1+$0x70];
	v1 =	vpsel p2, $0x0, v1;
	v57 =	vperm.xlane v56, v46;
	v53 =	vperm.xlane v56, v50;
	[tilespmem:s1+$0x100] =	vst v2  }
0x195: {  	v36 =	vld [tilespmem:s1+$0x90];
	v4 =	vperm.xlane v1, v45;
	v2 =	vperm.xlane v1, v46;
	[tilespmem:s24+$0xD0] =	vst v8  }
0x196: {  	p1 =	slt.u32 s3, $0x6C;
	v5 =	vperm.xlane v1, v50;
	v0 =	vperm.xlane v1, v49;
	[tilespmem:s24+$0xE0] =	vst v7;
	v37 =	vld [tilespmem:s1+$0xA0]  }
.Ltmp7:
0x197: {  	v3 =	vperm.xlane v1, v48;
	v63 =	vperm.xlane v1, v12;
	[tilespmem:s24+$0xF0] =	vst v9;
	v40 =	vld [tilespmem:s1+$0xB0];
	(pc) =	sbr.rel @p1 .LBB2_23-.Ltmp7, $4  }
0x198: {  	[tilespmem:s1+$0xFFFFFFF0] =	vst v10;
	v50 =	vperm.xlane v56, v49;
	v49 =	vperm.xlane v56, v48;
	v41 =	vld [tilespmem:s1+$0xC0]  }
0x199: {  	[tilespmem:s1+$0x80] =	vst v56;
	v48 =	vperm.xlane v56, v12;
	v8 =	vimm.s32 $0x6;
	v7 =	vimm.s32 $0x7;
	v44 =	vld [tilespmem:s1+$0xD0]  }
0x19a: {  	[tilespmem:s1+$0xFFFFFF60] =	vst v1;
	v6 =	vperm.xlane v1, v8;
	v1 =	vperm.xlane v1, v7;
	v7 =	vimm.s32 $0x7;
	v45 =	vld [tilespmem:s1+$0xE0]  }
0x19b: {  	s24 =	smov.u32 s1;
	v60 =	vperm.xlane v10, v8;
	[tilespmem:s1+$0x110] =	vst v47;
	v46 =	vld [tilespmem:s1+$0xF0];
	s1 =	sadd.s32 $0x240, s1;
	v58 =	vperm.xlane v10, v7;
	v10 =	vimm.s32 $0x7  }
0x19c: {  	v4 =	vmul.f32 v16, v4  }
0x19d: {  	v2 =	vmul.f32 v17, v2  }
0x19e: {  	v5 =	vmul.f32 v18, v5;
	[tilespmem:s24+$0xFFFFFEE0] =	vst v4  }
0x19f: {  	v0 =	vmul.f32 v19, v0;
	[tilespmem:s24+$0xFFFFFEF0] =	vst v2  }
0x1a0: {  	v20 =	vmul.f32 v20, v3;
	[tilespmem:s24+$0xFFFFFF00] =	vst v5  }
0x1a1: {  	v21 =	vmul.f32 v21, v63;
	[tilespmem:s24+$0xFFFFFF10] =	vst v0  }
0x1a2: {  	v22 =	vmul.f32 v22, v6;
	[tilespmem:s24+$0xFFFFFF20] =	vst v20  }
0x1a3: {  	v1 =	vmul.f32 v23, v1;
	[tilespmem:s24+$0xFFFFFF30] =	vst v21  }
0x1a4: {  	v24 =	vmul.f32 v24, v54;
	[tilespmem:s24+$0xFFFFFF40] =	vst v22  }
0x1a5: {  	v25 =	vmul.f32 v25, v51;
	[tilespmem:s24+$0xFFFFFF50] =	vst v1  }
0x1a6: {  	v28 =	vmul.f32 v28, v55;
	[tilespmem:s24+$0xFFFFFF70] =	vst v24  }
0x1a7: {  	v29 =	vmul.f32 v29, v52;
	[tilespmem:s24+$0xFFFFFF80] =	vst v25  }
0x1a8: {  	v32 =	vmul.f32 v32, v62;
	[tilespmem:s24+$0xFFFFFF90] =	vst v28  }
0x1a9: {  	v33 =	vmul.f32 v33, v61;
	[tilespmem:s24+$0xFFFFFFA0] =	vst v29  }
0x1aa: {  	v42 =	vmul.f32 v42, v59;
	[tilespmem:s24+$0xFFFFFFB0] =	vst v32  }
0x1ab: {  	v51 =	vmul.f32 v39, v57;
	[tilespmem:s24+$0xFFFFFFC0] =	vst v33  }
0x1ac: {  	v52 =	vmul.f32 v26, v53;
	[tilespmem:s24+$0x0] =	vst v42  }
0x1ad: {  	v53 =	vmul.f32 v27, v50;
	[tilespmem:s24+$0x10] =	vst v51  }
0x1ae: {  	v55 =	vmul.f32 v30, v49;
	[tilespmem:s24+$0x20] =	vst v52  }
0x1af: {  	v57 =	vmul.f32 v31, v48;
	[tilespmem:s24+$0x30] =	vst v53  }
0x1b0: {  	v34 =	vmul.f32 v34, v60;
	[tilespmem:s24+$0x40] =	vst v55  }
0x1b1: {  	v38 =	vmul.f32 v38, v58;
	[tilespmem:s24+$0x50] =	vst v57  }
0x1b2: {  	v54 =	vperm.xlane v56, v8;
	[tilespmem:s24+$0xFFFFFFD0] =	vst v34  }
0x1b3: {  	v56 =	vperm.xlane v56, v10;
	[tilespmem:s24+$0xFFFFFFE0] =	vst v38  }
0x1b4: {  	v58 =	vmul.f32 v35, v54;
	v59 =	vld [tilespmem:$0x1FF20]  }
0x1b5: {  	v0 =	vmul.f32 v43, v56  }
0x1b6: {  	[tilespmem:s24+$0x60] =	vst v58  }
0x1b7: {  	[tilespmem:s24+$0x70] =	vst v0  }
0x1b8: {  	v0 =	vld [tilespmem:$0x1FF30]  }
0x1b9: {  	v2 =	vmul.f32 v36, v59;
	_ =	sdelay $0x1  }
0x1ba: {  	[tilespmem:s24+$0x90] =	vst v2  }
0x1bb: {  	v60 =	vmul.f32 v37, v13;
	v2 =	vld [tilespmem:$0x1FF40]  }
0x1bc: {  	v0 =	vmul.f32 v40, v0  }
0x1bd: {  	v61 =	vperm.xlane v47, v8;
	s20 =	sadd.s32 $0x1, s20;
	v62 =	vmul.f32 v44, v15;
	[tilespmem:s24+$0xA0] =	vst v60  }
0x1be: {  	p1 =	sne.s32 s20, $0x2D;
	v63 =	vmul.f32 v45, v14;
	[tilespmem:s24+$0xB0] =	vst v0  }
.Ltmp8:
0x1bf: {  	v1 =	vmul.f32 v46, v61;
	[tilespmem:s24+$0xD0] =	vst v62;
	(pc) =	sbr.rel @p1 .LBB2_18-.Ltmp8, $4  }
0x1c0: {  	[tilespmem:s24+$0xE0] =	vst v63;
	v2 =	vmul.f32 v41, v2  }
0x1c1: {  	[tilespmem:s24+$0xF0] =	vst v1  }
0x1c2: {  	s19 =	sadd.s32 $0xE0, s19;
	v9 =	vimm.s32 $0x0;
	[tilespmem:s24+$0xC0] =	vst v2  }
0x1c3: {  	v50 =	vimm.s32 $0x3;
	v53 =	vimm.s32 $0x2;
	v46 =	vimm.s32 $0x1;
	[spmem:s2] =	stream.indirect.scatter.add.f32 [tilespmem:s8], [sflag:$0x5], $0x90, s15, s21, $0xb8;
	[tilespmem:$0x1F110] =	vst v63  }
.Ltmp9:
0x1c4: {  	(pc) =	sbr.rel .LBB2_26-.Ltmp9, $3  }
0x1c5: {  	_ =	sdelay $0x1  }
0x1c6: {  	s1 =	rddreg [dreg:$0x7]  }
0x1c7: {  	s17 =	rddreg [dreg:$0x4]  }
.LBB2_2:
0x1c8: {  	p1 =	sne.s32 s1, $0x57300  }
.Ltmp10:
0x1c9: {  	_ = 	snop;
	(pc) =	sbr.rel @p1 .LBB2_2-.Ltmp10, $4  }
0x1ca: {  	_ = 	snop  }
0x1cb: {  	s3 =	sshra.s32 s1, $0x2  }
0x1cc: {  	s1 =	sadd.s32 $0xB40, s1;
	s3 =	sadd.s32 s3, s29  }
0x1cd: {  	[spmem:s3] =	stream.linear.scatter [tilespmem:s19], [sflag:$0x3], $0x2D0, $0x38;
	[tilespmem:$0x1F110] =	vst v63  }
0x1ce: {  	_ =	swait.ge [sflag:s9], $0x2D0  }
0x1cf: {  	s1 =	simm.s32 $0x7C;
	[sflag:s9] =	ssyncset.done $0x0  }
.LBB2_4:
0x1d0: {  	p1 =	sne.s32 s1, $0x1;
	s1 =	sadd.s32 $0xFFFFFFFF, s1;
	[sflag:s9] =	ssyncadd.s32 $0xFFFFFD30  }
.Ltmp11:
0x1d1: {  	(pc) =	sbr.rel @p1 .LBB2_4-.Ltmp11, $3  }
0x1d2: {  	_ =	sdelay $0x1  }
0x1d3: {  	_ =	swait.ge [sflag:s9], $0x2D0  }
0x1d4: {  	[sflag:s9] =	ssyncset.done $0x0  }
0x1d5: {  	[sflag:s9] =	ssyncadd.s32 $0xFFFFFD30  }
0x1d6: {  	s20 =	simm.s32 $0x0;
	s1 =	rddreg [dreg:$0x5];
	s3 =	simm.s32 $0x9170  }
0x1d7: {  	[tilespmem:s3], [sflag:$0x6] =	stream.linear.gather [hbm4b:s1+s20], $0x10, $0x38;
	[tilespmem:$0x1F110] =	vst v63  }
0x1d8: {  	_ =	swait.ge [sflag:s23], $0x10  }
0x1d9: {  	[sflag:s23] =	ssyncset.done $0x0  }
0x1da: {  	[sflag:s23] =	ssyncadd.s32 $0xFFFFFFF0  }
0x1db: {  	[bflag:$0x0] =	sbarrier.arrive $0xFFFF  }
0x1dc: {  	s3 =	rddreg [dreg:$0x8]  }
0x1dd: {  	v11 =	vld [tilespmem:$0x9170];
	[tilespmem:s20], [sflag:$0x6] =	stream.linear.gather [hbm4b:s3+s20], $0x70, $0x38  }
0x1de: {  	_ =	swait.ge [sflag:s23], $0x70  }
0x1df: {  	[sflag:s23] =	ssyncset.done $0x0  }
0x1e0: {  	s17 =	rddreg [dreg:$0x9];
	[sflag:s23] =	ssyncadd.s32 $0xFFFFFF90  }
0x1e1: {  	[tilespmem:s21], [sflag:$0x6] =	stream.linear.gather [hbm4b:s17+s20], $0x70, $0x38;
	[tilespmem:$0x1F110] =	vst v63  }
0x1e2: {  	_ =	swait.ge [sflag:s23], $0x70  }
0x1e3: {  	[sflag:s23] =	ssyncset.done $0x0  }
0x1e4: {  	s19 =	simm.s32 $0x2A0;
	[sflag:s23] =	ssyncadd.s32 $0xFFFFFF90  }
0x1e5: {  	[tilespmem:s19], [sflag:$0x3] =	stream.indirect.gather [hbm4b:s7+s21], $0x10, s21, s21, $0xb8;
	[tilespmem:$0x1F110] =	vst v63  }
0x1e6: {  	s24 =	simm.s32 $0x9A0  }
0x1e7: {  	[tilespmem:s24], [sflag:$0x3] =	stream.indirect.gather [hbm4b:s6+s21], $0x90, s20, s21, $0xb8;
	[tilespmem:$0x1F110] =	vst v63  }
0x1e8: {  	_ = 	snop  }
0x1e9: {  	[tilespmem:s25], [sflag:$0x3] =	stream.linear.gather [hbm4b:s17+s20], $0x70, $0x38;
	[tilespmem:$0x1F110] =	vst v63  }
0x1ea: {  	s28 =	simm.s32 $0xE0;
	s26 =	rddreg [dreg:$0xd]  }
0x1eb: {  	[tilespmem:s28], [sflag:$0x6] =	stream.linear.gather [hbm4b:s26+s20], $0x70, $0x38;
	[tilespmem:$0x1F110] =	vst v63  }
0x1ec: {  	_ =	swait.ge [sflag:s23], $0x70  }
0x1ed: {  	[sflag:s23] =	ssyncset.done $0x0  }
0x1ee: {  	s17 =	simm.s32 $0x150;
	s30 =	rddreg [dreg:$0xe];
	[sflag:s23] =	ssyncadd.s32 $0xFFFFFF90  }
0x1ef: {  	[tilespmem:s17], [sflag:$0x6] =	stream.linear.gather [hbm4b:s30+s20], $0x70, $0x38;
	[tilespmem:$0x1F110] =	vst v63  }
0x1f0: {  	_ =	swait.ge [sflag:s23], $0x70  }
0x1f1: {  	[sflag:s23] =	ssyncset.done $0x0  }
0x1f2: {  	s19 =	simm.s32 $0x48A0;
	[sflag:s23] =	ssyncadd.s32 $0xFFFFFF90  }
0x1f3: {  	[tilespmem:s19], [sflag:$0x4] =	stream.indirect.gather [hbm4b:s7+s21], $0x10, s17, s21, $0xb8;
	[tilespmem:$0x1F110] =	vst v63  }
0x1f4: {  	_ = 	snop  }
0x1f5: {  	[tilespmem:s8], [sflag:$0x4] =	stream.indirect.gather [hbm4b:s6+s21], $0x90, s28, s21, $0xb8;
	[tilespmem:$0x1F110] =	vst v63  }
0x1f6: {  	[tilespmem:$0x1FFF0] =	vst v11;
	s19 =	smov.u32 s22  }
0x1f7: {  	[tilespmem:s15], [sflag:$0x4] =	stream.linear.gather [hbm4b:s30+s20], $0x70, $0x38;
	[tilespmem:$0x1F110] =	vst v63  }
.LBB2_6:
0x1f8: {  	_ =	swait.ge [sflag:s9], $0x700  }
0x1f9: {  	[sflag:s9] =	ssyncset.done $0x0  }
0x1fa: {  	[sflag:s9] =	ssyncadd.s32 $0xFFFFF900  }
0x1fb: {  	p1 =	seq.s32 s20, $0x2C;
	_ =	swait.ge [sflag:s9], $0x3F00  }
0x1fc: {  	s1 =	smul.u32 @!p1 $0xE0, s20;
	[sflag:s9] =	ssyncset.done $0x0  }
0x1fd: {  	p2 =	seq.s32 @!p1 s20, $0x0;
	[sflag:s9] =	ssyncadd.s32 $0xFFFFC100  }
0x1fe: {  	p2 =	por p1, !p2;
	s1 =	sadd.s32 @!p1 s1, s31;
	_ =	swait.ge [sflag:s9], $0x70  }
.Ltmp12:
0x1ff: {  	s1 =	sshrl.u32 @!p1 s1, $0x3;
	[sflag:s9] =	ssyncset.done $0x0;
	(pc) =	sbr.rel @!p2 .LBB2_8-.Ltmp12, $4  }
0x200: {  	s26 =	simm.s32 @!p1 $0x0;
	s3 =	sadd.s32 @!p1 s4, s1;
	[sflag:s9] =	ssyncadd.s32 $0xFFFFFF90  }
0x201: {  	[tilespmem:s26], [sflag:$0x1] =	stream.linear.gather @!p1 [hbm4b:s3+s26], $0x70, $0x38;
	[tilespmem:$0x1F110] =	vst v63  }
0x202: {  	s24 =	sshll.u32 s20, $0x1;
	s1 =	sadd.s32 @!p1 s5, s1;
	s3 =	simm.s32 @!p1 $0x70  }
0x203: {  	[tilespmem:s3], [sflag:$0x1] =	stream.linear.gather @!p1 [hbm4b:s1+s26], $0x70, $0x38;
	[tilespmem:$0x1F110] =	vst v63  }
0x204: {  	_ =	swait.ge [sflag:s16], $0x3F00;
	s1 =	sadd.s32 $0xFFFFFFFE, s24  }
0x205: {  	[sflag:s16] =	ssyncset.done $0x0;
	p2 =	slt.u32 s1, $0x58  }
0x206: {  	[sflag:s16] =	ssyncadd.s32 $0xFFFFC100;
	s1 =	simm.s32 @p2 $0x2  }
0x207: {  	_ =	swait.ge @p2 [sflag:s1], $0x70  }
0x208: {  	[sflag:s1] =	ssyncset.done @p2 $0x0  }
0x209: {  	[sflag:s1] =	ssyncadd.s32 @p2 $0xFFFFFF90  }
0x20a: {  	_ =	swait.ge @p2 [sflag:s1], $0x70  }
0x20b: {  	s3 =	simm.s32 @p2 $0x150;
	s17 =	simm.s32 @p2 $0x48A0;
	[sflag:s1] =	ssyncset.done @p2 $0x0  }
0x20c: {  	s28 =	smul.u32 @p2 $0xE0, s20;
	[sflag:s1] =	ssyncadd.s32 @p2 $0xFFFFFF90;
	s1 =	simm.s32 @p2 $0x70  }
0x20d: {  	[tilespmem:s17], [sflag:$0x4] =	stream.indirect.gather @p2 [hbm4b:s7+s1], $0x10, s3, s1, $0xb8;
	[tilespmem:$0x1F110] =	vst v63  }
0x20e: {  	s26 =	smul.u32 @!p2 $0xE0, s20;
	s3 =	simm.s32 @p2 $0xE0;
	s17 =	simm.s32 @p2 $0x4FA0  }
0x20f: {  	[tilespmem:s17], [sflag:$0x4] =	stream.indirect.gather @p2 [hbm4b:s6+s1], $0x90, s3, s1, $0xb8;
	[tilespmem:$0x1F110] =	vst v63  }
0x210: {  	s1 =	sadd.s32 @p2 s28, s22  }
0x211: {  	s26 =	smov.u32 @p2 s28;
	s1 =	sshrl.u32 @p2 s1, $0x3  }
0x212: {  	s3 =	simm.s32 @p2 $0x0;
	s17 =	simm.s32 @p2 $0x230;
	s1 =	sadd.s32 @p2 s5, s1  }
0x213: {  	[tilespmem:s17], [sflag:$0x4] =	stream.linear.gather @p2 [hbm4b:s1+s3], $0x70, $0x38;
	[tilespmem:$0x1F110] =	vst v63  }
.LBB2_8:
0x214: {  	s28 =	simm.s32 $0xAC0  }
0x215: {  	s30 =	simm.s32 $0x2C0;
	v0 =	vld [tilespmem:s28+$0x110]  }
0x216: {  	v1 =	vld [tilespmem:s30+$0x10]  }
0x217: {  	v2 =	vld [tilespmem:s30+$0xFFFFFFE0]  }
0x218: {  	v3 =	vld [tilespmem:s28+$0xFFFFFFF0]  }
0x219: {  	v7 =	vld [tilespmem:s28+$0xFFFFFEF0]  }
0x21a: {  	v4 =	vld [tilespmem:s30+$0xFFFFFFF0]  }
0x21b: {  	v5 =	vld [tilespmem:s28+$0x80]  }
0x21c: {  	v6 =	vld [tilespmem:s30+$0x0]  }
0x21d: {  	v18 =	vld [tilespmem:s28+$0xFFFFFEE0];
	v0 =	vadd.f32 v1, v0  }
0x21e: {  	v1 =	vld [tilespmem:s28+$0xFFFFFF60];
	[tilespmem:$0x1FFD0] =	vst v7  }
0x21f: {  	v3 =	vadd.f32 v4, v3;
	v4 =	vld [tilespmem:s28+$0xFFFFFF00];
	v10 =	vmul.f32 $2.000000030e-01, v0  }
0x220: {  	vm0 =	vge.f32 v0, $0.0e+00  }
0x221: {  	v0 =	vsel vm0, v0, v10  }
0x222: {  	v0 =	vsub.f32 v0, v11;
	_ =	sdelay $0x1  }
0x223: {  	[tilespmem:$0x1FFE0] =	vst v4;
	v4 =	vadd.f32 v6, v5;
	v0 =	vmul.f32 $1.442695020e+00, v0  }
0x224: {  	v1 =	vadd.f32 v2, v1;
	v5 =	vmul.f32 $2.000000030e-01, v3;
	v19 =	vld [tilespmem:s28+$0xFFFFFF10]  }
0x225: {  	vm15 =	vge.f32 v3, $0.0e+00;
	v20 =	vld [tilespmem:s28+$0xFFFFFF20];
	v2 =	vmul.f32 $2.000000030e-01, v4;
	(erf) = vpow2.f32 v0  }
0x226: {  	v21 =	vld [tilespmem:s28+$0xFFFFFF30];
	v6 =	vmul.f32 $2.000000030e-01, v1;
	vm1 =	vge.f32 v4, $0.0e+00;
	v3 =	vsel vm15, v3, v5  }
0x227: {  	vm2 =	vge.f32 v1, $0.0e+00;
	v22 =	vld [tilespmem:s28+$0xFFFFFF40];
	v3 =	vsub.f32 v3, v11;
	v2 =	vsel vm1, v4, v2  }
0x228: {  	v23 =	vld [tilespmem:s28+$0xFFFFFF50];
	v0 =	vsel vm2, v1, v6;
	v1 =	vsub.f32 v2, v11  }
0x229: {  	v24 =	vld [tilespmem:s28+$0xFFFFFF70];
	v2 =	vmul.f32 $1.442695020e+00, v3  }
0x22a: {  	v25 =	vld [tilespmem:s28+$0xFFFFFF80];
	v1 =	vmul.f32 $1.442695020e+00, v1  }
0x22b: {  	v27 =	vld [tilespmem:s28+$0xFFFFFF90];
	v0 =	vsub.f32 v0, v11;
	(erf) = vpow2.f32 v2  }
0x22c: {  	s3 =	sadd.s32 s13, s26;
	v29 =	vld [tilespmem:s28+$0xFFFFFFA0]  }
0x22d: {  	s1 =	sadd.s32 $0x0, s3;
	v32 =	vld [tilespmem:s28+$0xFFFFFFB0];
	v0 =	vmul.f32 $1.442695020e+00, v0  }
0x22e: {  	p2 =	sgt.u32 s1, $0x270FF;
	v33 =	vld [tilespmem:s28+$0xFFFFFFC0];
	(erf) = vpow2.f32 v1;
	v1 =	vpop (erf)  }
0x22f: {  	v10 =	vimm.s32 $0x7;
	(erf) = vpow2.f32 v0;
	v0 =	vld [tilespmem:s28+$0x100];
	v47 =	vpsel p2, $0x0, v1  }
0x230: {  	v34 =	vld [tilespmem:s28+$0xFFFFFFD0];
	v1 =	vperm.xlane v47, v10  }
0x231: {  	v38 =	vld [tilespmem:s28+$0xFFFFFFE0]  }
0x232: {  	v42 =	vld [tilespmem:s28+$0x0];
	v14 =	vperm.xlane v47, v9  }
0x233: {  	v48 =	vimm.s32 $0x5;
	v39 =	vld [tilespmem:s28+$0x10];
	v15 =	vperm.xlane v47, v46;
	v13 =	vperm.xlane v47, v53  }
0x234: {  	v7 =	vimm.s32 $0x4;
	v26 =	vld [tilespmem:s28+$0x20];
	v12 =	vperm.xlane v47, v50;
	v0 =	vmul.f32 v0, v1;
	v1 =	vpop (erf)  }
0x235: {  	v28 =	vld [tilespmem:s28+$0x30];
	v17 =	vperm.xlane v47, v7;
	v16 =	vperm.xlane v47, v48;
	v45 =	vpsel p2, $0x0, v1  }
0x236: {  	v30 =	vld [tilespmem:s28+$0x40];
	v54 =	vperm.xlane v45, v9;
	v51 =	vperm.xlane v45, v46  }
0x237: {  	v31 =	vld [tilespmem:s28+$0x50];
	v55 =	vperm.xlane v45, v53;
	v52 =	vperm.xlane v45, v50  }
0x238: {  	v35 =	vld [tilespmem:s28+$0x60];
	v43 =	vpop (erf);
	v62 =	vperm.xlane v45, v7;
	v61 =	vperm.xlane v45, v48  }
0x239: {  	v36 =	vld [tilespmem:s28+$0x90];
	v1 =	vpop (erf);
	v56 =	vpsel p2, $0x0, v43;
	v60 =	vperm.xlane v45, v8;
	v58 =	vperm.xlane v45, v10  }
0x23a: {  	v37 =	vld [tilespmem:s28+$0xA0];
	v44 =	vpsel p2, $0x0, v1;
	v59 =	vperm.xlane v56, v9;
	v57 =	vperm.xlane v56, v46  }
0x23b: {  	v40 =	vld [tilespmem:s28+$0xB0];
	v49 =	vperm.xlane v56, v7;
	v4 =	vperm.xlane v44, v9  }
0x23c: {  	v41 =	vld [tilespmem:s28+$0xC0];
	[tilespmem:s28+$0x110] =	vst v47;
	v2 =	vperm.xlane v44, v46;
	v5 =	vperm.xlane v44, v53  }
0x23d: {  	[tilespmem:s28+$0x100] =	vst v0;
	v43 =	vld [tilespmem:s28+$0x70];
	v0 =	vperm.xlane v44, v50;
	v3 =	vperm.xlane v44, v7  }
0x23e: {  	[tilespmem:s28+$0xFFFFFFF0] =	vst v45;
	v45 =	vld [tilespmem:s28+$0xE0];
	v63 =	vperm.xlane v44, v48;
	v6 =	vperm.xlane v44, v8  }
0x23f: {  	v1 =	vperm.xlane v44, v10;
	[tilespmem:s28+$0xFFFFFF60] =	vst v44;
	v44 =	vld [tilespmem:s28+$0xD0];
	v53 =	vperm.xlane v56, v53  }
0x240: {  	s17 =	simm.s32 $0x0;
	s1 =	simm.s32 $0xD00;
	[tilespmem:s28+$0x80] =	vst v56;
	v50 =	vperm.xlane v56, v50;
	v46 =	vld [tilespmem:s28+$0xF0];
	v48 =	vperm.xlane v56, v48  }
.LBB2_9:
0x241: {  	v4 =	vmul.f32 v18, v4;
	v18 =	vld [tilespmem:$0x1FFD0]  }
0x242: {  	v7 =	vld [tilespmem:s1+$0x110];
	v11 =	vimm.s32 $0x6;
	v9 =	vperm.xlane v56, v10;
	s30 =	sadd.s32 $0x40, s30  }
0x243: {  	v8 =	vperm.xlane v56, v11;
	v10 =	vld [tilespmem:s30+$0x10];
	v0 =	vmul.f32 v19, v0  }
0x244: {  	v56 =	vperm.xlane v47, v11;
	v47 =	vld [tilespmem:s30+$0xFFFFFFE0];
	v3 =	vmul.f32 v20, v3;
	[tilespmem:s28+$0xFFFFFEE0] =	vst v4  }
0x245: {  	v6 =	vmul.f32 v22, v6;
	[tilespmem:s28+$0xFFFFFF10] =	vst v0  }
0x246: {  	v1 =	vmul.f32 v23, v1;
	[tilespmem:s28+$0xFFFFFF20] =	vst v3;
	v2 =	vmul.f32 v18, v2;
	v18 =	vld [tilespmem:$0x1FFE0]  }
0x247: {  	v22 =	vld [tilespmem:s1+$0xFFFFFF60];
	v0 =	vmul.f32 v25, v51;
	[tilespmem:s28+$0xFFFFFF40] =	vst v6  }
0x248: {  	v7 =	vadd.f32 v10, v7;
	v10 =	vmul.f32 v27, v55;
	[tilespmem:s28+$0xFFFFFF50] =	vst v1  }
0x249: {  	v4 =	vld [tilespmem:s30+$0xFFFFFFF0];
	v3 =	vmul.f32 v29, v52;
	[tilespmem:s28+$0xFFFFFF80] =	vst v0  }
0x24a: {  	[tilespmem:s28+$0xFFFFFF90] =	vst v10  }
0x24b: {  	[tilespmem:s28+$0xFFFFFFA0] =	vst v3;
	v5 =	vmul.f32 v18, v5  }
0x24c: {  	v11 =	vld [tilespmem:$0x1FFF0];
	v0 =	vmul.f32 v39, v57;
	[tilespmem:s28+$0xFFFFFEF0] =	vst v2  }
0x24d: {  	v2 =	vmul.f32 v21, v63;
	v21 =	vld [tilespmem:s30+$0x0];
	[tilespmem:s28+$0xFFFFFF00] =	vst v5  }
0x24e: {  	v63 =	vmul.f32 v42, v59;
	[tilespmem:s28+$0x10] =	vst v0;
	v19 =	vld [tilespmem:s1+$0xFFFFFEE0]  }
0x24f: {  	v6 =	vmul.f32 v34, v60;
	[tilespmem:s28+$0xFFFFFF30] =	vst v2;
	v18 =	vld [tilespmem:s1+$0xFFFFFFF0]  }
0x250: {  	v20 =	vld [tilespmem:s1+$0x80];
	v1 =	vmul.f32 v38, v58;
	[tilespmem:s28+$0x0] =	vst v63  }
0x251: {  	[tilespmem:s28+$0xFFFFFFD0] =	vst v6;
	v23 =	vld [tilespmem:s1+$0xFFFFFEF0]  }
0x252: {  	v2 =	vmul.f32 v33, v61;
	[tilespmem:s28+$0xFFFFFFE0] =	vst v1  }
0x253: {  	vm0 =	vge.f32 v7, $0.0e+00;
	v6 =	vmul.f32 v28, v50;
	[tilespmem:$0x1FFC0] =	vst v19;
	v19 =	vmul.f32 $2.000000030e-01, v7  }
0x254: {  	v0 =	vmul.f32 v31, v48;
	v1 =	vmul.f32 v30, v49;
	[tilespmem:s28+$0xFFFFFFC0] =	vst v2;
	v4 =	vadd.f32 v4, v18  }
0x255: {  	v2 =	vmul.f32 v26, v53;
	v5 =	vmul.f32 v24, v54;
	[tilespmem:s28+$0x30] =	vst v6;
	v7 =	vsel vm0, v7, v19  }
0x256: {  	v25 =	vadd.f32 v21, v20;
	v20 =	vld [tilespmem:s1+$0xFFFFFF20];
	[tilespmem:$0x1FFD0] =	vst v23;
	v23 =	vmul.f32 $2.000000030e-01, v4;
	v7 =	vsub.f32 v7, v11  }
0x257: {  	v24 =	vmul.f32 v32, v62;
	v21 =	vld [tilespmem:s1+$0xFFFFFF30];
	[tilespmem:s28+$0xFFFFFF70] =	vst v5;
	v5 =	vadd.f32 v47, v22;
	vm15 =	vge.f32 v4, $0.0e+00  }
0x258: {  	[tilespmem:s28+$0x20] =	vst v2;
	v27 =	vmul.f32 $2.000000030e-01, v25;
	v22 =	vld [tilespmem:s1+$0xFFFFFF40];
	v4 =	vsel vm15, v4, v23;
	v7 =	vmul.f32 $1.442695020e+00, v7  }
0x259: {  	[tilespmem:s28+$0x40] =	vst v1;
	vm1 =	vge.f32 v25, $0.0e+00;
	v42 =	vld [tilespmem:s1+$0x0];
	v10 =	vmul.f32 $2.000000030e-01, v5;
	v3 =	vsub.f32 v4, v11  }
0x25a: {  	[tilespmem:s28+$0x50] =	vst v0;
	v39 =	vld [tilespmem:s1+$0x10];
	vm2 =	vge.f32 v5, $0.0e+00;
	v4 =	vsel vm1, v25, v27;
	(erf) = vpow2.f32 v7  }
0x25b: {  	v26 =	vld [tilespmem:s1+$0x20];
	v5 =	vsel vm2, v5, v10;
	v4 =	vsub.f32 v4, v11;
	v3 =	vmul.f32 $1.442695020e+00, v3  }
0x25c: {  	v18 =	vld [tilespmem:s1+$0xFFFFFF00];
	v5 =	vsub.f32 v5, v11  }
0x25d: {  	[tilespmem:s28+$0xFFFFFFB0] =	vst v24;
	v24 =	vld [tilespmem:s1+$0xFFFFFF70];
	v4 =	vmul.f32 $1.442695020e+00, v4;
	(erf) = vpow2.f32 v3  }
0x25e: {  	v29 =	vld [tilespmem:s1+$0xFFFFFFA0];
	v5 =	vmul.f32 $1.442695020e+00, v5  }
0x25f: {  	v0 =	vmul.f32 v41, v12;
	v32 =	vld [tilespmem:s1+$0xFFFFFFB0];
	(erf) = vpow2.f32 v4  }
0x260: {  	v2 =	vmul.f32 v35, v8;
	v33 =	vld [tilespmem:s1+$0xFFFFFFC0];
	(erf) = vpow2.f32 v5  }
0x261: {  	s17 =	sadd.s32 $0x4, s17;
	v48 =	vimm.s32 $0x4;
	v1 =	vmul.f32 v37, v15;
	v6 =	vmul.f32 v40, v13;
	v34 =	vld [tilespmem:s1+$0xFFFFFFD0]  }
0x262: {  	s23 =	sadd.s32 s3, s17;
	v50 =	vimm.s32 $0x2;
	v8 =	vmul.f32 v44, v17;
	v38 =	vld [tilespmem:s1+$0xFFFFFFE0];
	[tilespmem:s28+$0x60] =	vst v2;
	v3 =	vmul.f32 v43, v9  }
0x263: {  	p3 =	sgt.u32 s23, $0x270FF;
	v2 =	vimm.s32 $0x7;
	v28 =	vld [tilespmem:s1+$0x30];
	v9 =	vmul.f32 v46, v56;
	v4 =	vmul.f32 v36, v14;
	v7 =	vpop (erf)  }
0x264: {  	v19 =	vld [tilespmem:s1+$0xFFFFFF10];
	v47 =	vpsel p3, $0x0, v7;
	v7 =	vmul.f32 v45, v16;
	v45 =	vimm.s32 $0x0  }
0x265: {  	v49 =	vimm.s32 $0x3;
	[tilespmem:$0x1FFE0] =	vst v18;
	v5 =	vld [tilespmem:s1+$0x100];
	v18 =	vperm.xlane v47, v45;
	v2 =	vperm.xlane v47, v2  }
0x266: {  	v12 =	vimm.s32 $0x5;
	v23 =	vld [tilespmem:s1+$0xFFFFFF50];
	[tilespmem:s28+$0x70] =	vst v3;
	v3 =	vpop (erf);
	v14 =	vperm.xlane v47, v50;
	v13 =	vperm.xlane v47, v49  }
0x267: {  	v25 =	vld [tilespmem:s1+$0xFFFFFF80];
	v10 =	vpsel p3, $0x0, v3;
	v17 =	vperm.xlane v47, v48;
	v16 =	vperm.xlane v47, v12  }
0x268: {  	[tilespmem:s28+$0xA0] =	vst v1;
	v27 =	vld [tilespmem:s1+$0xFFFFFF90];
	v1 =	vpop (erf);
	v55 =	vperm.xlane v10, v50;
	v52 =	vperm.xlane v10, v49  }
0x269: {  	v30 =	vld [tilespmem:s1+$0x40];
	v56 =	vpsel p3, $0x0, v1;
	v1 =	vpop (erf);
	v62 =	vperm.xlane v10, v48;
	v61 =	vperm.xlane v10, v12  }
0x26a: {  	[tilespmem:s28+$0xC0] =	vst v0;
	v31 =	vld [tilespmem:s1+$0x50];
	v2 =	vmul.f32 v5, v2;
	v1 =	vpsel p3, $0x0, v1;
	v53 =	vperm.xlane v56, v50  }
0x26b: {  	[tilespmem:s28+$0xB0] =	vst v6;
	v35 =	vld [tilespmem:s1+$0x60];
	v5 =	vperm.xlane v1, v50;
	v0 =	vperm.xlane v1, v49  }
0x26c: {  	[tilespmem:s28+$0x90] =	vst v4;
	v43 =	vld [tilespmem:s1+$0x70];
	v3 =	vperm.xlane v1, v48;
	v63 =	vperm.xlane v1, v12  }
0x26d: {  	v36 =	vld [tilespmem:s1+$0x90];
	v50 =	vperm.xlane v56, v49;
	v49 =	vperm.xlane v56, v48;
	[tilespmem:s1+$0x100] =	vst v2  }
0x26e: {  	v46 =	vimm.s32 $0x1;
	v48 =	vperm.xlane v56, v12;
	v12 =	vmovc v13;
	v13 =	vmovc v14;
	v14 =	vmov v18;
	v18 =	vld [tilespmem:$0x1FFC0];
	[tilespmem:s28+$0xD0] =	vst v8  }
0x26f: {  	p2 =	slt.u32 s17, $0x6C;
	v15 =	vperm.xlane v47, v46;
	v54 =	vperm.xlane v10, v45;
	[tilespmem:s28+$0xE0] =	vst v7;
	v37 =	vld [tilespmem:s1+$0xA0]  }
.Ltmp13:
0x270: {  	v51 =	vperm.xlane v10, v46;
	v59 =	vperm.xlane v56, v45;
	[tilespmem:s28+$0xF0] =	vst v9;
	v40 =	vld [tilespmem:s1+$0xB0];
	(pc) =	sbr.rel @p2 .LBB2_9-.Ltmp13, $4  }
0x271: {  	[tilespmem:s1+$0xFFFFFFF0] =	vst v10;
	v57 =	vperm.xlane v56, v46;
	v4 =	vperm.xlane v1, v45;
	v41 =	vld [tilespmem:s1+$0xC0]  }
0x272: {  	[tilespmem:s1+$0x80] =	vst v56;
	v2 =	vperm.xlane v1, v46;
	v8 =	vimm.s32 $0x6;
	v7 =	vimm.s32 $0x7;
	v44 =	vld [tilespmem:s1+$0xD0]  }
0x273: {  	[tilespmem:s1+$0xFFFFFF60] =	vst v1;
	v6 =	vperm.xlane v1, v8;
	v1 =	vperm.xlane v1, v7;
	v7 =	vimm.s32 $0x7;
	v45 =	vld [tilespmem:s1+$0xE0]  }
0x274: {  	s28 =	smov.u32 s1;
	v60 =	vperm.xlane v10, v8;
	[tilespmem:s1+$0x110] =	vst v47;
	v46 =	vld [tilespmem:s1+$0xF0];
	s1 =	sadd.s32 $0x240, s1;
	v58 =	vperm.xlane v10, v7;
	v10 =	vimm.s32 $0x7  }
0x275: {  	v7 =	vld [tilespmem:$0x1FFD0];
	_ =	sdelay $0x2  }
0x276: {  	v4 =	vmul.f32 v18, v4  }
0x277: {  	v0 =	vmul.f32 v19, v0  }
0x278: {  	v1 =	vmul.f32 v23, v1;
	v2 =	vmul.f32 v7, v2;
	v7 =	vld [tilespmem:$0x1FFE0];
	[tilespmem:s28+$0xFFFFFEE0] =	vst v4  }
0x279: {  	[tilespmem:s28+$0xFFFFFF10] =	vst v0  }
0x27a: {  	v0 =	vmul.f32 v22, v6;
	[tilespmem:s28+$0xFFFFFF50] =	vst v1  }
0x27b: {  	v1 =	vmul.f32 v27, v55;
	[tilespmem:s28+$0xFFFFFEF0] =	vst v2  }
0x27c: {  	v4 =	vmul.f32 v31, v48;
	[tilespmem:s28+$0xFFFFFF40] =	vst v0  }
0x27d: {  	v2 =	vmul.f32 v20, v3;
	[tilespmem:s28+$0xFFFFFF90] =	vst v1  }
0x27e: {  	v3 =	vmul.f32 v21, v63;
	[tilespmem:s28+$0x50] =	vst v4  }
0x27f: {  	v0 =	vmul.f32 v25, v51;
	[tilespmem:s28+$0xFFFFFF20] =	vst v2  }
0x280: {  	v1 =	vmul.f32 v33, v61;
	[tilespmem:s28+$0xFFFFFF30] =	vst v3  }
0x281: {  	v2 =	vmul.f32 v24, v54;
	[tilespmem:s28+$0xFFFFFF80] =	vst v0  }
0x282: {  	v0 =	vmul.f32 v32, v62;
	[tilespmem:s28+$0xFFFFFFC0] =	vst v1  }
0x283: {  	v1 =	vmul.f32 v42, v59;
	[tilespmem:s28+$0xFFFFFF70] =	vst v2  }
0x284: {  	v3 =	vmul.f32 v30, v49;
	[tilespmem:s28+$0xFFFFFFB0] =	vst v0  }
0x285: {  	v5 =	vmul.f32 v7, v5;
	[tilespmem:s28+$0x0] =	vst v1  }
0x286: {  	v2 =	vmul.f32 v29, v52;
	[tilespmem:s28+$0x40] =	vst v3  }
0x287: {  	v0 =	vmul.f32 v38, v58;
	[tilespmem:s28+$0xFFFFFF00] =	vst v5  }
0x288: {  	[tilespmem:s28+$0xFFFFFFA0] =	vst v2;
	v2 =	vmul.f32 v34, v60  }
0x289: {  	[tilespmem:s28+$0xFFFFFFE0] =	vst v0;
	v0 =	vmul.f32 v26, v53  }
0x28a: {  	[tilespmem:s28+$0xFFFFFFD0] =	vst v2;
	v2 =	vmul.f32 v39, v57  }
0x28b: {  	v1 =	vmul.f32 v28, v50;
	[tilespmem:s28+$0x20] =	vst v0;
	v0 =	vperm.xlane v56, v10  }
0x28c: {  	v3 =	vmul.f32 v44, v17;
	[tilespmem:s28+$0x10] =	vst v2;
	v2 =	vperm.xlane v56, v8  }
0x28d: {  	[tilespmem:s28+$0x30] =	vst v1;
	v0 =	vmul.f32 v43, v0  }
0x28e: {  	[tilespmem:s28+$0xD0] =	vst v3;
	v1 =	vmul.f32 v35, v2  }
0x28f: {  	v2 =	vmul.f32 v36, v14;
	[tilespmem:s28+$0x70] =	vst v0  }
0x290: {  	[tilespmem:s28+$0x60] =	vst v1;
	v1 =	vmul.f32 v37, v15  }
0x291: {  	v0 =	vmul.f32 v40, v13;
	[tilespmem:s28+$0x90] =	vst v2  }
0x292: {  	v2 =	vmul.f32 v41, v12;
	[tilespmem:s28+$0xA0] =	vst v1;
	v1 =	vperm.xlane v47, v8  }
0x293: {  	[tilespmem:s28+$0xB0] =	vst v0;
	v0 =	vmul.f32 v45, v16  }
0x294: {  	[tilespmem:s28+$0xC0] =	vst v2;
	v1 =	vmul.f32 v46, v1  }
0x295: {  	[tilespmem:s28+$0xE0] =	vst v0  }
0x296: {  	s1 =	simm.s32 $0x9A0;
	[tilespmem:s28+$0xF0] =	vst v1  }
0x297: {  	[spmem:s2] =	stream.indirect.scatter.add.f32 [tilespmem:s1], [sflag:$0x5], $0x90, s25, s21, $0xb8;
	[tilespmem:$0x1F110] =	vst v63  }
0x298: {  	_ =	swait.ge [sflag:s18], $0x700  }
0x299: {  	[sflag:s18] =	ssyncset.done $0x0  }
0x29a: {  	[sflag:s18] =	ssyncadd.s32 $0xFFFFF900  }
0x29b: {  	_ =	swait.ge [sflag:s18], $0x3F00  }
0x29c: {  	[sflag:s18] =	ssyncset.done $0x0  }
0x29d: {  	[sflag:s18] =	ssyncadd.s32 $0xFFFFC100  }
0x29e: {  	s1 =	sadd.s32 @!p1 s26, s0;
	_ =	swait.ge [sflag:s18], $0x70  }
0x29f: {  	s17 =	simm.s32 @!p1 $0x0;
	s1 =	sshrl.u32 @!p1 s1, $0x3;
	[sflag:s18] =	ssyncset.done $0x0  }
0x2a0: {  	s23 =	simm.s32 @!p1 $0xE0;
	s3 =	sadd.s32 @!p1 s4, s1;
	[sflag:s18] =	ssyncadd.s32 $0xFFFFFF90  }
0x2a1: {  	[tilespmem:s23], [sflag:$0x2] =	stream.linear.gather @!p1 [hbm4b:s3+s17], $0x70, $0x38;
	[tilespmem:$0x1F110] =	vst v63  }
0x2a2: {  	s1 =	sadd.s32 @!p1 s5, s1;
	s3 =	simm.s32 @!p1 $0x150  }
0x2a3: {  	[tilespmem:s3], [sflag:$0x2] =	stream.linear.gather @!p1 [hbm4b:s1+s17], $0x70, $0x38;
	[tilespmem:$0x1F110] =	vst v63  }
0x2a4: {  	s28 =	sor.u32 $0x1, s24;
	_ =	swait.ge [sflag:s16], $0x3F00  }
0x2a5: {  	p1 =	sgt.u32 s28, $0x58;
	[sflag:s16] =	ssyncset.done $0x0  }
0x2a6: {  	s1 =	simm.s32 @!p1 $0x1;
	[sflag:s16] =	ssyncadd.s32 $0xFFFFC100  }
0x2a7: {  	_ =	swait.ge @!p1 [sflag:s1], $0x70  }
0x2a8: {  	[sflag:s1] =	ssyncset.done @!p1 $0x0  }
0x2a9: {  	[sflag:s1] =	ssyncadd.s32 @!p1 $0xFFFFFF90  }
0x2aa: {  	_ =	swait.ge @!p1 [sflag:s1], $0x70  }
0x2ab: {  	[sflag:s1] =	ssyncset.done @!p1 $0x0  }
0x2ac: {  	s3 =	simm.s32 @!p1 $0x2A0;
	[sflag:s1] =	ssyncadd.s32 @!p1 $0xFFFFFF90;
	s1 =	simm.s32 @!p1 $0x70  }
0x2ad: {  	[tilespmem:s3], [sflag:$0x3] =	stream.indirect.gather @!p1 [hbm4b:s7+s1], $0x10, s1, s1, $0xb8;
	[tilespmem:$0x1F110] =	vst v63  }
0x2ae: {  	s17 =	simm.s32 @!p1 $0x9A0;
	s3 =	simm.s32 @!p1 $0x0  }
0x2af: {  	[tilespmem:s17], [sflag:$0x3] =	stream.indirect.gather @!p1 [hbm4b:s6+s1], $0x90, s3, s1, $0xb8;
	[tilespmem:$0x1F110] =	vst v63  }
0x2b0: {  	s1 =	sadd.s32 @!p1 s26, s31  }
0x2b1: {  	s1 =	sshrl.u32 @!p1 s1, $0x3  }
0x2b2: {  	s24 =	simm.s32 $0x50C0;
	s17 =	simm.s32 @!p1 $0x1C0;
	s1 =	sadd.s32 @!p1 s5, s1  }
0x2b3: {  	[tilespmem:s17], [sflag:$0x3] =	stream.linear.gather @!p1 [hbm4b:s1+s3], $0x70, $0x38;
	[tilespmem:$0x1F110] =	vst v63  }
0x2b4: {  	s26 =	simm.s32 $0x48C0;
	v0 =	vld [tilespmem:s24+$0x110]  }
0x2b5: {  	v1 =	vld [tilespmem:s26+$0x10];
	_ =	sdelay $0x2  }
0x2b6: {  	v2 =	vld [tilespmem:s26+$0xFFFFFFE0]  }
0x2b7: {  	v3 =	vld [tilespmem:s24+$0xFFFFFFF0]  }
0x2b8: {  	v4 =	vld [tilespmem:s26+$0xFFFFFFF0];
	v0 =	vadd.f32 v1, v0  }
0x2b9: {  	v5 =	vld [tilespmem:s24+$0x80]  }
0x2ba: {  	v6 =	vld [tilespmem:s26+$0x0];
	v7 =	vmul.f32 $2.000000030e-01, v0  }
0x2bb: {  	v1 =	vld [tilespmem:s24+$0xFFFFFF60];
	vm0 =	vge.f32 v0, $0.0e+00  }
0x2bc: {  	v0 =	vsel vm0, v0, v7  }
0x2bd: {  	v16 =	vld [tilespmem:s24+$0xFFFFFEE0];
	v0 =	vsub.f32 v0, v11  }
0x2be: {  	v17 =	vld [tilespmem:s24+$0xFFFFFEF0]  }
0x2bf: {  	v18 =	vld [tilespmem:s24+$0xFFFFFF00];
	v3 =	vadd.f32 v4, v3;
	v4 =	vadd.f32 v6, v5;
	v0 =	vmul.f32 $1.442695020e+00, v0  }
0x2c0: {  	v19 =	vld [tilespmem:s24+$0xFFFFFF10];
	v1 =	vadd.f32 v2, v1  }
0x2c1: {  	v20 =	vld [tilespmem:s24+$0xFFFFFF20];
	v2 =	vmul.f32 $2.000000030e-01, v4;
	(erf) = vpow2.f32 v0  }
0x2c2: {  	v21 =	vld [tilespmem:s24+$0xFFFFFF30];
	v5 =	vmul.f32 $2.000000030e-01, v3;
	vm1 =	vge.f32 v4, $0.0e+00;
	v6 =	vmul.f32 $2.000000030e-01, v1  }
0x2c3: {  	v22 =	vld [tilespmem:s24+$0xFFFFFF40];
	vm15 =	vge.f32 v3, $0.0e+00;
	vm2 =	vge.f32 v1, $0.0e+00;
	v2 =	vsel vm1, v4, v2  }
0x2c4: {  	v23 =	vld [tilespmem:s24+$0xFFFFFF50];
	v3 =	vsel vm15, v3, v5;
	v0 =	vsel vm2, v1, v6;
	v1 =	vsub.f32 v2, v11  }
0x2c5: {  	v24 =	vld [tilespmem:s24+$0xFFFFFF70];
	v3 =	vsub.f32 v3, v11  }
0x2c6: {  	v25 =	vld [tilespmem:s24+$0xFFFFFF80];
	v1 =	vmul.f32 $1.442695020e+00, v1  }
0x2c7: {  	v28 =	vld [tilespmem:s24+$0xFFFFFF90];
	v2 =	vmul.f32 $1.442695020e+00, v3  }
0x2c8: {  	v29 =	vld [tilespmem:s24+$0xFFFFFFA0]  }
0x2c9: {  	s30 =	sadd.s32 $0x0, s19;
	v32 =	vld [tilespmem:s24+$0xFFFFFFB0];
	v0 =	vsub.f32 v0, v11;
	(erf) = vpow2.f32 v2  }
0x2ca: {  	p6 =	sgt.u32 s30, $0x270FF;
	v33 =	vld [tilespmem:s24+$0xFFFFFFC0];
	(erf) = vpow2.f32 v1;
	v1 =	vpop (erf)  }
0x2cb: {  	v12 =	vimm.s32 $0x0;
	v34 =	vld [tilespmem:s24+$0xFFFFFFD0];
	v0 =	vmul.f32 $1.442695020e+00, v0;
	v47 =	vpsel p6, $0x0, v1  }
0x2cc: {  	v38 =	vld [tilespmem:s24+$0xFFFFFFE0];
	v1 =	vperm.xlane v47, v12  }
0x2cd: {  	(erf) = vpow2.f32 v0;
	v0 =	vld [tilespmem:s24+$0x100]  }
0x2ce: {  	v49 =	vimm.s32 $0x2;
	v42 =	vld [tilespmem:s24+$0x0];
	[tilespmem:$0x1FF90] =	vst v1;
	v1 =	vperm.xlane v47, v10  }
0x2cf: {  	v2 =	vperm.xlane v47, v49  }
0x2d0: {  	v46 =	vimm.s32 $0x3  }
0x2d1: {  	v48 =	vimm.s32 $0x5;
	v39 =	vld [tilespmem:s24+$0x10];
	[tilespmem:$0x1FFA0] =	vst v2;
	v2 =	vperm.xlane v47, v46  }
0x2d2: {  	v45 =	vimm.s32 $0x1;
	v11 =	vimm.s32 $0x4;
	v0 =	vmul.f32 v0, v1;
	v1 =	vpop (erf)  }
0x2d3: {  	v13 =	vperm.xlane v47, v45;
	v15 =	vperm.xlane v47, v11;
	v26 =	vld [tilespmem:s24+$0x20];
	[tilespmem:$0x1FFB0] =	vst v2;
	v7 =	vpsel p6, $0x0, v1  }
0x2d4: {  	v14 =	vperm.xlane v47, v48;
	v27 =	vld [tilespmem:s24+$0x30];
	v54 =	vperm.xlane v7, v12  }
0x2d5: {  	v30 =	vld [tilespmem:s24+$0x40];
	v51 =	vperm.xlane v7, v45;
	v55 =	vperm.xlane v7, v49  }
0x2d6: {  	v31 =	vld [tilespmem:s24+$0x50];
	v8 =	vpop (erf);
	v52 =	vperm.xlane v7, v46;
	v62 =	vperm.xlane v7, v11  }
0x2d7: {  	v35 =	vld [tilespmem:s24+$0x60];
	v61 =	vperm.xlane v7, v48;
	v56 =	vpsel p6, $0x0, v8;
	v8 =	vimm.s32 $0x6  }
0x2d8: {  	v36 =	vld [tilespmem:s24+$0x90];
	v58 =	vperm.xlane v7, v10;
	v60 =	vperm.xlane v7, v8  }
0x2d9: {  	v37 =	vld [tilespmem:s24+$0xA0];
	v1 =	vpop (erf);
	v59 =	vperm.xlane v56, v12;
	v57 =	vperm.xlane v56, v45  }
0x2da: {  	v40 =	vld [tilespmem:s24+$0xB0];
	v9 =	vpsel p6, $0x0, v1;
	v53 =	vperm.xlane v56, v49;
	v50 =	vperm.xlane v56, v46  }
0x2db: {  	[tilespmem:s24+$0x100] =	vst v0;
	v41 =	vld [tilespmem:s24+$0xC0];
	v4 =	vperm.xlane v9, v12;
	v2 =	vperm.xlane v9, v45  }
0x2dc: {  	v44 =	vld [tilespmem:s24+$0xD0];
	[tilespmem:s24+$0x110] =	vst v47;
	v5 =	vperm.xlane v9, v49;
	v0 =	vperm.xlane v9, v46  }
0x2dd: {  	v6 =	vimm.s32 $0x6;
	v43 =	vld [tilespmem:s24+$0x70];
	[tilespmem:s24+$0xFFFFFFF0] =	vst v7;
	v3 =	vperm.xlane v9, v11;
	v63 =	vperm.xlane v9, v48  }
0x2de: {  	[tilespmem:s24+$0x80] =	vst v56;
	v6 =	vperm.xlane v9, v6;
	v1 =	vperm.xlane v9, v10;
	v45 =	vld [tilespmem:s24+$0xE0]  }
0x2df: {  	s3 =	simm.s32 $0x0;
	s1 =	simm.s32 $0x5300;
	[tilespmem:s24+$0xFFFFFF60] =	vst v9;
	v46 =	vld [tilespmem:s24+$0xF0];
	v49 =	vperm.xlane v56, v11;
	v48 =	vperm.xlane v56, v48  }
.LBB2_11:
0x2e0: {  	v11 =	vimm.s32 $0x6;
	v9 =	vperm.xlane v56, v10;
	v4 =	vmul.f32 v16, v4  }
0x2e1: {  	s26 =	sadd.s32 $0x40, s26;
	v8 =	vperm.xlane v56, v11;
	v2 =	vmul.f32 v17, v2  }
0x2e2: {  	v56 =	vperm.xlane v47, v11;
	v47 =	vld [tilespmem:s26+$0xFFFFFFE0];
	v5 =	vmul.f32 v18, v5;
	[tilespmem:s24+$0xFFFFFEE0] =	vst v4  }
0x2e3: {  	v0 =	vmul.f32 v19, v0;
	[tilespmem:s24+$0xFFFFFEF0] =	vst v2  }
0x2e4: {  	v7 =	vld [tilespmem:s1+$0x110];
	v3 =	vmul.f32 v20, v3;
	[tilespmem:s24+$0xFFFFFF00] =	vst v5  }
0x2e5: {  	v10 =	vld [tilespmem:s26+$0x10];
	v6 =	vmul.f32 v22, v6;
	[tilespmem:s24+$0xFFFFFF10] =	vst v0  }
0x2e6: {  	v11 =	vld [tilespmem:$0x1FFF0];
	v1 =	vmul.f32 v23, v1;
	[tilespmem:s24+$0xFFFFFF20] =	vst v3  }
0x2e7: {  	v22 =	vld [tilespmem:s1+$0xFFFFFF60];
	v2 =	vmul.f32 v21, v63;
	[tilespmem:s24+$0xFFFFFF40] =	vst v6  }
0x2e8: {  	v18 =	vld [tilespmem:s1+$0xFFFFFFF0];
	v5 =	vmul.f32 v24, v54;
	[tilespmem:s24+$0xFFFFFF50] =	vst v1  }
0x2e9: {  	v20 =	vld [tilespmem:s1+$0x80];
	v0 =	vmul.f32 v25, v51;
	[tilespmem:s24+$0xFFFFFF30] =	vst v2  }
0x2ea: {  	v4 =	vld [tilespmem:s26+$0xFFFFFFF0];
	v7 =	vadd.f32 v10, v7;
	v10 =	vmul.f32 v28, v55;
	[tilespmem:s24+$0xFFFFFF70] =	vst v5  }
0x2eb: {  	v21 =	vld [tilespmem:s26+$0x0];
	v3 =	vmul.f32 v29, v52;
	[tilespmem:s24+$0xFFFFFF80] =	vst v0  }
0x2ec: {  	v24 =	vmul.f32 v32, v62;
	v16 =	vld [tilespmem:s1+$0xFFFFFEE0];
	v19 =	vmul.f32 $2.000000030e-01, v7;
	[tilespmem:s24+$0xFFFFFF90] =	vst v10  }
0x2ed: {  	v6 =	vmul.f32 v34, v60;
	v17 =	vld [tilespmem:s1+$0xFFFFFEF0];
	vm0 =	vge.f32 v7, $0.0e+00;
	[tilespmem:s24+$0xFFFFFFA0] =	vst v3  }
0x2ee: {  	[tilespmem:s24+$0xFFFFFFB0] =	vst v24;
	v5 =	vadd.f32 v47, v22;
	v22 =	vld [tilespmem:s1+$0xFFFFFF40];
	v7 =	vsel vm0, v7, v19  }
0x2ef: {  	[tilespmem:s24+$0xFFFFFFD0] =	vst v6;
	v6 =	vmul.f32 v27, v50;
	v24 =	vld [tilespmem:s1+$0xFFFFFF70];
	v4 =	vadd.f32 v4, v18;
	v7 =	vsub.f32 v7, v11  }
0x2f0: {  	v1 =	vmul.f32 v38, v58;
	v63 =	vmul.f32 v42, v59;
	v19 =	vld [tilespmem:s1+$0xFFFFFF10]  }
0x2f1: {  	[tilespmem:s24+$0x30] =	vst v6;
	v6 =	vld [tilespmem:$0x1FFA0];
	v23 =	vmul.f32 $2.000000030e-01, v4;
	v7 =	vmul.f32 $1.442695020e+00, v7  }
0x2f2: {  	v2 =	vmul.f32 v33, v61;
	v18 =	vld [tilespmem:s1+$0xFFFFFF00];
	v25 =	vadd.f32 v21, v20;
	vm15 =	vge.f32 v4, $0.0e+00  }
0x2f3: {  	v0 =	vmul.f32 v39, v57;
	[tilespmem:s24+$0xFFFFFFE0] =	vst v1;
	v20 =	vld [tilespmem:s1+$0xFFFFFF20];
	v4 =	vsel vm15, v4, v23;
	(erf) = vpow2.f32 v7  }
0x2f4: {  	v1 =	vmul.f32 v30, v49;
	[tilespmem:s24+$0xFFFFFFC0] =	vst v2;
	v21 =	vld [tilespmem:s1+$0xFFFFFF30];
	v28 =	vmul.f32 $2.000000030e-01, v25;
	v3 =	vsub.f32 v4, v11  }
0x2f5: {  	v2 =	vmul.f32 v26, v53;
	v10 =	vmul.f32 $2.000000030e-01, v5;
	v29 =	vld [tilespmem:s1+$0xFFFFFFA0];
	vm1 =	vge.f32 v25, $0.0e+00  }
0x2f6: {  	[tilespmem:s24+$0x10] =	vst v0;
	vm2 =	vge.f32 v5, $0.0e+00;
	v32 =	vld [tilespmem:s1+$0xFFFFFFB0];
	v4 =	vsel vm1, v25, v28;
	v3 =	vmul.f32 $1.442695020e+00, v3  }
0x2f7: {  	v0 =	vmul.f32 v31, v48;
	[tilespmem:s24+$0x40] =	vst v1;
	v33 =	vld [tilespmem:s1+$0xFFFFFFC0];
	v5 =	vsel vm2, v5, v10;
	v4 =	vsub.f32 v4, v11  }
0x2f8: {  	v1 =	vmul.f32 v37, v13;
	v34 =	vld [tilespmem:s1+$0xFFFFFFD0];
	[tilespmem:s24+$0x20] =	vst v2;
	v5 =	vsub.f32 v5, v11;
	(erf) = vpow2.f32 v3  }
0x2f9: {  	v2 =	vmul.f32 v35, v8;
	[tilespmem:s24+$0x50] =	vst v0;
	v0 =	vld [tilespmem:$0x1FFB0];
	v4 =	vmul.f32 $1.442695020e+00, v4  }
0x2fa: {  	s3 =	sadd.s32 $0x4, s3;
	v38 =	vld [tilespmem:s1+$0xFFFFFFE0];
	v8 =	vmul.f32 v44, v15;
	v5 =	vmul.f32 $1.442695020e+00, v5  }
0x2fb: {  	v12 =	vimm.s32 $0x5;
	s17 =	sadd.s32 s19, s3;
	[tilespmem:s24+$0x0] =	vst v63;
	v6 =	vmul.f32 v40, v6;
	(erf) = vpow2.f32 v4;
	v4 =	vld [tilespmem:$0x1FF90]  }
0x2fc: {  	p2 =	sgt.u32 s17, $0x270FF;
	v50 =	vimm.s32 $0x2;
	v42 =	vld [tilespmem:s1+$0x0];
	v3 =	vmul.f32 v43, v9;
	(erf) = vpow2.f32 v5;
	v7 =	vpop (erf)  }
0x2fd: {  	v39 =	vld [tilespmem:s1+$0x10];
	v47 =	vpsel p2, $0x0, v7;
	v7 =	vmul.f32 v45, v14;
	v45 =	vimm.s32 $0x0  }
0x2fe: {  	v48 =	vimm.s32 $0x4;
	[tilespmem:s24+$0x60] =	vst v2;
	v0 =	vmul.f32 v41, v0;
	v5 =	vld [tilespmem:s1+$0x100];
	v2 =	vperm.xlane v47, v45  }
0x2ff: {  	v26 =	vld [tilespmem:s1+$0x20];
	v9 =	vmul.f32 v46, v56;
	v46 =	vimm.s32 $0x1;
	[tilespmem:s24+$0x70] =	vst v3;
	v10 =	vperm.xlane v47, v50  }
0x300: {  	v23 =	vld [tilespmem:s1+$0xFFFFFF50];
	v4 =	vmul.f32 v36, v4;
	v13 =	vperm.xlane v47, v46;
	[tilespmem:$0x1FF90] =	vst v2;
	v2 =	vimm.s32 $0x7  }
0x301: {  	v49 =	vimm.s32 $0x3;
	v27 =	vld [tilespmem:s1+$0x30];
	v15 =	vperm.xlane v47, v48;
	[tilespmem:$0x1FFA0] =	vst v10;
	v2 =	vperm.xlane v47, v2;
	v3 =	vpop (erf)  }
0x302: {  	v25 =	vld [tilespmem:s1+$0xFFFFFF80];
	v14 =	vperm.xlane v47, v12;
	[tilespmem:s24+$0x90] =	vst v4;
	v4 =	vperm.xlane v47, v49;
	v10 =	vpsel p2, $0x0, v3  }
0x303: {  	[tilespmem:s24+$0xA0] =	vst v1;
	v28 =	vld [tilespmem:s1+$0xFFFFFF90];
	v2 =	vmul.f32 v5, v2;
	v54 =	vperm.xlane v10, v45  }
0x304: {  	[tilespmem:s24+$0xB0] =	vst v6;
	v30 =	vld [tilespmem:s1+$0x40];
	v1 =	vpop (erf);
	v51 =	vperm.xlane v10, v46;
	v55 =	vperm.xlane v10, v50  }
0x305: {  	[tilespmem:s24+$0xC0] =	vst v0;
	v31 =	vld [tilespmem:s1+$0x50];
	v56 =	vpsel p2, $0x0, v1;
	v52 =	vperm.xlane v10, v49;
	v62 =	vperm.xlane v10, v48  }
0x306: {  	v35 =	vld [tilespmem:s1+$0x60];
	[tilespmem:$0x1FFB0] =	vst v4;
	v1 =	vpop (erf);
	v61 =	vperm.xlane v10, v12;
	v59 =	vperm.xlane v56, v45  }
0x307: {  	v43 =	vld [tilespmem:s1+$0x70];
	v1 =	vpsel p2, $0x0, v1;
	v57 =	vperm.xlane v56, v46;
	v53 =	vperm.xlane v56, v50;
	[tilespmem:s1+$0x100] =	vst v2  }
0x308: {  	v36 =	vld [tilespmem:s1+$0x90];
	v4 =	vperm.xlane v1, v45;
	v2 =	vperm.xlane v1, v46;
	[tilespmem:s24+$0xD0] =	vst v8  }
0x309: {  	p1 =	slt.u32 s3, $0x6C;
	v5 =	vperm.xlane v1, v50;
	v0 =	vperm.xlane v1, v49;
	[tilespmem:s24+$0xE0] =	vst v7;
	v37 =	vld [tilespmem:s1+$0xA0]  }
.Ltmp14:
0x30a: {  	v3 =	vperm.xlane v1, v48;
	v63 =	vperm.xlane v1, v12;
	[tilespmem:s24+$0xF0] =	vst v9;
	v40 =	vld [tilespmem:s1+$0xB0];
	(pc) =	sbr.rel @p1 .LBB2_11-.Ltmp14, $4  }
0x30b: {  	[tilespmem:s1+$0xFFFFFFF0] =	vst v10;
	v50 =	vperm.xlane v56, v49;
	v49 =	vperm.xlane v56, v48;
	v41 =	vld [tilespmem:s1+$0xC0]  }
0x30c: {  	[tilespmem:s1+$0x80] =	vst v56;
	v48 =	vperm.xlane v56, v12;
	v8 =	vimm.s32 $0x6;
	v7 =	vimm.s32 $0x7;
	v44 =	vld [tilespmem:s1+$0xD0]  }
0x30d: {  	[tilespmem:s1+$0xFFFFFF60] =	vst v1;
	v6 =	vperm.xlane v1, v8;
	v1 =	vperm.xlane v1, v7;
	v7 =	vimm.s32 $0x7;
	v45 =	vld [tilespmem:s1+$0xE0]  }
0x30e: {  	s24 =	smov.u32 s1;
	v60 =	vperm.xlane v10, v8;
	[tilespmem:s1+$0x110] =	vst v47;
	v46 =	vld [tilespmem:s1+$0xF0];
	s1 =	sadd.s32 $0x240, s1;
	v58 =	vperm.xlane v10, v7;
	v10 =	vimm.s32 $0x7  }
0x30f: {  	v4 =	vmul.f32 v16, v4  }
0x310: {  	v2 =	vmul.f32 v17, v2  }
0x311: {  	v5 =	vmul.f32 v18, v5;
	[tilespmem:s24+$0xFFFFFEE0] =	vst v4  }
0x312: {  	v0 =	vmul.f32 v19, v0;
	[tilespmem:s24+$0xFFFFFEF0] =	vst v2  }
0x313: {  	v20 =	vmul.f32 v20, v3;
	[tilespmem:s24+$0xFFFFFF00] =	vst v5  }
0x314: {  	v21 =	vmul.f32 v21, v63;
	[tilespmem:s24+$0xFFFFFF10] =	vst v0  }
0x315: {  	v22 =	vmul.f32 v22, v6;
	[tilespmem:s24+$0xFFFFFF20] =	vst v20  }
0x316: {  	v1 =	vmul.f32 v23, v1;
	[tilespmem:s24+$0xFFFFFF30] =	vst v21  }
0x317: {  	v24 =	vmul.f32 v24, v54;
	[tilespmem:s24+$0xFFFFFF40] =	vst v22  }
0x318: {  	v25 =	vmul.f32 v25, v51;
	[tilespmem:s24+$0xFFFFFF50] =	vst v1  }
0x319: {  	v28 =	vmul.f32 v28, v55;
	[tilespmem:s24+$0xFFFFFF70] =	vst v24  }
0x31a: {  	v29 =	vmul.f32 v29, v52;
	[tilespmem:s24+$0xFFFFFF80] =	vst v25  }
0x31b: {  	v32 =	vmul.f32 v32, v62;
	[tilespmem:s24+$0xFFFFFF90] =	vst v28  }
0x31c: {  	v33 =	vmul.f32 v33, v61;
	[tilespmem:s24+$0xFFFFFFA0] =	vst v29  }
0x31d: {  	v42 =	vmul.f32 v42, v59;
	[tilespmem:s24+$0xFFFFFFB0] =	vst v32  }
0x31e: {  	v51 =	vmul.f32 v39, v57;
	[tilespmem:s24+$0xFFFFFFC0] =	vst v33  }
0x31f: {  	v52 =	vmul.f32 v26, v53;
	[tilespmem:s24+$0x0] =	vst v42  }
0x320: {  	v53 =	vmul.f32 v27, v50;
	[tilespmem:s24+$0x10] =	vst v51  }
0x321: {  	v55 =	vmul.f32 v30, v49;
	[tilespmem:s24+$0x20] =	vst v52  }
0x322: {  	v57 =	vmul.f32 v31, v48;
	[tilespmem:s24+$0x30] =	vst v53  }
0x323: {  	v34 =	vmul.f32 v34, v60;
	[tilespmem:s24+$0x40] =	vst v55  }
0x324: {  	v38 =	vmul.f32 v38, v58;
	[tilespmem:s24+$0x50] =	vst v57  }
0x325: {  	v54 =	vperm.xlane v56, v8;
	[tilespmem:s24+$0xFFFFFFD0] =	vst v34  }
0x326: {  	v56 =	vperm.xlane v56, v10;
	[tilespmem:s24+$0xFFFFFFE0] =	vst v38  }
0x327: {  	v58 =	vmul.f32 v35, v54;
	v59 =	vld [tilespmem:$0x1FF90]  }
0x328: {  	v0 =	vmul.f32 v43, v56  }
0x329: {  	[tilespmem:s24+$0x60] =	vst v58  }
0x32a: {  	[tilespmem:s24+$0x70] =	vst v0  }
0x32b: {  	v0 =	vld [tilespmem:$0x1FFA0]  }
0x32c: {  	v2 =	vmul.f32 v36, v59;
	_ =	sdelay $0x1  }
0x32d: {  	[tilespmem:s24+$0x90] =	vst v2  }
0x32e: {  	v60 =	vmul.f32 v37, v13;
	v2 =	vld [tilespmem:$0x1FFB0]  }
0x32f: {  	v0 =	vmul.f32 v40, v0  }
0x330: {  	v61 =	vperm.xlane v47, v8;
	s20 =	sadd.s32 $0x1, s20;
	v62 =	vmul.f32 v44, v15;
	[tilespmem:s24+$0xA0] =	vst v60  }
0x331: {  	p1 =	seq.s32 s20, $0x2D;
	v63 =	vmul.f32 v45, v14;
	[tilespmem:s24+$0xB0] =	vst v0  }
.Ltmp15:
0x332: {  	v1 =	vmul.f32 v46, v61;
	[tilespmem:s24+$0xD0] =	vst v62;
	(pc) =	sbr.rel @!p1 .LBB2_6-.Ltmp15, $4  }
0x333: {  	[tilespmem:s24+$0xE0] =	vst v63;
	v2 =	vmul.f32 v41, v2  }
0x334: {  	[tilespmem:s24+$0xF0] =	vst v1  }
0x335: {  	s19 =	sadd.s32 $0xE0, s19;
	v9 =	vimm.s32 $0x0;
	[tilespmem:s24+$0xC0] =	vst v2  }
0x336: {  	v50 =	vimm.s32 $0x3;
	v53 =	vimm.s32 $0x2;
	v46 =	vimm.s32 $0x1;
	[spmem:s2] =	stream.indirect.scatter.add.f32 [tilespmem:s8], [sflag:$0x5], $0x90, s15, s21, $0xb8;
	[tilespmem:$0x1F110] =	vst v63  }
.Ltmp16:
0x337: {  	(pc) =	sbr.rel .LBB2_26-.Ltmp16, $3  }
0x338: {  	_ =	sdelay $0x1  }
0x339: {  	s1 =	rddreg [dreg:$0x6]  }
0x33a: {  	s17 =	rddreg [dreg:$0x4]  }
.LBB2_27:
0x33b: {  	_ =	sfence.sel $0x180000  }
0x33c: {  	[bflag:$0x0] =	sbarrier.arrive $0xFFFF  }
0x33d: {  	_ =	strace $0x90000047  }
0x33e: {  	s0 =	stileid.u32;
	[bflag:$0x2] =	sbarrier.arrive $0xFFFF  }
0x33f: {  	p0 =	sne.s32 s0, $0x0;
	s0 =	rddreg [dreg:$0x3]  }
0x340: {  	s0 =	sadd.s32 @!p0 $0x100000, s0  }
0x341: {  	[sflag:s0] =	ssyncadd.tile.s32 @!p0 $0x1;
	_ =	shalt  }
.Lfunc_end2:
_tile_overlayer_lowered:
.L_overlay_start_2:
0x342: {  	(tag) =	ssettag $0x2  }
0x343: {  	s0 =	rddreg [dreg:$0x0];
	s2 =	stileid.u32  }
0x344: {  	s1 =	rddreg [dreg:$0x1];
	p0 =	sne.s32 s2, $0x0  }
0x345: {  	s3 =	rddreg [dreg:$0x2];
	[bflag:$0x3] =	sbarrier.arrive $0xFFFF;
	s2 =	simm.s32 @!p0 $0x1C06  }
0x346: {  	[timem:s3], [sflag:s2] =	dma.local @!p0 [hbm:s0], s1  }
0x347: {  	s0 =	simm.s32 @!p0 $0x6  }
0x348: {  	_ =	swait.ge @!p0 [sflag:s0], s1  }
0x349: {  	s1 =	ssub.s32 @!p0 $0x0, s1;
	[sflag:s0] =	ssyncset.done @!p0 $0x0  }
0x34a: {  	[sflag:s0] =	ssyncadd.s32 @!p0 s1  }
0x34b: {  	[bflag:$0x3] =	sbarrier.arrive $0xFFFF  }
0x34c: {  	_ =	shalt  }

</sc_bundles>
